<compile_context>
chip_gen: v7x
topology: tpu7x:2x2x1
jax: 0.10.2.dev20260603
libtpu: 0.0.44.dev20260713+nightly
codegen_flags: <defaults>
</compile_context>

<pallas_src>
import functools

import jax
import jax.numpy as jnp
from jax import lax
from jax.experimental import pallas as pl
from jax.experimental.pallas import tpu as pltpu
from jax.experimental.pallas import tpu_sc as plsc

N = 10000
FEAT = 128
E = 320000
NUM_CORES = 2
TILES = 16
LANES = 16
N_PAD = 10240
SLICE = N_PAD // TILES
UNROLL = 8
BATCH = 8
EGRP = LANES * UNROLL
COL_TILES = E // 128
HI_SUBCORES = 4
G_HI = 157
G_LO = 156
E_TILE_HI = G_HI * 128
E_TILE_LO = G_LO * 128
LAYERS = 3
ROW_BLK = 5120
OUT_GRID = (N + ROW_BLK - 1) // ROW_BLK
SUB = ROW_BLK // FEAT


def _sc_spmm3(feat_g, eidx_g, feat_p, eidx_p):
    mesh = plsc.VectorSubcoreMesh(
        core_axis_name="c", subcore_axis_name="s", num_cores=NUM_CORES)

    @functools.partial(
        pl.kernel,
        out_type=(jax.ShapeDtypeStruct((N_PAD,), jnp.float32),
                  jax.ShapeDtypeStruct((N_PAD,), jnp.float32)),
        mesh=mesh,
        scratch_types=[
            pltpu.VMEM((2, E_TILE_HI), jnp.int32),
            pltpu.VMEM((N_PAD,), jnp.float32),
            pltpu.VMEM((N_PAD,), jnp.float32),
            pltpu.VMEM((SLICE,), jnp.float32),
            pltpu.VMEM((TILES, SLICE), jnp.float32),
            pltpu.VMEM_SHARED((TILES, N_PAD), jnp.float32),
            pltpu.VMEM_SHARED((N_PAD,), jnp.float32),
            pltpu.SemaphoreType.DMA,
        ],
        compiler_params=pltpu.CompilerParams(needs_layout_passes=False),
    )
    def spmm3(fg_hbm, eg_hbm, fp_hbm, ep_hbm,
              outg_hbm, outp_hbm,
              e_v, x_v, acc_v, red_v, tmp_v, stage, xshare, sem):
        cid = lax.axis_index("c")
        sid = lax.axis_index("s")

        def zero_acc():
            zvec = jnp.zeros((LANES,), jnp.float32)

            def zloop(i, c):
                for u in range(8):
                    acc_v[pl.ds((i * 8 + u) * LANES, LANES)] = zvec
                return c

            lax.fori_loop(0, N_PAD // LANES // 8, zloop, 0)

        def run(feat_hbm, e_hbm, out_hbm):
            estart = jnp.where(
                sid < HI_SUBCORES, sid * E_TILE_HI,
                HI_SUBCORES * E_TILE_HI + (sid - HI_SUBCORES) * E_TILE_LO)
            ecp = pltpu.async_copy(
                e_hbm.at[:, pl.ds(estart, E_TILE_LO)],
                e_v.at[:, pl.ds(0, E_TILE_LO)], sem)

            @pl.when(sid < HI_SUBCORES)
            def _():
                pltpu.sync_copy(
                    e_hbm.at[:, pl.ds(sid * E_TILE_HI + E_TILE_LO,
                                      E_TILE_HI - E_TILE_LO)],
                    e_v.at[:, pl.ds(E_TILE_LO, E_TILE_HI - E_TILE_LO)])

            eiters = jnp.where(sid < HI_SUBCORES, G_HI, G_LO)
            zero_acc()
            pltpu.sync_copy(feat_hbm, x_v.at[pl.ds(0, N)])
            ecp.wait()
            myoff = sid * SLICE

            for layer in range(LAYERS):
                def eloop(i, c):
                    gbase = i * EGRP
                    for b in range(0, UNROLL, BATCH):
                        offs = [gbase + (b + k) * LANES
                                for k in range(BATCH)]
                        cis = [e_v[1, pl.ds(o, LANES)] for o in offs]
                        ris = [e_v[0, pl.ds(o, LANES)] for o in offs]
                        vals = [plsc.load_gather(x_v, [ci]) for ci in cis]
                        for k in range(BATCH):
                            plsc.addupdate_scatter(acc_v, [ris[k]], vals[k])
                    return c

                lax.fori_loop(0, eiters, eloop, 0)

                pltpu.sync_copy(acc_v, stage.at[sid])
                plsc.subcore_barrier()

                cp = pltpu.async_copy(
                    stage.at[:, pl.ds(myoff, SLICE)], tmp_v, sem)
                if layer < LAYERS - 1:
                    zero_acc()
                cp.wait()

                def rloop(j, c):
                    off = j * LANES
                    s = tmp_v[0, pl.ds(off, LANES)]
                    for t in range(1, TILES):
                        s = s + tmp_v[t, pl.ds(off, LANES)]
                    red_v[pl.ds(off, LANES)] = s
                    return c

                lax.fori_loop(0, SLICE // LANES, rloop, 0)

                if layer < LAYERS - 1:
                    pltpu.sync_copy(red_v, xshare.at[pl.ds(myoff, SLICE)])
                    plsc.subcore_barrier()
                    pltpu.sync_copy(xshare, x_v)
                else:
                    pltpu.sync_copy(red_v, out_hbm.at[pl.ds(myoff, SLICE)])

        @pl.when(cid == 0)
        def _():
            run(fg_hbm, eg_hbm, outg_hbm)

        @pl.when(cid == 1)
        def _():
            run(fp_hbm, ep_hbm, outp_hbm)

    return spmm3(feat_g, eidx_g, feat_p, eidx_p)


def _tc_wc(W0, W1, W2):
    def body(w0_ref, w1_ref, w2_ref, wc_ref):
        w01 = jnp.dot(w0_ref[...], w1_ref[...],
                      preferred_element_type=jnp.float32,
                      precision=lax.Precision.HIGHEST)
        wc_ref[...] = jnp.dot(w01, w2_ref[...],
                              preferred_element_type=jnp.float32,
                              precision=lax.Precision.HIGHEST)

    return pl.pallas_call(
        body,
        out_shape=jax.ShapeDtypeStruct((1, FEAT), jnp.float32),
    )(W0, W1, W2)


def _tc_outer(sg2d, sp2d, wc):
    contract = (((0,), (0,)), ((), ()))

    def body(sg_ref, sp_ref, wc_ref, og_ref, op_ref):
        w = wc_ref[...]
        for q in range(SUB):
            og_ref[q * FEAT:(q + 1) * FEAT, :] = lax.dot_general(
                sg_ref[q:q + 1, :], w, contract,
                preferred_element_type=jnp.float32)
            op_ref[q * FEAT:(q + 1) * FEAT, :] = lax.dot_general(
                sp_ref[q:q + 1, :], w, contract,
                preferred_element_type=jnp.float32)

    return pl.pallas_call(
        body,
        grid=(OUT_GRID,),
        in_specs=[
            pl.BlockSpec((SUB, FEAT), lambda i: (i, 0)),
            pl.BlockSpec((SUB, FEAT), lambda i: (i, 0)),
            pl.BlockSpec((1, FEAT), lambda i: (0, 0)),
        ],
        out_specs=[
            pl.BlockSpec((ROW_BLK, FEAT), lambda i: (i, 0)),
            pl.BlockSpec((ROW_BLK, FEAT), lambda i: (i, 0)),
        ],
        out_shape=(jax.ShapeDtypeStruct((N, FEAT), jnp.float32),
                   jax.ShapeDtypeStruct((N, FEAT), jnp.float32)),
        compiler_params=pltpu.CompilerParams(
            dimension_semantics=("parallel",)),
    )(sg2d, sp2d, wc)


def kernel(feat_gene, edge_index_gene, feat_pro, edge_index_pro, W0, W1, W2):
    fg = feat_gene.reshape(N)
    fp = feat_pro.reshape(N)
    wc = _tc_wc(W0, W1, W2)
    sg, sp = _sc_spmm3(fg, edge_index_gene, fp, edge_index_pro)
    return _tc_outer(sg.reshape(N_PAD // FEAT, FEAT),
                     sp.reshape(N_PAD // FEAT, FEAT), wc)

# --- scband reference (transcript-rebuilt; emitter-appended) ---
"""Pipeline reference for scband-cgm-18966575579287 (READ-ONLY COPY).

The authoritative reference and input builder live on the scoring server;
editing this copy changes nothing except your own understanding.
"""

import jax, jax.numpy as jnp
import numpy as np

N_GENE = 10000
N_PRO = 10000
E_GENE = 320000
E_PRO = 320000
FEAT_DIM = 128
GNN_LAYER = 3


def _xavier_uniform(key, shape):
    fan_in, fan_out = shape[0], shape[1]
    a = float(np.sqrt(6.0 / (fan_in + fan_out)))
    return jax.random.uniform(key, shape, minval=-a, maxval=a, dtype=jnp.float32)


def setup_inputs(seed: int = 0) -> dict:
    key = jax.random.key(seed)
    ks = jax.random.split(key, 8)
    feat_gene = jax.random.normal(ks[0], (N_GENE, 1), dtype=jnp.float32)
    feat_pro = jax.random.normal(ks[1], (N_PRO, 1), dtype=jnp.float32)
    edge_index_gene = jax.random.randint(ks[2], (2, E_GENE), 0, N_GENE, dtype=jnp.int32)
    edge_index_pro = jax.random.randint(ks[3], (2, E_PRO), 0, N_PRO, dtype=jnp.int32)
    # Learned parameters: one shared (siamese) Gconv weight per layer.
    # Layer 0 maps 1 -> feat_dim, subsequent layers feat_dim -> feat_dim.
    W0 = _xavier_uniform(ks[4], (1, FEAT_DIM))
    W1 = _xavier_uniform(ks[5], (FEAT_DIM, FEAT_DIM))
    W2 = _xavier_uniform(ks[6], (FEAT_DIM, FEAT_DIM))
    return {
        "feat_gene": feat_gene,
        "edge_index_gene": edge_index_gene,
        "feat_pro": feat_pro,
        "edge_index_pro": edge_index_pro,
        "W0": W0,
        "W1": W1,
        "W2": W2,
    }


def _spmm(edge_index, x, n_nodes):
    # Sparse adjacency (COO, unit weights) times dense matrix:
    # out[i] = sum_{(i, j) in edges} x[j]
    row = edge_index[0]
    col = edge_index[1]
    gathered = jnp.take(x, col, axis=0)
    return jax.ops.segment_sum(gathered, row, num_segments=n_nodes)


def reference(feat_gene, edge_index_gene, feat_pro, edge_index_pro, W0, W1, W2):
    weights = (W0, W1, W2)
    fg = feat_gene
    fp = feat_pro
    for i in range(GNN_LAYER):
        W = weights[i]
        # Gconv: x = feat @ W ; x = spmm(adj, x)   (siamese: same W for both graphs)
        xg = fg @ W
        fg = _spmm(edge_index_gene, xg, N_GENE)
        xp = fp @ W
        fp = _spmm(edge_index_pro, xp, N_PRO)
    return (fg, fp)

if __name__ == "__main__":
    import jax
    _d = setup_inputs()
    print(jax.jit(kernel)(*tuple(_d.values())))

</pallas_src>

<mosaic_0001>
#map = affine_map<(d0, d1) -> (0)>
#map1 = affine_map<(d0, d1) -> (0, 0)>
module attributes {stable_mosaic.version = 14 : i64} {
  func.func @spmm3(%arg0: i32, %arg1: i32, %arg2: memref<10000xf32, #tpu.memory_space<hbm>>, %arg3: memref<2x320000xi32, #tpu.memory_space<hbm>>, %arg4: memref<10000xf32, #tpu.memory_space<hbm>>, %arg5: memref<2x320000xi32, #tpu.memory_space<hbm>>, %arg6: memref<10240xf32, #tpu.memory_space<hbm>>, %arg7: memref<10240xf32, #tpu.memory_space<hbm>>, %arg8: memref<2x20096xi32, #tpu.memory_space<vmem>>, %arg9: memref<10240xf32, #tpu.memory_space<vmem>>, %arg10: memref<10240xf32, #tpu.memory_space<vmem>>, %arg11: memref<640xf32, #tpu.memory_space<vmem>>, %arg12: memref<16x640xf32, #tpu.memory_space<vmem>>, %arg13: memref<16x10240xf32, #tpu.memory_space<vmem_shared>>, %arg14: memref<10240xf32, #tpu.memory_space<vmem_shared>>, %arg15: memref<!tpu.dma_semaphore, #tpu.memory_space<semaphore_mem>>) attributes {dimension_semantics = [#tpu.dimension_semantics<core_parallel>, #tpu.dimension_semantics<subcore_parallel>], iteration_bounds = array<i64: 2, 16>, scalar_prefetch = 0 : i64, scratch_operands = 8 : i64, tpu.core_type = #tpu.core_type<sc_vector_subcore>, window_params = [{transform_indices = #map}, {transform_indices = #map1}, {transform_indices = #map}, {transform_indices = #map1}, {transform_indices = #map}, {transform_indices = #map}]} {
    %eq3A = arith.constant 0 : i32
    %eq3A_0 = arith.cmpi eq, %arg0, %eq3A : i32
    %convert_element_type3A = arith.extui %eq3A_0 : i1 to i32
    %cond3A = arith.constant 0 : i32
    %cond3A_1 = arith.cmpi ne, %convert_element_type3A, %cond3A : i32
    scf.if %cond3A_1 {
      %lt3A = arith.constant 4 : i32
      %lt3A_7 = arith.cmpi slt, %arg1, %lt3A : i32
      %mul3A = arith.constant 20096 : i32
      %mul3A_8 = arith.muli %arg1, %mul3A : i32
      %sub3A = arith.constant 4 : i32
      %sub3A_9 = arith.subi %arg1, %sub3A : i32
      %mul3A_10 = arith.constant 19968 : i32
      %mul3A_11 = arith.muli %sub3A_9, %mul3A_10 : i32
      %add3A = arith.constant 80384 : i32
      %add3A_12 = arith.addi %add3A, %mul3A_11 : i32
      %select_n3A = arith.select %lt3A_7, %mul3A_8, %add3A_12 : i32
      %dma_start3A = arith.constant 0 : i32
      %dma_start3A_13 = arith.constant 0 : i32
      %dma_start3A_14 = tpu.memref_slice %arg8[%dma_start3A, %dma_start3A_13] : memref<2x20096xi32, #tpu.memory_space<vmem>> -> memref<2x19968xi32, #tpu.memory_space<vmem>>
      %dma_start3A_15 = arith.constant 0 : i32
      %dma_start3A_16 = tpu.memref_slice %arg3[%dma_start3A_15, %select_n3A] : memref<2x320000xi32, #tpu.memory_space<hbm>> -> memref<2x19968xi32, #tpu.memory_space<hbm>>
      %dma_start3A_17 = arith.constant 0 : i32
      %dma_start3A_18 = arith.constant 0 : i32
      %dma_start3A_19 = tpu.memref_slice %arg8[%dma_start3A_17, %dma_start3A_18] : memref<2x20096xi32, #tpu.memory_space<vmem>> -> memref<2x19968xi32, #tpu.memory_space<vmem>>
      %dma_start3A_20 = arith.constant 0 : i32
      %dma_start3A_21 = tpu.memref_slice %arg3[%dma_start3A_20, %select_n3A] : memref<2x320000xi32, #tpu.memory_space<hbm>> -> memref<2x19968xi32, #tpu.memory_space<hbm>>
      tpu.enqueue_dma source(%dma_start3A_21 : memref<2x19968xi32, #tpu.memory_space<hbm>>) target(%dma_start3A_19 : memref<2x19968xi32, #tpu.memory_space<vmem>>) target_semaphore(%arg15 : memref<!tpu.dma_semaphore, #tpu.memory_space<semaphore_mem>>)
      %lt3A_22 = arith.constant 4 : i32
      %lt3A_23 = arith.cmpi slt, %arg1, %lt3A_22 : i32
      %convert_element_type3A_24 = arith.extui %lt3A_23 : i1 to i32
      %cond3A_25 = arith.constant 0 : i32
      %cond3A_26 = arith.cmpi ne, %convert_element_type3A_24, %cond3A_25 : i32
      scf.if %cond3A_26 {
        %mul3A_139 = arith.constant 20096 : i32
        %mul3A_140 = arith.muli %arg1, %mul3A_139 : i32
        %add3A_141 = arith.constant 19968 : i32
        %add3A_142 = arith.addi %mul3A_140, %add3A_141 : i32
        "tpu.region"() ({
          %run_scoped3A = tpu.sem_alloc : memref<!tpu.dma_semaphore, #tpu.memory_space<semaphore_mem>>
          %dma_start3A_143 = arith.constant 0 : i32
          %dma_start3A_144 = arith.constant 19968 : i32
          %dma_start3A_145 = tpu.memref_slice %arg8[%dma_start3A_143, %dma_start3A_144] : memref<2x20096xi32, #tpu.memory_space<vmem>> -> memref<2x128xi32, #tpu.memory_space<vmem>>
          %dma_start3A_146 = arith.constant 0 : i32
          %dma_start3A_147 = tpu.memref_slice %arg3[%dma_start3A_146, %add3A_142] : memref<2x320000xi32, #tpu.memory_space<hbm>> -> memref<2x128xi32, #tpu.memory_space<hbm>>
          %dma_start3A_148 = arith.constant 0 : i32
          %dma_start3A_149 = arith.constant 19968 : i32
          %dma_start3A_150 = tpu.memref_slice %arg8[%dma_start3A_148, %dma_start3A_149] : memref<2x20096xi32, #tpu.memory_space<vmem>> -> memref<2x128xi32, #tpu.memory_space<vmem>>
          %dma_start3A_151 = arith.constant 0 : i32
          %dma_start3A_152 = tpu.memref_slice %arg3[%dma_start3A_151, %add3A_142] : memref<2x320000xi32, #tpu.memory_space<hbm>> -> memref<2x128xi32, #tpu.memory_space<hbm>>
          tpu.enqueue_dma source(%dma_start3A_152 : memref<2x128xi32, #tpu.memory_space<hbm>>) target(%dma_start3A_150 : memref<2x128xi32, #tpu.memory_space<vmem>>) target_semaphore(%run_scoped3A : memref<!tpu.dma_semaphore, #tpu.memory_space<semaphore_mem>>)
          %dma_wait3A_153 = arith.constant 0 : i32
          %dma_wait3A_154 = arith.constant 19968 : i32
          %dma_wait3A_155 = tpu.memref_slice %arg8[%dma_wait3A_153, %dma_wait3A_154] : memref<2x20096xi32, #tpu.memory_space<vmem>> -> memref<2x128xi32, #tpu.memory_space<vmem>>
          %dma_wait3A_156 = arith.constant 0 : i32
          %dma_wait3A_157 = tpu.memref_slice %arg3[%dma_wait3A_156, %add3A_142] : memref<2x320000xi32, #tpu.memory_space<hbm>> -> memref<2x128xi32, #tpu.memory_space<hbm>>
          %dma_wait3A_158 = arith.constant 0 : i32
          %dma_wait3A_159 = arith.constant 19968 : i32
          %dma_wait3A_160 = tpu.memref_slice %arg8[%dma_wait3A_158, %dma_wait3A_159] : memref<2x20096xi32, #tpu.memory_space<vmem>> -> memref<2x128xi32, #tpu.memory_space<vmem>>
          %dma_wait3A_161 = arith.constant 0 : i32
          %dma_wait3A_162 = tpu.memref_slice %arg3[%dma_wait3A_161, %add3A_142] : memref<2x320000xi32, #tpu.memory_space<hbm>> -> memref<2x128xi32, #tpu.memory_space<hbm>>
          tpu.wait_dma2 semaphore(%run_scoped3A : memref<!tpu.dma_semaphore, #tpu.memory_space<semaphore_mem>>) src(%dma_wait3A_162 : memref<2x128xi32, #tpu.memory_space<hbm>>) dst(%dma_wait3A_160 : memref<2x128xi32, #tpu.memory_space<vmem>>)
          tpu.yield
        }) : () -> ()
      } else {
      }
      %lt3A_27 = arith.constant 4 : i32
      %lt3A_28 = arith.cmpi slt, %arg1, %lt3A_27 : i32
      %jit3A = arith.constant 157 : i32
      %jit3A_29 = arith.constant 156 : i32
      %select_n3A_30 = arith.select %lt3A_28, %jit3A, %jit3A_29 : i32
      %broadcast_in_dim3A = arith.constant 0.000000e+00 : f32
      %broadcast_in_dim3A_31 = vector.broadcast %broadcast_in_dim3A : f32 to vector<16xf32>
      %scan3A = arith.constant 0 : i32
      %scan3A_32 = arith.constant 0 : i32
      %scan3A_33 = arith.constant 80 : i32
      %scan3A_34 = arith.addi %scan3A_32, %scan3A_33 : i32
      %scan3A_35 = arith.constant 1 : i32
      scf.for %scan3A_139 = %scan3A_32 to %scan3A_34 step %scan3A_35  : i32 {
        %mul3A_140 = arith.constant 8 : i32
        %mul3A_141 = arith.muli %scan3A_139, %mul3A_140 : i32
        %add3A_142 = arith.constant 0 : i32
        %add3A_143 = arith.addi %mul3A_141, %add3A_142 : i32
        %mul3A_144 = arith.constant 16 : i32
        %mul3A_145 = arith.muli %add3A_143, %mul3A_144 : i32
        %swap3A = arith.index_cast %mul3A_145 : i32 to index
        %swap3A_146 = tpu.vector_load %arg10[%swap3A] {strides = array<i32>} : memref<10240xf32, #tpu.memory_space<vmem>>, vector<16xf32>,
        tpu.vector_store %arg10[%swap3A], %broadcast_in_dim3A_31 {strides = array<i32>} : memref<10240xf32, #tpu.memory_space<vmem>>, vector<16xf32>,
        %mul3A_147 = arith.constant 8 : i32
        %mul3A_148 = arith.muli %scan3A_139, %mul3A_147 : i32
        %add3A_149 = arith.constant 1 : i32
        %add3A_150 = arith.addi %mul3A_148, %add3A_149 : i32
        %mul3A_151 = arith.constant 16 : i32
        %mul3A_152 = arith.muli %add3A_150, %mul3A_151 : i32
        %swap3A_153 = arith.index_cast %mul3A_152 : i32 to index
        %swap3A_154 = tpu.vector_load %arg10[%swap3A_153] {strides = array<i32>} : memref<10240xf32, #tpu.memory_space<vmem>>, vector<16xf32>,
        tpu.vector_store %arg10[%swap3A_153], %broadcast_in_dim3A_31 {strides = array<i32>} : memref<10240xf32, #tpu.memory_space<vmem>>, vector<16xf32>,
        %mul3A_155 = arith.constant 8 : i32
        %mul3A_156 = arith.muli %scan3A_139, %mul3A_155 : i32
        %add3A_157 = arith.constant 2 : i32
        %add3A_158 = arith.addi %mul3A_156, %add3A_157 : i32
        %mul3A_159 = arith.constant 16 : i32
        %mul3A_160 = arith.muli %add3A_158, %mul3A_159 : i32
        %swap3A_161 = arith.index_cast %mul3A_160 : i32 to index
        %swap3A_162 = tpu.vector_load %arg10[%swap3A_161] {strides = array<i32>} : memref<10240xf32, #tpu.memory_space<vmem>>, vector<16xf32>,
        tpu.vector_store %arg10[%swap3A_161], %broadcast_in_dim3A_31 {strides = array<i32>} : memref<10240xf32, #tpu.memory_space<vmem>>, vector<16xf32>,
        %mul3A_163 = arith.constant 8 : i32
        %mul3A_164 = arith.muli %scan3A_139, %mul3A_163 : i32
        %add3A_165 = arith.constant 3 : i32
        %add3A_166 = arith.addi %mul3A_164, %add3A_165 : i32
        %mul3A_167 = arith.constant 16 : i32
        %mul3A_168 = arith.muli %add3A_166, %mul3A_167 : i32
        %swap3A_169 = arith.index_cast %mul3A_168 : i32 to index
        %swap3A_170 = tpu.vector_load %arg10[%swap3A_169] {strides = array<i32>} : memref<10240xf32, #tpu.memory_space<vmem>>, vector<16xf32>,
        tpu.vector_store %arg10[%swap3A_169], %broadcast_in_dim3A_31 {strides = array<i32>} : memref<10240xf32, #tpu.memory_space<vmem>>, vector<16xf32>,
        %mul3A_171 = arith.constant 8 : i32
        %mul3A_172 = arith.muli %scan3A_139, %mul3A_171 : i32
        %add3A_173 = arith.constant 4 : i32
        %add3A_174 = arith.addi %mul3A_172, %add3A_173 : i32
        %mul3A_175 = arith.constant 16 : i32
        %mul3A_176 = arith.muli %add3A_174, %mul3A_175 : i32
        %swap3A_177 = arith.index_cast %mul3A_176 : i32 to index
        %swap3A_178 = tpu.vector_load %arg10[%swap3A_177] {strides = array<i32>} : memref<10240xf32, #tpu.memory_space<vmem>>, vector<16xf32>,
        tpu.vector_store %arg10[%swap3A_177], %broadcast_in_dim3A_31 {strides = array<i32>} : memref<10240xf32, #tpu.memory_space<vmem>>, vector<16xf32>,
        %mul3A_179 = arith.constant 8 : i32
        %mul3A_180 = arith.muli %scan3A_139, %mul3A_179 : i32
        %add3A_181 = arith.constant 5 : i32
        %add3A_182 = arith.addi %mul3A_180, %add3A_181 : i32
        %mul3A_183 = arith.constant 16 : i32
        %mul3A_184 = arith.muli %add3A_182, %mul3A_183 : i32
        %swap3A_185 = arith.index_cast %mul3A_184 : i32 to index
        %swap3A_186 = tpu.vector_load %arg10[%swap3A_185] {strides = array<i32>} : memref<10240xf32, #tpu.memory_space<vmem>>, vector<16xf32>,
        tpu.vector_store %arg10[%swap3A_185], %broadcast_in_dim3A_31 {strides = array<i32>} : memref<10240xf32, #tpu.memory_space<vmem>>, vector<16xf32>,
        %mul3A_187 = arith.constant 8 : i32
        %mul3A_188 = arith.muli %scan3A_139, %mul3A_187 : i32
        %add3A_189 = arith.constant 6 : i32
        %add3A_190 = arith.addi %mul3A_188, %add3A_189 : i32
        %mul3A_191 = arith.constant 16 : i32
        %mul3A_192 = arith.muli %add3A_190, %mul3A_191 : i32
        %swap3A_193 = arith.index_cast %mul3A_192 : i32 to index
        %swap3A_194 = tpu.vector_load %arg10[%swap3A_193] {strides = array<i32>} : memref<10240xf32, #tpu.memory_space<vmem>>, vector<16xf32>,
        tpu.vector_store %arg10[%swap3A_193], %broadcast_in_dim3A_31 {strides = array<i32>} : memref<10240xf32, #tpu.memory_space<vmem>>, vector<16xf32>,
        %mul3A_195 = arith.constant 8 : i32
        %mul3A_196 = arith.muli %scan3A_139, %mul3A_195 : i32
        %add3A_197 = arith.constant 7 : i32
        %add3A_198 = arith.addi %mul3A_196, %add3A_197 : i32
        %mul3A_199 = arith.constant 16 : i32
        %mul3A_200 = arith.muli %add3A_198, %mul3A_199 : i32
        %swap3A_201 = arith.index_cast %mul3A_200 : i32 to index
        %swap3A_202 = tpu.vector_load %arg10[%swap3A_201] {strides = array<i32>} : memref<10240xf32, #tpu.memory_space<vmem>>, vector<16xf32>,
        tpu.vector_store %arg10[%swap3A_201], %broadcast_in_dim3A_31 {strides = array<i32>} : memref<10240xf32, #tpu.memory_space<vmem>>, vector<16xf32>,
      }
      %scan3A_36 = arith.constant 80 : i32
      "tpu.region"() ({
        %run_scoped3A = tpu.sem_alloc : memref<!tpu.dma_semaphore, #tpu.memory_space<semaphore_mem>>
        %dma_start3A_139 = arith.constant 0 : i32
        %dma_start3A_140 = tpu.memref_slice %arg9[%dma_start3A_139] : memref<10240xf32, #tpu.memory_space<vmem>> -> memref<10000xf32, #tpu.memory_space<vmem>>
        %dma_start3A_141 = arith.constant 0 : i32
        %dma_start3A_142 = tpu.memref_slice %arg9[%dma_start3A_141] : memref<10240xf32, #tpu.memory_space<vmem>> -> memref<10000xf32, #tpu.memory_space<vmem>>
        tpu.enqueue_dma source(%arg2 : memref<10000xf32, #tpu.memory_space<hbm>>) target(%dma_start3A_142 : memref<10000xf32, #tpu.memory_space<vmem>>) target_semaphore(%run_scoped3A : memref<!tpu.dma_semaphore, #tpu.memory_space<semaphore_mem>>)
        %dma_wait3A_143 = arith.constant 0 : i32
        %dma_wait3A_144 = tpu.memref_slice %arg9[%dma_wait3A_143] : memref<10240xf32, #tpu.memory_space<vmem>> -> memref<10000xf32, #tpu.memory_space<vmem>>
        %dma_wait3A_145 = arith.constant 0 : i32
        %dma_wait3A_146 = tpu.memref_slice %arg9[%dma_wait3A_145] : memref<10240xf32, #tpu.memory_space<vmem>> -> memref<10000xf32, #tpu.memory_space<vmem>>
        tpu.wait_dma2 semaphore(%run_scoped3A : memref<!tpu.dma_semaphore, #tpu.memory_space<semaphore_mem>>) src(%arg2 : memref<10000xf32, #tpu.memory_space<hbm>>) dst(%dma_wait3A_146 : memref<10000xf32, #tpu.memory_space<vmem>>)
        tpu.yield
      }) : () -> ()
      %dma_wait3A = arith.constant 0 : i32
      %dma_wait3A_37 = arith.constant 0 : i32
      %dma_wait3A_38 = tpu.memref_slice %arg8[%dma_wait3A, %dma_wait3A_37] : memref<2x20096xi32, #tpu.memory_space<vmem>> -> memref<2x19968xi32, #tpu.memory_space<vmem>>
      %dma_wait3A_39 = arith.constant 0 : i32
      %dma_wait3A_40 = tpu.memref_slice %arg3[%dma_wait3A_39, %select_n3A] : memref<2x320000xi32, #tpu.memory_space<hbm>> -> memref<2x19968xi32, #tpu.memory_space<hbm>>
      %dma_wait3A_41 = arith.constant 0 : i32
      %dma_wait3A_42 = arith.constant 0 : i32
      %dma_wait3A_43 = tpu.memref_slice %arg8[%dma_wait3A_41, %dma_wait3A_42] : memref<2x20096xi32, #tpu.memory_space<vmem>> -> memref<2x19968xi32, #tpu.memory_space<vmem>>
      %dma_wait3A_44 = arith.constant 0 : i32
      %dma_wait3A_45 = tpu.memref_slice %arg3[%dma_wait3A_44, %select_n3A] : memref<2x320000xi32, #tpu.memory_space<hbm>> -> memref<2x19968xi32, #tpu.memory_space<hbm>>
      tpu.wait_dma2 semaphore(%arg15 : memref<!tpu.dma_semaphore, #tpu.memory_space<semaphore_mem>>) src(%dma_wait3A_45 : memref<2x19968xi32, #tpu.memory_space<hbm>>) dst(%dma_wait3A_43 : memref<2x19968xi32, #tpu.memory_space<vmem>>)
      %mul3A_46 = arith.constant 640 : i32
      %mul3A_47 = arith.muli %arg1, %mul3A_46 : i32
      %while3A = arith.constant 0 : i32
      %while3A_48 = arith.constant 0 : i32
      %while3A_49 = arith.subi %select_n3A_30, %while3A_48 : i32
      %while3A_50 = arith.addi %while3A_48, %while3A_49 : i32
      %while3A_51 = arith.constant 1 : i32
      %while3A_52 = arith.divsi %while3A_49, %while3A_51 : i32
      %while3A_53 = arith.muli %while3A_52, %while3A_51 : i32
      %while3A_54 = arith.addi %while3A_48, %while3A_53 : i32
      %while3A_55 = arith.constant 1 : i32
      scf.for %while3A_139 = %while3A_48 to %while3A_54 step %while3A_55  : i32 {
        %mul3A_140 = arith.constant 128 : i32
        %mul3A_141 = arith.muli %while3A_139, %mul3A_140 : i32
        %add3A_142 = arith.constant 0 : i32
        %add3A_143 = arith.addi %mul3A_141, %add3A_142 : i32
        %add3A_144 = arith.constant 16 : i32
        %add3A_145 = arith.addi %mul3A_141, %add3A_144 : i32
        %add3A_146 = arith.constant 32 : i32
        %add3A_147 = arith.addi %mul3A_141, %add3A_146 : i32
        %add3A_148 = arith.constant 48 : i32
        %add3A_149 = arith.addi %mul3A_141, %add3A_148 : i32
        %add3A_150 = arith.constant 64 : i32
        %add3A_151 = arith.addi %mul3A_141, %add3A_150 : i32
        %add3A_152 = arith.constant 80 : i32
        %add3A_153 = arith.addi %mul3A_141, %add3A_152 : i32
        %add3A_154 = arith.constant 96 : i32
        %add3A_155 = arith.addi %mul3A_141, %add3A_154 : i32
        %add3A_156 = arith.constant 112 : i32
        %add3A_157 = arith.addi %mul3A_141, %add3A_156 : i32
        %get3A = arith.constant 1 : i32
        %get3A_158 = arith.index_cast %get3A : i32 to index
        %get3A_159 = arith.index_cast %add3A_143 : i32 to index
        %get3A_160 = tpu.vector_load %arg8[%get3A_158, %get3A_159] {strides = array<i32>} : memref<2x20096xi32, #tpu.memory_space<vmem>>, vector<16xi32>,
        %get3A_161 = arith.constant 1 : i32
        %get3A_162 = arith.index_cast %get3A_161 : i32 to index
        %get3A_163 = arith.index_cast %add3A_145 : i32 to index
        %get3A_164 = tpu.vector_load %arg8[%get3A_162, %get3A_163] {strides = array<i32>} : memref<2x20096xi32, #tpu.memory_space<vmem>>, vector<16xi32>,
        %get3A_165 = arith.constant 1 : i32
        %get3A_166 = arith.index_cast %get3A_165 : i32 to index
        %get3A_167 = arith.index_cast %add3A_147 : i32 to index
        %get3A_168 = tpu.vector_load %arg8[%get3A_166, %get3A_167] {strides = array<i32>} : memref<2x20096xi32, #tpu.memory_space<vmem>>, vector<16xi32>,
        %get3A_169 = arith.constant 1 : i32
        %get3A_170 = arith.index_cast %get3A_169 : i32 to index
        %get3A_171 = arith.index_cast %add3A_149 : i32 to index
        %get3A_172 = tpu.vector_load %arg8[%get3A_170, %get3A_171] {strides = array<i32>} : memref<2x20096xi32, #tpu.memory_space<vmem>>, vector<16xi32>,
        %get3A_173 = arith.constant 1 : i32
        %get3A_174 = arith.index_cast %get3A_173 : i32 to index
        %get3A_175 = arith.index_cast %add3A_151 : i32 to index
        %get3A_176 = tpu.vector_load %arg8[%get3A_174, %get3A_175] {strides = array<i32>} : memref<2x20096xi32, #tpu.memory_space<vmem>>, vector<16xi32>,
        %get3A_177 = arith.constant 1 : i32
        %get3A_178 = arith.index_cast %get3A_177 : i32 to index
        %get3A_179 = arith.index_cast %add3A_153 : i32 to index
        %get3A_180 = tpu.vector_load %arg8[%get3A_178, %get3A_179] {strides = array<i32>} : memref<2x20096xi32, #tpu.memory_space<vmem>>, vector<16xi32>,
        %get3A_181 = arith.constant 1 : i32
        %get3A_182 = arith.index_cast %get3A_181 : i32 to index
        %get3A_183 = arith.index_cast %add3A_155 : i32 to index
        %get3A_184 = tpu.vector_load %arg8[%get3A_182, %get3A_183] {strides = array<i32>} : memref<2x20096xi32, #tpu.memory_space<vmem>>, vector<16xi32>,
        %get3A_185 = arith.constant 1 : i32
        %get3A_186 = arith.index_cast %get3A_185 : i32 to index
        %get3A_187 = arith.index_cast %add3A_157 : i32 to index
        %get3A_188 = tpu.vector_load %arg8[%get3A_186, %get3A_187] {strides = array<i32>} : memref<2x20096xi32, #tpu.memory_space<vmem>>, vector<16xi32>,
        %get3A_189 = arith.constant 0 : i32
        %get3A_190 = arith.index_cast %get3A_189 : i32 to index
        %get3A_191 = arith.index_cast %add3A_143 : i32 to index
        %get3A_192 = tpu.vector_load %arg8[%get3A_190, %get3A_191] {strides = array<i32>} : memref<2x20096xi32, #tpu.memory_space<vmem>>, vector<16xi32>,
        %get3A_193 = arith.constant 0 : i32
        %get3A_194 = arith.index_cast %get3A_193 : i32 to index
        %get3A_195 = arith.index_cast %add3A_145 : i32 to index
        %get3A_196 = tpu.vector_load %arg8[%get3A_194, %get3A_195] {strides = array<i32>} : memref<2x20096xi32, #tpu.memory_space<vmem>>, vector<16xi32>,
        %get3A_197 = arith.constant 0 : i32
        %get3A_198 = arith.index_cast %get3A_197 : i32 to index
        %get3A_199 = arith.index_cast %add3A_147 : i32 to index
        %get3A_200 = tpu.vector_load %arg8[%get3A_198, %get3A_199] {strides = array<i32>} : memref<2x20096xi32, #tpu.memory_space<vmem>>, vector<16xi32>,
        %get3A_201 = arith.constant 0 : i32
        %get3A_202 = arith.index_cast %get3A_201 : i32 to index
        %get3A_203 = arith.index_cast %add3A_149 : i32 to index
        %get3A_204 = tpu.vector_load %arg8[%get3A_202, %get3A_203] {strides = array<i32>} : memref<2x20096xi32, #tpu.memory_space<vmem>>, vector<16xi32>,
        %get3A_205 = arith.constant 0 : i32
        %get3A_206 = arith.index_cast %get3A_205 : i32 to index
        %get3A_207 = arith.index_cast %add3A_151 : i32 to index
        %get3A_208 = tpu.vector_load %arg8[%get3A_206, %get3A_207] {strides = array<i32>} : memref<2x20096xi32, #tpu.memory_space<vmem>>, vector<16xi32>,
        %get3A_209 = arith.constant 0 : i32
        %get3A_210 = arith.index_cast %get3A_209 : i32 to index
        %get3A_211 = arith.index_cast %add3A_153 : i32 to index
        %get3A_212 = tpu.vector_load %arg8[%get3A_210, %get3A_211] {strides = array<i32>} : memref<2x20096xi32, #tpu.memory_space<vmem>>, vector<16xi32>,
        %get3A_213 = arith.constant 0 : i32
        %get3A_214 = arith.index_cast %get3A_213 : i32 to index
        %get3A_215 = arith.index_cast %add3A_155 : i32 to index
        %get3A_216 = tpu.vector_load %arg8[%get3A_214, %get3A_215] {strides = array<i32>} : memref<2x20096xi32, #tpu.memory_space<vmem>>, vector<16xi32>,
        %get3A_217 = arith.constant 0 : i32
        %get3A_218 = arith.index_cast %get3A_217 : i32 to index
        %get3A_219 = arith.index_cast %add3A_157 : i32 to index
        %get3A_220 = tpu.vector_load %arg8[%get3A_218, %get3A_219] {strides = array<i32>} : memref<2x20096xi32, #tpu.memory_space<vmem>>, vector<16xi32>,
        %gather3A = tpu.vector_load_idx %arg9[%get3A_160] : memref<10240xf32, #tpu.memory_space<vmem>>[vector<16xi32>], vector<16xf32>,
        %gather3A_221 = tpu.vector_load_idx %arg9[%get3A_164] : memref<10240xf32, #tpu.memory_space<vmem>>[vector<16xi32>], vector<16xf32>,
        %gather3A_222 = tpu.vector_load_idx %arg9[%get3A_168] : memref<10240xf32, #tpu.memory_space<vmem>>[vector<16xi32>], vector<16xf32>,
        %gather3A_223 = tpu.vector_load_idx %arg9[%get3A_172] : memref<10240xf32, #tpu.memory_space<vmem>>[vector<16xi32>], vector<16xf32>,
        %gather3A_224 = tpu.vector_load_idx %arg9[%get3A_176] : memref<10240xf32, #tpu.memory_space<vmem>>[vector<16xi32>], vector<16xf32>,
        %gather3A_225 = tpu.vector_load_idx %arg9[%get3A_180] : memref<10240xf32, #tpu.memory_space<vmem>>[vector<16xi32>], vector<16xf32>,
        %gather3A_226 = tpu.vector_load_idx %arg9[%get3A_184] : memref<10240xf32, #tpu.memory_space<vmem>>[vector<16xi32>], vector<16xf32>,
        %gather3A_227 = tpu.vector_load_idx %arg9[%get3A_188] : memref<10240xf32, #tpu.memory_space<vmem>>[vector<16xi32>], vector<16xf32>,
        tpu.vector_store_idx %arg10[%get3A_192], %gather3A {add = true} : memref<10240xf32, #tpu.memory_space<vmem>>[vector<16xi32>], vector<16xf32>,
        tpu.vector_store_idx %arg10[%get3A_196], %gather3A_221 {add = true} : memref<10240xf32, #tpu.memory_space<vmem>>[vector<16xi32>], vector<16xf32>,
        tpu.vector_store_idx %arg10[%get3A_200], %gather3A_222 {add = true} : memref<10240xf32, #tpu.memory_space<vmem>>[vector<16xi32>], vector<16xf32>,
        tpu.vector_store_idx %arg10[%get3A_204], %gather3A_223 {add = true} : memref<10240xf32, #tpu.memory_space<vmem>>[vector<16xi32>], vector<16xf32>,
        tpu.vector_store_idx %arg10[%get3A_208], %gather3A_224 {add = true} : memref<10240xf32, #tpu.memory_space<vmem>>[vector<16xi32>], vector<16xf32>,
        tpu.vector_store_idx %arg10[%get3A_212], %gather3A_225 {add = true} : memref<10240xf32, #tpu.memory_space<vmem>>[vector<16xi32>], vector<16xf32>,
        tpu.vector_store_idx %arg10[%get3A_216], %gather3A_226 {add = true} : memref<10240xf32, #tpu.memory_space<vmem>>[vector<16xi32>], vector<16xf32>,
        tpu.vector_store_idx %arg10[%get3A_220], %gather3A_227 {add = true} : memref<10240xf32, #tpu.memory_space<vmem>>[vector<16xi32>], vector<16xf32>,
      }
      %while3A_56 = arith.constant 1 : i32
      scf.for %while3A_139 = %while3A_54 to %while3A_50 step %while3A_56  : i32 {
        %mul3A_140 = arith.constant 128 : i32
        %mul3A_141 = arith.muli %while3A_139, %mul3A_140 : i32
        %add3A_142 = arith.constant 0 : i32
        %add3A_143 = arith.addi %mul3A_141, %add3A_142 : i32
        %add3A_144 = arith.constant 16 : i32
        %add3A_145 = arith.addi %mul3A_141, %add3A_144 : i32
        %add3A_146 = arith.constant 32 : i32
        %add3A_147 = arith.addi %mul3A_141, %add3A_146 : i32
        %add3A_148 = arith.constant 48 : i32
        %add3A_149 = arith.addi %mul3A_141, %add3A_148 : i32
        %add3A_150 = arith.constant 64 : i32
        %add3A_151 = arith.addi %mul3A_141, %add3A_150 : i32
        %add3A_152 = arith.constant 80 : i32
        %add3A_153 = arith.addi %mul3A_141, %add3A_152 : i32
        %add3A_154 = arith.constant 96 : i32
        %add3A_155 = arith.addi %mul3A_141, %add3A_154 : i32
        %add3A_156 = arith.constant 112 : i32
        %add3A_157 = arith.addi %mul3A_141, %add3A_156 : i32
        %get3A = arith.constant 1 : i32
        %get3A_158 = arith.index_cast %get3A : i32 to index
        %get3A_159 = arith.index_cast %add3A_143 : i32 to index
        %get3A_160 = tpu.vector_load %arg8[%get3A_158, %get3A_159] {strides = array<i32>} : memref<2x20096xi32, #tpu.memory_space<vmem>>, vector<16xi32>,
        %get3A_161 = arith.constant 1 : i32
        %get3A_162 = arith.index_cast %get3A_161 : i32 to index
        %get3A_163 = arith.index_cast %add3A_145 : i32 to index
        %get3A_164 = tpu.vector_load %arg8[%get3A_162, %get3A_163] {strides = array<i32>} : memref<2x20096xi32, #tpu.memory_space<vmem>>, vector<16xi32>,
        %get3A_165 = arith.constant 1 : i32
        %get3A_166 = arith.index_cast %get3A_165 : i32 to index
        %get3A_167 = arith.index_cast %add3A_147 : i32 to index
        %get3A_168 = tpu.vector_load %arg8[%get3A_166, %get3A_167] {strides = array<i32>} : memref<2x20096xi32, #tpu.memory_space<vmem>>, vector<16xi32>,
        %get3A_169 = arith.constant 1 : i32
        %get3A_170 = arith.index_cast %get3A_169 : i32 to index
        %get3A_171 = arith.index_cast %add3A_149 : i32 to index
        %get3A_172 = tpu.vector_load %arg8[%get3A_170, %get3A_171] {strides = array<i32>} : memref<2x20096xi32, #tpu.memory_space<vmem>>, vector<16xi32>,
        %get3A_173 = arith.constant 1 : i32
        %get3A_174 = arith.index_cast %get3A_173 : i32 to index
        %get3A_175 = arith.index_cast %add3A_151 : i32 to index
        %get3A_176 = tpu.vector_load %arg8[%get3A_174, %get3A_175] {strides = array<i32>} : memref<2x20096xi32, #tpu.memory_space<vmem>>, vector<16xi32>,
        %get3A_177 = arith.constant 1 : i32
        %get3A_178 = arith.index_cast %get3A_177 : i32 to index
        %get3A_179 = arith.index_cast %add3A_153 : i32 to index
        %get3A_180 = tpu.vector_load %arg8[%get3A_178, %get3A_179] {strides = array<i32>} : memref<2x20096xi32, #tpu.memory_space<vmem>>, vector<16xi32>,
        %get3A_181 = arith.constant 1 : i32
        %get3A_182 = arith.index_cast %get3A_181 : i32 to index
        %get3A_183 = arith.index_cast %add3A_155 : i32 to index
        %get3A_184 = tpu.vector_load %arg8[%get3A_182, %get3A_183] {strides = array<i32>} : memref<2x20096xi32, #tpu.memory_space<vmem>>, vector<16xi32>,
        %get3A_185 = arith.constant 1 : i32
        %get3A_186 = arith.index_cast %get3A_185 : i32 to index
        %get3A_187 = arith.index_cast %add3A_157 : i32 to index
        %get3A_188 = tpu.vector_load %arg8[%get3A_186, %get3A_187] {strides = array<i32>} : memref<2x20096xi32, #tpu.memory_space<vmem>>, vector<16xi32>,
        %get3A_189 = arith.constant 0 : i32
        %get3A_190 = arith.index_cast %get3A_189 : i32 to index
        %get3A_191 = arith.index_cast %add3A_143 : i32 to index
        %get3A_192 = tpu.vector_load %arg8[%get3A_190, %get3A_191] {strides = array<i32>} : memref<2x20096xi32, #tpu.memory_space<vmem>>, vector<16xi32>,
        %get3A_193 = arith.constant 0 : i32
        %get3A_194 = arith.index_cast %get3A_193 : i32 to index
        %get3A_195 = arith.index_cast %add3A_145 : i32 to index
        %get3A_196 = tpu.vector_load %arg8[%get3A_194, %get3A_195] {strides = array<i32>} : memref<2x20096xi32, #tpu.memory_space<vmem>>, vector<16xi32>,
        %get3A_197 = arith.constant 0 : i32
        %get3A_198 = arith.index_cast %get3A_197 : i32 to index
        %get3A_199 = arith.index_cast %add3A_147 : i32 to index
        %get3A_200 = tpu.vector_load %arg8[%get3A_198, %get3A_199] {strides = array<i32>} : memref<2x20096xi32, #tpu.memory_space<vmem>>, vector<16xi32>,
        %get3A_201 = arith.constant 0 : i32
        %get3A_202 = arith.index_cast %get3A_201 : i32 to index
        %get3A_203 = arith.index_cast %add3A_149 : i32 to index
        %get3A_204 = tpu.vector_load %arg8[%get3A_202, %get3A_203] {strides = array<i32>} : memref<2x20096xi32, #tpu.memory_space<vmem>>, vector<16xi32>,
        %get3A_205 = arith.constant 0 : i32
        %get3A_206 = arith.index_cast %get3A_205 : i32 to index
        %get3A_207 = arith.index_cast %add3A_151 : i32 to index
        %get3A_208 = tpu.vector_load %arg8[%get3A_206, %get3A_207] {strides = array<i32>} : memref<2x20096xi32, #tpu.memory_space<vmem>>, vector<16xi32>,
        %get3A_209 = arith.constant 0 : i32
        %get3A_210 = arith.index_cast %get3A_209 : i32 to index
        %get3A_211 = arith.index_cast %add3A_153 : i32 to index
        %get3A_212 = tpu.vector_load %arg8[%get3A_210, %get3A_211] {strides = array<i32>} : memref<2x20096xi32, #tpu.memory_space<vmem>>, vector<16xi32>,
        %get3A_213 = arith.constant 0 : i32
        %get3A_214 = arith.index_cast %get3A_213 : i32 to index
        %get3A_215 = arith.index_cast %add3A_155 : i32 to index
        %get3A_216 = tpu.vector_load %arg8[%get3A_214, %get3A_215] {strides = array<i32>} : memref<2x20096xi32, #tpu.memory_space<vmem>>, vector<16xi32>,
        %get3A_217 = arith.constant 0 : i32
        %get3A_218 = arith.index_cast %get3A_217 : i32 to index
        %get3A_219 = arith.index_cast %add3A_157 : i32 to index
        %get3A_220 = tpu.vector_load %arg8[%get3A_218, %get3A_219] {strides = array<i32>} : memref<2x20096xi32, #tpu.memory_space<vmem>>, vector<16xi32>,
        %gather3A = tpu.vector_load_idx %arg9[%get3A_160] : memref<10240xf32, #tpu.memory_space<vmem>>[vector<16xi32>], vector<16xf32>,
        %gather3A_221 = tpu.vector_load_idx %arg9[%get3A_164] : memref<10240xf32, #tpu.memory_space<vmem>>[vector<16xi32>], vector<16xf32>,
        %gather3A_222 = tpu.vector_load_idx %arg9[%get3A_168] : memref<10240xf32, #tpu.memory_space<vmem>>[vector<16xi32>], vector<16xf32>,
        %gather3A_223 = tpu.vector_load_idx %arg9[%get3A_172] : memref<10240xf32, #tpu.memory_space<vmem>>[vector<16xi32>], vector<16xf32>,
        %gather3A_224 = tpu.vector_load_idx %arg9[%get3A_176] : memref<10240xf32, #tpu.memory_space<vmem>>[vector<16xi32>], vector<16xf32>,
        %gather3A_225 = tpu.vector_load_idx %arg9[%get3A_180] : memref<10240xf32, #tpu.memory_space<vmem>>[vector<16xi32>], vector<16xf32>,
        %gather3A_226 = tpu.vector_load_idx %arg9[%get3A_184] : memref<10240xf32, #tpu.memory_space<vmem>>[vector<16xi32>], vector<16xf32>,
        %gather3A_227 = tpu.vector_load_idx %arg9[%get3A_188] : memref<10240xf32, #tpu.memory_space<vmem>>[vector<16xi32>], vector<16xf32>,
        tpu.vector_store_idx %arg10[%get3A_192], %gather3A {add = true} : memref<10240xf32, #tpu.memory_space<vmem>>[vector<16xi32>], vector<16xf32>,
        tpu.vector_store_idx %arg10[%get3A_196], %gather3A_221 {add = true} : memref<10240xf32, #tpu.memory_space<vmem>>[vector<16xi32>], vector<16xf32>,
        tpu.vector_store_idx %arg10[%get3A_200], %gather3A_222 {add = true} : memref<10240xf32, #tpu.memory_space<vmem>>[vector<16xi32>], vector<16xf32>,
        tpu.vector_store_idx %arg10[%get3A_204], %gather3A_223 {add = true} : memref<10240xf32, #tpu.memory_space<vmem>>[vector<16xi32>], vector<16xf32>,
        tpu.vector_store_idx %arg10[%get3A_208], %gather3A_224 {add = true} : memref<10240xf32, #tpu.memory_space<vmem>>[vector<16xi32>], vector<16xf32>,
        tpu.vector_store_idx %arg10[%get3A_212], %gather3A_225 {add = true} : memref<10240xf32, #tpu.memory_space<vmem>>[vector<16xi32>], vector<16xf32>,
        tpu.vector_store_idx %arg10[%get3A_216], %gather3A_226 {add = true} : memref<10240xf32, #tpu.memory_space<vmem>>[vector<16xi32>], vector<16xf32>,
        tpu.vector_store_idx %arg10[%get3A_220], %gather3A_227 {add = true} : memref<10240xf32, #tpu.memory_space<vmem>>[vector<16xi32>], vector<16xf32>,
      }
      "tpu.region"() ({
        %run_scoped3A = tpu.sem_alloc : memref<!tpu.dma_semaphore, #tpu.memory_space<semaphore_mem>>
        %dma_start3A_139 = arith.constant 0 : i32
        %dma_start3A_140 = tpu.memref_slice %arg13[%arg1, %dma_start3A_139] : memref<16x10240xf32, #tpu.memory_space<vmem_shared>> -> memref<1x10240xf32, #tpu.memory_space<vmem_shared>>
        %dma_start3A_141 = tpu.memref_squeeze %dma_start3A_140 : memref<1x10240xf32, #tpu.memory_space<vmem_shared>> -> memref<10240xf32, #tpu.memory_space<vmem_shared>>
        %dma_start3A_142 = arith.constant 0 : i32
        %dma_start3A_143 = tpu.memref_slice %arg13[%arg1, %dma_start3A_142] : memref<16x10240xf32, #tpu.memory_space<vmem_shared>> -> memref<1x10240xf32, #tpu.memory_space<vmem_shared>>
        %dma_start3A_144 = tpu.memref_squeeze %dma_start3A_143 : memref<1x10240xf32, #tpu.memory_space<vmem_shared>> -> memref<10240xf32, #tpu.memory_space<vmem_shared>>
        tpu.enqueue_dma source(%arg10 : memref<10240xf32, #tpu.memory_space<vmem>>) target(%dma_start3A_144 : memref<10240xf32, #tpu.memory_space<vmem_shared>>) target_semaphore(%run_scoped3A : memref<!tpu.dma_semaphore, #tpu.memory_space<semaphore_mem>>)
        %dma_wait3A_145 = arith.constant 0 : i32
        %dma_wait3A_146 = tpu.memref_slice %arg13[%arg1, %dma_wait3A_145] : memref<16x10240xf32, #tpu.memory_space<vmem_shared>> -> memref<1x10240xf32, #tpu.memory_space<vmem_shared>>
        %dma_wait3A_147 = tpu.memref_squeeze %dma_wait3A_146 : memref<1x10240xf32, #tpu.memory_space<vmem_shared>> -> memref<10240xf32, #tpu.memory_space<vmem_shared>>
        %dma_wait3A_148 = arith.constant 0 : i32
        %dma_wait3A_149 = tpu.memref_slice %arg13[%arg1, %dma_wait3A_148] : memref<16x10240xf32, #tpu.memory_space<vmem_shared>> -> memref<1x10240xf32, #tpu.memory_space<vmem_shared>>
        %dma_wait3A_150 = tpu.memref_squeeze %dma_wait3A_149 : memref<1x10240xf32, #tpu.memory_space<vmem_shared>> -> memref<10240xf32, #tpu.memory_space<vmem_shared>>
        tpu.wait_dma2 semaphore(%run_scoped3A : memref<!tpu.dma_semaphore, #tpu.memory_space<semaphore_mem>>) src(%arg10 : memref<10240xf32, #tpu.memory_space<vmem>>) dst(%dma_wait3A_150 : memref<10240xf32, #tpu.memory_space<vmem_shared>>)
        tpu.yield
      }) : () -> ()
      %barrier3A = arith.constant 0 : index
      tpu.barrier barrier_id(%barrier3A)
      %dma_start3A_57 = arith.constant 0 : i32
      %dma_start3A_58 = tpu.memref_slice %arg13[%dma_start3A_57, %mul3A_47] : memref<16x10240xf32, #tpu.memory_space<vmem_shared>> -> memref<16x640xf32, #tpu.memory_space<vmem_shared>>
      %dma_start3A_59 = arith.constant 0 : i32
      %dma_start3A_60 = tpu.memref_slice %arg13[%dma_start3A_59, %mul3A_47] : memref<16x10240xf32, #tpu.memory_space<vmem_shared>> -> memref<16x640xf32, #tpu.memory_space<vmem_shared>>
      tpu.enqueue_dma source(%dma_start3A_60 : memref<16x640xf32, #tpu.memory_space<vmem_shared>>) target(%arg12 : memref<16x640xf32, #tpu.memory_space<vmem>>) target_semaphore(%arg15 : memref<!tpu.dma_semaphore, #tpu.memory_space<semaphore_mem>>)
      %broadcast_in_dim3A_61 = arith.constant 0.000000e+00 : f32
      %broadcast_in_dim3A_62 = vector.broadcast %broadcast_in_dim3A_61 : f32 to vector<16xf32>
      %scan3A_63 = arith.constant 0 : i32
      %scan3A_64 = arith.constant 0 : i32
      %scan3A_65 = arith.constant 80 : i32
      %scan3A_66 = arith.addi %scan3A_64, %scan3A_65 : i32
      %scan3A_67 = arith.constant 1 : i32
      scf.for %scan3A_139 = %scan3A_64 to %scan3A_66 step %scan3A_67  : i32 {
        %mul3A_140 = arith.constant 8 : i32
        %mul3A_141 = arith.muli %scan3A_139, %mul3A_140 : i32
        %add3A_142 = arith.constant 0 : i32
        %add3A_143 = arith.addi %mul3A_141, %add3A_142 : i32
        %mul3A_144 = arith.constant 16 : i32
        %mul3A_145 = arith.muli %add3A_143, %mul3A_144 : i32
        %swap3A = arith.index_cast %mul3A_145 : i32 to index
        %swap3A_146 = tpu.vector_load %arg10[%swap3A] {strides = array<i32>} : memref<10240xf32, #tpu.memory_space<vmem>>, vector<16xf32>,
        tpu.vector_store %arg10[%swap3A], %broadcast_in_dim3A_62 {strides = array<i32>} : memref<10240xf32, #tpu.memory_space<vmem>>, vector<16xf32>,
        %mul3A_147 = arith.constant 8 : i32
        %mul3A_148 = arith.muli %scan3A_139, %mul3A_147 : i32
        %add3A_149 = arith.constant 1 : i32
        %add3A_150 = arith.addi %mul3A_148, %add3A_149 : i32
        %mul3A_151 = arith.constant 16 : i32
        %mul3A_152 = arith.muli %add3A_150, %mul3A_151 : i32
        %swap3A_153 = arith.index_cast %mul3A_152 : i32 to index
        %swap3A_154 = tpu.vector_load %arg10[%swap3A_153] {strides = array<i32>} : memref<10240xf32, #tpu.memory_space<vmem>>, vector<16xf32>,
        tpu.vector_store %arg10[%swap3A_153], %broadcast_in_dim3A_62 {strides = array<i32>} : memref<10240xf32, #tpu.memory_space<vmem>>, vector<16xf32>,
        %mul3A_155 = arith.constant 8 : i32
        %mul3A_156 = arith.muli %scan3A_139, %mul3A_155 : i32
        %add3A_157 = arith.constant 2 : i32
        %add3A_158 = arith.addi %mul3A_156, %add3A_157 : i32
        %mul3A_159 = arith.constant 16 : i32
        %mul3A_160 = arith.muli %add3A_158, %mul3A_159 : i32
        %swap3A_161 = arith.index_cast %mul3A_160 : i32 to index
        %swap3A_162 = tpu.vector_load %arg10[%swap3A_161] {strides = array<i32>} : memref<10240xf32, #tpu.memory_space<vmem>>, vector<16xf32>,
        tpu.vector_store %arg10[%swap3A_161], %broadcast_in_dim3A_62 {strides = array<i32>} : memref<10240xf32, #tpu.memory_space<vmem>>, vector<16xf32>,
        %mul3A_163 = arith.constant 8 : i32
        %mul3A_164 = arith.muli %scan3A_139, %mul3A_163 : i32
        %add3A_165 = arith.constant 3 : i32
        %add3A_166 = arith.addi %mul3A_164, %add3A_165 : i32
        %mul3A_167 = arith.constant 16 : i32
        %mul3A_168 = arith.muli %add3A_166, %mul3A_167 : i32
        %swap3A_169 = arith.index_cast %mul3A_168 : i32 to index
        %swap3A_170 = tpu.vector_load %arg10[%swap3A_169] {strides = array<i32>} : memref<10240xf32, #tpu.memory_space<vmem>>, vector<16xf32>,
        tpu.vector_store %arg10[%swap3A_169], %broadcast_in_dim3A_62 {strides = array<i32>} : memref<10240xf32, #tpu.memory_space<vmem>>, vector<16xf32>,
        %mul3A_171 = arith.constant 8 : i32
        %mul3A_172 = arith.muli %scan3A_139, %mul3A_171 : i32
        %add3A_173 = arith.constant 4 : i32
        %add3A_174 = arith.addi %mul3A_172, %add3A_173 : i32
        %mul3A_175 = arith.constant 16 : i32
        %mul3A_176 = arith.muli %add3A_174, %mul3A_175 : i32
        %swap3A_177 = arith.index_cast %mul3A_176 : i32 to index
        %swap3A_178 = tpu.vector_load %arg10[%swap3A_177] {strides = array<i32>} : memref<10240xf32, #tpu.memory_space<vmem>>, vector<16xf32>,
        tpu.vector_store %arg10[%swap3A_177], %broadcast_in_dim3A_62 {strides = array<i32>} : memref<10240xf32, #tpu.memory_space<vmem>>, vector<16xf32>,
        %mul3A_179 = arith.constant 8 : i32
        %mul3A_180 = arith.muli %scan3A_139, %mul3A_179 : i32
        %add3A_181 = arith.constant 5 : i32
        %add3A_182 = arith.addi %mul3A_180, %add3A_181 : i32
        %mul3A_183 = arith.constant 16 : i32
        %mul3A_184 = arith.muli %add3A_182, %mul3A_183 : i32
        %swap3A_185 = arith.index_cast %mul3A_184 : i32 to index
        %swap3A_186 = tpu.vector_load %arg10[%swap3A_185] {strides = array<i32>} : memref<10240xf32, #tpu.memory_space<vmem>>, vector<16xf32>,
        tpu.vector_store %arg10[%swap3A_185], %broadcast_in_dim3A_62 {strides = array<i32>} : memref<10240xf32, #tpu.memory_space<vmem>>, vector<16xf32>,
        %mul3A_187 = arith.constant 8 : i32
        %mul3A_188 = arith.muli %scan3A_139, %mul3A_187 : i32
        %add3A_189 = arith.constant 6 : i32
        %add3A_190 = arith.addi %mul3A_188, %add3A_189 : i32
        %mul3A_191 = arith.constant 16 : i32
        %mul3A_192 = arith.muli %add3A_190, %mul3A_191 : i32
        %swap3A_193 = arith.index_cast %mul3A_192 : i32 to index
        %swap3A_194 = tpu.vector_load %arg10[%swap3A_193] {strides = array<i32>} : memref<10240xf32, #tpu.memory_space<vmem>>, vector<16xf32>,
        tpu.vector_store %arg10[%swap3A_193], %broadcast_in_dim3A_62 {strides = array<i32>} : memref<10240xf32, #tpu.memory_space<vmem>>, vector<16xf32>,
        %mul3A_195 = arith.constant 8 : i32
        %mul3A_196 = arith.muli %scan3A_139, %mul3A_195 : i32
        %add3A_197 = arith.constant 7 : i32
        %add3A_198 = arith.addi %mul3A_196, %add3A_197 : i32
        %mul3A_199 = arith.constant 16 : i32
        %mul3A_200 = arith.muli %add3A_198, %mul3A_199 : i32
        %swap3A_201 = arith.index_cast %mul3A_200 : i32 to index
        %swap3A_202 = tpu.vector_load %arg10[%swap3A_201] {strides = array<i32>} : memref<10240xf32, #tpu.memory_space<vmem>>, vector<16xf32>,
        tpu.vector_store %arg10[%swap3A_201], %broadcast_in_dim3A_62 {strides = array<i32>} : memref<10240xf32, #tpu.memory_space<vmem>>, vector<16xf32>,
      }
      %scan3A_68 = arith.constant 80 : i32
      %dma_wait3A_69 = arith.constant 0 : i32
      %dma_wait3A_70 = tpu.memref_slice %arg13[%dma_wait3A_69, %mul3A_47] : memref<16x10240xf32, #tpu.memory_space<vmem_shared>> -> memref<16x640xf32, #tpu.memory_space<vmem_shared>>
      %dma_wait3A_71 = arith.constant 0 : i32
      %dma_wait3A_72 = tpu.memref_slice %arg13[%dma_wait3A_71, %mul3A_47] : memref<16x10240xf32, #tpu.memory_space<vmem_shared>> -> memref<16x640xf32, #tpu.memory_space<vmem_shared>>
      tpu.wait_dma2 semaphore(%arg15 : memref<!tpu.dma_semaphore, #tpu.memory_space<semaphore_mem>>) src(%dma_wait3A_72 : memref<16x640xf32, #tpu.memory_space<vmem_shared>>) dst(%arg12 : memref<16x640xf32, #tpu.memory_space<vmem>>)
      %scan3A_73 = arith.constant 0 : i32
      %scan3A_74 = arith.constant 0 : i32
      %scan3A_75 = arith.constant 40 : i32
      %scan3A_76 = arith.addi %scan3A_74, %scan3A_75 : i32
      %scan3A_77 = arith.constant 1 : i32
      scf.for %scan3A_139 = %scan3A_74 to %scan3A_76 step %scan3A_77  : i32 {
        %mul3A_140 = arith.constant 16 : i32
        %mul3A_141 = arith.muli %scan3A_139, %mul3A_140 : i32
        %get3A = arith.constant 0 : i32
        %get3A_142 = arith.index_cast %get3A : i32 to index
        %get3A_143 = arith.index_cast %mul3A_141 : i32 to index
        %get3A_144 = tpu.vector_load %arg12[%get3A_142, %get3A_143] {strides = array<i32>} : memref<16x640xf32, #tpu.memory_space<vmem>>, vector<16xf32>,
        %get3A_145 = arith.constant 1 : i32
        %get3A_146 = arith.index_cast %get3A_145 : i32 to index
        %get3A_147 = arith.index_cast %mul3A_141 : i32 to index
        %get3A_148 = tpu.vector_load %arg12[%get3A_146, %get3A_147] {strides = array<i32>} : memref<16x640xf32, #tpu.memory_space<vmem>>, vector<16xf32>,
        %add3A_149 = arith.addf %get3A_144, %get3A_148 : vector<16xf32>
        %get3A_150 = arith.constant 2 : i32
        %get3A_151 = arith.index_cast %get3A_150 : i32 to index
        %get3A_152 = arith.index_cast %mul3A_141 : i32 to index
        %get3A_153 = tpu.vector_load %arg12[%get3A_151, %get3A_152] {strides = array<i32>} : memref<16x640xf32, #tpu.memory_space<vmem>>, vector<16xf32>,
        %add3A_154 = arith.addf %add3A_149, %get3A_153 : vector<16xf32>
        %get3A_155 = arith.constant 3 : i32
        %get3A_156 = arith.index_cast %get3A_155 : i32 to index
        %get3A_157 = arith.index_cast %mul3A_141 : i32 to index
        %get3A_158 = tpu.vector_load %arg12[%get3A_156, %get3A_157] {strides = array<i32>} : memref<16x640xf32, #tpu.memory_space<vmem>>, vector<16xf32>,
        %add3A_159 = arith.addf %add3A_154, %get3A_158 : vector<16xf32>
        %get3A_160 = arith.constant 4 : i32
        %get3A_161 = arith.index_cast %get3A_160 : i32 to index
        %get3A_162 = arith.index_cast %mul3A_141 : i32 to index
        %get3A_163 = tpu.vector_load %arg12[%get3A_161, %get3A_162] {strides = array<i32>} : memref<16x640xf32, #tpu.memory_space<vmem>>, vector<16xf32>,
        %add3A_164 = arith.addf %add3A_159, %get3A_163 : vector<16xf32>
        %get3A_165 = arith.constant 5 : i32
        %get3A_166 = arith.index_cast %get3A_165 : i32 to index
        %get3A_167 = arith.index_cast %mul3A_141 : i32 to index
        %get3A_168 = tpu.vector_load %arg12[%get3A_166, %get3A_167] {strides = array<i32>} : memref<16x640xf32, #tpu.memory_space<vmem>>, vector<16xf32>,
        %add3A_169 = arith.addf %add3A_164, %get3A_168 : vector<16xf32>
        %get3A_170 = arith.constant 6 : i32
        %get3A_171 = arith.index_cast %get3A_170 : i32 to index
        %get3A_172 = arith.index_cast %mul3A_141 : i32 to index
        %get3A_173 = tpu.vector_load %arg12[%get3A_171, %get3A_172] {strides = array<i32>} : memref<16x640xf32, #tpu.memory_space<vmem>>, vector<16xf32>,
        %add3A_174 = arith.addf %add3A_169, %get3A_173 : vector<16xf32>
        %get3A_175 = arith.constant 7 : i32
        %get3A_176 = arith.index_cast %get3A_175 : i32 to index
        %get3A_177 = arith.index_cast %mul3A_141 : i32 to index
        %get3A_178 = tpu.vector_load %arg12[%get3A_176, %get3A_177] {strides = array<i32>} : memref<16x640xf32, #tpu.memory_space<vmem>>, vector<16xf32>,
        %add3A_179 = arith.addf %add3A_174, %get3A_178 : vector<16xf32>
        %get3A_180 = arith.constant 8 : i32
        %get3A_181 = arith.index_cast %get3A_180 : i32 to index
        %get3A_182 = arith.index_cast %mul3A_141 : i32 to index
        %get3A_183 = tpu.vector_load %arg12[%get3A_181, %get3A_182] {strides = array<i32>} : memref<16x640xf32, #tpu.memory_space<vmem>>, vector<16xf32>,
        %add3A_184 = arith.addf %add3A_179, %get3A_183 : vector<16xf32>
        %get3A_185 = arith.constant 9 : i32
        %get3A_186 = arith.index_cast %get3A_185 : i32 to index
        %get3A_187 = arith.index_cast %mul3A_141 : i32 to index
        %get3A_188 = tpu.vector_load %arg12[%get3A_186, %get3A_187] {strides = array<i32>} : memref<16x640xf32, #tpu.memory_space<vmem>>, vector<16xf32>,
        %add3A_189 = arith.addf %add3A_184, %get3A_188 : vector<16xf32>
        %get3A_190 = arith.constant 10 : i32
        %get3A_191 = arith.index_cast %get3A_190 : i32 to index
        %get3A_192 = arith.index_cast %mul3A_141 : i32 to index
        %get3A_193 = tpu.vector_load %arg12[%get3A_191, %get3A_192] {strides = array<i32>} : memref<16x640xf32, #tpu.memory_space<vmem>>, vector<16xf32>,
        %add3A_194 = arith.addf %add3A_189, %get3A_193 : vector<16xf32>
        %get3A_195 = arith.constant 11 : i32
        %get3A_196 = arith.index_cast %get3A_195 : i32 to index
        %get3A_197 = arith.index_cast %mul3A_141 : i32 to index
        %get3A_198 = tpu.vector_load %arg12[%get3A_196, %get3A_197] {strides = array<i32>} : memref<16x640xf32, #tpu.memory_space<vmem>>, vector<16xf32>,
        %add3A_199 = arith.addf %add3A_194, %get3A_198 : vector<16xf32>
        %get3A_200 = arith.constant 12 : i32
        %get3A_201 = arith.index_cast %get3A_200 : i32 to index
        %get3A_202 = arith.index_cast %mul3A_141 : i32 to index
        %get3A_203 = tpu.vector_load %arg12[%get3A_201, %get3A_202] {strides = array<i32>} : memref<16x640xf32, #tpu.memory_space<vmem>>, vector<16xf32>,
        %add3A_204 = arith.addf %add3A_199, %get3A_203 : vector<16xf32>
        %get3A_205 = arith.constant 13 : i32
        %get3A_206 = arith.index_cast %get3A_205 : i32 to index
        %get3A_207 = arith.index_cast %mul3A_141 : i32 to index
        %get3A_208 = tpu.vector_load %arg12[%get3A_206, %get3A_207] {strides = array<i32>} : memref<16x640xf32, #tpu.memory_space<vmem>>, vector<16xf32>,
        %add3A_209 = arith.addf %add3A_204, %get3A_208 : vector<16xf32>
        %get3A_210 = arith.constant 14 : i32
        %get3A_211 = arith.index_cast %get3A_210 : i32 to index
        %get3A_212 = arith.index_cast %mul3A_141 : i32 to index
        %get3A_213 = tpu.vector_load %arg12[%get3A_211, %get3A_212] {strides = array<i32>} : memref<16x640xf32, #tpu.memory_space<vmem>>, vector<16xf32>,
        %add3A_214 = arith.addf %add3A_209, %get3A_213 : vector<16xf32>
        %get3A_215 = arith.constant 15 : i32
        %get3A_216 = arith.index_cast %get3A_215 : i32 to index
        %get3A_217 = arith.index_cast %mul3A_141 : i32 to index
        %get3A_218 = tpu.vector_load %arg12[%get3A_216, %get3A_217] {strides = array<i32>} : memref<16x640xf32, #tpu.memory_space<vmem>>, vector<16xf32>,
        %add3A_219 = arith.addf %add3A_214, %get3A_218 : vector<16xf32>
        %swap3A = arith.index_cast %mul3A_141 : i32 to index
        %swap3A_220 = tpu.vector_load %arg11[%swap3A] {strides = array<i32>} : memref<640xf32, #tpu.memory_space<vmem>>, vector<16xf32>,
        tpu.vector_store %arg11[%swap3A], %add3A_219 {strides = array<i32>} : memref<640xf32, #tpu.memory_space<vmem>>, vector<16xf32>,
      }
      %scan3A_78 = arith.constant 40 : i32
      "tpu.region"() ({
        %run_scoped3A = tpu.sem_alloc : memref<!tpu.dma_semaphore, #tpu.memory_space<semaphore_mem>>
        %dma_start3A_139 = tpu.memref_slice %arg14[%mul3A_47] : memref<10240xf32, #tpu.memory_space<vmem_shared>> -> memref<640xf32, #tpu.memory_space<vmem_shared>>
        %dma_start3A_140 = tpu.memref_slice %arg14[%mul3A_47] : memref<10240xf32, #tpu.memory_space<vmem_shared>> -> memref<640xf32, #tpu.memory_space<vmem_shared>>
        tpu.enqueue_dma source(%arg11 : memref<640xf32, #tpu.memory_space<vmem>>) target(%dma_start3A_140 : memref<640xf32, #tpu.memory_space<vmem_shared>>) target_semaphore(%run_scoped3A : memref<!tpu.dma_semaphore, #tpu.memory_space<semaphore_mem>>)
        %dma_wait3A_141 = tpu.memref_slice %arg14[%mul3A_47] : memref<10240xf32, #tpu.memory_space<vmem_shared>> -> memref<640xf32, #tpu.memory_space<vmem_shared>>
        %dma_wait3A_142 = tpu.memref_slice %arg14[%mul3A_47] : memref<10240xf32, #tpu.memory_space<vmem_shared>> -> memref<640xf32, #tpu.memory_space<vmem_shared>>
        tpu.wait_dma2 semaphore(%run_scoped3A : memref<!tpu.dma_semaphore, #tpu.memory_space<semaphore_mem>>) src(%arg11 : memref<640xf32, #tpu.memory_space<vmem>>) dst(%dma_wait3A_142 : memref<640xf32, #tpu.memory_space<vmem_shared>>)
        tpu.yield
      }) : () -> ()
      %barrier3A_79 = arith.constant 0 : index
      tpu.barrier barrier_id(%barrier3A_79)
      "tpu.region"() ({
        %run_scoped3A = tpu.sem_alloc : memref<!tpu.dma_semaphore, #tpu.memory_space<semaphore_mem>>
        tpu.enqueue_dma source(%arg14 : memref<10240xf32, #tpu.memory_space<vmem_shared>>) target(%arg9 : memref<10240xf32, #tpu.memory_space<vmem>>) target_semaphore(%run_scoped3A : memref<!tpu.dma_semaphore, #tpu.memory_space<semaphore_mem>>)
        tpu.wait_dma2 semaphore(%run_scoped3A : memref<!tpu.dma_semaphore, #tpu.memory_space<semaphore_mem>>) src(%arg14 : memref<10240xf32, #tpu.memory_space<vmem_shared>>) dst(%arg9 : memref<10240xf32, #tpu.memory_space<vmem>>)
        tpu.yield
      }) : () -> ()
      %while3A_80 = arith.constant 0 : i32
      %while3A_81 = arith.constant 0 : i32
      %while3A_82 = arith.subi %select_n3A_30, %while3A_81 : i32
      %while3A_83 = arith.addi %while3A_81, %while3A_82 : i32
      %while3A_84 = arith.constant 1 : i32
      %while3A_85 = arith.divsi %while3A_82, %while3A_84 : i32
      %while3A_86 = arith.muli %while3A_85, %while3A_84 : i32
      %while3A_87 = arith.addi %while3A_81, %while3A_86 : i32
      %while3A_88 = arith.constant 1 : i32
      scf.for %while3A_139 = %while3A_81 to %while3A_87 step %while3A_88  : i32 {
        %mul3A_140 = arith.constant 128 : i32
        %mul3A_141 = arith.muli %while3A_139, %mul3A_140 : i32
        %add3A_142 = arith.constant 0 : i32
        %add3A_143 = arith.addi %mul3A_141, %add3A_142 : i32
        %add3A_144 = arith.constant 16 : i32
        %add3A_145 = arith.addi %mul3A_141, %add3A_144 : i32
        %add3A_146 = arith.constant 32 : i32
        %add3A_147 = arith.addi %mul3A_141, %add3A_146 : i32
        %add3A_148 = arith.constant 48 : i32
        %add3A_149 = arith.addi %mul3A_141, %add3A_148 : i32
        %add3A_150 = arith.constant 64 : i32
        %add3A_151 = arith.addi %mul3A_141, %add3A_150 : i32
        %add3A_152 = arith.constant 80 : i32
        %add3A_153 = arith.addi %mul3A_141, %add3A_152 : i32
        %add3A_154 = arith.constant 96 : i32
        %add3A_155 = arith.addi %mul3A_141, %add3A_154 : i32
        %add3A_156 = arith.constant 112 : i32
        %add3A_157 = arith.addi %mul3A_141, %add3A_156 : i32
        %get3A = arith.constant 1 : i32
        %get3A_158 = arith.index_cast %get3A : i32 to index
        %get3A_159 = arith.index_cast %add3A_143 : i32 to index
        %get3A_160 = tpu.vector_load %arg8[%get3A_158, %get3A_159] {strides = array<i32>} : memref<2x20096xi32, #tpu.memory_space<vmem>>, vector<16xi32>,
        %get3A_161 = arith.constant 1 : i32
        %get3A_162 = arith.index_cast %get3A_161 : i32 to index
        %get3A_163 = arith.index_cast %add3A_145 : i32 to index
        %get3A_164 = tpu.vector_load %arg8[%get3A_162, %get3A_163] {strides = array<i32>} : memref<2x20096xi32, #tpu.memory_space<vmem>>, vector<16xi32>,
        %get3A_165 = arith.constant 1 : i32
        %get3A_166 = arith.index_cast %get3A_165 : i32 to index
        %get3A_167 = arith.index_cast %add3A_147 : i32 to index
        %get3A_168 = tpu.vector_load %arg8[%get3A_166, %get3A_167] {strides = array<i32>} : memref<2x20096xi32, #tpu.memory_space<vmem>>, vector<16xi32>,
        %get3A_169 = arith.constant 1 : i32
        %get3A_170 = arith.index_cast %get3A_169 : i32 to index
        %get3A_171 = arith.index_cast %add3A_149 : i32 to index
        %get3A_172 = tpu.vector_load %arg8[%get3A_170, %get3A_171] {strides = array<i32>} : memref<2x20096xi32, #tpu.memory_space<vmem>>, vector<16xi32>,
        %get3A_173 = arith.constant 1 : i32
        %get3A_174 = arith.index_cast %get3A_173 : i32 to index
        %get3A_175 = arith.index_cast %add3A_151 : i32 to index
        %get3A_176 = tpu.vector_load %arg8[%get3A_174, %get3A_175] {strides = array<i32>} : memref<2x20096xi32, #tpu.memory_space<vmem>>, vector<16xi32>,
        %get3A_177 = arith.constant 1 : i32
        %get3A_178 = arith.index_cast %get3A_177 : i32 to index
        %get3A_179 = arith.index_cast %add3A_153 : i32 to index
        %get3A_180 = tpu.vector_load %arg8[%get3A_178, %get3A_179] {strides = array<i32>} : memref<2x20096xi32, #tpu.memory_space<vmem>>, vector<16xi32>,
        %get3A_181 = arith.constant 1 : i32
        %get3A_182 = arith.index_cast %get3A_181 : i32 to index
        %get3A_183 = arith.index_cast %add3A_155 : i32 to index
        %get3A_184 = tpu.vector_load %arg8[%get3A_182, %get3A_183] {strides = array<i32>} : memref<2x20096xi32, #tpu.memory_space<vmem>>, vector<16xi32>,
        %get3A_185 = arith.constant 1 : i32
        %get3A_186 = arith.index_cast %get3A_185 : i32 to index
        %get3A_187 = arith.index_cast %add3A_157 : i32 to index
        %get3A_188 = tpu.vector_load %arg8[%get3A_186, %get3A_187] {strides = array<i32>} : memref<2x20096xi32, #tpu.memory_space<vmem>>, vector<16xi32>,
        %get3A_189 = arith.constant 0 : i32
        %get3A_190 = arith.index_cast %get3A_189 : i32 to index
        %get3A_191 = arith.index_cast %add3A_143 : i32 to index
        %get3A_192 = tpu.vector_load %arg8[%get3A_190, %get3A_191] {strides = array<i32>} : memref<2x20096xi32, #tpu.memory_space<vmem>>, vector<16xi32>,
        %get3A_193 = arith.constant 0 : i32
        %get3A_194 = arith.index_cast %get3A_193 : i32 to index
        %get3A_195 = arith.index_cast %add3A_145 : i32 to index
        %get3A_196 = tpu.vector_load %arg8[%get3A_194, %get3A_195] {strides = array<i32>} : memref<2x20096xi32, #tpu.memory_space<vmem>>, vector<16xi32>,
        %get3A_197 = arith.constant 0 : i32
        %get3A_198 = arith.index_cast %get3A_197 : i32 to index
        %get3A_199 = arith.index_cast %add3A_147 : i32 to index
        %get3A_200 = tpu.vector_load %arg8[%get3A_198, %get3A_199] {strides = array<i32>} : memref<2x20096xi32, #tpu.memory_space<vmem>>, vector<16xi32>,
        %get3A_201 = arith.constant 0 : i32
        %get3A_202 = arith.index_cast %get3A_201 : i32 to index
        %get3A_203 = arith.index_cast %add3A_149 : i32 to index
        %get3A_204 = tpu.vector_load %arg8[%get3A_202, %get3A_203] {strides = array<i32>} : memref<2x20096xi32, #tpu.memory_space<vmem>>, vector<16xi32>,
        %get3A_205 = arith.constant 0 : i32
        %get3A_206 = arith.index_cast %get3A_205 : i32 to index
        %get3A_207 = arith.index_cast %add3A_151 : i32 to index
        %get3A_208 = tpu.vector_load %arg8[%get3A_206, %get3A_207] {strides = array<i32>} : memref<2x20096xi32, #tpu.memory_space<vmem>>, vector<16xi32>,
        %get3A_209 = arith.constant 0 : i32
        %get3A_210 = arith.index_cast %get3A_209 : i32 to index
        %get3A_211 = arith.index_cast %add3A_153 : i32 to index
        %get3A_212 = tpu.vector_load %arg8[%get3A_210, %get3A_211] {strides = array<i32>} : memref<2x20096xi32, #tpu.memory_space<vmem>>, vector<16xi32>,
        %get3A_213 = arith.constant 0 : i32
        %get3A_214 = arith.index_cast %get3A_213 : i32 to index
        %get3A_215 = arith.index_cast %add3A_155 : i32 to index
        %get3A_216 = tpu.vector_load %arg8[%get3A_214, %get3A_215] {strides = array<i32>} : memref<2x20096xi32, #tpu.memory_space<vmem>>, vector<16xi32>,
        %get3A_217 = arith.constant 0 : i32
        %get3A_218 = arith.index_cast %get3A_217 : i32 to index
        %get3A_219 = arith.index_cast %add3A_157 : i32 to index
        %get3A_220 = tpu.vector_load %arg8[%get3A_218, %get3A_219] {strides = array<i32>} : memref<2x20096xi32, #tpu.memory_space<vmem>>, vector<16xi32>,
        %gather3A = tpu.vector_load_idx %arg9[%get3A_160] : memref<10240xf32, #tpu.memory_space<vmem>>[vector<16xi32>], vector<16xf32>,
        %gather3A_221 = tpu.vector_load_idx %arg9[%get3A_164] : memref<10240xf32, #tpu.memory_space<vmem>>[vector<16xi32>], vector<16xf32>,
        %gather3A_222 = tpu.vector_load_idx %arg9[%get3A_168] : memref<10240xf32, #tpu.memory_space<vmem>>[vector<16xi32>], vector<16xf32>,
        %gather3A_223 = tpu.vector_load_idx %arg9[%get3A_172] : memref<10240xf32, #tpu.memory_space<vmem>>[vector<16xi32>], vector<16xf32>,
        %gather3A_224 = tpu.vector_load_idx %arg9[%get3A_176] : memref<10240xf32, #tpu.memory_space<vmem>>[vector<16xi32>], vector<16xf32>,
        %gather3A_225 = tpu.vector_load_idx %arg9[%get3A_180] : memref<10240xf32, #tpu.memory_space<vmem>>[vector<16xi32>], vector<16xf32>,
        %gather3A_226 = tpu.vector_load_idx %arg9[%get3A_184] : memref<10240xf32, #tpu.memory_space<vmem>>[vector<16xi32>], vector<16xf32>,
        %gather3A_227 = tpu.vector_load_idx %arg9[%get3A_188] : memref<10240xf32, #tpu.memory_space<vmem>>[vector<16xi32>], vector<16xf32>,
        tpu.vector_store_idx %arg10[%get3A_192], %gather3A {add = true} : memref<10240xf32, #tpu.memory_space<vmem>>[vector<16xi32>], vector<16xf32>,
        tpu.vector_store_idx %arg10[%get3A_196], %gather3A_221 {add = true} : memref<10240xf32, #tpu.memory_space<vmem>>[vector<16xi32>], vector<16xf32>,
        tpu.vector_store_idx %arg10[%get3A_200], %gather3A_222 {add = true} : memref<10240xf32, #tpu.memory_space<vmem>>[vector<16xi32>], vector<16xf32>,
        tpu.vector_store_idx %arg10[%get3A_204], %gather3A_223 {add = true} : memref<10240xf32, #tpu.memory_space<vmem>>[vector<16xi32>], vector<16xf32>,
        tpu.vector_store_idx %arg10[%get3A_208], %gather3A_224 {add = true} : memref<10240xf32, #tpu.memory_space<vmem>>[vector<16xi32>], vector<16xf32>,
        tpu.vector_store_idx %arg10[%get3A_212], %gather3A_225 {add = true} : memref<10240xf32, #tpu.memory_space<vmem>>[vector<16xi32>], vector<16xf32>,
        tpu.vector_store_idx %arg10[%get3A_216], %gather3A_226 {add = true} : memref<10240xf32, #tpu.memory_space<vmem>>[vector<16xi32>], vector<16xf32>,
        tpu.vector_store_idx %arg10[%get3A_220], %gather3A_227 {add = true} : memref<10240xf32, #tpu.memory_space<vmem>>[vector<16xi32>], vector<16xf32>,
      }
      %while3A_89 = arith.constant 1 : i32
      scf.for %while3A_139 = %while3A_87 to %while3A_83 step %while3A_89  : i32 {
        %mul3A_140 = arith.constant 128 : i32
        %mul3A_141 = arith.muli %while3A_139, %mul3A_140 : i32
        %add3A_142 = arith.constant 0 : i32
        %add3A_143 = arith.addi %mul3A_141, %add3A_142 : i32
        %add3A_144 = arith.constant 16 : i32
        %add3A_145 = arith.addi %mul3A_141, %add3A_144 : i32
        %add3A_146 = arith.constant 32 : i32
        %add3A_147 = arith.addi %mul3A_141, %add3A_146 : i32
        %add3A_148 = arith.constant 48 : i32
        %add3A_149 = arith.addi %mul3A_141, %add3A_148 : i32
        %add3A_150 = arith.constant 64 : i32
        %add3A_151 = arith.addi %mul3A_141, %add3A_150 : i32
        %add3A_152 = arith.constant 80 : i32
        %add3A_153 = arith.addi %mul3A_141, %add3A_152 : i32
        %add3A_154 = arith.constant 96 : i32
        %add3A_155 = arith.addi %mul3A_141, %add3A_154 : i32
        %add3A_156 = arith.constant 112 : i32
        %add3A_157 = arith.addi %mul3A_141, %add3A_156 : i32
        %get3A = arith.constant 1 : i32
        %get3A_158 = arith.index_cast %get3A : i32 to index
        %get3A_159 = arith.index_cast %add3A_143 : i32 to index
        %get3A_160 = tpu.vector_load %arg8[%get3A_158, %get3A_159] {strides = array<i32>} : memref<2x20096xi32, #tpu.memory_space<vmem>>, vector<16xi32>,
        %get3A_161 = arith.constant 1 : i32
        %get3A_162 = arith.index_cast %get3A_161 : i32 to index
        %get3A_163 = arith.index_cast %add3A_145 : i32 to index
        %get3A_164 = tpu.vector_load %arg8[%get3A_162, %get3A_163] {strides = array<i32>} : memref<2x20096xi32, #tpu.memory_space<vmem>>, vector<16xi32>,
        %get3A_165 = arith.constant 1 : i32
        %get3A_166 = arith.index_cast %get3A_165 : i32 to index
        %get3A_167 = arith.index_cast %add3A_147 : i32 to index
        %get3A_168 = tpu.vector_load %arg8[%get3A_166, %get3A_167] {strides = array<i32>} : memref<2x20096xi32, #tpu.memory_space<vmem>>, vector<16xi32>,
        %get3A_169 = arith.constant 1 : i32
        %get3A_170 = arith.index_cast %get3A_169 : i32 to index
        %get3A_171 = arith.index_cast %add3A_149 : i32 to index
        %get3A_172 = tpu.vector_load %arg8[%get3A_170, %get3A_171] {strides = array<i32>} : memref<2x20096xi32, #tpu.memory_space<vmem>>, vector<16xi32>,
        %get3A_173 = arith.constant 1 : i32
        %get3A_174 = arith.index_cast %get3A_173 : i32 to index
        %get3A_175 = arith.index_cast %add3A_151 : i32 to index
        %get3A_176 = tpu.vector_load %arg8[%get3A_174, %get3A_175] {strides = array<i32>} : memref<2x20096xi32, #tpu.memory_space<vmem>>, vector<16xi32>,
        %get3A_177 = arith.constant 1 : i32
        %get3A_178 = arith.index_cast %get3A_177 : i32 to index
        %get3A_179 = arith.index_cast %add3A_153 : i32 to index
        %get3A_180 = tpu.vector_load %arg8[%get3A_178, %get3A_179] {strides = array<i32>} : memref<2x20096xi32, #tpu.memory_space<vmem>>, vector<16xi32>,
        %get3A_181 = arith.constant 1 : i32
        %get3A_182 = arith.index_cast %get3A_181 : i32 to index
        %get3A_183 = arith.index_cast %add3A_155 : i32 to index
        %get3A_184 = tpu.vector_load %arg8[%get3A_182, %get3A_183] {strides = array<i32>} : memref<2x20096xi32, #tpu.memory_space<vmem>>, vector<16xi32>,
        %get3A_185 = arith.constant 1 : i32
        %get3A_186 = arith.index_cast %get3A_185 : i32 to index
        %get3A_187 = arith.index_cast %add3A_157 : i32 to index
        %get3A_188 = tpu.vector_load %arg8[%get3A_186, %get3A_187] {strides = array<i32>} : memref<2x20096xi32, #tpu.memory_space<vmem>>, vector<16xi32>,
        %get3A_189 = arith.constant 0 : i32
        %get3A_190 = arith.index_cast %get3A_189 : i32 to index
        %get3A_191 = arith.index_cast %add3A_143 : i32 to index
        %get3A_192 = tpu.vector_load %arg8[%get3A_190, %get3A_191] {strides = array<i32>} : memref<2x20096xi32, #tpu.memory_space<vmem>>, vector<16xi32>,
        %get3A_193 = arith.constant 0 : i32
        %get3A_194 = arith.index_cast %get3A_193 : i32 to index
        %get3A_195 = arith.index_cast %add3A_145 : i32 to index
        %get3A_196 = tpu.vector_load %arg8[%get3A_194, %get3A_195] {strides = array<i32>} : memref<2x20096xi32, #tpu.memory_space<vmem>>, vector<16xi32>,
        %get3A_197 = arith.constant 0 : i32
        %get3A_198 = arith.index_cast %get3A_197 : i32 to index
        %get3A_199 = arith.index_cast %add3A_147 : i32 to index
        %get3A_200 = tpu.vector_load %arg8[%get3A_198, %get3A_199] {strides = array<i32>} : memref<2x20096xi32, #tpu.memory_space<vmem>>, vector<16xi32>,
        %get3A_201 = arith.constant 0 : i32
        %get3A_202 = arith.index_cast %get3A_201 : i32 to index
        %get3A_203 = arith.index_cast %add3A_149 : i32 to index
        %get3A_204 = tpu.vector_load %arg8[%get3A_202, %get3A_203] {strides = array<i32>} : memref<2x20096xi32, #tpu.memory_space<vmem>>, vector<16xi32>,
        %get3A_205 = arith.constant 0 : i32
        %get3A_206 = arith.index_cast %get3A_205 : i32 to index
        %get3A_207 = arith.index_cast %add3A_151 : i32 to index
        %get3A_208 = tpu.vector_load %arg8[%get3A_206, %get3A_207] {strides = array<i32>} : memref<2x20096xi32, #tpu.memory_space<vmem>>, vector<16xi32>,
        %get3A_209 = arith.constant 0 : i32
        %get3A_210 = arith.index_cast %get3A_209 : i32 to index
        %get3A_211 = arith.index_cast %add3A_153 : i32 to index
        %get3A_212 = tpu.vector_load %arg8[%get3A_210, %get3A_211] {strides = array<i32>} : memref<2x20096xi32, #tpu.memory_space<vmem>>, vector<16xi32>,
        %get3A_213 = arith.constant 0 : i32
        %get3A_214 = arith.index_cast %get3A_213 : i32 to index
        %get3A_215 = arith.index_cast %add3A_155 : i32 to index
        %get3A_216 = tpu.vector_load %arg8[%get3A_214, %get3A_215] {strides = array<i32>} : memref<2x20096xi32, #tpu.memory_space<vmem>>, vector<16xi32>,
        %get3A_217 = arith.constant 0 : i32
        %get3A_218 = arith.index_cast %get3A_217 : i32 to index
        %get3A_219 = arith.index_cast %add3A_157 : i32 to index
        %get3A_220 = tpu.vector_load %arg8[%get3A_218, %get3A_219] {strides = array<i32>} : memref<2x20096xi32, #tpu.memory_space<vmem>>, vector<16xi32>,
        %gather3A = tpu.vector_load_idx %arg9[%get3A_160] : memref<10240xf32, #tpu.memory_space<vmem>>[vector<16xi32>], vector<16xf32>,
        %gather3A_221 = tpu.vector_load_idx %arg9[%get3A_164] : memref<10240xf32, #tpu.memory_space<vmem>>[vector<16xi32>], vector<16xf32>,
        %gather3A_222 = tpu.vector_load_idx %arg9[%get3A_168] : memref<10240xf32, #tpu.memory_space<vmem>>[vector<16xi32>], vector<16xf32>,
        %gather3A_223 = tpu.vector_load_idx %arg9[%get3A_172] : memref<10240xf32, #tpu.memory_space<vmem>>[vector<16xi32>], vector<16xf32>,
        %gather3A_224 = tpu.vector_load_idx %arg9[%get3A_176] : memref<10240xf32, #tpu.memory_space<vmem>>[vector<16xi32>], vector<16xf32>,
        %gather3A_225 = tpu.vector_load_idx %arg9[%get3A_180] : memref<10240xf32, #tpu.memory_space<vmem>>[vector<16xi32>], vector<16xf32>,
        %gather3A_226 = tpu.vector_load_idx %arg9[%get3A_184] : memref<10240xf32, #tpu.memory_space<vmem>>[vector<16xi32>], vector<16xf32>,
        %gather3A_227 = tpu.vector_load_idx %arg9[%get3A_188] : memref<10240xf32, #tpu.memory_space<vmem>>[vector<16xi32>], vector<16xf32>,
        tpu.vector_store_idx %arg10[%get3A_192], %gather3A {add = true} : memref<10240xf32, #tpu.memory_space<vmem>>[vector<16xi32>], vector<16xf32>,
        tpu.vector_store_idx %arg10[%get3A_196], %gather3A_221 {add = true} : memref<10240xf32, #tpu.memory_space<vmem>>[vector<16xi32>], vector<16xf32>,
        tpu.vector_store_idx %arg10[%get3A_200], %gather3A_222 {add = true} : memref<10240xf32, #tpu.memory_space<vmem>>[vector<16xi32>], vector<16xf32>,
        tpu.vector_store_idx %arg10[%get3A_204], %gather3A_223 {add = true} : memref<10240xf32, #tpu.memory_space<vmem>>[vector<16xi32>], vector<16xf32>,
        tpu.vector_store_idx %arg10[%get3A_208], %gather3A_224 {add = true} : memref<10240xf32, #tpu.memory_space<vmem>>[vector<16xi32>], vector<16xf32>,
        tpu.vector_store_idx %arg10[%get3A_212], %gather3A_225 {add = true} : memref<10240xf32, #tpu.memory_space<vmem>>[vector<16xi32>], vector<16xf32>,
        tpu.vector_store_idx %arg10[%get3A_216], %gather3A_226 {add = true} : memref<10240xf32, #tpu.memory_space<vmem>>[vector<16xi32>], vector<16xf32>,
        tpu.vector_store_idx %arg10[%get3A_220], %gather3A_227 {add = true} : memref<10240xf32, #tpu.memory_space<vmem>>[vector<16xi32>], vector<16xf32>,
      }
      "tpu.region"() ({
        %run_scoped3A = tpu.sem_alloc : memref<!tpu.dma_semaphore, #tpu.memory_space<semaphore_mem>>
        %dma_start3A_139 = arith.constant 0 : i32
        %dma_start3A_140 = tpu.memref_slice %arg13[%arg1, %dma_start3A_139] : memref<16x10240xf32, #tpu.memory_space<vmem_shared>> -> memref<1x10240xf32, #tpu.memory_space<vmem_shared>>
        %dma_start3A_141 = tpu.memref_squeeze %dma_start3A_140 : memref<1x10240xf32, #tpu.memory_space<vmem_shared>> -> memref<10240xf32, #tpu.memory_space<vmem_shared>>
        %dma_start3A_142 = arith.constant 0 : i32
        %dma_start3A_143 = tpu.memref_slice %arg13[%arg1, %dma_start3A_142] : memref<16x10240xf32, #tpu.memory_space<vmem_shared>> -> memref<1x10240xf32, #tpu.memory_space<vmem_shared>>
        %dma_start3A_144 = tpu.memref_squeeze %dma_start3A_143 : memref<1x10240xf32, #tpu.memory_space<vmem_shared>> -> memref<10240xf32, #tpu.memory_space<vmem_shared>>
        tpu.enqueue_dma source(%arg10 : memref<10240xf32, #tpu.memory_space<vmem>>) target(%dma_start3A_144 : memref<10240xf32, #tpu.memory_space<vmem_shared>>) target_semaphore(%run_scoped3A : memref<!tpu.dma_semaphore, #tpu.memory_space<semaphore_mem>>)
        %dma_wait3A_145 = arith.constant 0 : i32
        %dma_wait3A_146 = tpu.memref_slice %arg13[%arg1, %dma_wait3A_145] : memref<16x10240xf32, #tpu.memory_space<vmem_shared>> -> memref<1x10240xf32, #tpu.memory_space<vmem_shared>>
        %dma_wait3A_147 = tpu.memref_squeeze %dma_wait3A_146 : memref<1x10240xf32, #tpu.memory_space<vmem_shared>> -> memref<10240xf32, #tpu.memory_space<vmem_shared>>
        %dma_wait3A_148 = arith.constant 0 : i32
        %dma_wait3A_149 = tpu.memref_slice %arg13[%arg1, %dma_wait3A_148] : memref<16x10240xf32, #tpu.memory_space<vmem_shared>> -> memref<1x10240xf32, #tpu.memory_space<vmem_shared>>
        %dma_wait3A_150 = tpu.memref_squeeze %dma_wait3A_149 : memref<1x10240xf32, #tpu.memory_space<vmem_shared>> -> memref<10240xf32, #tpu.memory_space<vmem_shared>>
        tpu.wait_dma2 semaphore(%run_scoped3A : memref<!tpu.dma_semaphore, #tpu.memory_space<semaphore_mem>>) src(%arg10 : memref<10240xf32, #tpu.memory_space<vmem>>) dst(%dma_wait3A_150 : memref<10240xf32, #tpu.memory_space<vmem_shared>>)
        tpu.yield
      }) : () -> ()
      %barrier3A_90 = arith.constant 0 : index
      tpu.barrier barrier_id(%barrier3A_90)
      %dma_start3A_91 = arith.constant 0 : i32
      %dma_start3A_92 = tpu.memref_slice %arg13[%dma_start3A_91, %mul3A_47] : memref<16x10240xf32, #tpu.memory_space<vmem_shared>> -> memref<16x640xf32, #tpu.memory_space<vmem_shared>>
      %dma_start3A_93 = arith.constant 0 : i32
      %dma_start3A_94 = tpu.memref_slice %arg13[%dma_start3A_93, %mul3A_47] : memref<16x10240xf32, #tpu.memory_space<vmem_shared>> -> memref<16x640xf32, #tpu.memory_space<vmem_shared>>
      tpu.enqueue_dma source(%dma_start3A_94 : memref<16x640xf32, #tpu.memory_space<vmem_shared>>) target(%arg12 : memref<16x640xf32, #tpu.memory_space<vmem>>) target_semaphore(%arg15 : memref<!tpu.dma_semaphore, #tpu.memory_space<semaphore_mem>>)
      %broadcast_in_dim3A_95 = arith.constant 0.000000e+00 : f32
      %broadcast_in_dim3A_96 = vector.broadcast %broadcast_in_dim3A_95 : f32 to vector<16xf32>
      %scan3A_97 = arith.constant 0 : i32
      %scan3A_98 = arith.constant 0 : i32
      %scan3A_99 = arith.constant 80 : i32
      %scan3A_100 = arith.addi %scan3A_98, %scan3A_99 : i32
      %scan3A_101 = arith.constant 1 : i32
      scf.for %scan3A_139 = %scan3A_98 to %scan3A_100 step %scan3A_101  : i32 {
        %mul3A_140 = arith.constant 8 : i32
        %mul3A_141 = arith.muli %scan3A_139, %mul3A_140 : i32
        %add3A_142 = arith.constant 0 : i32
        %add3A_143 = arith.addi %mul3A_141, %add3A_142 : i32
        %mul3A_144 = arith.constant 16 : i32
        %mul3A_145 = arith.muli %add3A_143, %mul3A_144 : i32
        %swap3A = arith.index_cast %mul3A_145 : i32 to index
        %swap3A_146 = tpu.vector_load %arg10[%swap3A] {strides = array<i32>} : memref<10240xf32, #tpu.memory_space<vmem>>, vector<16xf32>,
        tpu.vector_store %arg10[%swap3A], %broadcast_in_dim3A_96 {strides = array<i32>} : memref<10240xf32, #tpu.memory_space<vmem>>, vector<16xf32>,
        %mul3A_147 = arith.constant 8 : i32
        %mul3A_148 = arith.muli %scan3A_139, %mul3A_147 : i32
        %add3A_149 = arith.constant 1 : i32
        %add3A_150 = arith.addi %mul3A_148, %add3A_149 : i32
        %mul3A_151 = arith.constant 16 : i32
        %mul3A_152 = arith.muli %add3A_150, %mul3A_151 : i32
        %swap3A_153 = arith.index_cast %mul3A_152 : i32 to index
        %swap3A_154 = tpu.vector_load %arg10[%swap3A_153] {strides = array<i32>} : memref<10240xf32, #tpu.memory_space<vmem>>, vector<16xf32>,
        tpu.vector_store %arg10[%swap3A_153], %broadcast_in_dim3A_96 {strides = array<i32>} : memref<10240xf32, #tpu.memory_space<vmem>>, vector<16xf32>,
        %mul3A_155 = arith.constant 8 : i32
        %mul3A_156 = arith.muli %scan3A_139, %mul3A_155 : i32
        %add3A_157 = arith.constant 2 : i32
        %add3A_158 = arith.addi %mul3A_156, %add3A_157 : i32
        %mul3A_159 = arith.constant 16 : i32
        %mul3A_160 = arith.muli %add3A_158, %mul3A_159 : i32
        %swap3A_161 = arith.index_cast %mul3A_160 : i32 to index
        %swap3A_162 = tpu.vector_load %arg10[%swap3A_161] {strides = array<i32>} : memref<10240xf32, #tpu.memory_space<vmem>>, vector<16xf32>,
        tpu.vector_store %arg10[%swap3A_161], %broadcast_in_dim3A_96 {strides = array<i32>} : memref<10240xf32, #tpu.memory_space<vmem>>, vector<16xf32>,
        %mul3A_163 = arith.constant 8 : i32
        %mul3A_164 = arith.muli %scan3A_139, %mul3A_163 : i32
        %add3A_165 = arith.constant 3 : i32
        %add3A_166 = arith.addi %mul3A_164, %add3A_165 : i32
        %mul3A_167 = arith.constant 16 : i32
        %mul3A_168 = arith.muli %add3A_166, %mul3A_167 : i32
        %swap3A_169 = arith.index_cast %mul3A_168 : i32 to index
        %swap3A_170 = tpu.vector_load %arg10[%swap3A_169] {strides = array<i32>} : memref<10240xf32, #tpu.memory_space<vmem>>, vector<16xf32>,
        tpu.vector_store %arg10[%swap3A_169], %broadcast_in_dim3A_96 {strides = array<i32>} : memref<10240xf32, #tpu.memory_space<vmem>>, vector<16xf32>,
        %mul3A_171 = arith.constant 8 : i32
        %mul3A_172 = arith.muli %scan3A_139, %mul3A_171 : i32
        %add3A_173 = arith.constant 4 : i32
        %add3A_174 = arith.addi %mul3A_172, %add3A_173 : i32
        %mul3A_175 = arith.constant 16 : i32
        %mul3A_176 = arith.muli %add3A_174, %mul3A_175 : i32
        %swap3A_177 = arith.index_cast %mul3A_176 : i32 to index
        %swap3A_178 = tpu.vector_load %arg10[%swap3A_177] {strides = array<i32>} : memref<10240xf32, #tpu.memory_space<vmem>>, vector<16xf32>,
        tpu.vector_store %arg10[%swap3A_177], %broadcast_in_dim3A_96 {strides = array<i32>} : memref<10240xf32, #tpu.memory_space<vmem>>, vector<16xf32>,
        %mul3A_179 = arith.constant 8 : i32
        %mul3A_180 = arith.muli %scan3A_139, %mul3A_179 : i32
        %add3A_181 = arith.constant 5 : i32
        %add3A_182 = arith.addi %mul3A_180, %add3A_181 : i32
        %mul3A_183 = arith.constant 16 : i32
        %mul3A_184 = arith.muli %add3A_182, %mul3A_183 : i32
        %swap3A_185 = arith.index_cast %mul3A_184 : i32 to index
        %swap3A_186 = tpu.vector_load %arg10[%swap3A_185] {strides = array<i32>} : memref<10240xf32, #tpu.memory_space<vmem>>, vector<16xf32>,
        tpu.vector_store %arg10[%swap3A_185], %broadcast_in_dim3A_96 {strides = array<i32>} : memref<10240xf32, #tpu.memory_space<vmem>>, vector<16xf32>,
        %mul3A_187 = arith.constant 8 : i32
        %mul3A_188 = arith.muli %scan3A_139, %mul3A_187 : i32
        %add3A_189 = arith.constant 6 : i32
        %add3A_190 = arith.addi %mul3A_188, %add3A_189 : i32
        %mul3A_191 = arith.constant 16 : i32
        %mul3A_192 = arith.muli %add3A_190, %mul3A_191 : i32
        %swap3A_193 = arith.index_cast %mul3A_192 : i32 to index
        %swap3A_194 = tpu.vector_load %arg10[%swap3A_193] {strides = array<i32>} : memref<10240xf32, #tpu.memory_space<vmem>>, vector<16xf32>,
        tpu.vector_store %arg10[%swap3A_193], %broadcast_in_dim3A_96 {strides = array<i32>} : memref<10240xf32, #tpu.memory_space<vmem>>, vector<16xf32>,
        %mul3A_195 = arith.constant 8 : i32
        %mul3A_196 = arith.muli %scan3A_139, %mul3A_195 : i32
        %add3A_197 = arith.constant 7 : i32
        %add3A_198 = arith.addi %mul3A_196, %add3A_197 : i32
        %mul3A_199 = arith.constant 16 : i32
        %mul3A_200 = arith.muli %add3A_198, %mul3A_199 : i32
        %swap3A_201 = arith.index_cast %mul3A_200 : i32 to index
        %swap3A_202 = tpu.vector_load %arg10[%swap3A_201] {strides = array<i32>} : memref<10240xf32, #tpu.memory_space<vmem>>, vector<16xf32>,
        tpu.vector_store %arg10[%swap3A_201], %broadcast_in_dim3A_96 {strides = array<i32>} : memref<10240xf32, #tpu.memory_space<vmem>>, vector<16xf32>,
      }
      %scan3A_102 = arith.constant 80 : i32
      %dma_wait3A_103 = arith.constant 0 : i32
      %dma_wait3A_104 = tpu.memref_slice %arg13[%dma_wait3A_103, %mul3A_47] : memref<16x10240xf32, #tpu.memory_space<vmem_shared>> -> memref<16x640xf32, #tpu.memory_space<vmem_shared>>
      %dma_wait3A_105 = arith.constant 0 : i32
      %dma_wait3A_106 = tpu.memref_slice %arg13[%dma_wait3A_105, %mul3A_47] : memref<16x10240xf32, #tpu.memory_space<vmem_shared>> -> memref<16x640xf32, #tpu.memory_space<vmem_shared>>
      tpu.wait_dma2 semaphore(%arg15 : memref<!tpu.dma_semaphore, #tpu.memory_space<semaphore_mem>>) src(%dma_wait3A_106 : memref<16x640xf32, #tpu.memory_space<vmem_shared>>) dst(%arg12 : memref<16x640xf32, #tpu.memory_space<vmem>>)
      %scan3A_107 = arith.constant 0 : i32
      %scan3A_108 = arith.constant 0 : i32
      %scan3A_109 = arith.constant 40 : i32
      %scan3A_110 = arith.addi %scan3A_108, %scan3A_109 : i32
      %scan3A_111 = arith.constant 1 : i32
      scf.for %scan3A_139 = %scan3A_108 to %scan3A_110 step %scan3A_111  : i32 {
        %mul3A_140 = arith.constant 16 : i32
        %mul3A_141 = arith.muli %scan3A_139, %mul3A_140 : i32
        %get3A = arith.constant 0 : i32
        %get3A_142 = arith.index_cast %get3A : i32 to index
        %get3A_143 = arith.index_cast %mul3A_141 : i32 to index
        %get3A_144 = tpu.vector_load %arg12[%get3A_142, %get3A_143] {strides = array<i32>} : memref<16x640xf32, #tpu.memory_space<vmem>>, vector<16xf32>,
        %get3A_145 = arith.constant 1 : i32
        %get3A_146 = arith.index_cast %get3A_145 : i32 to index
        %get3A_147 = arith.index_cast %mul3A_141 : i32 to index
        %get3A_148 = tpu.vector_load %arg12[%get3A_146, %get3A_147] {strides = array<i32>} : memref<16x640xf32, #tpu.memory_space<vmem>>, vector<16xf32>,
        %add3A_149 = arith.addf %get3A_144, %get3A_148 : vector<16xf32>
        %get3A_150 = arith.constant 2 : i32
        %get3A_151 = arith.index_cast %get3A_150 : i32 to index
        %get3A_152 = arith.index_cast %mul3A_141 : i32 to index
        %get3A_153 = tpu.vector_load %arg12[%get3A_151, %get3A_152] {strides = array<i32>} : memref<16x640xf32, #tpu.memory_space<vmem>>, vector<16xf32>,
        %add3A_154 = arith.addf %add3A_149, %get3A_153 : vector<16xf32>
        %get3A_155 = arith.constant 3 : i32
        %get3A_156 = arith.index_cast %get3A_155 : i32 to index
        %get3A_157 = arith.index_cast %mul3A_141 : i32 to index
        %get3A_158 = tpu.vector_load %arg12[%get3A_156, %get3A_157] {strides = array<i32>} : memref<16x640xf32, #tpu.memory_space<vmem>>, vector<16xf32>,
        %add3A_159 = arith.addf %add3A_154, %get3A_158 : vector<16xf32>
        %get3A_160 = arith.constant 4 : i32
        %get3A_161 = arith.index_cast %get3A_160 : i32 to index
        %get3A_162 = arith.index_cast %mul3A_141 : i32 to index
        %get3A_163 = tpu.vector_load %arg12[%get3A_161, %get3A_162] {strides = array<i32>} : memref<16x640xf32, #tpu.memory_space<vmem>>, vector<16xf32>,
        %add3A_164 = arith.addf %add3A_159, %get3A_163 : vector<16xf32>
        %get3A_165 = arith.constant 5 : i32
        %get3A_166 = arith.index_cast %get3A_165 : i32 to index
        %get3A_167 = arith.index_cast %mul3A_141 : i32 to index
        %get3A_168 = tpu.vector_load %arg12[%get3A_166, %get3A_167] {strides = array<i32>} : memref<16x640xf32, #tpu.memory_space<vmem>>, vector<16xf32>,
        %add3A_169 = arith.addf %add3A_164, %get3A_168 : vector<16xf32>
        %get3A_170 = arith.constant 6 : i32
        %get3A_171 = arith.index_cast %get3A_170 : i32 to index
        %get3A_172 = arith.index_cast %mul3A_141 : i32 to index
        %get3A_173 = tpu.vector_load %arg12[%get3A_171, %get3A_172] {strides = array<i32>} : memref<16x640xf32, #tpu.memory_space<vmem>>, vector<16xf32>,
        %add3A_174 = arith.addf %add3A_169, %get3A_173 : vector<16xf32>
        %get3A_175 = arith.constant 7 : i32
        %get3A_176 = arith.index_cast %get3A_175 : i32 to index
        %get3A_177 = arith.index_cast %mul3A_141 : i32 to index
        %get3A_178 = tpu.vector_load %arg12[%get3A_176, %get3A_177] {strides = array<i32>} : memref<16x640xf32, #tpu.memory_space<vmem>>, vector<16xf32>,
        %add3A_179 = arith.addf %add3A_174, %get3A_178 : vector<16xf32>
        %get3A_180 = arith.constant 8 : i32
        %get3A_181 = arith.index_cast %get3A_180 : i32 to index
        %get3A_182 = arith.index_cast %mul3A_141 : i32 to index
        %get3A_183 = tpu.vector_load %arg12[%get3A_181, %get3A_182] {strides = array<i32>} : memref<16x640xf32, #tpu.memory_space<vmem>>, vector<16xf32>,
        %add3A_184 = arith.addf %add3A_179, %get3A_183 : vector<16xf32>
        %get3A_185 = arith.constant 9 : i32
        %get3A_186 = arith.index_cast %get3A_185 : i32 to index
        %get3A_187 = arith.index_cast %mul3A_141 : i32 to index
        %get3A_188 = tpu.vector_load %arg12[%get3A_186, %get3A_187] {strides = array<i32>} : memref<16x640xf32, #tpu.memory_space<vmem>>, vector<16xf32>,
        %add3A_189 = arith.addf %add3A_184, %get3A_188 : vector<16xf32>
        %get3A_190 = arith.constant 10 : i32
        %get3A_191 = arith.index_cast %get3A_190 : i32 to index
        %get3A_192 = arith.index_cast %mul3A_141 : i32 to index
        %get3A_193 = tpu.vector_load %arg12[%get3A_191, %get3A_192] {strides = array<i32>} : memref<16x640xf32, #tpu.memory_space<vmem>>, vector<16xf32>,
        %add3A_194 = arith.addf %add3A_189, %get3A_193 : vector<16xf32>
        %get3A_195 = arith.constant 11 : i32
        %get3A_196 = arith.index_cast %get3A_195 : i32 to index
        %get3A_197 = arith.index_cast %mul3A_141 : i32 to index
        %get3A_198 = tpu.vector_load %arg12[%get3A_196, %get3A_197] {strides = array<i32>} : memref<16x640xf32, #tpu.memory_space<vmem>>, vector<16xf32>,
        %add3A_199 = arith.addf %add3A_194, %get3A_198 : vector<16xf32>
        %get3A_200 = arith.constant 12 : i32
        %get3A_201 = arith.index_cast %get3A_200 : i32 to index
        %get3A_202 = arith.index_cast %mul3A_141 : i32 to index
        %get3A_203 = tpu.vector_load %arg12[%get3A_201, %get3A_202] {strides = array<i32>} : memref<16x640xf32, #tpu.memory_space<vmem>>, vector<16xf32>,
        %add3A_204 = arith.addf %add3A_199, %get3A_203 : vector<16xf32>
        %get3A_205 = arith.constant 13 : i32
        %get3A_206 = arith.index_cast %get3A_205 : i32 to index
        %get3A_207 = arith.index_cast %mul3A_141 : i32 to index
        %get3A_208 = tpu.vector_load %arg12[%get3A_206, %get3A_207] {strides = array<i32>} : memref<16x640xf32, #tpu.memory_space<vmem>>, vector<16xf32>,
        %add3A_209 = arith.addf %add3A_204, %get3A_208 : vector<16xf32>
        %get3A_210 = arith.constant 14 : i32
        %get3A_211 = arith.index_cast %get3A_210 : i32 to index
        %get3A_212 = arith.index_cast %mul3A_141 : i32 to index
        %get3A_213 = tpu.vector_load %arg12[%get3A_211, %get3A_212] {strides = array<i32>} : memref<16x640xf32, #tpu.memory_space<vmem>>, vector<16xf32>,
        %add3A_214 = arith.addf %add3A_209, %get3A_213 : vector<16xf32>
        %get3A_215 = arith.constant 15 : i32
        %get3A_216 = arith.index_cast %get3A_215 : i32 to index
        %get3A_217 = arith.index_cast %mul3A_141 : i32 to index
        %get3A_218 = tpu.vector_load %arg12[%get3A_216, %get3A_217] {strides = array<i32>} : memref<16x640xf32, #tpu.memory_space<vmem>>, vector<16xf32>,
        %add3A_219 = arith.addf %add3A_214, %get3A_218 : vector<16xf32>
        %swap3A = arith.index_cast %mul3A_141 : i32 to index
        %swap3A_220 = tpu.vector_load %arg11[%swap3A] {strides = array<i32>} : memref<640xf32, #tpu.memory_space<vmem>>, vector<16xf32>,
        tpu.vector_store %arg11[%swap3A], %add3A_219 {strides = array<i32>} : memref<640xf32, #tpu.memory_space<vmem>>, vector<16xf32>,
      }
      %scan3A_112 = arith.constant 40 : i32
      "tpu.region"() ({
        %run_scoped3A = tpu.sem_alloc : memref<!tpu.dma_semaphore, #tpu.memory_space<semaphore_mem>>
        %dma_start3A_139 = tpu.memref_slice %arg14[%mul3A_47] : memref<10240xf32, #tpu.memory_space<vmem_shared>> -> memref<640xf32, #tpu.memory_space<vmem_shared>>
        %dma_start3A_140 = tpu.memref_slice %arg14[%mul3A_47] : memref<10240xf32, #tpu.memory_space<vmem_shared>> -> memref<640xf32, #tpu.memory_space<vmem_shared>>
        tpu.enqueue_dma source(%arg11 : memref<640xf32, #tpu.memory_space<vmem>>) target(%dma_start3A_140 : memref<640xf32, #tpu.memory_space<vmem_shared>>) target_semaphore(%run_scoped3A : memref<!tpu.dma_semaphore, #tpu.memory_space<semaphore_mem>>)
        %dma_wait3A_141 = tpu.memref_slice %arg14[%mul3A_47] : memref<10240xf32, #tpu.memory_space<vmem_shared>> -> memref<640xf32, #tpu.memory_space<vmem_shared>>
        %dma_wait3A_142 = tpu.memref_slice %arg14[%mul3A_47] : memref<10240xf32, #tpu.memory_space<vmem_shared>> -> memref<640xf32, #tpu.memory_space<vmem_shared>>
        tpu.wait_dma2 semaphore(%run_scoped3A : memref<!tpu.dma_semaphore, #tpu.memory_space<semaphore_mem>>) src(%arg11 : memref<640xf32, #tpu.memory_space<vmem>>) dst(%dma_wait3A_142 : memref<640xf32, #tpu.memory_space<vmem_shared>>)
        tpu.yield
      }) : () -> ()
      %barrier3A_113 = arith.constant 0 : index
      tpu.barrier barrier_id(%barrier3A_113)
      "tpu.region"() ({
        %run_scoped3A = tpu.sem_alloc : memref<!tpu.dma_semaphore, #tpu.memory_space<semaphore_mem>>
        tpu.enqueue_dma source(%arg14 : memref<10240xf32, #tpu.memory_space<vmem_shared>>) target(%arg9 : memref<10240xf32, #tpu.memory_space<vmem>>) target_semaphore(%run_scoped3A : memref<!tpu.dma_semaphore, #tpu.memory_space<semaphore_mem>>)
        tpu.wait_dma2 semaphore(%run_scoped3A : memref<!tpu.dma_semaphore, #tpu.memory_space<semaphore_mem>>) src(%arg14 : memref<10240xf32, #tpu.memory_space<vmem_shared>>) dst(%arg9 : memref<10240xf32, #tpu.memory_space<vmem>>)
        tpu.yield
      }) : () -> ()
      %while3A_114 = arith.constant 0 : i32
      %while3A_115 = arith.constant 0 : i32
      %while3A_116 = arith.subi %select_n3A_30, %while3A_115 : i32
      %while3A_117 = arith.addi %while3A_115, %while3A_116 : i32
      %while3A_118 = arith.constant 1 : i32
      %while3A_119 = arith.divsi %while3A_116, %while3A_118 : i32
      %while3A_120 = arith.muli %while3A_119, %while3A_118 : i32
      %while3A_121 = arith.addi %while3A_115, %while3A_120 : i32
      %while3A_122 = arith.constant 1 : i32
      scf.for %while3A_139 = %while3A_115 to %while3A_121 step %while3A_122  : i32 {
        %mul3A_140 = arith.constant 128 : i32
        %mul3A_141 = arith.muli %while3A_139, %mul3A_140 : i32
        %add3A_142 = arith.constant 0 : i32
        %add3A_143 = arith.addi %mul3A_141, %add3A_142 : i32
        %add3A_144 = arith.constant 16 : i32
        %add3A_145 = arith.addi %mul3A_141, %add3A_144 : i32
        %add3A_146 = arith.constant 32 : i32
        %add3A_147 = arith.addi %mul3A_141, %add3A_146 : i32
        %add3A_148 = arith.constant 48 : i32
        %add3A_149 = arith.addi %mul3A_141, %add3A_148 : i32
        %add3A_150 = arith.constant 64 : i32
        %add3A_151 = arith.addi %mul3A_141, %add3A_150 : i32
        %add3A_152 = arith.constant 80 : i32
        %add3A_153 = arith.addi %mul3A_141, %add3A_152 : i32
        %add3A_154 = arith.constant 96 : i32
        %add3A_155 = arith.addi %mul3A_141, %add3A_154 : i32
        %add3A_156 = arith.constant 112 : i32
        %add3A_157 = arith.addi %mul3A_141, %add3A_156 : i32
        %get3A = arith.constant 1 : i32
        %get3A_158 = arith.index_cast %get3A : i32 to index
        %get3A_159 = arith.index_cast %add3A_143 : i32 to index
        %get3A_160 = tpu.vector_load %arg8[%get3A_158, %get3A_159] {strides = array<i32>} : memref<2x20096xi32, #tpu.memory_space<vmem>>, vector<16xi32>,
        %get3A_161 = arith.constant 1 : i32
        %get3A_162 = arith.index_cast %get3A_161 : i32 to index
        %get3A_163 = arith.index_cast %add3A_145 : i32 to index
        %get3A_164 = tpu.vector_load %arg8[%get3A_162, %get3A_163] {strides = array<i32>} : memref<2x20096xi32, #tpu.memory_space<vmem>>, vector<16xi32>,
        %get3A_165 = arith.constant 1 : i32
        %get3A_166 = arith.index_cast %get3A_165 : i32 to index
        %get3A_167 = arith.index_cast %add3A_147 : i32 to index
        %get3A_168 = tpu.vector_load %arg8[%get3A_166, %get3A_167] {strides = array<i32>} : memref<2x20096xi32, #tpu.memory_space<vmem>>, vector<16xi32>,
        %get3A_169 = arith.constant 1 : i32
        %get3A_170 = arith.index_cast %get3A_169 : i32 to index
        %get3A_171 = arith.index_cast %add3A_149 : i32 to index
        %get3A_172 = tpu.vector_load %arg8[%get3A_170, %get3A_171] {strides = array<i32>} : memref<2x20096xi32, #tpu.memory_space<vmem>>, vector<16xi32>,
        %get3A_173 = arith.constant 1 : i32
        %get3A_174 = arith.index_cast %get3A_173 : i32 to index
        %get3A_175 = arith.index_cast %add3A_151 : i32 to index
        %get3A_176 = tpu.vector_load %arg8[%get3A_174, %get3A_175] {strides = array<i32>} : memref<2x20096xi32, #tpu.memory_space<vmem>>, vector<16xi32>,
        %get3A_177 = arith.constant 1 : i32
        %get3A_178 = arith.index_cast %get3A_177 : i32 to index
        %get3A_179 = arith.index_cast %add3A_153 : i32 to index
        %get3A_180 = tpu.vector_load %arg8[%get3A_178, %get3A_179] {strides = array<i32>} : memref<2x20096xi32, #tpu.memory_space<vmem>>, vector<16xi32>,
        %get3A_181 = arith.constant 1 : i32
        %get3A_182 = arith.index_cast %get3A_181 : i32 to index
        %get3A_183 = arith.index_cast %add3A_155 : i32 to index
        %get3A_184 = tpu.vector_load %arg8[%get3A_182, %get3A_183] {strides = array<i32>} : memref<2x20096xi32, #tpu.memory_space<vmem>>, vector<16xi32>,
        %get3A_185 = arith.constant 1 : i32
        %get3A_186 = arith.index_cast %get3A_185 : i32 to index
        %get3A_187 = arith.index_cast %add3A_157 : i32 to index
        %get3A_188 = tpu.vector_load %arg8[%get3A_186, %get3A_187] {strides = array<i32>} : memref<2x20096xi32, #tpu.memory_space<vmem>>, vector<16xi32>,
        %get3A_189 = arith.constant 0 : i32
        %get3A_190 = arith.index_cast %get3A_189 : i32 to index
        %get3A_191 = arith.index_cast %add3A_143 : i32 to index
        %get3A_192 = tpu.vector_load %arg8[%get3A_190, %get3A_191] {strides = array<i32>} : memref<2x20096xi32, #tpu.memory_space<vmem>>, vector<16xi32>,
        %get3A_193 = arith.constant 0 : i32
        %get3A_194 = arith.index_cast %get3A_193 : i32 to index
        %get3A_195 = arith.index_cast %add3A_145 : i32 to index
        %get3A_196 = tpu.vector_load %arg8[%get3A_194, %get3A_195] {strides = array<i32>} : memref<2x20096xi32, #tpu.memory_space<vmem>>, vector<16xi32>,
        %get3A_197 = arith.constant 0 : i32
        %get3A_198 = arith.index_cast %get3A_197 : i32 to index
        %get3A_199 = arith.index_cast %add3A_147 : i32 to index
        %get3A_200 = tpu.vector_load %arg8[%get3A_198, %get3A_199] {strides = array<i32>} : memref<2x20096xi32, #tpu.memory_space<vmem>>, vector<16xi32>,
        %get3A_201 = arith.constant 0 : i32
        %get3A_202 = arith.index_cast %get3A_201 : i32 to index
        %get3A_203 = arith.index_cast %add3A_149 : i32 to index
        %get3A_204 = tpu.vector_load %arg8[%get3A_202, %get3A_203] {strides = array<i32>} : memref<2x20096xi32, #tpu.memory_space<vmem>>, vector<16xi32>,
        %get3A_205 = arith.constant 0 : i32
        %get3A_206 = arith.index_cast %get3A_205 : i32 to index
        %get3A_207 = arith.index_cast %add3A_151 : i32 to index
        %get3A_208 = tpu.vector_load %arg8[%get3A_206, %get3A_207] {strides = array<i32>} : memref<2x20096xi32, #tpu.memory_space<vmem>>, vector<16xi32>,
        %get3A_209 = arith.constant 0 : i32
        %get3A_210 = arith.index_cast %get3A_209 : i32 to index
        %get3A_211 = arith.index_cast %add3A_153 : i32 to index
        %get3A_212 = tpu.vector_load %arg8[%get3A_210, %get3A_211] {strides = array<i32>} : memref<2x20096xi32, #tpu.memory_space<vmem>>, vector<16xi32>,
        %get3A_213 = arith.constant 0 : i32
        %get3A_214 = arith.index_cast %get3A_213 : i32 to index
        %get3A_215 = arith.index_cast %add3A_155 : i32 to index
        %get3A_216 = tpu.vector_load %arg8[%get3A_214, %get3A_215] {strides = array<i32>} : memref<2x20096xi32, #tpu.memory_space<vmem>>, vector<16xi32>,
        %get3A_217 = arith.constant 0 : i32
        %get3A_218 = arith.index_cast %get3A_217 : i32 to index
        %get3A_219 = arith.index_cast %add3A_157 : i32 to index
        %get3A_220 = tpu.vector_load %arg8[%get3A_218, %get3A_219] {strides = array<i32>} : memref<2x20096xi32, #tpu.memory_space<vmem>>, vector<16xi32>,
        %gather3A = tpu.vector_load_idx %arg9[%get3A_160] : memref<10240xf32, #tpu.memory_space<vmem>>[vector<16xi32>], vector<16xf32>,
        %gather3A_221 = tpu.vector_load_idx %arg9[%get3A_164] : memref<10240xf32, #tpu.memory_space<vmem>>[vector<16xi32>], vector<16xf32>,
        %gather3A_222 = tpu.vector_load_idx %arg9[%get3A_168] : memref<10240xf32, #tpu.memory_space<vmem>>[vector<16xi32>], vector<16xf32>,
        %gather3A_223 = tpu.vector_load_idx %arg9[%get3A_172] : memref<10240xf32, #tpu.memory_space<vmem>>[vector<16xi32>], vector<16xf32>,
        %gather3A_224 = tpu.vector_load_idx %arg9[%get3A_176] : memref<10240xf32, #tpu.memory_space<vmem>>[vector<16xi32>], vector<16xf32>,
        %gather3A_225 = tpu.vector_load_idx %arg9[%get3A_180] : memref<10240xf32, #tpu.memory_space<vmem>>[vector<16xi32>], vector<16xf32>,
        %gather3A_226 = tpu.vector_load_idx %arg9[%get3A_184] : memref<10240xf32, #tpu.memory_space<vmem>>[vector<16xi32>], vector<16xf32>,
        %gather3A_227 = tpu.vector_load_idx %arg9[%get3A_188] : memref<10240xf32, #tpu.memory_space<vmem>>[vector<16xi32>], vector<16xf32>,
        tpu.vector_store_idx %arg10[%get3A_192], %gather3A {add = true} : memref<10240xf32, #tpu.memory_space<vmem>>[vector<16xi32>], vector<16xf32>,
        tpu.vector_store_idx %arg10[%get3A_196], %gather3A_221 {add = true} : memref<10240xf32, #tpu.memory_space<vmem>>[vector<16xi32>], vector<16xf32>,
        tpu.vector_store_idx %arg10[%get3A_200], %gather3A_222 {add = true} : memref<10240xf32, #tpu.memory_space<vmem>>[vector<16xi32>], vector<16xf32>,
        tpu.vector_store_idx %arg10[%get3A_204], %gather3A_223 {add = true} : memref<10240xf32, #tpu.memory_space<vmem>>[vector<16xi32>], vector<16xf32>,
        tpu.vector_store_idx %arg10[%get3A_208], %gather3A_224 {add = true} : memref<10240xf32, #tpu.memory_space<vmem>>[vector<16xi32>], vector<16xf32>,
        tpu.vector_store_idx %arg10[%get3A_212], %gather3A_225 {add = true} : memref<10240xf32, #tpu.memory_space<vmem>>[vector<16xi32>], vector<16xf32>,
        tpu.vector_store_idx %arg10[%get3A_216], %gather3A_226 {add = true} : memref<10240xf32, #tpu.memory_space<vmem>>[vector<16xi32>], vector<16xf32>,
        tpu.vector_store_idx %arg10[%get3A_220], %gather3A_227 {add = true} : memref<10240xf32, #tpu.memory_space<vmem>>[vector<16xi32>], vector<16xf32>,
      }
      %while3A_123 = arith.constant 1 : i32
      scf.for %while3A_139 = %while3A_121 to %while3A_117 step %while3A_123  : i32 {
        %mul3A_140 = arith.constant 128 : i32
        %mul3A_141 = arith.muli %while3A_139, %mul3A_140 : i32
        %add3A_142 = arith.constant 0 : i32
        %add3A_143 = arith.addi %mul3A_141, %add3A_142 : i32
        %add3A_144 = arith.constant 16 : i32
        %add3A_145 = arith.addi %mul3A_141, %add3A_144 : i32
        %add3A_146 = arith.constant 32 : i32
        %add3A_147 = arith.addi %mul3A_141, %add3A_146 : i32
        %add3A_148 = arith.constant 48 : i32
        %add3A_149 = arith.addi %mul3A_141, %add3A_148 : i32
        %add3A_150 = arith.constant 64 : i32
        %add3A_151 = arith.addi %mul3A_141, %add3A_150 : i32
        %add3A_152 = arith.constant 80 : i32
        %add3A_153 = arith.addi %mul3A_141, %add3A_152 : i32
        %add3A_154 = arith.constant 96 : i32
        %add3A_155 = arith.addi %mul3A_141, %add3A_154 : i32
        %add3A_156 = arith.constant 112 : i32
        %add3A_157 = arith.addi %mul3A_141, %add3A_156 : i32
        %get3A = arith.constant 1 : i32
        %get3A_158 = arith.index_cast %get3A : i32 to index
        %get3A_159 = arith.index_cast %add3A_143 : i32 to index
        %get3A_160 = tpu.vector_load %arg8[%get3A_158, %get3A_159] {strides = array<i32>} : memref<2x20096xi32, #tpu.memory_space<vmem>>, vector<16xi32>,
        %get3A_161 = arith.constant 1 : i32
        %get3A_162 = arith.index_cast %get3A_161 : i32 to index
        %get3A_163 = arith.index_cast %add3A_145 : i32 to index
        %get3A_164 = tpu.vector_load %arg8[%get3A_162, %get3A_163] {strides = array<i32>} : memref<2x20096xi32, #tpu.memory_space<vmem>>, vector<16xi32>,
        %get3A_165 = arith.constant 1 : i32
        %get3A_166 = arith.index_cast %get3A_165 : i32 to index
        %get3A_167 = arith.index_cast %add3A_147 : i32 to index
        %get3A_168 = tpu.vector_load %arg8[%get3A_166, %get3A_167] {strides = array<i32>} : memref<2x20096xi32, #tpu.memory_space<vmem>>, vector<16xi32>,
        %get3A_169 = arith.constant 1 : i32
        %get3A_170 = arith.index_cast %get3A_169 : i32 to index
        %get3A_171 = arith.index_cast %add3A_149 : i32 to index
        %get3A_172 = tpu.vector_load %arg8[%get3A_170, %get3A_171] {strides = array<i32>} : memref<2x20096xi32, #tpu.memory_space<vmem>>, vector<16xi32>,
        %get3A_173 = arith.constant 1 : i32
        %get3A_174 = arith.index_cast %get3A_173 : i32 to index
        %get3A_175 = arith.index_cast %add3A_151 : i32 to index
        %get3A_176 = tpu.vector_load %arg8[%get3A_174, %get3A_175] {strides = array<i32>} : memref<2x20096xi32, #tpu.memory_space<vmem>>, vector<16xi32>,
        %get3A_177 = arith.constant 1 : i32
        %get3A_178 = arith.index_cast %get3A_177 : i32 to index
        %get3A_179 = arith.index_cast %add3A_153 : i32 to index
        %get3A_180 = tpu.vector_load %arg8[%get3A_178, %get3A_179] {strides = array<i32>} : memref<2x20096xi32, #tpu.memory_space<vmem>>, vector<16xi32>,
        %get3A_181 = arith.constant 1 : i32
        %get3A_182 = arith.index_cast %get3A_181 : i32 to index
        %get3A_183 = arith.index_cast %add3A_155 : i32 to index
        %get3A_184 = tpu.vector_load %arg8[%get3A_182, %get3A_183] {strides = array<i32>} : memref<2x20096xi32, #tpu.memory_space<vmem>>, vector<16xi32>,
        %get3A_185 = arith.constant 1 : i32
        %get3A_186 = arith.index_cast %get3A_185 : i32 to index
        %get3A_187 = arith.index_cast %add3A_157 : i32 to index
        %get3A_188 = tpu.vector_load %arg8[%get3A_186, %get3A_187] {strides = array<i32>} : memref<2x20096xi32, #tpu.memory_space<vmem>>, vector<16xi32>,
        %get3A_189 = arith.constant 0 : i32
        %get3A_190 = arith.index_cast %get3A_189 : i32 to index
        %get3A_191 = arith.index_cast %add3A_143 : i32 to index
        %get3A_192 = tpu.vector_load %arg8[%get3A_190, %get3A_191] {strides = array<i32>} : memref<2x20096xi32, #tpu.memory_space<vmem>>, vector<16xi32>,
        %get3A_193 = arith.constant 0 : i32
        %get3A_194 = arith.index_cast %get3A_193 : i32 to index
        %get3A_195 = arith.index_cast %add3A_145 : i32 to index
        %get3A_196 = tpu.vector_load %arg8[%get3A_194, %get3A_195] {strides = array<i32>} : memref<2x20096xi32, #tpu.memory_space<vmem>>, vector<16xi32>,
        %get3A_197 = arith.constant 0 : i32
        %get3A_198 = arith.index_cast %get3A_197 : i32 to index
        %get3A_199 = arith.index_cast %add3A_147 : i32 to index
        %get3A_200 = tpu.vector_load %arg8[%get3A_198, %get3A_199] {strides = array<i32>} : memref<2x20096xi32, #tpu.memory_space<vmem>>, vector<16xi32>,
        %get3A_201 = arith.constant 0 : i32
        %get3A_202 = arith.index_cast %get3A_201 : i32 to index
        %get3A_203 = arith.index_cast %add3A_149 : i32 to index
        %get3A_204 = tpu.vector_load %arg8[%get3A_202, %get3A_203] {strides = array<i32>} : memref<2x20096xi32, #tpu.memory_space<vmem>>, vector<16xi32>,
        %get3A_205 = arith.constant 0 : i32
        %get3A_206 = arith.index_cast %get3A_205 : i32 to index
        %get3A_207 = arith.index_cast %add3A_151 : i32 to index
        %get3A_208 = tpu.vector_load %arg8[%get3A_206, %get3A_207] {strides = array<i32>} : memref<2x20096xi32, #tpu.memory_space<vmem>>, vector<16xi32>,
        %get3A_209 = arith.constant 0 : i32
        %get3A_210 = arith.index_cast %get3A_209 : i32 to index
        %get3A_211 = arith.index_cast %add3A_153 : i32 to index
        %get3A_212 = tpu.vector_load %arg8[%get3A_210, %get3A_211] {strides = array<i32>} : memref<2x20096xi32, #tpu.memory_space<vmem>>, vector<16xi32>,
        %get3A_213 = arith.constant 0 : i32
        %get3A_214 = arith.index_cast %get3A_213 : i32 to index
        %get3A_215 = arith.index_cast %add3A_155 : i32 to index
        %get3A_216 = tpu.vector_load %arg8[%get3A_214, %get3A_215] {strides = array<i32>} : memref<2x20096xi32, #tpu.memory_space<vmem>>, vector<16xi32>,
        %get3A_217 = arith.constant 0 : i32
        %get3A_218 = arith.index_cast %get3A_217 : i32 to index
        %get3A_219 = arith.index_cast %add3A_157 : i32 to index
        %get3A_220 = tpu.vector_load %arg8[%get3A_218, %get3A_219] {strides = array<i32>} : memref<2x20096xi32, #tpu.memory_space<vmem>>, vector<16xi32>,
        %gather3A = tpu.vector_load_idx %arg9[%get3A_160] : memref<10240xf32, #tpu.memory_space<vmem>>[vector<16xi32>], vector<16xf32>,
        %gather3A_221 = tpu.vector_load_idx %arg9[%get3A_164] : memref<10240xf32, #tpu.memory_space<vmem>>[vector<16xi32>], vector<16xf32>,
        %gather3A_222 = tpu.vector_load_idx %arg9[%get3A_168] : memref<10240xf32, #tpu.memory_space<vmem>>[vector<16xi32>], vector<16xf32>,
        %gather3A_223 = tpu.vector_load_idx %arg9[%get3A_172] : memref<10240xf32, #tpu.memory_space<vmem>>[vector<16xi32>], vector<16xf32>,
        %gather3A_224 = tpu.vector_load_idx %arg9[%get3A_176] : memref<10240xf32, #tpu.memory_space<vmem>>[vector<16xi32>], vector<16xf32>,
        %gather3A_225 = tpu.vector_load_idx %arg9[%get3A_180] : memref<10240xf32, #tpu.memory_space<vmem>>[vector<16xi32>], vector<16xf32>,
        %gather3A_226 = tpu.vector_load_idx %arg9[%get3A_184] : memref<10240xf32, #tpu.memory_space<vmem>>[vector<16xi32>], vector<16xf32>,
        %gather3A_227 = tpu.vector_load_idx %arg9[%get3A_188] : memref<10240xf32, #tpu.memory_space<vmem>>[vector<16xi32>], vector<16xf32>,
        tpu.vector_store_idx %arg10[%get3A_192], %gather3A {add = true} : memref<10240xf32, #tpu.memory_space<vmem>>[vector<16xi32>], vector<16xf32>,
        tpu.vector_store_idx %arg10[%get3A_196], %gather3A_221 {add = true} : memref<10240xf32, #tpu.memory_space<vmem>>[vector<16xi32>], vector<16xf32>,
        tpu.vector_store_idx %arg10[%get3A_200], %gather3A_222 {add = true} : memref<10240xf32, #tpu.memory_space<vmem>>[vector<16xi32>], vector<16xf32>,
        tpu.vector_store_idx %arg10[%get3A_204], %gather3A_223 {add = true} : memref<10240xf32, #tpu.memory_space<vmem>>[vector<16xi32>], vector<16xf32>,
        tpu.vector_store_idx %arg10[%get3A_208], %gather3A_224 {add = true} : memref<10240xf32, #tpu.memory_space<vmem>>[vector<16xi32>], vector<16xf32>,
        tpu.vector_store_idx %arg10[%get3A_212], %gather3A_225 {add = true} : memref<10240xf32, #tpu.memory_space<vmem>>[vector<16xi32>], vector<16xf32>,
        tpu.vector_store_idx %arg10[%get3A_216], %gather3A_226 {add = true} : memref<10240xf32, #tpu.memory_space<vmem>>[vector<16xi32>], vector<16xf32>,
        tpu.vector_store_idx %arg10[%get3A_220], %gather3A_227 {add = true} : memref<10240xf32, #tpu.memory_space<vmem>>[vector<16xi32>], vector<16xf32>,
      }
      "tpu.region"() ({
        %run_scoped3A = tpu.sem_alloc : memref<!tpu.dma_semaphore, #tpu.memory_space<semaphore_mem>>
        %dma_start3A_139 = arith.constant 0 : i32
        %dma_start3A_140 = tpu.memref_slice %arg13[%arg1, %dma_start3A_139] : memref<16x10240xf32, #tpu.memory_space<vmem_shared>> -> memref<1x10240xf32, #tpu.memory_space<vmem_shared>>
        %dma_start3A_141 = tpu.memref_squeeze %dma_start3A_140 : memref<1x10240xf32, #tpu.memory_space<vmem_shared>> -> memref<10240xf32, #tpu.memory_space<vmem_shared>>
        %dma_start3A_142 = arith.constant 0 : i32
        %dma_start3A_143 = tpu.memref_slice %arg13[%arg1, %dma_start3A_142] : memref<16x10240xf32, #tpu.memory_space<vmem_shared>> -> memref<1x10240xf32, #tpu.memory_space<vmem_shared>>
        %dma_start3A_144 = tpu.memref_squeeze %dma_start3A_143 : memref<1x10240xf32, #tpu.memory_space<vmem_shared>> -> memref<10240xf32, #tpu.memory_space<vmem_shared>>
        tpu.enqueue_dma source(%arg10 : memref<10240xf32, #tpu.memory_space<vmem>>) target(%dma_start3A_144 : memref<10240xf32, #tpu.memory_space<vmem_shared>>) target_semaphore(%run_scoped3A : memref<!tpu.dma_semaphore, #tpu.memory_space<semaphore_mem>>)
        %dma_wait3A_145 = arith.constant 0 : i32
        %dma_wait3A_146 = tpu.memref_slice %arg13[%arg1, %dma_wait3A_145] : memref<16x10240xf32, #tpu.memory_space<vmem_shared>> -> memref<1x10240xf32, #tpu.memory_space<vmem_shared>>
        %dma_wait3A_147 = tpu.memref_squeeze %dma_wait3A_146 : memref<1x10240xf32, #tpu.memory_space<vmem_shared>> -> memref<10240xf32, #tpu.memory_space<vmem_shared>>
        %dma_wait3A_148 = arith.constant 0 : i32
        %dma_wait3A_149 = tpu.memref_slice %arg13[%arg1, %dma_wait3A_148] : memref<16x10240xf32, #tpu.memory_space<vmem_shared>> -> memref<1x10240xf32, #tpu.memory_space<vmem_shared>>
        %dma_wait3A_150 = tpu.memref_squeeze %dma_wait3A_149 : memref<1x10240xf32, #tpu.memory_space<vmem_shared>> -> memref<10240xf32, #tpu.memory_space<vmem_shared>>
        tpu.wait_dma2 semaphore(%run_scoped3A : memref<!tpu.dma_semaphore, #tpu.memory_space<semaphore_mem>>) src(%arg10 : memref<10240xf32, #tpu.memory_space<vmem>>) dst(%dma_wait3A_150 : memref<10240xf32, #tpu.memory_space<vmem_shared>>)
        tpu.yield
      }) : () -> ()
      %barrier3A_124 = arith.constant 0 : index
      tpu.barrier barrier_id(%barrier3A_124)
      %dma_start3A_125 = arith.constant 0 : i32
      %dma_start3A_126 = tpu.memref_slice %arg13[%dma_start3A_125, %mul3A_47] : memref<16x10240xf32, #tpu.memory_space<vmem_shared>> -> memref<16x640xf32, #tpu.memory_space<vmem_shared>>
      %dma_start3A_127 = arith.constant 0 : i32
      %dma_start3A_128 = tpu.memref_slice %arg13[%dma_start3A_127, %mul3A_47] : memref<16x10240xf32, #tpu.memory_space<vmem_shared>> -> memref<16x640xf32, #tpu.memory_space<vmem_shared>>
      tpu.enqueue_dma source(%dma_start3A_128 : memref<16x640xf32, #tpu.memory_space<vmem_shared>>) target(%arg12 : memref<16x640xf32, #tpu.memory_space<vmem>>) target_semaphore(%arg15 : memref<!tpu.dma_semaphore, #tpu.memory_space<semaphore_mem>>)
      %dma_wait3A_129 = arith.constant 0 : i32
      %dma_wait3A_130 = tpu.memref_slice %arg13[%dma_wait3A_129, %mul3A_47] : memref<16x10240xf32, #tpu.memory_space<vmem_shared>> -> memref<16x640xf32, #tpu.memory_space<vmem_shared>>
      %dma_wait3A_131 = arith.constant 0 : i32
      %dma_wait3A_132 = tpu.memref_slice %arg13[%dma_wait3A_131, %mul3A_47] : memref<16x10240xf32, #tpu.memory_space<vmem_shared>> -> memref<16x640xf32, #tpu.memory_space<vmem_shared>>
      tpu.wait_dma2 semaphore(%arg15 : memref<!tpu.dma_semaphore, #tpu.memory_space<semaphore_mem>>) src(%dma_wait3A_132 : memref<16x640xf32, #tpu.memory_space<vmem_shared>>) dst(%arg12 : memref<16x640xf32, #tpu.memory_space<vmem>>)
      %scan3A_133 = arith.constant 0 : i32
      %scan3A_134 = arith.constant 0 : i32
      %scan3A_135 = arith.constant 40 : i32
      %scan3A_136 = arith.addi %scan3A_134, %scan3A_135 : i32
      %scan3A_137 = arith.constant 1 : i32
      scf.for %scan3A_139 = %scan3A_134 to %scan3A_136 step %scan3A_137  : i32 {
        %mul3A_140 = arith.constant 16 : i32
        %mul3A_141 = arith.muli %scan3A_139, %mul3A_140 : i32
        %get3A = arith.constant 0 : i32
        %get3A_142 = arith.index_cast %get3A : i32 to index
        %get3A_143 = arith.index_cast %mul3A_141 : i32 to index
        %get3A_144 = tpu.vector_load %arg12[%get3A_142, %get3A_143] {strides = array<i32>} : memref<16x640xf32, #tpu.memory_space<vmem>>, vector<16xf32>,
        %get3A_145 = arith.constant 1 : i32
        %get3A_146 = arith.index_cast %get3A_145 : i32 to index
        %get3A_147 = arith.index_cast %mul3A_141 : i32 to index
        %get3A_148 = tpu.vector_load %arg12[%get3A_146, %get3A_147] {strides = array<i32>} : memref<16x640xf32, #tpu.memory_space<vmem>>, vector<16xf32>,
        %add3A_149 = arith.addf %get3A_144, %get3A_148 : vector<16xf32>
        %get3A_150 = arith.constant 2 : i32
        %get3A_151 = arith.index_cast %get3A_150 : i32 to index
        %get3A_152 = arith.index_cast %mul3A_141 : i32 to index
        %get3A_153 = tpu.vector_load %arg12[%get3A_151, %get3A_152] {strides = array<i32>} : memref<16x640xf32, #tpu.memory_space<vmem>>, vector<16xf32>,
        %add3A_154 = arith.addf %add3A_149, %get3A_153 : vector<16xf32>
        %get3A_155 = arith.constant 3 : i32
        %get3A_156 = arith.index_cast %get3A_155 : i32 to index
        %get3A_157 = arith.index_cast %mul3A_141 : i32 to index
        %get3A_158 = tpu.vector_load %arg12[%get3A_156, %get3A_157] {strides = array<i32>} : memref<16x640xf32, #tpu.memory_space<vmem>>, vector<16xf32>,
        %add3A_159 = arith.addf %add3A_154, %get3A_158 : vector<16xf32>
        %get3A_160 = arith.constant 4 : i32
        %get3A_161 = arith.index_cast %get3A_160 : i32 to index
        %get3A_162 = arith.index_cast %mul3A_141 : i32 to index
        %get3A_163 = tpu.vector_load %arg12[%get3A_161, %get3A_162] {strides = array<i32>} : memref<16x640xf32, #tpu.memory_space<vmem>>, vector<16xf32>,
        %add3A_164 = arith.addf %add3A_159, %get3A_163 : vector<16xf32>
        %get3A_165 = arith.constant 5 : i32
        %get3A_166 = arith.index_cast %get3A_165 : i32 to index
        %get3A_167 = arith.index_cast %mul3A_141 : i32 to index
        %get3A_168 = tpu.vector_load %arg12[%get3A_166, %get3A_167] {strides = array<i32>} : memref<16x640xf32, #tpu.memory_space<vmem>>, vector<16xf32>,
        %add3A_169 = arith.addf %add3A_164, %get3A_168 : vector<16xf32>
        %get3A_170 = arith.constant 6 : i32
        %get3A_171 = arith.index_cast %get3A_170 : i32 to index
        %get3A_172 = arith.index_cast %mul3A_141 : i32 to index
        %get3A_173 = tpu.vector_load %arg12[%get3A_171, %get3A_172] {strides = array<i32>} : memref<16x640xf32, #tpu.memory_space<vmem>>, vector<16xf32>,
        %add3A_174 = arith.addf %add3A_169, %get3A_173 : vector<16xf32>
        %get3A_175 = arith.constant 7 : i32
        %get3A_176 = arith.index_cast %get3A_175 : i32 to index
        %get3A_177 = arith.index_cast %mul3A_141 : i32 to index
        %get3A_178 = tpu.vector_load %arg12[%get3A_176, %get3A_177] {strides = array<i32>} : memref<16x640xf32, #tpu.memory_space<vmem>>, vector<16xf32>,
        %add3A_179 = arith.addf %add3A_174, %get3A_178 : vector<16xf32>
        %get3A_180 = arith.constant 8 : i32
        %get3A_181 = arith.index_cast %get3A_180 : i32 to index
        %get3A_182 = arith.index_cast %mul3A_141 : i32 to index
        %get3A_183 = tpu.vector_load %arg12[%get3A_181, %get3A_182] {strides = array<i32>} : memref<16x640xf32, #tpu.memory_space<vmem>>, vector<16xf32>,
        %add3A_184 = arith.addf %add3A_179, %get3A_183 : vector<16xf32>
        %get3A_185 = arith.constant 9 : i32
        %get3A_186 = arith.index_cast %get3A_185 : i32 to index
        %get3A_187 = arith.index_cast %mul3A_141 : i32 to index
        %get3A_188 = tpu.vector_load %arg12[%get3A_186, %get3A_187] {strides = array<i32>} : memref<16x640xf32, #tpu.memory_space<vmem>>, vector<16xf32>,
        %add3A_189 = arith.addf %add3A_184, %get3A_188 : vector<16xf32>
        %get3A_190 = arith.constant 10 : i32
        %get3A_191 = arith.index_cast %get3A_190 : i32 to index
        %get3A_192 = arith.index_cast %mul3A_141 : i32 to index
        %get3A_193 = tpu.vector_load %arg12[%get3A_191, %get3A_192] {strides = array<i32>} : memref<16x640xf32, #tpu.memory_space<vmem>>, vector<16xf32>,
        %add3A_194 = arith.addf %add3A_189, %get3A_193 : vector<16xf32>
        %get3A_195 = arith.constant 11 : i32
        %get3A_196 = arith.index_cast %get3A_195 : i32 to index
        %get3A_197 = arith.index_cast %mul3A_141 : i32 to index
        %get3A_198 = tpu.vector_load %arg12[%get3A_196, %get3A_197] {strides = array<i32>} : memref<16x640xf32, #tpu.memory_space<vmem>>, vector<16xf32>,
        %add3A_199 = arith.addf %add3A_194, %get3A_198 : vector<16xf32>
        %get3A_200 = arith.constant 12 : i32
        %get3A_201 = arith.index_cast %get3A_200 : i32 to index
        %get3A_202 = arith.index_cast %mul3A_141 : i32 to index
        %get3A_203 = tpu.vector_load %arg12[%get3A_201, %get3A_202] {strides = array<i32>} : memref<16x640xf32, #tpu.memory_space<vmem>>, vector<16xf32>,
        %add3A_204 = arith.addf %add3A_199, %get3A_203 : vector<16xf32>
        %get3A_205 = arith.constant 13 : i32
        %get3A_206 = arith.index_cast %get3A_205 : i32 to index
        %get3A_207 = arith.index_cast %mul3A_141 : i32 to index
        %get3A_208 = tpu.vector_load %arg12[%get3A_206, %get3A_207] {strides = array<i32>} : memref<16x640xf32, #tpu.memory_space<vmem>>, vector<16xf32>,
        %add3A_209 = arith.addf %add3A_204, %get3A_208 : vector<16xf32>
        %get3A_210 = arith.constant 14 : i32
        %get3A_211 = arith.index_cast %get3A_210 : i32 to index
        %get3A_212 = arith.index_cast %mul3A_141 : i32 to index
        %get3A_213 = tpu.vector_load %arg12[%get3A_211, %get3A_212] {strides = array<i32>} : memref<16x640xf32, #tpu.memory_space<vmem>>, vector<16xf32>,
        %add3A_214 = arith.addf %add3A_209, %get3A_213 : vector<16xf32>
        %get3A_215 = arith.constant 15 : i32
        %get3A_216 = arith.index_cast %get3A_215 : i32 to index
        %get3A_217 = arith.index_cast %mul3A_141 : i32 to index
        %get3A_218 = tpu.vector_load %arg12[%get3A_216, %get3A_217] {strides = array<i32>} : memref<16x640xf32, #tpu.memory_space<vmem>>, vector<16xf32>,
        %add3A_219 = arith.addf %add3A_214, %get3A_218 : vector<16xf32>
        %swap3A = arith.index_cast %mul3A_141 : i32 to index
        %swap3A_220 = tpu.vector_load %arg11[%swap3A] {strides = array<i32>} : memref<640xf32, #tpu.memory_space<vmem>>, vector<16xf32>,
        tpu.vector_store %arg11[%swap3A], %add3A_219 {strides = array<i32>} : memref<640xf32, #tpu.memory_space<vmem>>, vector<16xf32>,
      }
      %scan3A_138 = arith.constant 40 : i32
      "tpu.region"() ({
        %run_scoped3A = tpu.sem_alloc : memref<!tpu.dma_semaphore, #tpu.memory_space<semaphore_mem>>
        %dma_start3A_139 = tpu.memref_slice %arg6[%mul3A_47] : memref<10240xf32, #tpu.memory_space<hbm>> -> memref<640xf32, #tpu.memory_space<hbm>>
        %dma_start3A_140 = tpu.memref_slice %arg6[%mul3A_47] : memref<10240xf32, #tpu.memory_space<hbm>> -> memref<640xf32, #tpu.memory_space<hbm>>
        tpu.enqueue_dma source(%arg11 : memref<640xf32, #tpu.memory_space<vmem>>) target(%dma_start3A_140 : memref<640xf32, #tpu.memory_space<hbm>>) target_semaphore(%run_scoped3A : memref<!tpu.dma_semaphore, #tpu.memory_space<semaphore_mem>>)
        %dma_wait3A_141 = tpu.memref_slice %arg6[%mul3A_47] : memref<10240xf32, #tpu.memory_space<hbm>> -> memref<640xf32, #tpu.memory_space<hbm>>
        %dma_wait3A_142 = tpu.memref_slice %arg6[%mul3A_47] : memref<10240xf32, #tpu.memory_space<hbm>> -> memref<640xf32, #tpu.memory_space<hbm>>
        tpu.wait_dma2 semaphore(%run_scoped3A : memref<!tpu.dma_semaphore, #tpu.memory_space<semaphore_mem>>) src(%arg11 : memref<640xf32, #tpu.memory_space<vmem>>) dst(%dma_wait3A_142 : memref<640xf32, #tpu.memory_space<hbm>>)
        tpu.yield
      }) : () -> ()
    } else {
    }
    %eq3A_2 = arith.constant 1 : i32
    %eq3A_3 = arith.cmpi eq, %arg0, %eq3A_2 : i32
    %convert_element_type3A_4 = arith.extui %eq3A_3 : i1 to i32
    %cond3A_5 = arith.constant 0 : i32
    %cond3A_6 = arith.cmpi ne, %convert_element_type3A_4, %cond3A_5 : i32
    scf.if %cond3A_6 {
      %lt3A = arith.constant 4 : i32
      %lt3A_7 = arith.cmpi slt, %arg1, %lt3A : i32
      %mul3A = arith.constant 20096 : i32
      %mul3A_8 = arith.muli %arg1, %mul3A : i32
      %sub3A = arith.constant 4 : i32
      %sub3A_9 = arith.subi %arg1, %sub3A : i32
      %mul3A_10 = arith.constant 19968 : i32
      %mul3A_11 = arith.muli %sub3A_9, %mul3A_10 : i32
      %add3A = arith.constant 80384 : i32
      %add3A_12 = arith.addi %add3A, %mul3A_11 : i32
      %select_n3A = arith.select %lt3A_7, %mul3A_8, %add3A_12 : i32
      %dma_start3A = arith.constant 0 : i32
      %dma_start3A_13 = arith.constant 0 : i32
      %dma_start3A_14 = tpu.memref_slice %arg8[%dma_start3A, %dma_start3A_13] : memref<2x20096xi32, #tpu.memory_space<vmem>> -> memref<2x19968xi32, #tpu.memory_space<vmem>>
      %dma_start3A_15 = arith.constant 0 : i32
      %dma_start3A_16 = tpu.memref_slice %arg5[%dma_start3A_15, %select_n3A] : memref<2x320000xi32, #tpu.memory_space<hbm>> -> memref<2x19968xi32, #tpu.memory_space<hbm>>
      %dma_start3A_17 = arith.constant 0 : i32
      %dma_start3A_18 = arith.constant 0 : i32
      %dma_start3A_19 = tpu.memref_slice %arg8[%dma_start3A_17, %dma_start3A_18] : memref<2x20096xi32, #tpu.memory_space<vmem>> -> memref<2x19968xi32, #tpu.memory_space<vmem>>
      %dma_start3A_20 = arith.constant 0 : i32
      %dma_start3A_21 = tpu.memref_slice %arg5[%dma_start3A_20, %select_n3A] : memref<2x320000xi32, #tpu.memory_space<hbm>> -> memref<2x19968xi32, #tpu.memory_space<hbm>>
      tpu.enqueue_dma source(%dma_start3A_21 : memref<2x19968xi32, #tpu.memory_space<hbm>>) target(%dma_start3A_19 : memref<2x19968xi32, #tpu.memory_space<vmem>>) target_semaphore(%arg15 : memref<!tpu.dma_semaphore, #tpu.memory_space<semaphore_mem>>)
      %lt3A_22 = arith.constant 4 : i32
      %lt3A_23 = arith.cmpi slt, %arg1, %lt3A_22 : i32
      %convert_element_type3A_24 = arith.extui %lt3A_23 : i1 to i32
      %cond3A_25 = arith.constant 0 : i32
      %cond3A_26 = arith.cmpi ne, %convert_element_type3A_24, %cond3A_25 : i32
      scf.if %cond3A_26 {
        %mul3A_139 = arith.constant 20096 : i32
        %mul3A_140 = arith.muli %arg1, %mul3A_139 : i32
        %add3A_141 = arith.constant 19968 : i32
        %add3A_142 = arith.addi %mul3A_140, %add3A_141 : i32
        "tpu.region"() ({
          %run_scoped3A = tpu.sem_alloc : memref<!tpu.dma_semaphore, #tpu.memory_space<semaphore_mem>>
          %dma_start3A_143 = arith.constant 0 : i32
          %dma_start3A_144 = arith.constant 19968 : i32
          %dma_start3A_145 = tpu.memref_slice %arg8[%dma_start3A_143, %dma_start3A_144] : memref<2x20096xi32, #tpu.memory_space<vmem>> -> memref<2x128xi32, #tpu.memory_space<vmem>>
          %dma_start3A_146 = arith.constant 0 : i32
          %dma_start3A_147 = tpu.memref_slice %arg5[%dma_start3A_146, %add3A_142] : memref<2x320000xi32, #tpu.memory_space<hbm>> -> memref<2x128xi32, #tpu.memory_space<hbm>>
          %dma_start3A_148 = arith.constant 0 : i32
          %dma_start3A_149 = arith.constant 19968 : i32
          %dma_start3A_150 = tpu.memref_slice %arg8[%dma_start3A_148, %dma_start3A_149] : memref<2x20096xi32, #tpu.memory_space<vmem>> -> memref<2x128xi32, #tpu.memory_space<vmem>>
          %dma_start3A_151 = arith.constant 0 : i32
          %dma_start3A_152 = tpu.memref_slice %arg5[%dma_start3A_151, %add3A_142] : memref<2x320000xi32, #tpu.memory_space<hbm>> -> memref<2x128xi32, #tpu.memory_space<hbm>>
          tpu.enqueue_dma source(%dma_start3A_152 : memref<2x128xi32, #tpu.memory_space<hbm>>) target(%dma_start3A_150 : memref<2x128xi32, #tpu.memory_space<vmem>>) target_semaphore(%run_scoped3A : memref<!tpu.dma_semaphore, #tpu.memory_space<semaphore_mem>>)
          %dma_wait3A_153 = arith.constant 0 : i32
          %dma_wait3A_154 = arith.constant 19968 : i32
          %dma_wait3A_155 = tpu.memref_slice %arg8[%dma_wait3A_153, %dma_wait3A_154] : memref<2x20096xi32, #tpu.memory_space<vmem>> -> memref<2x128xi32, #tpu.memory_space<vmem>>
          %dma_wait3A_156 = arith.constant 0 : i32
          %dma_wait3A_157 = tpu.memref_slice %arg5[%dma_wait3A_156, %add3A_142] : memref<2x320000xi32, #tpu.memory_space<hbm>> -> memref<2x128xi32, #tpu.memory_space<hbm>>
          %dma_wait3A_158 = arith.constant 0 : i32
          %dma_wait3A_159 = arith.constant 19968 : i32
          %dma_wait3A_160 = tpu.memref_slice %arg8[%dma_wait3A_158, %dma_wait3A_159] : memref<2x20096xi32, #tpu.memory_space<vmem>> -> memref<2x128xi32, #tpu.memory_space<vmem>>
          %dma_wait3A_161 = arith.constant 0 : i32
          %dma_wait3A_162 = tpu.memref_slice %arg5[%dma_wait3A_161, %add3A_142] : memref<2x320000xi32, #tpu.memory_space<hbm>> -> memref<2x128xi32, #tpu.memory_space<hbm>>
          tpu.wait_dma2 semaphore(%run_scoped3A : memref<!tpu.dma_semaphore, #tpu.memory_space<semaphore_mem>>) src(%dma_wait3A_162 : memref<2x128xi32, #tpu.memory_space<hbm>>) dst(%dma_wait3A_160 : memref<2x128xi32, #tpu.memory_space<vmem>>)
          tpu.yield
        }) : () -> ()
      } else {
      }
      %lt3A_27 = arith.constant 4 : i32
      %lt3A_28 = arith.cmpi slt, %arg1, %lt3A_27 : i32
      %jit3A = arith.constant 157 : i32
      %jit3A_29 = arith.constant 156 : i32
      %select_n3A_30 = arith.select %lt3A_28, %jit3A, %jit3A_29 : i32
      %broadcast_in_dim3A = arith.constant 0.000000e+00 : f32
      %broadcast_in_dim3A_31 = vector.broadcast %broadcast_in_dim3A : f32 to vector<16xf32>
      %scan3A = arith.constant 0 : i32
      %scan3A_32 = arith.constant 0 : i32
      %scan3A_33 = arith.constant 80 : i32
      %scan3A_34 = arith.addi %scan3A_32, %scan3A_33 : i32
      %scan3A_35 = arith.constant 1 : i32
      scf.for %scan3A_139 = %scan3A_32 to %scan3A_34 step %scan3A_35  : i32 {
        %mul3A_140 = arith.constant 8 : i32
        %mul3A_141 = arith.muli %scan3A_139, %mul3A_140 : i32
        %add3A_142 = arith.constant 0 : i32
        %add3A_143 = arith.addi %mul3A_141, %add3A_142 : i32
        %mul3A_144 = arith.constant 16 : i32
        %mul3A_145 = arith.muli %add3A_143, %mul3A_144 : i32
        %swap3A = arith.index_cast %mul3A_145 : i32 to index
        %swap3A_146 = tpu.vector_load %arg10[%swap3A] {strides = array<i32>} : memref<10240xf32, #tpu.memory_space<vmem>>, vector<16xf32>,
        tpu.vector_store %arg10[%swap3A], %broadcast_in_dim3A_31 {strides = array<i32>} : memref<10240xf32, #tpu.memory_space<vmem>>, vector<16xf32>,
        %mul3A_147 = arith.constant 8 : i32
        %mul3A_148 = arith.muli %scan3A_139, %mul3A_147 : i32
        %add3A_149 = arith.constant 1 : i32
        %add3A_150 = arith.addi %mul3A_148, %add3A_149 : i32
        %mul3A_151 = arith.constant 16 : i32
        %mul3A_152 = arith.muli %add3A_150, %mul3A_151 : i32
        %swap3A_153 = arith.index_cast %mul3A_152 : i32 to index
        %swap3A_154 = tpu.vector_load %arg10[%swap3A_153] {strides = array<i32>} : memref<10240xf32, #tpu.memory_space<vmem>>, vector<16xf32>,
        tpu.vector_store %arg10[%swap3A_153], %broadcast_in_dim3A_31 {strides = array<i32>} : memref<10240xf32, #tpu.memory_space<vmem>>, vector<16xf32>,
        %mul3A_155 = arith.constant 8 : i32
        %mul3A_156 = arith.muli %scan3A_139, %mul3A_155 : i32
        %add3A_157 = arith.constant 2 : i32
        %add3A_158 = arith.addi %mul3A_156, %add3A_157 : i32
        %mul3A_159 = arith.constant 16 : i32
        %mul3A_160 = arith.muli %add3A_158, %mul3A_159 : i32
        %swap3A_161 = arith.index_cast %mul3A_160 : i32 to index
        %swap3A_162 = tpu.vector_load %arg10[%swap3A_161] {strides = array<i32>} : memref<10240xf32, #tpu.memory_space<vmem>>, vector<16xf32>,
        tpu.vector_store %arg10[%swap3A_161], %broadcast_in_dim3A_31 {strides = array<i32>} : memref<10240xf32, #tpu.memory_space<vmem>>, vector<16xf32>,
        %mul3A_163 = arith.constant 8 : i32
        %mul3A_164 = arith.muli %scan3A_139, %mul3A_163 : i32
        %add3A_165 = arith.constant 3 : i32
        %add3A_166 = arith.addi %mul3A_164, %add3A_165 : i32
        %mul3A_167 = arith.constant 16 : i32
        %mul3A_168 = arith.muli %add3A_166, %mul3A_167 : i32
        %swap3A_169 = arith.index_cast %mul3A_168 : i32 to index
        %swap3A_170 = tpu.vector_load %arg10[%swap3A_169] {strides = array<i32>} : memref<10240xf32, #tpu.memory_space<vmem>>, vector<16xf32>,
        tpu.vector_store %arg10[%swap3A_169], %broadcast_in_dim3A_31 {strides = array<i32>} : memref<10240xf32, #tpu.memory_space<vmem>>, vector<16xf32>,
        %mul3A_171 = arith.constant 8 : i32
        %mul3A_172 = arith.muli %scan3A_139, %mul3A_171 : i32
        %add3A_173 = arith.constant 4 : i32
        %add3A_174 = arith.addi %mul3A_172, %add3A_173 : i32
        %mul3A_175 = arith.constant 16 : i32
        %mul3A_176 = arith.muli %add3A_174, %mul3A_175 : i32
        %swap3A_177 = arith.index_cast %mul3A_176 : i32 to index
        %swap3A_178 = tpu.vector_load %arg10[%swap3A_177] {strides = array<i32>} : memref<10240xf32, #tpu.memory_space<vmem>>, vector<16xf32>,
        tpu.vector_store %arg10[%swap3A_177], %broadcast_in_dim3A_31 {strides = array<i32>} : memref<10240xf32, #tpu.memory_space<vmem>>, vector<16xf32>,
        %mul3A_179 = arith.constant 8 : i32
        %mul3A_180 = arith.muli %scan3A_139, %mul3A_179 : i32
        %add3A_181 = arith.constant 5 : i32
        %add3A_182 = arith.addi %mul3A_180, %add3A_181 : i32
        %mul3A_183 = arith.constant 16 : i32
        %mul3A_184 = arith.muli %add3A_182, %mul3A_183 : i32
        %swap3A_185 = arith.index_cast %mul3A_184 : i32 to index
        %swap3A_186 = tpu.vector_load %arg10[%swap3A_185] {strides = array<i32>} : memref<10240xf32, #tpu.memory_space<vmem>>, vector<16xf32>,
        tpu.vector_store %arg10[%swap3A_185], %broadcast_in_dim3A_31 {strides = array<i32>} : memref<10240xf32, #tpu.memory_space<vmem>>, vector<16xf32>,
        %mul3A_187 = arith.constant 8 : i32
        %mul3A_188 = arith.muli %scan3A_139, %mul3A_187 : i32
        %add3A_189 = arith.constant 6 : i32
        %add3A_190 = arith.addi %mul3A_188, %add3A_189 : i32
        %mul3A_191 = arith.constant 16 : i32
        %mul3A_192 = arith.muli %add3A_190, %mul3A_191 : i32
        %swap3A_193 = arith.index_cast %mul3A_192 : i32 to index
        %swap3A_194 = tpu.vector_load %arg10[%swap3A_193] {strides = array<i32>} : memref<10240xf32, #tpu.memory_space<vmem>>, vector<16xf32>,
        tpu.vector_store %arg10[%swap3A_193], %broadcast_in_dim3A_31 {strides = array<i32>} : memref<10240xf32, #tpu.memory_space<vmem>>, vector<16xf32>,
        %mul3A_195 = arith.constant 8 : i32
        %mul3A_196 = arith.muli %scan3A_139, %mul3A_195 : i32
        %add3A_197 = arith.constant 7 : i32
        %add3A_198 = arith.addi %mul3A_196, %add3A_197 : i32
        %mul3A_199 = arith.constant 16 : i32
        %mul3A_200 = arith.muli %add3A_198, %mul3A_199 : i32
        %swap3A_201 = arith.index_cast %mul3A_200 : i32 to index
        %swap3A_202 = tpu.vector_load %arg10[%swap3A_201] {strides = array<i32>} : memref<10240xf32, #tpu.memory_space<vmem>>, vector<16xf32>,
        tpu.vector_store %arg10[%swap3A_201], %broadcast_in_dim3A_31 {strides = array<i32>} : memref<10240xf32, #tpu.memory_space<vmem>>, vector<16xf32>,
      }
      %scan3A_36 = arith.constant 80 : i32
      "tpu.region"() ({
        %run_scoped3A = tpu.sem_alloc : memref<!tpu.dma_semaphore, #tpu.memory_space<semaphore_mem>>
        %dma_start3A_139 = arith.constant 0 : i32
        %dma_start3A_140 = tpu.memref_slice %arg9[%dma_start3A_139] : memref<10240xf32, #tpu.memory_space<vmem>> -> memref<10000xf32, #tpu.memory_space<vmem>>
        %dma_start3A_141 = arith.constant 0 : i32
        %dma_start3A_142 = tpu.memref_slice %arg9[%dma_start3A_141] : memref<10240xf32, #tpu.memory_space<vmem>> -> memref<10000xf32, #tpu.memory_space<vmem>>
        tpu.enqueue_dma source(%arg4 : memref<10000xf32, #tpu.memory_space<hbm>>) target(%dma_start3A_142 : memref<10000xf32, #tpu.memory_space<vmem>>) target_semaphore(%run_scoped3A : memref<!tpu.dma_semaphore, #tpu.memory_space<semaphore_mem>>)
        %dma_wait3A_143 = arith.constant 0 : i32
        %dma_wait3A_144 = tpu.memref_slice %arg9[%dma_wait3A_143] : memref<10240xf32, #tpu.memory_space<vmem>> -> memref<10000xf32, #tpu.memory_space<vmem>>
        %dma_wait3A_145 = arith.constant 0 : i32
        %dma_wait3A_146 = tpu.memref_slice %arg9[%dma_wait3A_145] : memref<10240xf32, #tpu.memory_space<vmem>> -> memref<10000xf32, #tpu.memory_space<vmem>>
        tpu.wait_dma2 semaphore(%run_scoped3A : memref<!tpu.dma_semaphore, #tpu.memory_space<semaphore_mem>>) src(%arg4 : memref<10000xf32, #tpu.memory_space<hbm>>) dst(%dma_wait3A_146 : memref<10000xf32, #tpu.memory_space<vmem>>)
        tpu.yield
      }) : () -> ()
      %dma_wait3A = arith.constant 0 : i32
      %dma_wait3A_37 = arith.constant 0 : i32
      %dma_wait3A_38 = tpu.memref_slice %arg8[%dma_wait3A, %dma_wait3A_37] : memref<2x20096xi32, #tpu.memory_space<vmem>> -> memref<2x19968xi32, #tpu.memory_space<vmem>>
      %dma_wait3A_39 = arith.constant 0 : i32
      %dma_wait3A_40 = tpu.memref_slice %arg5[%dma_wait3A_39, %select_n3A] : memref<2x320000xi32, #tpu.memory_space<hbm>> -> memref<2x19968xi32, #tpu.memory_space<hbm>>
      %dma_wait3A_41 = arith.constant 0 : i32
      %dma_wait3A_42 = arith.constant 0 : i32
      %dma_wait3A_43 = tpu.memref_slice %arg8[%dma_wait3A_41, %dma_wait3A_42] : memref<2x20096xi32, #tpu.memory_space<vmem>> -> memref<2x19968xi32, #tpu.memory_space<vmem>>
      %dma_wait3A_44 = arith.constant 0 : i32
      %dma_wait3A_45 = tpu.memref_slice %arg5[%dma_wait3A_44, %select_n3A] : memref<2x320000xi32, #tpu.memory_space<hbm>> -> memref<2x19968xi32, #tpu.memory_space<hbm>>
      tpu.wait_dma2 semaphore(%arg15 : memref<!tpu.dma_semaphore, #tpu.memory_space<semaphore_mem>>) src(%dma_wait3A_45 : memref<2x19968xi32, #tpu.memory_space<hbm>>) dst(%dma_wait3A_43 : memref<2x19968xi32, #tpu.memory_space<vmem>>)
      %mul3A_46 = arith.constant 640 : i32
      %mul3A_47 = arith.muli %arg1, %mul3A_46 : i32
      %while3A = arith.constant 0 : i32
      %while3A_48 = arith.constant 0 : i32
      %while3A_49 = arith.subi %select_n3A_30, %while3A_48 : i32
      %while3A_50 = arith.addi %while3A_48, %while3A_49 : i32
      %while3A_51 = arith.constant 1 : i32
      %while3A_52 = arith.divsi %while3A_49, %while3A_51 : i32
      %while3A_53 = arith.muli %while3A_52, %while3A_51 : i32
      %while3A_54 = arith.addi %while3A_48, %while3A_53 : i32
      %while3A_55 = arith.constant 1 : i32
      scf.for %while3A_139 = %while3A_48 to %while3A_54 step %while3A_55  : i32 {
        %mul3A_140 = arith.constant 128 : i32
        %mul3A_141 = arith.muli %while3A_139, %mul3A_140 : i32
        %add3A_142 = arith.constant 0 : i32
        %add3A_143 = arith.addi %mul3A_141, %add3A_142 : i32
        %add3A_144 = arith.constant 16 : i32
        %add3A_145 = arith.addi %mul3A_141, %add3A_144 : i32
        %add3A_146 = arith.constant 32 : i32
        %add3A_147 = arith.addi %mul3A_141, %add3A_146 : i32
        %add3A_148 = arith.constant 48 : i32
        %add3A_149 = arith.addi %mul3A_141, %add3A_148 : i32
        %add3A_150 = arith.constant 64 : i32
        %add3A_151 = arith.addi %mul3A_141, %add3A_150 : i32
        %add3A_152 = arith.constant 80 : i32
        %add3A_153 = arith.addi %mul3A_141, %add3A_152 : i32
        %add3A_154 = arith.constant 96 : i32
        %add3A_155 = arith.addi %mul3A_141, %add3A_154 : i32
        %add3A_156 = arith.constant 112 : i32
        %add3A_157 = arith.addi %mul3A_141, %add3A_156 : i32
        %get3A = arith.constant 1 : i32
        %get3A_158 = arith.index_cast %get3A : i32 to index
        %get3A_159 = arith.index_cast %add3A_143 : i32 to index
        %get3A_160 = tpu.vector_load %arg8[%get3A_158, %get3A_159] {strides = array<i32>} : memref<2x20096xi32, #tpu.memory_space<vmem>>, vector<16xi32>,
        %get3A_161 = arith.constant 1 : i32
        %get3A_162 = arith.index_cast %get3A_161 : i32 to index
        %get3A_163 = arith.index_cast %add3A_145 : i32 to index
        %get3A_164 = tpu.vector_load %arg8[%get3A_162, %get3A_163] {strides = array<i32>} : memref<2x20096xi32, #tpu.memory_space<vmem>>, vector<16xi32>,
        %get3A_165 = arith.constant 1 : i32
        %get3A_166 = arith.index_cast %get3A_165 : i32 to index
        %get3A_167 = arith.index_cast %add3A_147 : i32 to index
        %get3A_168 = tpu.vector_load %arg8[%get3A_166, %get3A_167] {strides = array<i32>} : memref<2x20096xi32, #tpu.memory_space<vmem>>, vector<16xi32>,
        %get3A_169 = arith.constant 1 : i32
        %get3A_170 = arith.index_cast %get3A_169 : i32 to index
        %get3A_171 = arith.index_cast %add3A_149 : i32 to index
        %get3A_172 = tpu.vector_load %arg8[%get3A_170, %get3A_171] {strides = array<i32>} : memref<2x20096xi32, #tpu.memory_space<vmem>>, vector<16xi32>,
        %get3A_173 = arith.constant 1 : i32
        %get3A_174 = arith.index_cast %get3A_173 : i32 to index
        %get3A_175 = arith.index_cast %add3A_151 : i32 to index
        %get3A_176 = tpu.vector_load %arg8[%get3A_174, %get3A_175] {strides = array<i32>} : memref<2x20096xi32, #tpu.memory_space<vmem>>, vector<16xi32>,
        %get3A_177 = arith.constant 1 : i32
        %get3A_178 = arith.index_cast %get3A_177 : i32 to index
        %get3A_179 = arith.index_cast %add3A_153 : i32 to index
        %get3A_180 = tpu.vector_load %arg8[%get3A_178, %get3A_179] {strides = array<i32>} : memref<2x20096xi32, #tpu.memory_space<vmem>>, vector<16xi32>,
        %get3A_181 = arith.constant 1 : i32
        %get3A_182 = arith.index_cast %get3A_181 : i32 to index
        %get3A_183 = arith.index_cast %add3A_155 : i32 to index
        %get3A_184 = tpu.vector_load %arg8[%get3A_182, %get3A_183] {strides = array<i32>} : memref<2x20096xi32, #tpu.memory_space<vmem>>, vector<16xi32>,
        %get3A_185 = arith.constant 1 : i32
        %get3A_186 = arith.index_cast %get3A_185 : i32 to index
        %get3A_187 = arith.index_cast %add3A_157 : i32 to index
        %get3A_188 = tpu.vector_load %arg8[%get3A_186, %get3A_187] {strides = array<i32>} : memref<2x20096xi32, #tpu.memory_space<vmem>>, vector<16xi32>,
        %get3A_189 = arith.constant 0 : i32
        %get3A_190 = arith.index_cast %get3A_189 : i32 to index
        %get3A_191 = arith.index_cast %add3A_143 : i32 to index
        %get3A_192 = tpu.vector_load %arg8[%get3A_190, %get3A_191] {strides = array<i32>} : memref<2x20096xi32, #tpu.memory_space<vmem>>, vector<16xi32>,
        %get3A_193 = arith.constant 0 : i32
        %get3A_194 = arith.index_cast %get3A_193 : i32 to index
        %get3A_195 = arith.index_cast %add3A_145 : i32 to index
        %get3A_196 = tpu.vector_load %arg8[%get3A_194, %get3A_195] {strides = array<i32>} : memref<2x20096xi32, #tpu.memory_space<vmem>>, vector<16xi32>,
        %get3A_197 = arith.constant 0 : i32
        %get3A_198 = arith.index_cast %get3A_197 : i32 to index
        %get3A_199 = arith.index_cast %add3A_147 : i32 to index
        %get3A_200 = tpu.vector_load %arg8[%get3A_198, %get3A_199] {strides = array<i32>} : memref<2x20096xi32, #tpu.memory_space<vmem>>, vector<16xi32>,
        %get3A_201 = arith.constant 0 : i32
        %get3A_202 = arith.index_cast %get3A_201 : i32 to index
        %get3A_203 = arith.index_cast %add3A_149 : i32 to index
        %get3A_204 = tpu.vector_load %arg8[%get3A_202, %get3A_203] {strides = array<i32>} : memref<2x20096xi32, #tpu.memory_space<vmem>>, vector<16xi32>,
        %get3A_205 = arith.constant 0 : i32
        %get3A_206 = arith.index_cast %get3A_205 : i32 to index
        %get3A_207 = arith.index_cast %add3A_151 : i32 to index
        %get3A_208 = tpu.vector_load %arg8[%get3A_206, %get3A_207] {strides = array<i32>} : memref<2x20096xi32, #tpu.memory_space<vmem>>, vector<16xi32>,
        %get3A_209 = arith.constant 0 : i32
        %get3A_210 = arith.index_cast %get3A_209 : i32 to index
        %get3A_211 = arith.index_cast %add3A_153 : i32 to index
        %get3A_212 = tpu.vector_load %arg8[%get3A_210, %get3A_211] {strides = array<i32>} : memref<2x20096xi32, #tpu.memory_space<vmem>>, vector<16xi32>,
        %get3A_213 = arith.constant 0 : i32
        %get3A_214 = arith.index_cast %get3A_213 : i32 to index
        %get3A_215 = arith.index_cast %add3A_155 : i32 to index
        %get3A_216 = tpu.vector_load %arg8[%get3A_214, %get3A_215] {strides = array<i32>} : memref<2x20096xi32, #tpu.memory_space<vmem>>, vector<16xi32>,
        %get3A_217 = arith.constant 0 : i32
        %get3A_218 = arith.index_cast %get3A_217 : i32 to index
        %get3A_219 = arith.index_cast %add3A_157 : i32 to index
        %get3A_220 = tpu.vector_load %arg8[%get3A_218, %get3A_219] {strides = array<i32>} : memref<2x20096xi32, #tpu.memory_space<vmem>>, vector<16xi32>,
        %gather3A = tpu.vector_load_idx %arg9[%get3A_160] : memref<10240xf32, #tpu.memory_space<vmem>>[vector<16xi32>], vector<16xf32>,
        %gather3A_221 = tpu.vector_load_idx %arg9[%get3A_164] : memref<10240xf32, #tpu.memory_space<vmem>>[vector<16xi32>], vector<16xf32>,
        %gather3A_222 = tpu.vector_load_idx %arg9[%get3A_168] : memref<10240xf32, #tpu.memory_space<vmem>>[vector<16xi32>], vector<16xf32>,
        %gather3A_223 = tpu.vector_load_idx %arg9[%get3A_172] : memref<10240xf32, #tpu.memory_space<vmem>>[vector<16xi32>], vector<16xf32>,
        %gather3A_224 = tpu.vector_load_idx %arg9[%get3A_176] : memref<10240xf32, #tpu.memory_space<vmem>>[vector<16xi32>], vector<16xf32>,
        %gather3A_225 = tpu.vector_load_idx %arg9[%get3A_180] : memref<10240xf32, #tpu.memory_space<vmem>>[vector<16xi32>], vector<16xf32>,
        %gather3A_226 = tpu.vector_load_idx %arg9[%get3A_184] : memref<10240xf32, #tpu.memory_space<vmem>>[vector<16xi32>], vector<16xf32>,
        %gather3A_227 = tpu.vector_load_idx %arg9[%get3A_188] : memref<10240xf32, #tpu.memory_space<vmem>>[vector<16xi32>], vector<16xf32>,
        tpu.vector_store_idx %arg10[%get3A_192], %gather3A {add = true} : memref<10240xf32, #tpu.memory_space<vmem>>[vector<16xi32>], vector<16xf32>,
        tpu.vector_store_idx %arg10[%get3A_196], %gather3A_221 {add = true} : memref<10240xf32, #tpu.memory_space<vmem>>[vector<16xi32>], vector<16xf32>,
        tpu.vector_store_idx %arg10[%get3A_200], %gather3A_222 {add = true} : memref<10240xf32, #tpu.memory_space<vmem>>[vector<16xi32>], vector<16xf32>,
        tpu.vector_store_idx %arg10[%get3A_204], %gather3A_223 {add = true} : memref<10240xf32, #tpu.memory_space<vmem>>[vector<16xi32>], vector<16xf32>,
        tpu.vector_store_idx %arg10[%get3A_208], %gather3A_224 {add = true} : memref<10240xf32, #tpu.memory_space<vmem>>[vector<16xi32>], vector<16xf32>,
        tpu.vector_store_idx %arg10[%get3A_212], %gather3A_225 {add = true} : memref<10240xf32, #tpu.memory_space<vmem>>[vector<16xi32>], vector<16xf32>,
        tpu.vector_store_idx %arg10[%get3A_216], %gather3A_226 {add = true} : memref<10240xf32, #tpu.memory_space<vmem>>[vector<16xi32>], vector<16xf32>,
        tpu.vector_store_idx %arg10[%get3A_220], %gather3A_227 {add = true} : memref<10240xf32, #tpu.memory_space<vmem>>[vector<16xi32>], vector<16xf32>,
      }
      %while3A_56 = arith.constant 1 : i32
      scf.for %while3A_139 = %while3A_54 to %while3A_50 step %while3A_56  : i32 {
        %mul3A_140 = arith.constant 128 : i32
        %mul3A_141 = arith.muli %while3A_139, %mul3A_140 : i32
        %add3A_142 = arith.constant 0 : i32
        %add3A_143 = arith.addi %mul3A_141, %add3A_142 : i32
        %add3A_144 = arith.constant 16 : i32
        %add3A_145 = arith.addi %mul3A_141, %add3A_144 : i32
        %add3A_146 = arith.constant 32 : i32
        %add3A_147 = arith.addi %mul3A_141, %add3A_146 : i32
        %add3A_148 = arith.constant 48 : i32
        %add3A_149 = arith.addi %mul3A_141, %add3A_148 : i32
        %add3A_150 = arith.constant 64 : i32
        %add3A_151 = arith.addi %mul3A_141, %add3A_150 : i32
        %add3A_152 = arith.constant 80 : i32
        %add3A_153 = arith.addi %mul3A_141, %add3A_152 : i32
        %add3A_154 = arith.constant 96 : i32
        %add3A_155 = arith.addi %mul3A_141, %add3A_154 : i32
        %add3A_156 = arith.constant 112 : i32
        %add3A_157 = arith.addi %mul3A_141, %add3A_156 : i32
        %get3A = arith.constant 1 : i32
        %get3A_158 = arith.index_cast %get3A : i32 to index
        %get3A_159 = arith.index_cast %add3A_143 : i32 to index
        %get3A_160 = tpu.vector_load %arg8[%get3A_158, %get3A_159] {strides = array<i32>} : memref<2x20096xi32, #tpu.memory_space<vmem>>, vector<16xi32>,
        %get3A_161 = arith.constant 1 : i32
        %get3A_162 = arith.index_cast %get3A_161 : i32 to index
        %get3A_163 = arith.index_cast %add3A_145 : i32 to index
        %get3A_164 = tpu.vector_load %arg8[%get3A_162, %get3A_163] {strides = array<i32>} : memref<2x20096xi32, #tpu.memory_space<vmem>>, vector<16xi32>,
        %get3A_165 = arith.constant 1 : i32
        %get3A_166 = arith.index_cast %get3A_165 : i32 to index
        %get3A_167 = arith.index_cast %add3A_147 : i32 to index
        %get3A_168 = tpu.vector_load %arg8[%get3A_166, %get3A_167] {strides = array<i32>} : memref<2x20096xi32, #tpu.memory_space<vmem>>, vector<16xi32>,
        %get3A_169 = arith.constant 1 : i32
        %get3A_170 = arith.index_cast %get3A_169 : i32 to index
        %get3A_171 = arith.index_cast %add3A_149 : i32 to index
        %get3A_172 = tpu.vector_load %arg8[%get3A_170, %get3A_171] {strides = array<i32>} : memref<2x20096xi32, #tpu.memory_space<vmem>>, vector<16xi32>,
        %get3A_173 = arith.constant 1 : i32
        %get3A_174 = arith.index_cast %get3A_173 : i32 to index
        %get3A_175 = arith.index_cast %add3A_151 : i32 to index
        %get3A_176 = tpu.vector_load %arg8[%get3A_174, %get3A_175] {strides = array<i32>} : memref<2x20096xi32, #tpu.memory_space<vmem>>, vector<16xi32>,
        %get3A_177 = arith.constant 1 : i32
        %get3A_178 = arith.index_cast %get3A_177 : i32 to index
        %get3A_179 = arith.index_cast %add3A_153 : i32 to index
        %get3A_180 = tpu.vector_load %arg8[%get3A_178, %get3A_179] {strides = array<i32>} : memref<2x20096xi32, #tpu.memory_space<vmem>>, vector<16xi32>,
        %get3A_181 = arith.constant 1 : i32
        %get3A_182 = arith.index_cast %get3A_181 : i32 to index
        %get3A_183 = arith.index_cast %add3A_155 : i32 to index
        %get3A_184 = tpu.vector_load %arg8[%get3A_182, %get3A_183] {strides = array<i32>} : memref<2x20096xi32, #tpu.memory_space<vmem>>, vector<16xi32>,
        %get3A_185 = arith.constant 1 : i32
        %get3A_186 = arith.index_cast %get3A_185 : i32 to index
        %get3A_187 = arith.index_cast %add3A_157 : i32 to index
        %get3A_188 = tpu.vector_load %arg8[%get3A_186, %get3A_187] {strides = array<i32>} : memref<2x20096xi32, #tpu.memory_space<vmem>>, vector<16xi32>,
        %get3A_189 = arith.constant 0 : i32
        %get3A_190 = arith.index_cast %get3A_189 : i32 to index
        %get3A_191 = arith.index_cast %add3A_143 : i32 to index
        %get3A_192 = tpu.vector_load %arg8[%get3A_190, %get3A_191] {strides = array<i32>} : memref<2x20096xi32, #tpu.memory_space<vmem>>, vector<16xi32>,
        %get3A_193 = arith.constant 0 : i32
        %get3A_194 = arith.index_cast %get3A_193 : i32 to index
        %get3A_195 = arith.index_cast %add3A_145 : i32 to index
        %get3A_196 = tpu.vector_load %arg8[%get3A_194, %get3A_195] {strides = array<i32>} : memref<2x20096xi32, #tpu.memory_space<vmem>>, vector<16xi32>,
        %get3A_197 = arith.constant 0 : i32
        %get3A_198 = arith.index_cast %get3A_197 : i32 to index
        %get3A_199 = arith.index_cast %add3A_147 : i32 to index
        %get3A_200 = tpu.vector_load %arg8[%get3A_198, %get3A_199] {strides = array<i32>} : memref<2x20096xi32, #tpu.memory_space<vmem>>, vector<16xi32>,
        %get3A_201 = arith.constant 0 : i32
        %get3A_202 = arith.index_cast %get3A_201 : i32 to index
        %get3A_203 = arith.index_cast %add3A_149 : i32 to index
        %get3A_204 = tpu.vector_load %arg8[%get3A_202, %get3A_203] {strides = array<i32>} : memref<2x20096xi32, #tpu.memory_space<vmem>>, vector<16xi32>,
        %get3A_205 = arith.constant 0 : i32
        %get3A_206 = arith.index_cast %get3A_205 : i32 to index
        %get3A_207 = arith.index_cast %add3A_151 : i32 to index
        %get3A_208 = tpu.vector_load %arg8[%get3A_206, %get3A_207] {strides = array<i32>} : memref<2x20096xi32, #tpu.memory_space<vmem>>, vector<16xi32>,
        %get3A_209 = arith.constant 0 : i32
        %get3A_210 = arith.index_cast %get3A_209 : i32 to index
        %get3A_211 = arith.index_cast %add3A_153 : i32 to index
        %get3A_212 = tpu.vector_load %arg8[%get3A_210, %get3A_211] {strides = array<i32>} : memref<2x20096xi32, #tpu.memory_space<vmem>>, vector<16xi32>,
        %get3A_213 = arith.constant 0 : i32
        %get3A_214 = arith.index_cast %get3A_213 : i32 to index
        %get3A_215 = arith.index_cast %add3A_155 : i32 to index
        %get3A_216 = tpu.vector_load %arg8[%get3A_214, %get3A_215] {strides = array<i32>} : memref<2x20096xi32, #tpu.memory_space<vmem>>, vector<16xi32>,
        %get3A_217 = arith.constant 0 : i32
        %get3A_218 = arith.index_cast %get3A_217 : i32 to index
        %get3A_219 = arith.index_cast %add3A_157 : i32 to index
        %get3A_220 = tpu.vector_load %arg8[%get3A_218, %get3A_219] {strides = array<i32>} : memref<2x20096xi32, #tpu.memory_space<vmem>>, vector<16xi32>,
        %gather3A = tpu.vector_load_idx %arg9[%get3A_160] : memref<10240xf32, #tpu.memory_space<vmem>>[vector<16xi32>], vector<16xf32>,
        %gather3A_221 = tpu.vector_load_idx %arg9[%get3A_164] : memref<10240xf32, #tpu.memory_space<vmem>>[vector<16xi32>], vector<16xf32>,
        %gather3A_222 = tpu.vector_load_idx %arg9[%get3A_168] : memref<10240xf32, #tpu.memory_space<vmem>>[vector<16xi32>], vector<16xf32>,
        %gather3A_223 = tpu.vector_load_idx %arg9[%get3A_172] : memref<10240xf32, #tpu.memory_space<vmem>>[vector<16xi32>], vector<16xf32>,
        %gather3A_224 = tpu.vector_load_idx %arg9[%get3A_176] : memref<10240xf32, #tpu.memory_space<vmem>>[vector<16xi32>], vector<16xf32>,
        %gather3A_225 = tpu.vector_load_idx %arg9[%get3A_180] : memref<10240xf32, #tpu.memory_space<vmem>>[vector<16xi32>], vector<16xf32>,
        %gather3A_226 = tpu.vector_load_idx %arg9[%get3A_184] : memref<10240xf32, #tpu.memory_space<vmem>>[vector<16xi32>], vector<16xf32>,
        %gather3A_227 = tpu.vector_load_idx %arg9[%get3A_188] : memref<10240xf32, #tpu.memory_space<vmem>>[vector<16xi32>], vector<16xf32>,
        tpu.vector_store_idx %arg10[%get3A_192], %gather3A {add = true} : memref<10240xf32, #tpu.memory_space<vmem>>[vector<16xi32>], vector<16xf32>,
        tpu.vector_store_idx %arg10[%get3A_196], %gather3A_221 {add = true} : memref<10240xf32, #tpu.memory_space<vmem>>[vector<16xi32>], vector<16xf32>,
        tpu.vector_store_idx %arg10[%get3A_200], %gather3A_222 {add = true} : memref<10240xf32, #tpu.memory_space<vmem>>[vector<16xi32>], vector<16xf32>,
        tpu.vector_store_idx %arg10[%get3A_204], %gather3A_223 {add = true} : memref<10240xf32, #tpu.memory_space<vmem>>[vector<16xi32>], vector<16xf32>,
        tpu.vector_store_idx %arg10[%get3A_208], %gather3A_224 {add = true} : memref<10240xf32, #tpu.memory_space<vmem>>[vector<16xi32>], vector<16xf32>,
        tpu.vector_store_idx %arg10[%get3A_212], %gather3A_225 {add = true} : memref<10240xf32, #tpu.memory_space<vmem>>[vector<16xi32>], vector<16xf32>,
        tpu.vector_store_idx %arg10[%get3A_216], %gather3A_226 {add = true} : memref<10240xf32, #tpu.memory_space<vmem>>[vector<16xi32>], vector<16xf32>,
        tpu.vector_store_idx %arg10[%get3A_220], %gather3A_227 {add = true} : memref<10240xf32, #tpu.memory_space<vmem>>[vector<16xi32>], vector<16xf32>,
      }
      "tpu.region"() ({
        %run_scoped3A = tpu.sem_alloc : memref<!tpu.dma_semaphore, #tpu.memory_space<semaphore_mem>>
        %dma_start3A_139 = arith.constant 0 : i32
        %dma_start3A_140 = tpu.memref_slice %arg13[%arg1, %dma_start3A_139] : memref<16x10240xf32, #tpu.memory_space<vmem_shared>> -> memref<1x10240xf32, #tpu.memory_space<vmem_shared>>
        %dma_start3A_141 = tpu.memref_squeeze %dma_start3A_140 : memref<1x10240xf32, #tpu.memory_space<vmem_shared>> -> memref<10240xf32, #tpu.memory_space<vmem_shared>>
        %dma_start3A_142 = arith.constant 0 : i32
        %dma_start3A_143 = tpu.memref_slice %arg13[%arg1, %dma_start3A_142] : memref<16x10240xf32, #tpu.memory_space<vmem_shared>> -> memref<1x10240xf32, #tpu.memory_space<vmem_shared>>
        %dma_start3A_144 = tpu.memref_squeeze %dma_start3A_143 : memref<1x10240xf32, #tpu.memory_space<vmem_shared>> -> memref<10240xf32, #tpu.memory_space<vmem_shared>>
        tpu.enqueue_dma source(%arg10 : memref<10240xf32, #tpu.memory_space<vmem>>) target(%dma_start3A_144 : memref<10240xf32, #tpu.memory_space<vmem_shared>>) target_semaphore(%run_scoped3A : memref<!tpu.dma_semaphore, #tpu.memory_space<semaphore_mem>>)
        %dma_wait3A_145 = arith.constant 0 : i32
        %dma_wait3A_146 = tpu.memref_slice %arg13[%arg1, %dma_wait3A_145] : memref<16x10240xf32, #tpu.memory_space<vmem_shared>> -> memref<1x10240xf32, #tpu.memory_space<vmem_shared>>
        %dma_wait3A_147 = tpu.memref_squeeze %dma_wait3A_146 : memref<1x10240xf32, #tpu.memory_space<vmem_shared>> -> memref<10240xf32, #tpu.memory_space<vmem_shared>>
        %dma_wait3A_148 = arith.constant 0 : i32
        %dma_wait3A_149 = tpu.memref_slice %arg13[%arg1, %dma_wait3A_148] : memref<16x10240xf32, #tpu.memory_space<vmem_shared>> -> memref<1x10240xf32, #tpu.memory_space<vmem_shared>>
        %dma_wait3A_150 = tpu.memref_squeeze %dma_wait3A_149 : memref<1x10240xf32, #tpu.memory_space<vmem_shared>> -> memref<10240xf32, #tpu.memory_space<vmem_shared>>
        tpu.wait_dma2 semaphore(%run_scoped3A : memref<!tpu.dma_semaphore, #tpu.memory_space<semaphore_mem>>) src(%arg10 : memref<10240xf32, #tpu.memory_space<vmem>>) dst(%dma_wait3A_150 : memref<10240xf32, #tpu.memory_space<vmem_shared>>)
        tpu.yield
      }) : () -> ()
      %barrier3A = arith.constant 0 : index
      tpu.barrier barrier_id(%barrier3A)
      %dma_start3A_57 = arith.constant 0 : i32
      %dma_start3A_58 = tpu.memref_slice %arg13[%dma_start3A_57, %mul3A_47] : memref<16x10240xf32, #tpu.memory_space<vmem_shared>> -> memref<16x640xf32, #tpu.memory_space<vmem_shared>>
      %dma_start3A_59 = arith.constant 0 : i32
      %dma_start3A_60 = tpu.memref_slice %arg13[%dma_start3A_59, %mul3A_47] : memref<16x10240xf32, #tpu.memory_space<vmem_shared>> -> memref<16x640xf32, #tpu.memory_space<vmem_shared>>
      tpu.enqueue_dma source(%dma_start3A_60 : memref<16x640xf32, #tpu.memory_space<vmem_shared>>) target(%arg12 : memref<16x640xf32, #tpu.memory_space<vmem>>) target_semaphore(%arg15 : memref<!tpu.dma_semaphore, #tpu.memory_space<semaphore_mem>>)
      %broadcast_in_dim3A_61 = arith.constant 0.000000e+00 : f32
      %broadcast_in_dim3A_62 = vector.broadcast %broadcast_in_dim3A_61 : f32 to vector<16xf32>
      %scan3A_63 = arith.constant 0 : i32
      %scan3A_64 = arith.constant 0 : i32
      %scan3A_65 = arith.constant 80 : i32
      %scan3A_66 = arith.addi %scan3A_64, %scan3A_65 : i32
      %scan3A_67 = arith.constant 1 : i32
      scf.for %scan3A_139 = %scan3A_64 to %scan3A_66 step %scan3A_67  : i32 {
        %mul3A_140 = arith.constant 8 : i32
        %mul3A_141 = arith.muli %scan3A_139, %mul3A_140 : i32
        %add3A_142 = arith.constant 0 : i32
        %add3A_143 = arith.addi %mul3A_141, %add3A_142 : i32
        %mul3A_144 = arith.constant 16 : i32
        %mul3A_145 = arith.muli %add3A_143, %mul3A_144 : i32
        %swap3A = arith.index_cast %mul3A_145 : i32 to index
        %swap3A_146 = tpu.vector_load %arg10[%swap3A] {strides = array<i32>} : memref<10240xf32, #tpu.memory_space<vmem>>, vector<16xf32>,
        tpu.vector_store %arg10[%swap3A], %broadcast_in_dim3A_62 {strides = array<i32>} : memref<10240xf32, #tpu.memory_space<vmem>>, vector<16xf32>,
        %mul3A_147 = arith.constant 8 : i32
        %mul3A_148 = arith.muli %scan3A_139, %mul3A_147 : i32
        %add3A_149 = arith.constant 1 : i32
        %add3A_150 = arith.addi %mul3A_148, %add3A_149 : i32
        %mul3A_151 = arith.constant 16 : i32
        %mul3A_152 = arith.muli %add3A_150, %mul3A_151 : i32
        %swap3A_153 = arith.index_cast %mul3A_152 : i32 to index
        %swap3A_154 = tpu.vector_load %arg10[%swap3A_153] {strides = array<i32>} : memref<10240xf32, #tpu.memory_space<vmem>>, vector<16xf32>,
        tpu.vector_store %arg10[%swap3A_153], %broadcast_in_dim3A_62 {strides = array<i32>} : memref<10240xf32, #tpu.memory_space<vmem>>, vector<16xf32>,
        %mul3A_155 = arith.constant 8 : i32
        %mul3A_156 = arith.muli %scan3A_139, %mul3A_155 : i32
        %add3A_157 = arith.constant 2 : i32
        %add3A_158 = arith.addi %mul3A_156, %add3A_157 : i32
        %mul3A_159 = arith.constant 16 : i32
        %mul3A_160 = arith.muli %add3A_158, %mul3A_159 : i32
        %swap3A_161 = arith.index_cast %mul3A_160 : i32 to index
        %swap3A_162 = tpu.vector_load %arg10[%swap3A_161] {strides = array<i32>} : memref<10240xf32, #tpu.memory_space<vmem>>, vector<16xf32>,
        tpu.vector_store %arg10[%swap3A_161], %broadcast_in_dim3A_62 {strides = array<i32>} : memref<10240xf32, #tpu.memory_space<vmem>>, vector<16xf32>,
        %mul3A_163 = arith.constant 8 : i32
        %mul3A_164 = arith.muli %scan3A_139, %mul3A_163 : i32
        %add3A_165 = arith.constant 3 : i32
        %add3A_166 = arith.addi %mul3A_164, %add3A_165 : i32
        %mul3A_167 = arith.constant 16 : i32
        %mul3A_168 = arith.muli %add3A_166, %mul3A_167 : i32
        %swap3A_169 = arith.index_cast %mul3A_168 : i32 to index
        %swap3A_170 = tpu.vector_load %arg10[%swap3A_169] {strides = array<i32>} : memref<10240xf32, #tpu.memory_space<vmem>>, vector<16xf32>,
        tpu.vector_store %arg10[%swap3A_169], %broadcast_in_dim3A_62 {strides = array<i32>} : memref<10240xf32, #tpu.memory_space<vmem>>, vector<16xf32>,
        %mul3A_171 = arith.constant 8 : i32
        %mul3A_172 = arith.muli %scan3A_139, %mul3A_171 : i32
        %add3A_173 = arith.constant 4 : i32
        %add3A_174 = arith.addi %mul3A_172, %add3A_173 : i32
        %mul3A_175 = arith.constant 16 : i32
        %mul3A_176 = arith.muli %add3A_174, %mul3A_175 : i32
        %swap3A_177 = arith.index_cast %mul3A_176 : i32 to index
        %swap3A_178 = tpu.vector_load %arg10[%swap3A_177] {strides = array<i32>} : memref<10240xf32, #tpu.memory_space<vmem>>, vector<16xf32>,
        tpu.vector_store %arg10[%swap3A_177], %broadcast_in_dim3A_62 {strides = array<i32>} : memref<10240xf32, #tpu.memory_space<vmem>>, vector<16xf32>,
        %mul3A_179 = arith.constant 8 : i32
        %mul3A_180 = arith.muli %scan3A_139, %mul3A_179 : i32
        %add3A_181 = arith.constant 5 : i32
        %add3A_182 = arith.addi %mul3A_180, %add3A_181 : i32
        %mul3A_183 = arith.constant 16 : i32
        %mul3A_184 = arith.muli %add3A_182, %mul3A_183 : i32
        %swap3A_185 = arith.index_cast %mul3A_184 : i32 to index
        %swap3A_186 = tpu.vector_load %arg10[%swap3A_185] {strides = array<i32>} : memref<10240xf32, #tpu.memory_space<vmem>>, vector<16xf32>,
        tpu.vector_store %arg10[%swap3A_185], %broadcast_in_dim3A_62 {strides = array<i32>} : memref<10240xf32, #tpu.memory_space<vmem>>, vector<16xf32>,
        %mul3A_187 = arith.constant 8 : i32
        %mul3A_188 = arith.muli %scan3A_139, %mul3A_187 : i32
        %add3A_189 = arith.constant 6 : i32
        %add3A_190 = arith.addi %mul3A_188, %add3A_189 : i32
        %mul3A_191 = arith.constant 16 : i32
        %mul3A_192 = arith.muli %add3A_190, %mul3A_191 : i32
        %swap3A_193 = arith.index_cast %mul3A_192 : i32 to index
        %swap3A_194 = tpu.vector_load %arg10[%swap3A_193] {strides = array<i32>} : memref<10240xf32, #tpu.memory_space<vmem>>, vector<16xf32>,
        tpu.vector_store %arg10[%swap3A_193], %broadcast_in_dim3A_62 {strides = array<i32>} : memref<10240xf32, #tpu.memory_space<vmem>>, vector<16xf32>,
        %mul3A_195 = arith.constant 8 : i32
        %mul3A_196 = arith.muli %scan3A_139, %mul3A_195 : i32
        %add3A_197 = arith.constant 7 : i32
        %add3A_198 = arith.addi %mul3A_196, %add3A_197 : i32
        %mul3A_199 = arith.constant 16 : i32
        %mul3A_200 = arith.muli %add3A_198, %mul3A_199 : i32
        %swap3A_201 = arith.index_cast %mul3A_200 : i32 to index
        %swap3A_202 = tpu.vector_load %arg10[%swap3A_201] {strides = array<i32>} : memref<10240xf32, #tpu.memory_space<vmem>>, vector<16xf32>,
        tpu.vector_store %arg10[%swap3A_201], %broadcast_in_dim3A_62 {strides = array<i32>} : memref<10240xf32, #tpu.memory_space<vmem>>, vector<16xf32>,
      }
      %scan3A_68 = arith.constant 80 : i32
      %dma_wait3A_69 = arith.constant 0 : i32
      %dma_wait3A_70 = tpu.memref_slice %arg13[%dma_wait3A_69, %mul3A_47] : memref<16x10240xf32, #tpu.memory_space<vmem_shared>> -> memref<16x640xf32, #tpu.memory_space<vmem_shared>>
      %dma_wait3A_71 = arith.constant 0 : i32
      %dma_wait3A_72 = tpu.memref_slice %arg13[%dma_wait3A_71, %mul3A_47] : memref<16x10240xf32, #tpu.memory_space<vmem_shared>> -> memref<16x640xf32, #tpu.memory_space<vmem_shared>>
      tpu.wait_dma2 semaphore(%arg15 : memref<!tpu.dma_semaphore, #tpu.memory_space<semaphore_mem>>) src(%dma_wait3A_72 : memref<16x640xf32, #tpu.memory_space<vmem_shared>>) dst(%arg12 : memref<16x640xf32, #tpu.memory_space<vmem>>)
      %scan3A_73 = arith.constant 0 : i32
      %scan3A_74 = arith.constant 0 : i32
      %scan3A_75 = arith.constant 40 : i32
      %scan3A_76 = arith.addi %scan3A_74, %scan3A_75 : i32
      %scan3A_77 = arith.constant 1 : i32
      scf.for %scan3A_139 = %scan3A_74 to %scan3A_76 step %scan3A_77  : i32 {
        %mul3A_140 = arith.constant 16 : i32
        %mul3A_141 = arith.muli %scan3A_139, %mul3A_140 : i32
        %get3A = arith.constant 0 : i32
        %get3A_142 = arith.index_cast %get3A : i32 to index
        %get3A_143 = arith.index_cast %mul3A_141 : i32 to index
        %get3A_144 = tpu.vector_load %arg12[%get3A_142, %get3A_143] {strides = array<i32>} : memref<16x640xf32, #tpu.memory_space<vmem>>, vector<16xf32>,
        %get3A_145 = arith.constant 1 : i32
        %get3A_146 = arith.index_cast %get3A_145 : i32 to index
        %get3A_147 = arith.index_cast %mul3A_141 : i32 to index
        %get3A_148 = tpu.vector_load %arg12[%get3A_146, %get3A_147] {strides = array<i32>} : memref<16x640xf32, #tpu.memory_space<vmem>>, vector<16xf32>,
        %add3A_149 = arith.addf %get3A_144, %get3A_148 : vector<16xf32>
        %get3A_150 = arith.constant 2 : i32
        %get3A_151 = arith.index_cast %get3A_150 : i32 to index
        %get3A_152 = arith.index_cast %mul3A_141 : i32 to index
        %get3A_153 = tpu.vector_load %arg12[%get3A_151, %get3A_152] {strides = array<i32>} : memref<16x640xf32, #tpu.memory_space<vmem>>, vector<16xf32>,
        %add3A_154 = arith.addf %add3A_149, %get3A_153 : vector<16xf32>
        %get3A_155 = arith.constant 3 : i32
        %get3A_156 = arith.index_cast %get3A_155 : i32 to index
        %get3A_157 = arith.index_cast %mul3A_141 : i32 to index
        %get3A_158 = tpu.vector_load %arg12[%get3A_156, %get3A_157] {strides = array<i32>} : memref<16x640xf32, #tpu.memory_space<vmem>>, vector<16xf32>,
        %add3A_159 = arith.addf %add3A_154, %get3A_158 : vector<16xf32>
        %get3A_160 = arith.constant 4 : i32
        %get3A_161 = arith.index_cast %get3A_160 : i32 to index
        %get3A_162 = arith.index_cast %mul3A_141 : i32 to index
        %get3A_163 = tpu.vector_load %arg12[%get3A_161, %get3A_162] {strides = array<i32>} : memref<16x640xf32, #tpu.memory_space<vmem>>, vector<16xf32>,
        %add3A_164 = arith.addf %add3A_159, %get3A_163 : vector<16xf32>
        %get3A_165 = arith.constant 5 : i32
        %get3A_166 = arith.index_cast %get3A_165 : i32 to index
        %get3A_167 = arith.index_cast %mul3A_141 : i32 to index
        %get3A_168 = tpu.vector_load %arg12[%get3A_166, %get3A_167] {strides = array<i32>} : memref<16x640xf32, #tpu.memory_space<vmem>>, vector<16xf32>,
        %add3A_169 = arith.addf %add3A_164, %get3A_168 : vector<16xf32>
        %get3A_170 = arith.constant 6 : i32
        %get3A_171 = arith.index_cast %get3A_170 : i32 to index
        %get3A_172 = arith.index_cast %mul3A_141 : i32 to index
        %get3A_173 = tpu.vector_load %arg12[%get3A_171, %get3A_172] {strides = array<i32>} : memref<16x640xf32, #tpu.memory_space<vmem>>, vector<16xf32>,
        %add3A_174 = arith.addf %add3A_169, %get3A_173 : vector<16xf32>
        %get3A_175 = arith.constant 7 : i32
        %get3A_176 = arith.index_cast %get3A_175 : i32 to index
        %get3A_177 = arith.index_cast %mul3A_141 : i32 to index
        %get3A_178 = tpu.vector_load %arg12[%get3A_176, %get3A_177] {strides = array<i32>} : memref<16x640xf32, #tpu.memory_space<vmem>>, vector<16xf32>,
        %add3A_179 = arith.addf %add3A_174, %get3A_178 : vector<16xf32>
        %get3A_180 = arith.constant 8 : i32
        %get3A_181 = arith.index_cast %get3A_180 : i32 to index
        %get3A_182 = arith.index_cast %mul3A_141 : i32 to index
        %get3A_183 = tpu.vector_load %arg12[%get3A_181, %get3A_182] {strides = array<i32>} : memref<16x640xf32, #tpu.memory_space<vmem>>, vector<16xf32>,
        %add3A_184 = arith.addf %add3A_179, %get3A_183 : vector<16xf32>
        %get3A_185 = arith.constant 9 : i32
        %get3A_186 = arith.index_cast %get3A_185 : i32 to index
        %get3A_187 = arith.index_cast %mul3A_141 : i32 to index
        %get3A_188 = tpu.vector_load %arg12[%get3A_186, %get3A_187] {strides = array<i32>} : memref<16x640xf32, #tpu.memory_space<vmem>>, vector<16xf32>,
        %add3A_189 = arith.addf %add3A_184, %get3A_188 : vector<16xf32>
        %get3A_190 = arith.constant 10 : i32
        %get3A_191 = arith.index_cast %get3A_190 : i32 to index
        %get3A_192 = arith.index_cast %mul3A_141 : i32 to index
        %get3A_193 = tpu.vector_load %arg12[%get3A_191, %get3A_192] {strides = array<i32>} : memref<16x640xf32, #tpu.memory_space<vmem>>, vector<16xf32>,
        %add3A_194 = arith.addf %add3A_189, %get3A_193 : vector<16xf32>
        %get3A_195 = arith.constant 11 : i32
        %get3A_196 = arith.index_cast %get3A_195 : i32 to index
        %get3A_197 = arith.index_cast %mul3A_141 : i32 to index
        %get3A_198 = tpu.vector_load %arg12[%get3A_196, %get3A_197] {strides = array<i32>} : memref<16x640xf32, #tpu.memory_space<vmem>>, vector<16xf32>,
        %add3A_199 = arith.addf %add3A_194, %get3A_198 : vector<16xf32>
        %get3A_200 = arith.constant 12 : i32
        %get3A_201 = arith.index_cast %get3A_200 : i32 to index
        %get3A_202 = arith.index_cast %mul3A_141 : i32 to index
        %get3A_203 = tpu.vector_load %arg12[%get3A_201, %get3A_202] {strides = array<i32>} : memref<16x640xf32, #tpu.memory_space<vmem>>, vector<16xf32>,
        %add3A_204 = arith.addf %add3A_199, %get3A_203 : vector<16xf32>
        %get3A_205 = arith.constant 13 : i32
        %get3A_206 = arith.index_cast %get3A_205 : i32 to index
        %get3A_207 = arith.index_cast %mul3A_141 : i32 to index
        %get3A_208 = tpu.vector_load %arg12[%get3A_206, %get3A_207] {strides = array<i32>} : memref<16x640xf32, #tpu.memory_space<vmem>>, vector<16xf32>,
        %add3A_209 = arith.addf %add3A_204, %get3A_208 : vector<16xf32>
        %get3A_210 = arith.constant 14 : i32
        %get3A_211 = arith.index_cast %get3A_210 : i32 to index
        %get3A_212 = arith.index_cast %mul3A_141 : i32 to index
        %get3A_213 = tpu.vector_load %arg12[%get3A_211, %get3A_212] {strides = array<i32>} : memref<16x640xf32, #tpu.memory_space<vmem>>, vector<16xf32>,
        %add3A_214 = arith.addf %add3A_209, %get3A_213 : vector<16xf32>
        %get3A_215 = arith.constant 15 : i32
        %get3A_216 = arith.index_cast %get3A_215 : i32 to index
        %get3A_217 = arith.index_cast %mul3A_141 : i32 to index
        %get3A_218 = tpu.vector_load %arg12[%get3A_216, %get3A_217] {strides = array<i32>} : memref<16x640xf32, #tpu.memory_space<vmem>>, vector<16xf32>,
        %add3A_219 = arith.addf %add3A_214, %get3A_218 : vector<16xf32>
        %swap3A = arith.index_cast %mul3A_141 : i32 to index
        %swap3A_220 = tpu.vector_load %arg11[%swap3A] {strides = array<i32>} : memref<640xf32, #tpu.memory_space<vmem>>, vector<16xf32>,
        tpu.vector_store %arg11[%swap3A], %add3A_219 {strides = array<i32>} : memref<640xf32, #tpu.memory_space<vmem>>, vector<16xf32>,
      }
      %scan3A_78 = arith.constant 40 : i32
      "tpu.region"() ({
        %run_scoped3A = tpu.sem_alloc : memref<!tpu.dma_semaphore, #tpu.memory_space<semaphore_mem>>
        %dma_start3A_139 = tpu.memref_slice %arg14[%mul3A_47] : memref<10240xf32, #tpu.memory_space<vmem_shared>> -> memref<640xf32, #tpu.memory_space<vmem_shared>>
        %dma_start3A_140 = tpu.memref_slice %arg14[%mul3A_47] : memref<10240xf32, #tpu.memory_space<vmem_shared>> -> memref<640xf32, #tpu.memory_space<vmem_shared>>
        tpu.enqueue_dma source(%arg11 : memref<640xf32, #tpu.memory_space<vmem>>) target(%dma_start3A_140 : memref<640xf32, #tpu.memory_space<vmem_shared>>) target_semaphore(%run_scoped3A : memref<!tpu.dma_semaphore, #tpu.memory_space<semaphore_mem>>)
        %dma_wait3A_141 = tpu.memref_slice %arg14[%mul3A_47] : memref<10240xf32, #tpu.memory_space<vmem_shared>> -> memref<640xf32, #tpu.memory_space<vmem_shared>>
        %dma_wait3A_142 = tpu.memref_slice %arg14[%mul3A_47] : memref<10240xf32, #tpu.memory_space<vmem_shared>> -> memref<640xf32, #tpu.memory_space<vmem_shared>>
        tpu.wait_dma2 semaphore(%run_scoped3A : memref<!tpu.dma_semaphore, #tpu.memory_space<semaphore_mem>>) src(%arg11 : memref<640xf32, #tpu.memory_space<vmem>>) dst(%dma_wait3A_142 : memref<640xf32, #tpu.memory_space<vmem_shared>>)
        tpu.yield
      }) : () -> ()
      %barrier3A_79 = arith.constant 0 : index
      tpu.barrier barrier_id(%barrier3A_79)
      "tpu.region"() ({
        %run_scoped3A = tpu.sem_alloc : memref<!tpu.dma_semaphore, #tpu.memory_space<semaphore_mem>>
        tpu.enqueue_dma source(%arg14 : memref<10240xf32, #tpu.memory_space<vmem_shared>>) target(%arg9 : memref<10240xf32, #tpu.memory_space<vmem>>) target_semaphore(%run_scoped3A : memref<!tpu.dma_semaphore, #tpu.memory_space<semaphore_mem>>)
        tpu.wait_dma2 semaphore(%run_scoped3A : memref<!tpu.dma_semaphore, #tpu.memory_space<semaphore_mem>>) src(%arg14 : memref<10240xf32, #tpu.memory_space<vmem_shared>>) dst(%arg9 : memref<10240xf32, #tpu.memory_space<vmem>>)
        tpu.yield
      }) : () -> ()
      %while3A_80 = arith.constant 0 : i32
      %while3A_81 = arith.constant 0 : i32
      %while3A_82 = arith.subi %select_n3A_30, %while3A_81 : i32
      %while3A_83 = arith.addi %while3A_81, %while3A_82 : i32
      %while3A_84 = arith.constant 1 : i32
      %while3A_85 = arith.divsi %while3A_82, %while3A_84 : i32
      %while3A_86 = arith.muli %while3A_85, %while3A_84 : i32
      %while3A_87 = arith.addi %while3A_81, %while3A_86 : i32
      %while3A_88 = arith.constant 1 : i32
      scf.for %while3A_139 = %while3A_81 to %while3A_87 step %while3A_88  : i32 {
        %mul3A_140 = arith.constant 128 : i32
        %mul3A_141 = arith.muli %while3A_139, %mul3A_140 : i32
        %add3A_142 = arith.constant 0 : i32
        %add3A_143 = arith.addi %mul3A_141, %add3A_142 : i32
        %add3A_144 = arith.constant 16 : i32
        %add3A_145 = arith.addi %mul3A_141, %add3A_144 : i32
        %add3A_146 = arith.constant 32 : i32
        %add3A_147 = arith.addi %mul3A_141, %add3A_146 : i32
        %add3A_148 = arith.constant 48 : i32
        %add3A_149 = arith.addi %mul3A_141, %add3A_148 : i32
        %add3A_150 = arith.constant 64 : i32
        %add3A_151 = arith.addi %mul3A_141, %add3A_150 : i32
        %add3A_152 = arith.constant 80 : i32
        %add3A_153 = arith.addi %mul3A_141, %add3A_152 : i32
        %add3A_154 = arith.constant 96 : i32
        %add3A_155 = arith.addi %mul3A_141, %add3A_154 : i32
        %add3A_156 = arith.constant 112 : i32
        %add3A_157 = arith.addi %mul3A_141, %add3A_156 : i32
        %get3A = arith.constant 1 : i32
        %get3A_158 = arith.index_cast %get3A : i32 to index
        %get3A_159 = arith.index_cast %add3A_143 : i32 to index
        %get3A_160 = tpu.vector_load %arg8[%get3A_158, %get3A_159] {strides = array<i32>} : memref<2x20096xi32, #tpu.memory_space<vmem>>, vector<16xi32>,
        %get3A_161 = arith.constant 1 : i32
        %get3A_162 = arith.index_cast %get3A_161 : i32 to index
        %get3A_163 = arith.index_cast %add3A_145 : i32 to index
        %get3A_164 = tpu.vector_load %arg8[%get3A_162, %get3A_163] {strides = array<i32>} : memref<2x20096xi32, #tpu.memory_space<vmem>>, vector<16xi32>,
        %get3A_165 = arith.constant 1 : i32
        %get3A_166 = arith.index_cast %get3A_165 : i32 to index
        %get3A_167 = arith.index_cast %add3A_147 : i32 to index
        %get3A_168 = tpu.vector_load %arg8[%get3A_166, %get3A_167] {strides = array<i32>} : memref<2x20096xi32, #tpu.memory_space<vmem>>, vector<16xi32>,
        %get3A_169 = arith.constant 1 : i32
        %get3A_170 = arith.index_cast %get3A_169 : i32 to index
        %get3A_171 = arith.index_cast %add3A_149 : i32 to index
        %get3A_172 = tpu.vector_load %arg8[%get3A_170, %get3A_171] {strides = array<i32>} : memref<2x20096xi32, #tpu.memory_space<vmem>>, vector<16xi32>,
        %get3A_173 = arith.constant 1 : i32
        %get3A_174 = arith.index_cast %get3A_173 : i32 to index
        %get3A_175 = arith.index_cast %add3A_151 : i32 to index
        %get3A_176 = tpu.vector_load %arg8[%get3A_174, %get3A_175] {strides = array<i32>} : memref<2x20096xi32, #tpu.memory_space<vmem>>, vector<16xi32>,
        %get3A_177 = arith.constant 1 : i32
        %get3A_178 = arith.index_cast %get3A_177 : i32 to index
        %get3A_179 = arith.index_cast %add3A_153 : i32 to index
        %get3A_180 = tpu.vector_load %arg8[%get3A_178, %get3A_179] {strides = array<i32>} : memref<2x20096xi32, #tpu.memory_space<vmem>>, vector<16xi32>,
        %get3A_181 = arith.constant 1 : i32
        %get3A_182 = arith.index_cast %get3A_181 : i32 to index
        %get3A_183 = arith.index_cast %add3A_155 : i32 to index
        %get3A_184 = tpu.vector_load %arg8[%get3A_182, %get3A_183] {strides = array<i32>} : memref<2x20096xi32, #tpu.memory_space<vmem>>, vector<16xi32>,
        %get3A_185 = arith.constant 1 : i32
        %get3A_186 = arith.index_cast %get3A_185 : i32 to index
        %get3A_187 = arith.index_cast %add3A_157 : i32 to index
        %get3A_188 = tpu.vector_load %arg8[%get3A_186, %get3A_187] {strides = array<i32>} : memref<2x20096xi32, #tpu.memory_space<vmem>>, vector<16xi32>,
        %get3A_189 = arith.constant 0 : i32
        %get3A_190 = arith.index_cast %get3A_189 : i32 to index
        %get3A_191 = arith.index_cast %add3A_143 : i32 to index
        %get3A_192 = tpu.vector_load %arg8[%get3A_190, %get3A_191] {strides = array<i32>} : memref<2x20096xi32, #tpu.memory_space<vmem>>, vector<16xi32>,
        %get3A_193 = arith.constant 0 : i32
        %get3A_194 = arith.index_cast %get3A_193 : i32 to index
        %get3A_195 = arith.index_cast %add3A_145 : i32 to index
        %get3A_196 = tpu.vector_load %arg8[%get3A_194, %get3A_195] {strides = array<i32>} : memref<2x20096xi32, #tpu.memory_space<vmem>>, vector<16xi32>,
        %get3A_197 = arith.constant 0 : i32
        %get3A_198 = arith.index_cast %get3A_197 : i32 to index
        %get3A_199 = arith.index_cast %add3A_147 : i32 to index
        %get3A_200 = tpu.vector_load %arg8[%get3A_198, %get3A_199] {strides = array<i32>} : memref<2x20096xi32, #tpu.memory_space<vmem>>, vector<16xi32>,
        %get3A_201 = arith.constant 0 : i32
        %get3A_202 = arith.index_cast %get3A_201 : i32 to index
        %get3A_203 = arith.index_cast %add3A_149 : i32 to index
        %get3A_204 = tpu.vector_load %arg8[%get3A_202, %get3A_203] {strides = array<i32>} : memref<2x20096xi32, #tpu.memory_space<vmem>>, vector<16xi32>,
        %get3A_205 = arith.constant 0 : i32
        %get3A_206 = arith.index_cast %get3A_205 : i32 to index
        %get3A_207 = arith.index_cast %add3A_151 : i32 to index
        %get3A_208 = tpu.vector_load %arg8[%get3A_206, %get3A_207] {strides = array<i32>} : memref<2x20096xi32, #tpu.memory_space<vmem>>, vector<16xi32>,
        %get3A_209 = arith.constant 0 : i32
        %get3A_210 = arith.index_cast %get3A_209 : i32 to index
        %get3A_211 = arith.index_cast %add3A_153 : i32 to index
        %get3A_212 = tpu.vector_load %arg8[%get3A_210, %get3A_211] {strides = array<i32>} : memref<2x20096xi32, #tpu.memory_space<vmem>>, vector<16xi32>,
        %get3A_213 = arith.constant 0 : i32
        %get3A_214 = arith.index_cast %get3A_213 : i32 to index
        %get3A_215 = arith.index_cast %add3A_155 : i32 to index
        %get3A_216 = tpu.vector_load %arg8[%get3A_214, %get3A_215] {strides = array<i32>} : memref<2x20096xi32, #tpu.memory_space<vmem>>, vector<16xi32>,
        %get3A_217 = arith.constant 0 : i32
        %get3A_218 = arith.index_cast %get3A_217 : i32 to index
        %get3A_219 = arith.index_cast %add3A_157 : i32 to index
        %get3A_220 = tpu.vector_load %arg8[%get3A_218, %get3A_219] {strides = array<i32>} : memref<2x20096xi32, #tpu.memory_space<vmem>>, vector<16xi32>,
        %gather3A = tpu.vector_load_idx %arg9[%get3A_160] : memref<10240xf32, #tpu.memory_space<vmem>>[vector<16xi32>], vector<16xf32>,
        %gather3A_221 = tpu.vector_load_idx %arg9[%get3A_164] : memref<10240xf32, #tpu.memory_space<vmem>>[vector<16xi32>], vector<16xf32>,
        %gather3A_222 = tpu.vector_load_idx %arg9[%get3A_168] : memref<10240xf32, #tpu.memory_space<vmem>>[vector<16xi32>], vector<16xf32>,
        %gather3A_223 = tpu.vector_load_idx %arg9[%get3A_172] : memref<10240xf32, #tpu.memory_space<vmem>>[vector<16xi32>], vector<16xf32>,
        %gather3A_224 = tpu.vector_load_idx %arg9[%get3A_176] : memref<10240xf32, #tpu.memory_space<vmem>>[vector<16xi32>], vector<16xf32>,
        %gather3A_225 = tpu.vector_load_idx %arg9[%get3A_180] : memref<10240xf32, #tpu.memory_space<vmem>>[vector<16xi32>], vector<16xf32>,
        %gather3A_226 = tpu.vector_load_idx %arg9[%get3A_184] : memref<10240xf32, #tpu.memory_space<vmem>>[vector<16xi32>], vector<16xf32>,
        %gather3A_227 = tpu.vector_load_idx %arg9[%get3A_188] : memref<10240xf32, #tpu.memory_space<vmem>>[vector<16xi32>], vector<16xf32>,
        tpu.vector_store_idx %arg10[%get3A_192], %gather3A {add = true} : memref<10240xf32, #tpu.memory_space<vmem>>[vector<16xi32>], vector<16xf32>,
        tpu.vector_store_idx %arg10[%get3A_196], %gather3A_221 {add = true} : memref<10240xf32, #tpu.memory_space<vmem>>[vector<16xi32>], vector<16xf32>,
        tpu.vector_store_idx %arg10[%get3A_200], %gather3A_222 {add = true} : memref<10240xf32, #tpu.memory_space<vmem>>[vector<16xi32>], vector<16xf32>,
        tpu.vector_store_idx %arg10[%get3A_204], %gather3A_223 {add = true} : memref<10240xf32, #tpu.memory_space<vmem>>[vector<16xi32>], vector<16xf32>,
        tpu.vector_store_idx %arg10[%get3A_208], %gather3A_224 {add = true} : memref<10240xf32, #tpu.memory_space<vmem>>[vector<16xi32>], vector<16xf32>,
        tpu.vector_store_idx %arg10[%get3A_212], %gather3A_225 {add = true} : memref<10240xf32, #tpu.memory_space<vmem>>[vector<16xi32>], vector<16xf32>,
        tpu.vector_store_idx %arg10[%get3A_216], %gather3A_226 {add = true} : memref<10240xf32, #tpu.memory_space<vmem>>[vector<16xi32>], vector<16xf32>,
        tpu.vector_store_idx %arg10[%get3A_220], %gather3A_227 {add = true} : memref<10240xf32, #tpu.memory_space<vmem>>[vector<16xi32>], vector<16xf32>,
      }
      %while3A_89 = arith.constant 1 : i32
      scf.for %while3A_139 = %while3A_87 to %while3A_83 step %while3A_89  : i32 {
        %mul3A_140 = arith.constant 128 : i32
        %mul3A_141 = arith.muli %while3A_139, %mul3A_140 : i32
        %add3A_142 = arith.constant 0 : i32
        %add3A_143 = arith.addi %mul3A_141, %add3A_142 : i32
        %add3A_144 = arith.constant 16 : i32
        %add3A_145 = arith.addi %mul3A_141, %add3A_144 : i32
        %add3A_146 = arith.constant 32 : i32
        %add3A_147 = arith.addi %mul3A_141, %add3A_146 : i32
        %add3A_148 = arith.constant 48 : i32
        %add3A_149 = arith.addi %mul3A_141, %add3A_148 : i32
        %add3A_150 = arith.constant 64 : i32
        %add3A_151 = arith.addi %mul3A_141, %add3A_150 : i32
        %add3A_152 = arith.constant 80 : i32
        %add3A_153 = arith.addi %mul3A_141, %add3A_152 : i32
        %add3A_154 = arith.constant 96 : i32
        %add3A_155 = arith.addi %mul3A_141, %add3A_154 : i32
        %add3A_156 = arith.constant 112 : i32
        %add3A_157 = arith.addi %mul3A_141, %add3A_156 : i32
        %get3A = arith.constant 1 : i32
        %get3A_158 = arith.index_cast %get3A : i32 to index
        %get3A_159 = arith.index_cast %add3A_143 : i32 to index
        %get3A_160 = tpu.vector_load %arg8[%get3A_158, %get3A_159] {strides = array<i32>} : memref<2x20096xi32, #tpu.memory_space<vmem>>, vector<16xi32>,
        %get3A_161 = arith.constant 1 : i32
        %get3A_162 = arith.index_cast %get3A_161 : i32 to index
        %get3A_163 = arith.index_cast %add3A_145 : i32 to index
        %get3A_164 = tpu.vector_load %arg8[%get3A_162, %get3A_163] {strides = array<i32>} : memref<2x20096xi32, #tpu.memory_space<vmem>>, vector<16xi32>,
        %get3A_165 = arith.constant 1 : i32
        %get3A_166 = arith.index_cast %get3A_165 : i32 to index
        %get3A_167 = arith.index_cast %add3A_147 : i32 to index
        %get3A_168 = tpu.vector_load %arg8[%get3A_166, %get3A_167] {strides = array<i32>} : memref<2x20096xi32, #tpu.memory_space<vmem>>, vector<16xi32>,
        %get3A_169 = arith.constant 1 : i32
        %get3A_170 = arith.index_cast %get3A_169 : i32 to index
        %get3A_171 = arith.index_cast %add3A_149 : i32 to index
        %get3A_172 = tpu.vector_load %arg8[%get3A_170, %get3A_171] {strides = array<i32>} : memref<2x20096xi32, #tpu.memory_space<vmem>>, vector<16xi32>,
        %get3A_173 = arith.constant 1 : i32
        %get3A_174 = arith.index_cast %get3A_173 : i32 to index
        %get3A_175 = arith.index_cast %add3A_151 : i32 to index
        %get3A_176 = tpu.vector_load %arg8[%get3A_174, %get3A_175] {strides = array<i32>} : memref<2x20096xi32, #tpu.memory_space<vmem>>, vector<16xi32>,
        %get3A_177 = arith.constant 1 : i32
        %get3A_178 = arith.index_cast %get3A_177 : i32 to index
        %get3A_179 = arith.index_cast %add3A_153 : i32 to index
        %get3A_180 = tpu.vector_load %arg8[%get3A_178, %get3A_179] {strides = array<i32>} : memref<2x20096xi32, #tpu.memory_space<vmem>>, vector<16xi32>,
        %get3A_181 = arith.constant 1 : i32
        %get3A_182 = arith.index_cast %get3A_181 : i32 to index
        %get3A_183 = arith.index_cast %add3A_155 : i32 to index
        %get3A_184 = tpu.vector_load %arg8[%get3A_182, %get3A_183] {strides = array<i32>} : memref<2x20096xi32, #tpu.memory_space<vmem>>, vector<16xi32>,
        %get3A_185 = arith.constant 1 : i32
        %get3A_186 = arith.index_cast %get3A_185 : i32 to index
        %get3A_187 = arith.index_cast %add3A_157 : i32 to index
        %get3A_188 = tpu.vector_load %arg8[%get3A_186, %get3A_187] {strides = array<i32>} : memref<2x20096xi32, #tpu.memory_space<vmem>>, vector<16xi32>,
        %get3A_189 = arith.constant 0 : i32
        %get3A_190 = arith.index_cast %get3A_189 : i32 to index
        %get3A_191 = arith.index_cast %add3A_143 : i32 to index
        %get3A_192 = tpu.vector_load %arg8[%get3A_190, %get3A_191] {strides = array<i32>} : memref<2x20096xi32, #tpu.memory_space<vmem>>, vector<16xi32>,
        %get3A_193 = arith.constant 0 : i32
        %get3A_194 = arith.index_cast %get3A_193 : i32 to index
        %get3A_195 = arith.index_cast %add3A_145 : i32 to index
        %get3A_196 = tpu.vector_load %arg8[%get3A_194, %get3A_195] {strides = array<i32>} : memref<2x20096xi32, #tpu.memory_space<vmem>>, vector<16xi32>,
        %get3A_197 = arith.constant 0 : i32
        %get3A_198 = arith.index_cast %get3A_197 : i32 to index
        %get3A_199 = arith.index_cast %add3A_147 : i32 to index
        %get3A_200 = tpu.vector_load %arg8[%get3A_198, %get3A_199] {strides = array<i32>} : memref<2x20096xi32, #tpu.memory_space<vmem>>, vector<16xi32>,
        %get3A_201 = arith.constant 0 : i32
        %get3A_202 = arith.index_cast %get3A_201 : i32 to index
        %get3A_203 = arith.index_cast %add3A_149 : i32 to index
        %get3A_204 = tpu.vector_load %arg8[%get3A_202, %get3A_203] {strides = array<i32>} : memref<2x20096xi32, #tpu.memory_space<vmem>>, vector<16xi32>,
        %get3A_205 = arith.constant 0 : i32
        %get3A_206 = arith.index_cast %get3A_205 : i32 to index
        %get3A_207 = arith.index_cast %add3A_151 : i32 to index
        %get3A_208 = tpu.vector_load %arg8[%get3A_206, %get3A_207] {strides = array<i32>} : memref<2x20096xi32, #tpu.memory_space<vmem>>, vector<16xi32>,
        %get3A_209 = arith.constant 0 : i32
        %get3A_210 = arith.index_cast %get3A_209 : i32 to index
        %get3A_211 = arith.index_cast %add3A_153 : i32 to index
        %get3A_212 = tpu.vector_load %arg8[%get3A_210, %get3A_211] {strides = array<i32>} : memref<2x20096xi32, #tpu.memory_space<vmem>>, vector<16xi32>,
        %get3A_213 = arith.constant 0 : i32
        %get3A_214 = arith.index_cast %get3A_213 : i32 to index
        %get3A_215 = arith.index_cast %add3A_155 : i32 to index
        %get3A_216 = tpu.vector_load %arg8[%get3A_214, %get3A_215] {strides = array<i32>} : memref<2x20096xi32, #tpu.memory_space<vmem>>, vector<16xi32>,
        %get3A_217 = arith.constant 0 : i32
        %get3A_218 = arith.index_cast %get3A_217 : i32 to index
        %get3A_219 = arith.index_cast %add3A_157 : i32 to index
        %get3A_220 = tpu.vector_load %arg8[%get3A_218, %get3A_219] {strides = array<i32>} : memref<2x20096xi32, #tpu.memory_space<vmem>>, vector<16xi32>,
        %gather3A = tpu.vector_load_idx %arg9[%get3A_160] : memref<10240xf32, #tpu.memory_space<vmem>>[vector<16xi32>], vector<16xf32>,
        %gather3A_221 = tpu.vector_load_idx %arg9[%get3A_164] : memref<10240xf32, #tpu.memory_space<vmem>>[vector<16xi32>], vector<16xf32>,
        %gather3A_222 = tpu.vector_load_idx %arg9[%get3A_168] : memref<10240xf32, #tpu.memory_space<vmem>>[vector<16xi32>], vector<16xf32>,
        %gather3A_223 = tpu.vector_load_idx %arg9[%get3A_172] : memref<10240xf32, #tpu.memory_space<vmem>>[vector<16xi32>], vector<16xf32>,
        %gather3A_224 = tpu.vector_load_idx %arg9[%get3A_176] : memref<10240xf32, #tpu.memory_space<vmem>>[vector<16xi32>], vector<16xf32>,
        %gather3A_225 = tpu.vector_load_idx %arg9[%get3A_180] : memref<10240xf32, #tpu.memory_space<vmem>>[vector<16xi32>], vector<16xf32>,
        %gather3A_226 = tpu.vector_load_idx %arg9[%get3A_184] : memref<10240xf32, #tpu.memory_space<vmem>>[vector<16xi32>], vector<16xf32>,
        %gather3A_227 = tpu.vector_load_idx %arg9[%get3A_188] : memref<10240xf32, #tpu.memory_space<vmem>>[vector<16xi32>], vector<16xf32>,
        tpu.vector_store_idx %arg10[%get3A_192], %gather3A {add = true} : memref<10240xf32, #tpu.memory_space<vmem>>[vector<16xi32>], vector<16xf32>,
        tpu.vector_store_idx %arg10[%get3A_196], %gather3A_221 {add = true} : memref<10240xf32, #tpu.memory_space<vmem>>[vector<16xi32>], vector<16xf32>,
        tpu.vector_store_idx %arg10[%get3A_200], %gather3A_222 {add = true} : memref<10240xf32, #tpu.memory_space<vmem>>[vector<16xi32>], vector<16xf32>,
        tpu.vector_store_idx %arg10[%get3A_204], %gather3A_223 {add = true} : memref<10240xf32, #tpu.memory_space<vmem>>[vector<16xi32>], vector<16xf32>,
        tpu.vector_store_idx %arg10[%get3A_208], %gather3A_224 {add = true} : memref<10240xf32, #tpu.memory_space<vmem>>[vector<16xi32>], vector<16xf32>,
        tpu.vector_store_idx %arg10[%get3A_212], %gather3A_225 {add = true} : memref<10240xf32, #tpu.memory_space<vmem>>[vector<16xi32>], vector<16xf32>,
        tpu.vector_store_idx %arg10[%get3A_216], %gather3A_226 {add = true} : memref<10240xf32, #tpu.memory_space<vmem>>[vector<16xi32>], vector<16xf32>,
        tpu.vector_store_idx %arg10[%get3A_220], %gather3A_227 {add = true} : memref<10240xf32, #tpu.memory_space<vmem>>[vector<16xi32>], vector<16xf32>,
      }
      "tpu.region"() ({
        %run_scoped3A = tpu.sem_alloc : memref<!tpu.dma_semaphore, #tpu.memory_space<semaphore_mem>>
        %dma_start3A_139 = arith.constant 0 : i32
        %dma_start3A_140 = tpu.memref_slice %arg13[%arg1, %dma_start3A_139] : memref<16x10240xf32, #tpu.memory_space<vmem_shared>> -> memref<1x10240xf32, #tpu.memory_space<vmem_shared>>
        %dma_start3A_141 = tpu.memref_squeeze %dma_start3A_140 : memref<1x10240xf32, #tpu.memory_space<vmem_shared>> -> memref<10240xf32, #tpu.memory_space<vmem_shared>>
        %dma_start3A_142 = arith.constant 0 : i32
        %dma_start3A_143 = tpu.memref_slice %arg13[%arg1, %dma_start3A_142] : memref<16x10240xf32, #tpu.memory_space<vmem_shared>> -> memref<1x10240xf32, #tpu.memory_space<vmem_shared>>
        %dma_start3A_144 = tpu.memref_squeeze %dma_start3A_143 : memref<1x10240xf32, #tpu.memory_space<vmem_shared>> -> memref<10240xf32, #tpu.memory_space<vmem_shared>>
        tpu.enqueue_dma source(%arg10 : memref<10240xf32, #tpu.memory_space<vmem>>) target(%dma_start3A_144 : memref<10240xf32, #tpu.memory_space<vmem_shared>>) target_semaphore(%run_scoped3A : memref<!tpu.dma_semaphore, #tpu.memory_space<semaphore_mem>>)
        %dma_wait3A_145 = arith.constant 0 : i32
        %dma_wait3A_146 = tpu.memref_slice %arg13[%arg1, %dma_wait3A_145] : memref<16x10240xf32, #tpu.memory_space<vmem_shared>> -> memref<1x10240xf32, #tpu.memory_space<vmem_shared>>
        %dma_wait3A_147 = tpu.memref_squeeze %dma_wait3A_146 : memref<1x10240xf32, #tpu.memory_space<vmem_shared>> -> memref<10240xf32, #tpu.memory_space<vmem_shared>>
        %dma_wait3A_148 = arith.constant 0 : i32
        %dma_wait3A_149 = tpu.memref_slice %arg13[%arg1, %dma_wait3A_148] : memref<16x10240xf32, #tpu.memory_space<vmem_shared>> -> memref<1x10240xf32, #tpu.memory_space<vmem_shared>>
        %dma_wait3A_150 = tpu.memref_squeeze %dma_wait3A_149 : memref<1x10240xf32, #tpu.memory_space<vmem_shared>> -> memref<10240xf32, #tpu.memory_space<vmem_shared>>
        tpu.wait_dma2 semaphore(%run_scoped3A : memref<!tpu.dma_semaphore, #tpu.memory_space<semaphore_mem>>) src(%arg10 : memref<10240xf32, #tpu.memory_space<vmem>>) dst(%dma_wait3A_150 : memref<10240xf32, #tpu.memory_space<vmem_shared>>)
        tpu.yield
      }) : () -> ()
      %barrier3A_90 = arith.constant 0 : index
      tpu.barrier barrier_id(%barrier3A_90)
      %dma_start3A_91 = arith.constant 0 : i32
      %dma_start3A_92 = tpu.memref_slice %arg13[%dma_start3A_91, %mul3A_47] : memref<16x10240xf32, #tpu.memory_space<vmem_shared>> -> memref<16x640xf32, #tpu.memory_space<vmem_shared>>
      %dma_start3A_93 = arith.constant 0 : i32
      %dma_start3A_94 = tpu.memref_slice %arg13[%dma_start3A_93, %mul3A_47] : memref<16x10240xf32, #tpu.memory_space<vmem_shared>> -> memref<16x640xf32, #tpu.memory_space<vmem_shared>>
      tpu.enqueue_dma source(%dma_start3A_94 : memref<16x640xf32, #tpu.memory_space<vmem_shared>>) target(%arg12 : memref<16x640xf32, #tpu.memory_space<vmem>>) target_semaphore(%arg15 : memref<!tpu.dma_semaphore, #tpu.memory_space<semaphore_mem>>)
      %broadcast_in_dim3A_95 = arith.constant 0.000000e+00 : f32
      %broadcast_in_dim3A_96 = vector.broadcast %broadcast_in_dim3A_95 : f32 to vector<16xf32>
      %scan3A_97 = arith.constant 0 : i32
      %scan3A_98 = arith.constant 0 : i32
      %scan3A_99 = arith.constant 80 : i32
      %scan3A_100 = arith.addi %scan3A_98, %scan3A_99 : i32
      %scan3A_101 = arith.constant 1 : i32
      scf.for %scan3A_139 = %scan3A_98 to %scan3A_100 step %scan3A_101  : i32 {
        %mul3A_140 = arith.constant 8 : i32
        %mul3A_141 = arith.muli %scan3A_139, %mul3A_140 : i32
        %add3A_142 = arith.constant 0 : i32
        %add3A_143 = arith.addi %mul3A_141, %add3A_142 : i32
        %mul3A_144 = arith.constant 16 : i32
        %mul3A_145 = arith.muli %add3A_143, %mul3A_144 : i32
        %swap3A = arith.index_cast %mul3A_145 : i32 to index
        %swap3A_146 = tpu.vector_load %arg10[%swap3A] {strides = array<i32>} : memref<10240xf32, #tpu.memory_space<vmem>>, vector<16xf32>,
        tpu.vector_store %arg10[%swap3A], %broadcast_in_dim3A_96 {strides = array<i32>} : memref<10240xf32, #tpu.memory_space<vmem>>, vector<16xf32>,
        %mul3A_147 = arith.constant 8 : i32
        %mul3A_148 = arith.muli %scan3A_139, %mul3A_147 : i32
        %add3A_149 = arith.constant 1 : i32
        %add3A_150 = arith.addi %mul3A_148, %add3A_149 : i32
        %mul3A_151 = arith.constant 16 : i32
        %mul3A_152 = arith.muli %add3A_150, %mul3A_151 : i32
        %swap3A_153 = arith.index_cast %mul3A_152 : i32 to index
        %swap3A_154 = tpu.vector_load %arg10[%swap3A_153] {strides = array<i32>} : memref<10240xf32, #tpu.memory_space<vmem>>, vector<16xf32>,
        tpu.vector_store %arg10[%swap3A_153], %broadcast_in_dim3A_96 {strides = array<i32>} : memref<10240xf32, #tpu.memory_space<vmem>>, vector<16xf32>,
        %mul3A_155 = arith.constant 8 : i32
        %mul3A_156 = arith.muli %scan3A_139, %mul3A_155 : i32
        %add3A_157 = arith.constant 2 : i32
        %add3A_158 = arith.addi %mul3A_156, %add3A_157 : i32
        %mul3A_159 = arith.constant 16 : i32
        %mul3A_160 = arith.muli %add3A_158, %mul3A_159 : i32
        %swap3A_161 = arith.index_cast %mul3A_160 : i32 to index
        %swap3A_162 = tpu.vector_load %arg10[%swap3A_161] {strides = array<i32>} : memref<10240xf32, #tpu.memory_space<vmem>>, vector<16xf32>,
        tpu.vector_store %arg10[%swap3A_161], %broadcast_in_dim3A_96 {strides = array<i32>} : memref<10240xf32, #tpu.memory_space<vmem>>, vector<16xf32>,
        %mul3A_163 = arith.constant 8 : i32
        %mul3A_164 = arith.muli %scan3A_139, %mul3A_163 : i32
        %add3A_165 = arith.constant 3 : i32
        %add3A_166 = arith.addi %mul3A_164, %add3A_165 : i32
        %mul3A_167 = arith.constant 16 : i32
        %mul3A_168 = arith.muli %add3A_166, %mul3A_167 : i32
        %swap3A_169 = arith.index_cast %mul3A_168 : i32 to index
        %swap3A_170 = tpu.vector_load %arg10[%swap3A_169] {strides = array<i32>} : memref<10240xf32, #tpu.memory_space<vmem>>, vector<16xf32>,
        tpu.vector_store %arg10[%swap3A_169], %broadcast_in_dim3A_96 {strides = array<i32>} : memref<10240xf32, #tpu.memory_space<vmem>>, vector<16xf32>,
        %mul3A_171 = arith.constant 8 : i32
        %mul3A_172 = arith.muli %scan3A_139, %mul3A_171 : i32
        %add3A_173 = arith.constant 4 : i32
        %add3A_174 = arith.addi %mul3A_172, %add3A_173 : i32
        %mul3A_175 = arith.constant 16 : i32
        %mul3A_176 = arith.muli %add3A_174, %mul3A_175 : i32
        %swap3A_177 = arith.index_cast %mul3A_176 : i32 to index
        %swap3A_178 = tpu.vector_load %arg10[%swap3A_177] {strides = array<i32>} : memref<10240xf32, #tpu.memory_space<vmem>>, vector<16xf32>,
        tpu.vector_store %arg10[%swap3A_177], %broadcast_in_dim3A_96 {strides = array<i32>} : memref<10240xf32, #tpu.memory_space<vmem>>, vector<16xf32>,
        %mul3A_179 = arith.constant 8 : i32
        %mul3A_180 = arith.muli %scan3A_139, %mul3A_179 : i32
        %add3A_181 = arith.constant 5 : i32
        %add3A_182 = arith.addi %mul3A_180, %add3A_181 : i32
        %mul3A_183 = arith.constant 16 : i32
        %mul3A_184 = arith.muli %add3A_182, %mul3A_183 : i32
        %swap3A_185 = arith.index_cast %mul3A_184 : i32 to index
        %swap3A_186 = tpu.vector_load %arg10[%swap3A_185] {strides = array<i32>} : memref<10240xf32, #tpu.memory_space<vmem>>, vector<16xf32>,
        tpu.vector_store %arg10[%swap3A_185], %broadcast_in_dim3A_96 {strides = array<i32>} : memref<10240xf32, #tpu.memory_space<vmem>>, vector<16xf32>,
        %mul3A_187 = arith.constant 8 : i32
        %mul3A_188 = arith.muli %scan3A_139, %mul3A_187 : i32
        %add3A_189 = arith.constant 6 : i32
        %add3A_190 = arith.addi %mul3A_188, %add3A_189 : i32
        %mul3A_191 = arith.constant 16 : i32
        %mul3A_192 = arith.muli %add3A_190, %mul3A_191 : i32
        %swap3A_193 = arith.index_cast %mul3A_192 : i32 to index
        %swap3A_194 = tpu.vector_load %arg10[%swap3A_193] {strides = array<i32>} : memref<10240xf32, #tpu.memory_space<vmem>>, vector<16xf32>,
        tpu.vector_store %arg10[%swap3A_193], %broadcast_in_dim3A_96 {strides = array<i32>} : memref<10240xf32, #tpu.memory_space<vmem>>, vector<16xf32>,
        %mul3A_195 = arith.constant 8 : i32
        %mul3A_196 = arith.muli %scan3A_139, %mul3A_195 : i32
        %add3A_197 = arith.constant 7 : i32
        %add3A_198 = arith.addi %mul3A_196, %add3A_197 : i32
        %mul3A_199 = arith.constant 16 : i32
        %mul3A_200 = arith.muli %add3A_198, %mul3A_199 : i32
        %swap3A_201 = arith.index_cast %mul3A_200 : i32 to index
        %swap3A_202 = tpu.vector_load %arg10[%swap3A_201] {strides = array<i32>} : memref<10240xf32, #tpu.memory_space<vmem>>, vector<16xf32>,
        tpu.vector_store %arg10[%swap3A_201], %broadcast_in_dim3A_96 {strides = array<i32>} : memref<10240xf32, #tpu.memory_space<vmem>>, vector<16xf32>,
      }
      %scan3A_102 = arith.constant 80 : i32
      %dma_wait3A_103 = arith.constant 0 : i32
      %dma_wait3A_104 = tpu.memref_slice %arg13[%dma_wait3A_103, %mul3A_47] : memref<16x10240xf32, #tpu.memory_space<vmem_shared>> -> memref<16x640xf32, #tpu.memory_space<vmem_shared>>
      %dma_wait3A_105 = arith.constant 0 : i32
      %dma_wait3A_106 = tpu.memref_slice %arg13[%dma_wait3A_105, %mul3A_47] : memref<16x10240xf32, #tpu.memory_space<vmem_shared>> -> memref<16x640xf32, #tpu.memory_space<vmem_shared>>
      tpu.wait_dma2 semaphore(%arg15 : memref<!tpu.dma_semaphore, #tpu.memory_space<semaphore_mem>>) src(%dma_wait3A_106 : memref<16x640xf32, #tpu.memory_space<vmem_shared>>) dst(%arg12 : memref<16x640xf32, #tpu.memory_space<vmem>>)
      %scan3A_107 = arith.constant 0 : i32
      %scan3A_108 = arith.constant 0 : i32
      %scan3A_109 = arith.constant 40 : i32
      %scan3A_110 = arith.addi %scan3A_108, %scan3A_109 : i32
      %scan3A_111 = arith.constant 1 : i32
      scf.for %scan3A_139 = %scan3A_108 to %scan3A_110 step %scan3A_111  : i32 {
        %mul3A_140 = arith.constant 16 : i32
        %mul3A_141 = arith.muli %scan3A_139, %mul3A_140 : i32
        %get3A = arith.constant 0 : i32
        %get3A_142 = arith.index_cast %get3A : i32 to index
        %get3A_143 = arith.index_cast %mul3A_141 : i32 to index
        %get3A_144 = tpu.vector_load %arg12[%get3A_142, %get3A_143] {strides = array<i32>} : memref<16x640xf32, #tpu.memory_space<vmem>>, vector<16xf32>,
        %get3A_145 = arith.constant 1 : i32
        %get3A_146 = arith.index_cast %get3A_145 : i32 to index
        %get3A_147 = arith.index_cast %mul3A_141 : i32 to index
        %get3A_148 = tpu.vector_load %arg12[%get3A_146, %get3A_147] {strides = array<i32>} : memref<16x640xf32, #tpu.memory_space<vmem>>, vector<16xf32>,
        %add3A_149 = arith.addf %get3A_144, %get3A_148 : vector<16xf32>
        %get3A_150 = arith.constant 2 : i32
        %get3A_151 = arith.index_cast %get3A_150 : i32 to index
        %get3A_152 = arith.index_cast %mul3A_141 : i32 to index
        %get3A_153 = tpu.vector_load %arg12[%get3A_151, %get3A_152] {strides = array<i32>} : memref<16x640xf32, #tpu.memory_space<vmem>>, vector<16xf32>,
        %add3A_154 = arith.addf %add3A_149, %get3A_153 : vector<16xf32>
        %get3A_155 = arith.constant 3 : i32
        %get3A_156 = arith.index_cast %get3A_155 : i32 to index
        %get3A_157 = arith.index_cast %mul3A_141 : i32 to index
        %get3A_158 = tpu.vector_load %arg12[%get3A_156, %get3A_157] {strides = array<i32>} : memref<16x640xf32, #tpu.memory_space<vmem>>, vector<16xf32>,
        %add3A_159 = arith.addf %add3A_154, %get3A_158 : vector<16xf32>
        %get3A_160 = arith.constant 4 : i32
        %get3A_161 = arith.index_cast %get3A_160 : i32 to index
        %get3A_162 = arith.index_cast %mul3A_141 : i32 to index
        %get3A_163 = tpu.vector_load %arg12[%get3A_161, %get3A_162] {strides = array<i32>} : memref<16x640xf32, #tpu.memory_space<vmem>>, vector<16xf32>,
        %add3A_164 = arith.addf %add3A_159, %get3A_163 : vector<16xf32>
        %get3A_165 = arith.constant 5 : i32
        %get3A_166 = arith.index_cast %get3A_165 : i32 to index
        %get3A_167 = arith.index_cast %mul3A_141 : i32 to index
        %get3A_168 = tpu.vector_load %arg12[%get3A_166, %get3A_167] {strides = array<i32>} : memref<16x640xf32, #tpu.memory_space<vmem>>, vector<16xf32>,
        %add3A_169 = arith.addf %add3A_164, %get3A_168 : vector<16xf32>
        %get3A_170 = arith.constant 6 : i32
        %get3A_171 = arith.index_cast %get3A_170 : i32 to index
        %get3A_172 = arith.index_cast %mul3A_141 : i32 to index
        %get3A_173 = tpu.vector_load %arg12[%get3A_171, %get3A_172] {strides = array<i32>} : memref<16x640xf32, #tpu.memory_space<vmem>>, vector<16xf32>,
        %add3A_174 = arith.addf %add3A_169, %get3A_173 : vector<16xf32>
        %get3A_175 = arith.constant 7 : i32
        %get3A_176 = arith.index_cast %get3A_175 : i32 to index
        %get3A_177 = arith.index_cast %mul3A_141 : i32 to index
        %get3A_178 = tpu.vector_load %arg12[%get3A_176, %get3A_177] {strides = array<i32>} : memref<16x640xf32, #tpu.memory_space<vmem>>, vector<16xf32>,
        %add3A_179 = arith.addf %add3A_174, %get3A_178 : vector<16xf32>
        %get3A_180 = arith.constant 8 : i32
        %get3A_181 = arith.index_cast %get3A_180 : i32 to index
        %get3A_182 = arith.index_cast %mul3A_141 : i32 to index
        %get3A_183 = tpu.vector_load %arg12[%get3A_181, %get3A_182] {strides = array<i32>} : memref<16x640xf32, #tpu.memory_space<vmem>>, vector<16xf32>,
        %add3A_184 = arith.addf %add3A_179, %get3A_183 : vector<16xf32>
        %get3A_185 = arith.constant 9 : i32
        %get3A_186 = arith.index_cast %get3A_185 : i32 to index
        %get3A_187 = arith.index_cast %mul3A_141 : i32 to index
        %get3A_188 = tpu.vector_load %arg12[%get3A_186, %get3A_187] {strides = array<i32>} : memref<16x640xf32, #tpu.memory_space<vmem>>, vector<16xf32>,
        %add3A_189 = arith.addf %add3A_184, %get3A_188 : vector<16xf32>
        %get3A_190 = arith.constant 10 : i32
        %get3A_191 = arith.index_cast %get3A_190 : i32 to index
        %get3A_192 = arith.index_cast %mul3A_141 : i32 to index
        %get3A_193 = tpu.vector_load %arg12[%get3A_191, %get3A_192] {strides = array<i32>} : memref<16x640xf32, #tpu.memory_space<vmem>>, vector<16xf32>,
        %add3A_194 = arith.addf %add3A_189, %get3A_193 : vector<16xf32>
        %get3A_195 = arith.constant 11 : i32
        %get3A_196 = arith.index_cast %get3A_195 : i32 to index
        %get3A_197 = arith.index_cast %mul3A_141 : i32 to index
        %get3A_198 = tpu.vector_load %arg12[%get3A_196, %get3A_197] {strides = array<i32>} : memref<16x640xf32, #tpu.memory_space<vmem>>, vector<16xf32>,
        %add3A_199 = arith.addf %add3A_194, %get3A_198 : vector<16xf32>
        %get3A_200 = arith.constant 12 : i32
        %get3A_201 = arith.index_cast %get3A_200 : i32 to index
        %get3A_202 = arith.index_cast %mul3A_141 : i32 to index
        %get3A_203 = tpu.vector_load %arg12[%get3A_201, %get3A_202] {strides = array<i32>} : memref<16x640xf32, #tpu.memory_space<vmem>>, vector<16xf32>,
        %add3A_204 = arith.addf %add3A_199, %get3A_203 : vector<16xf32>
        %get3A_205 = arith.constant 13 : i32
        %get3A_206 = arith.index_cast %get3A_205 : i32 to index
        %get3A_207 = arith.index_cast %mul3A_141 : i32 to index
        %get3A_208 = tpu.vector_load %arg12[%get3A_206, %get3A_207] {strides = array<i32>} : memref<16x640xf32, #tpu.memory_space<vmem>>, vector<16xf32>,
        %add3A_209 = arith.addf %add3A_204, %get3A_208 : vector<16xf32>
        %get3A_210 = arith.constant 14 : i32
        %get3A_211 = arith.index_cast %get3A_210 : i32 to index
        %get3A_212 = arith.index_cast %mul3A_141 : i32 to index
        %get3A_213 = tpu.vector_load %arg12[%get3A_211, %get3A_212] {strides = array<i32>} : memref<16x640xf32, #tpu.memory_space<vmem>>, vector<16xf32>,
        %add3A_214 = arith.addf %add3A_209, %get3A_213 : vector<16xf32>
        %get3A_215 = arith.constant 15 : i32
        %get3A_216 = arith.index_cast %get3A_215 : i32 to index
        %get3A_217 = arith.index_cast %mul3A_141 : i32 to index
        %get3A_218 = tpu.vector_load %arg12[%get3A_216, %get3A_217] {strides = array<i32>} : memref<16x640xf32, #tpu.memory_space<vmem>>, vector<16xf32>,
        %add3A_219 = arith.addf %add3A_214, %get3A_218 : vector<16xf32>
        %swap3A = arith.index_cast %mul3A_141 : i32 to index
        %swap3A_220 = tpu.vector_load %arg11[%swap3A] {strides = array<i32>} : memref<640xf32, #tpu.memory_space<vmem>>, vector<16xf32>,
        tpu.vector_store %arg11[%swap3A], %add3A_219 {strides = array<i32>} : memref<640xf32, #tpu.memory_space<vmem>>, vector<16xf32>,
      }
      %scan3A_112 = arith.constant 40 : i32
      "tpu.region"() ({
        %run_scoped3A = tpu.sem_alloc : memref<!tpu.dma_semaphore, #tpu.memory_space<semaphore_mem>>
        %dma_start3A_139 = tpu.memref_slice %arg14[%mul3A_47] : memref<10240xf32, #tpu.memory_space<vmem_shared>> -> memref<640xf32, #tpu.memory_space<vmem_shared>>
        %dma_start3A_140 = tpu.memref_slice %arg14[%mul3A_47] : memref<10240xf32, #tpu.memory_space<vmem_shared>> -> memref<640xf32, #tpu.memory_space<vmem_shared>>
        tpu.enqueue_dma source(%arg11 : memref<640xf32, #tpu.memory_space<vmem>>) target(%dma_start3A_140 : memref<640xf32, #tpu.memory_space<vmem_shared>>) target_semaphore(%run_scoped3A : memref<!tpu.dma_semaphore, #tpu.memory_space<semaphore_mem>>)
        %dma_wait3A_141 = tpu.memref_slice %arg14[%mul3A_47] : memref<10240xf32, #tpu.memory_space<vmem_shared>> -> memref<640xf32, #tpu.memory_space<vmem_shared>>
        %dma_wait3A_142 = tpu.memref_slice %arg14[%mul3A_47] : memref<10240xf32, #tpu.memory_space<vmem_shared>> -> memref<640xf32, #tpu.memory_space<vmem_shared>>
        tpu.wait_dma2 semaphore(%run_scoped3A : memref<!tpu.dma_semaphore, #tpu.memory_space<semaphore_mem>>) src(%arg11 : memref<640xf32, #tpu.memory_space<vmem>>) dst(%dma_wait3A_142 : memref<640xf32, #tpu.memory_space<vmem_shared>>)
        tpu.yield
      }) : () -> ()
      %barrier3A_113 = arith.constant 0 : index
      tpu.barrier barrier_id(%barrier3A_113)
      "tpu.region"() ({
        %run_scoped3A = tpu.sem_alloc : memref<!tpu.dma_semaphore, #tpu.memory_space<semaphore_mem>>
        tpu.enqueue_dma source(%arg14 : memref<10240xf32, #tpu.memory_space<vmem_shared>>) target(%arg9 : memref<10240xf32, #tpu.memory_space<vmem>>) target_semaphore(%run_scoped3A : memref<!tpu.dma_semaphore, #tpu.memory_space<semaphore_mem>>)
        tpu.wait_dma2 semaphore(%run_scoped3A : memref<!tpu.dma_semaphore, #tpu.memory_space<semaphore_mem>>) src(%arg14 : memref<10240xf32, #tpu.memory_space<vmem_shared>>) dst(%arg9 : memref<10240xf32, #tpu.memory_space<vmem>>)
        tpu.yield
      }) : () -> ()
      %while3A_114 = arith.constant 0 : i32
      %while3A_115 = arith.constant 0 : i32
      %while3A_116 = arith.subi %select_n3A_30, %while3A_115 : i32
      %while3A_117 = arith.addi %while3A_115, %while3A_116 : i32
      %while3A_118 = arith.constant 1 : i32
      %while3A_119 = arith.divsi %while3A_116, %while3A_118 : i32
      %while3A_120 = arith.muli %while3A_119, %while3A_118 : i32
      %while3A_121 = arith.addi %while3A_115, %while3A_120 : i32
      %while3A_122 = arith.constant 1 : i32
      scf.for %while3A_139 = %while3A_115 to %while3A_121 step %while3A_122  : i32 {
        %mul3A_140 = arith.constant 128 : i32
        %mul3A_141 = arith.muli %while3A_139, %mul3A_140 : i32
        %add3A_142 = arith.constant 0 : i32
        %add3A_143 = arith.addi %mul3A_141, %add3A_142 : i32
        %add3A_144 = arith.constant 16 : i32
        %add3A_145 = arith.addi %mul3A_141, %add3A_144 : i32
        %add3A_146 = arith.constant 32 : i32
        %add3A_147 = arith.addi %mul3A_141, %add3A_146 : i32
        %add3A_148 = arith.constant 48 : i32
        %add3A_149 = arith.addi %mul3A_141, %add3A_148 : i32
        %add3A_150 = arith.constant 64 : i32
        %add3A_151 = arith.addi %mul3A_141, %add3A_150 : i32
        %add3A_152 = arith.constant 80 : i32
        %add3A_153 = arith.addi %mul3A_141, %add3A_152 : i32
        %add3A_154 = arith.constant 96 : i32
        %add3A_155 = arith.addi %mul3A_141, %add3A_154 : i32
        %add3A_156 = arith.constant 112 : i32
        %add3A_157 = arith.addi %mul3A_141, %add3A_156 : i32
        %get3A = arith.constant 1 : i32
        %get3A_158 = arith.index_cast %get3A : i32 to index
        %get3A_159 = arith.index_cast %add3A_143 : i32 to index
        %get3A_160 = tpu.vector_load %arg8[%get3A_158, %get3A_159] {strides = array<i32>} : memref<2x20096xi32, #tpu.memory_space<vmem>>, vector<16xi32>,
        %get3A_161 = arith.constant 1 : i32
        %get3A_162 = arith.index_cast %get3A_161 : i32 to index
        %get3A_163 = arith.index_cast %add3A_145 : i32 to index
        %get3A_164 = tpu.vector_load %arg8[%get3A_162, %get3A_163] {strides = array<i32>} : memref<2x20096xi32, #tpu.memory_space<vmem>>, vector<16xi32>,
        %get3A_165 = arith.constant 1 : i32
        %get3A_166 = arith.index_cast %get3A_165 : i32 to index
        %get3A_167 = arith.index_cast %add3A_147 : i32 to index
        %get3A_168 = tpu.vector_load %arg8[%get3A_166, %get3A_167] {strides = array<i32>} : memref<2x20096xi32, #tpu.memory_space<vmem>>, vector<16xi32>,
        %get3A_169 = arith.constant 1 : i32
        %get3A_170 = arith.index_cast %get3A_169 : i32 to index
        %get3A_171 = arith.index_cast %add3A_149 : i32 to index
        %get3A_172 = tpu.vector_load %arg8[%get3A_170, %get3A_171] {strides = array<i32>} : memref<2x20096xi32, #tpu.memory_space<vmem>>, vector<16xi32>,
        %get3A_173 = arith.constant 1 : i32
        %get3A_174 = arith.index_cast %get3A_173 : i32 to index
        %get3A_175 = arith.index_cast %add3A_151 : i32 to index
        %get3A_176 = tpu.vector_load %arg8[%get3A_174, %get3A_175] {strides = array<i32>} : memref<2x20096xi32, #tpu.memory_space<vmem>>, vector<16xi32>,
        %get3A_177 = arith.constant 1 : i32
        %get3A_178 = arith.index_cast %get3A_177 : i32 to index
        %get3A_179 = arith.index_cast %add3A_153 : i32 to index
        %get3A_180 = tpu.vector_load %arg8[%get3A_178, %get3A_179] {strides = array<i32>} : memref<2x20096xi32, #tpu.memory_space<vmem>>, vector<16xi32>,
        %get3A_181 = arith.constant 1 : i32
        %get3A_182 = arith.index_cast %get3A_181 : i32 to index
        %get3A_183 = arith.index_cast %add3A_155 : i32 to index
        %get3A_184 = tpu.vector_load %arg8[%get3A_182, %get3A_183] {strides = array<i32>} : memref<2x20096xi32, #tpu.memory_space<vmem>>, vector<16xi32>,
        %get3A_185 = arith.constant 1 : i32
        %get3A_186 = arith.index_cast %get3A_185 : i32 to index
        %get3A_187 = arith.index_cast %add3A_157 : i32 to index
        %get3A_188 = tpu.vector_load %arg8[%get3A_186, %get3A_187] {strides = array<i32>} : memref<2x20096xi32, #tpu.memory_space<vmem>>, vector<16xi32>,
        %get3A_189 = arith.constant 0 : i32
        %get3A_190 = arith.index_cast %get3A_189 : i32 to index
        %get3A_191 = arith.index_cast %add3A_143 : i32 to index
        %get3A_192 = tpu.vector_load %arg8[%get3A_190, %get3A_191] {strides = array<i32>} : memref<2x20096xi32, #tpu.memory_space<vmem>>, vector<16xi32>,
        %get3A_193 = arith.constant 0 : i32
        %get3A_194 = arith.index_cast %get3A_193 : i32 to index
        %get3A_195 = arith.index_cast %add3A_145 : i32 to index
        %get3A_196 = tpu.vector_load %arg8[%get3A_194, %get3A_195] {strides = array<i32>} : memref<2x20096xi32, #tpu.memory_space<vmem>>, vector<16xi32>,
        %get3A_197 = arith.constant 0 : i32
        %get3A_198 = arith.index_cast %get3A_197 : i32 to index
        %get3A_199 = arith.index_cast %add3A_147 : i32 to index
        %get3A_200 = tpu.vector_load %arg8[%get3A_198, %get3A_199] {strides = array<i32>} : memref<2x20096xi32, #tpu.memory_space<vmem>>, vector<16xi32>,
        %get3A_201 = arith.constant 0 : i32
        %get3A_202 = arith.index_cast %get3A_201 : i32 to index
        %get3A_203 = arith.index_cast %add3A_149 : i32 to index
        %get3A_204 = tpu.vector_load %arg8[%get3A_202, %get3A_203] {strides = array<i32>} : memref<2x20096xi32, #tpu.memory_space<vmem>>, vector<16xi32>,
        %get3A_205 = arith.constant 0 : i32
        %get3A_206 = arith.index_cast %get3A_205 : i32 to index
        %get3A_207 = arith.index_cast %add3A_151 : i32 to index
        %get3A_208 = tpu.vector_load %arg8[%get3A_206, %get3A_207] {strides = array<i32>} : memref<2x20096xi32, #tpu.memory_space<vmem>>, vector<16xi32>,
        %get3A_209 = arith.constant 0 : i32
        %get3A_210 = arith.index_cast %get3A_209 : i32 to index
        %get3A_211 = arith.index_cast %add3A_153 : i32 to index
        %get3A_212 = tpu.vector_load %arg8[%get3A_210, %get3A_211] {strides = array<i32>} : memref<2x20096xi32, #tpu.memory_space<vmem>>, vector<16xi32>,
        %get3A_213 = arith.constant 0 : i32
        %get3A_214 = arith.index_cast %get3A_213 : i32 to index
        %get3A_215 = arith.index_cast %add3A_155 : i32 to index
        %get3A_216 = tpu.vector_load %arg8[%get3A_214, %get3A_215] {strides = array<i32>} : memref<2x20096xi32, #tpu.memory_space<vmem>>, vector<16xi32>,
        %get3A_217 = arith.constant 0 : i32
        %get3A_218 = arith.index_cast %get3A_217 : i32 to index
        %get3A_219 = arith.index_cast %add3A_157 : i32 to index
        %get3A_220 = tpu.vector_load %arg8[%get3A_218, %get3A_219] {strides = array<i32>} : memref<2x20096xi32, #tpu.memory_space<vmem>>, vector<16xi32>,
        %gather3A = tpu.vector_load_idx %arg9[%get3A_160] : memref<10240xf32, #tpu.memory_space<vmem>>[vector<16xi32>], vector<16xf32>,
        %gather3A_221 = tpu.vector_load_idx %arg9[%get3A_164] : memref<10240xf32, #tpu.memory_space<vmem>>[vector<16xi32>], vector<16xf32>,
        %gather3A_222 = tpu.vector_load_idx %arg9[%get3A_168] : memref<10240xf32, #tpu.memory_space<vmem>>[vector<16xi32>], vector<16xf32>,
        %gather3A_223 = tpu.vector_load_idx %arg9[%get3A_172] : memref<10240xf32, #tpu.memory_space<vmem>>[vector<16xi32>], vector<16xf32>,
        %gather3A_224 = tpu.vector_load_idx %arg9[%get3A_176] : memref<10240xf32, #tpu.memory_space<vmem>>[vector<16xi32>], vector<16xf32>,
        %gather3A_225 = tpu.vector_load_idx %arg9[%get3A_180] : memref<10240xf32, #tpu.memory_space<vmem>>[vector<16xi32>], vector<16xf32>,
        %gather3A_226 = tpu.vector_load_idx %arg9[%get3A_184] : memref<10240xf32, #tpu.memory_space<vmem>>[vector<16xi32>], vector<16xf32>,
        %gather3A_227 = tpu.vector_load_idx %arg9[%get3A_188] : memref<10240xf32, #tpu.memory_space<vmem>>[vector<16xi32>], vector<16xf32>,
        tpu.vector_store_idx %arg10[%get3A_192], %gather3A {add = true} : memref<10240xf32, #tpu.memory_space<vmem>>[vector<16xi32>], vector<16xf32>,
        tpu.vector_store_idx %arg10[%get3A_196], %gather3A_221 {add = true} : memref<10240xf32, #tpu.memory_space<vmem>>[vector<16xi32>], vector<16xf32>,
        tpu.vector_store_idx %arg10[%get3A_200], %gather3A_222 {add = true} : memref<10240xf32, #tpu.memory_space<vmem>>[vector<16xi32>], vector<16xf32>,
        tpu.vector_store_idx %arg10[%get3A_204], %gather3A_223 {add = true} : memref<10240xf32, #tpu.memory_space<vmem>>[vector<16xi32>], vector<16xf32>,
        tpu.vector_store_idx %arg10[%get3A_208], %gather3A_224 {add = true} : memref<10240xf32, #tpu.memory_space<vmem>>[vector<16xi32>], vector<16xf32>,
        tpu.vector_store_idx %arg10[%get3A_212], %gather3A_225 {add = true} : memref<10240xf32, #tpu.memory_space<vmem>>[vector<16xi32>], vector<16xf32>,
        tpu.vector_store_idx %arg10[%get3A_216], %gather3A_226 {add = true} : memref<10240xf32, #tpu.memory_space<vmem>>[vector<16xi32>], vector<16xf32>,
        tpu.vector_store_idx %arg10[%get3A_220], %gather3A_227 {add = true} : memref<10240xf32, #tpu.memory_space<vmem>>[vector<16xi32>], vector<16xf32>,
      }
      %while3A_123 = arith.constant 1 : i32
      scf.for %while3A_139 = %while3A_121 to %while3A_117 step %while3A_123  : i32 {
        %mul3A_140 = arith.constant 128 : i32
        %mul3A_141 = arith.muli %while3A_139, %mul3A_140 : i32
        %add3A_142 = arith.constant 0 : i32
        %add3A_143 = arith.addi %mul3A_141, %add3A_142 : i32
        %add3A_144 = arith.constant 16 : i32
        %add3A_145 = arith.addi %mul3A_141, %add3A_144 : i32
        %add3A_146 = arith.constant 32 : i32
        %add3A_147 = arith.addi %mul3A_141, %add3A_146 : i32
        %add3A_148 = arith.constant 48 : i32
        %add3A_149 = arith.addi %mul3A_141, %add3A_148 : i32
        %add3A_150 = arith.constant 64 : i32
        %add3A_151 = arith.addi %mul3A_141, %add3A_150 : i32
        %add3A_152 = arith.constant 80 : i32
        %add3A_153 = arith.addi %mul3A_141, %add3A_152 : i32
        %add3A_154 = arith.constant 96 : i32
        %add3A_155 = arith.addi %mul3A_141, %add3A_154 : i32
        %add3A_156 = arith.constant 112 : i32
        %add3A_157 = arith.addi %mul3A_141, %add3A_156 : i32
        %get3A = arith.constant 1 : i32
        %get3A_158 = arith.index_cast %get3A : i32 to index
        %get3A_159 = arith.index_cast %add3A_143 : i32 to index
        %get3A_160 = tpu.vector_load %arg8[%get3A_158, %get3A_159] {strides = array<i32>} : memref<2x20096xi32, #tpu.memory_space<vmem>>, vector<16xi32>,
        %get3A_161 = arith.constant 1 : i32
        %get3A_162 = arith.index_cast %get3A_161 : i32 to index
        %get3A_163 = arith.index_cast %add3A_145 : i32 to index
        %get3A_164 = tpu.vector_load %arg8[%get3A_162, %get3A_163] {strides = array<i32>} : memref<2x20096xi32, #tpu.memory_space<vmem>>, vector<16xi32>,
        %get3A_165 = arith.constant 1 : i32
        %get3A_166 = arith.index_cast %get3A_165 : i32 to index
        %get3A_167 = arith.index_cast %add3A_147 : i32 to index
        %get3A_168 = tpu.vector_load %arg8[%get3A_166, %get3A_167] {strides = array<i32>} : memref<2x20096xi32, #tpu.memory_space<vmem>>, vector<16xi32>,
        %get3A_169 = arith.constant 1 : i32
        %get3A_170 = arith.index_cast %get3A_169 : i32 to index
        %get3A_171 = arith.index_cast %add3A_149 : i32 to index
        %get3A_172 = tpu.vector_load %arg8[%get3A_170, %get3A_171] {strides = array<i32>} : memref<2x20096xi32, #tpu.memory_space<vmem>>, vector<16xi32>,
        %get3A_173 = arith.constant 1 : i32
        %get3A_174 = arith.index_cast %get3A_173 : i32 to index
        %get3A_175 = arith.index_cast %add3A_151 : i32 to index
        %get3A_176 = tpu.vector_load %arg8[%get3A_174, %get3A_175] {strides = array<i32>} : memref<2x20096xi32, #tpu.memory_space<vmem>>, vector<16xi32>,
        %get3A_177 = arith.constant 1 : i32
        %get3A_178 = arith.index_cast %get3A_177 : i32 to index
        %get3A_179 = arith.index_cast %add3A_153 : i32 to index
        %get3A_180 = tpu.vector_load %arg8[%get3A_178, %get3A_179] {strides = array<i32>} : memref<2x20096xi32, #tpu.memory_space<vmem>>, vector<16xi32>,
        %get3A_181 = arith.constant 1 : i32
        %get3A_182 = arith.index_cast %get3A_181 : i32 to index
        %get3A_183 = arith.index_cast %add3A_155 : i32 to index
        %get3A_184 = tpu.vector_load %arg8[%get3A_182, %get3A_183] {strides = array<i32>} : memref<2x20096xi32, #tpu.memory_space<vmem>>, vector<16xi32>,
        %get3A_185 = arith.constant 1 : i32
        %get3A_186 = arith.index_cast %get3A_185 : i32 to index
        %get3A_187 = arith.index_cast %add3A_157 : i32 to index
        %get3A_188 = tpu.vector_load %arg8[%get3A_186, %get3A_187] {strides = array<i32>} : memref<2x20096xi32, #tpu.memory_space<vmem>>, vector<16xi32>,
        %get3A_189 = arith.constant 0 : i32
        %get3A_190 = arith.index_cast %get3A_189 : i32 to index
        %get3A_191 = arith.index_cast %add3A_143 : i32 to index
        %get3A_192 = tpu.vector_load %arg8[%get3A_190, %get3A_191] {strides = array<i32>} : memref<2x20096xi32, #tpu.memory_space<vmem>>, vector<16xi32>,
        %get3A_193 = arith.constant 0 : i32
        %get3A_194 = arith.index_cast %get3A_193 : i32 to index
        %get3A_195 = arith.index_cast %add3A_145 : i32 to index
        %get3A_196 = tpu.vector_load %arg8[%get3A_194, %get3A_195] {strides = array<i32>} : memref<2x20096xi32, #tpu.memory_space<vmem>>, vector<16xi32>,
        %get3A_197 = arith.constant 0 : i32
        %get3A_198 = arith.index_cast %get3A_197 : i32 to index
        %get3A_199 = arith.index_cast %add3A_147 : i32 to index
        %get3A_200 = tpu.vector_load %arg8[%get3A_198, %get3A_199] {strides = array<i32>} : memref<2x20096xi32, #tpu.memory_space<vmem>>, vector<16xi32>,
        %get3A_201 = arith.constant 0 : i32
        %get3A_202 = arith.index_cast %get3A_201 : i32 to index
        %get3A_203 = arith.index_cast %add3A_149 : i32 to index
        %get3A_204 = tpu.vector_load %arg8[%get3A_202, %get3A_203] {strides = array<i32>} : memref<2x20096xi32, #tpu.memory_space<vmem>>, vector<16xi32>,
        %get3A_205 = arith.constant 0 : i32
        %get3A_206 = arith.index_cast %get3A_205 : i32 to index
        %get3A_207 = arith.index_cast %add3A_151 : i32 to index
        %get3A_208 = tpu.vector_load %arg8[%get3A_206, %get3A_207] {strides = array<i32>} : memref<2x20096xi32, #tpu.memory_space<vmem>>, vector<16xi32>,
        %get3A_209 = arith.constant 0 : i32
        %get3A_210 = arith.index_cast %get3A_209 : i32 to index
        %get3A_211 = arith.index_cast %add3A_153 : i32 to index
        %get3A_212 = tpu.vector_load %arg8[%get3A_210, %get3A_211] {strides = array<i32>} : memref<2x20096xi32, #tpu.memory_space<vmem>>, vector<16xi32>,
        %get3A_213 = arith.constant 0 : i32
        %get3A_214 = arith.index_cast %get3A_213 : i32 to index
        %get3A_215 = arith.index_cast %add3A_155 : i32 to index
        %get3A_216 = tpu.vector_load %arg8[%get3A_214, %get3A_215] {strides = array<i32>} : memref<2x20096xi32, #tpu.memory_space<vmem>>, vector<16xi32>,
        %get3A_217 = arith.constant 0 : i32
        %get3A_218 = arith.index_cast %get3A_217 : i32 to index
        %get3A_219 = arith.index_cast %add3A_157 : i32 to index
        %get3A_220 = tpu.vector_load %arg8[%get3A_218, %get3A_219] {strides = array<i32>} : memref<2x20096xi32, #tpu.memory_space<vmem>>, vector<16xi32>,
        %gather3A = tpu.vector_load_idx %arg9[%get3A_160] : memref<10240xf32, #tpu.memory_space<vmem>>[vector<16xi32>], vector<16xf32>,
        %gather3A_221 = tpu.vector_load_idx %arg9[%get3A_164] : memref<10240xf32, #tpu.memory_space<vmem>>[vector<16xi32>], vector<16xf32>,
        %gather3A_222 = tpu.vector_load_idx %arg9[%get3A_168] : memref<10240xf32, #tpu.memory_space<vmem>>[vector<16xi32>], vector<16xf32>,
        %gather3A_223 = tpu.vector_load_idx %arg9[%get3A_172] : memref<10240xf32, #tpu.memory_space<vmem>>[vector<16xi32>], vector<16xf32>,
        %gather3A_224 = tpu.vector_load_idx %arg9[%get3A_176] : memref<10240xf32, #tpu.memory_space<vmem>>[vector<16xi32>], vector<16xf32>,
        %gather3A_225 = tpu.vector_load_idx %arg9[%get3A_180] : memref<10240xf32, #tpu.memory_space<vmem>>[vector<16xi32>], vector<16xf32>,
        %gather3A_226 = tpu.vector_load_idx %arg9[%get3A_184] : memref<10240xf32, #tpu.memory_space<vmem>>[vector<16xi32>], vector<16xf32>,
        %gather3A_227 = tpu.vector_load_idx %arg9[%get3A_188] : memref<10240xf32, #tpu.memory_space<vmem>>[vector<16xi32>], vector<16xf32>,
        tpu.vector_store_idx %arg10[%get3A_192], %gather3A {add = true} : memref<10240xf32, #tpu.memory_space<vmem>>[vector<16xi32>], vector<16xf32>,
        tpu.vector_store_idx %arg10[%get3A_196], %gather3A_221 {add = true} : memref<10240xf32, #tpu.memory_space<vmem>>[vector<16xi32>], vector<16xf32>,
        tpu.vector_store_idx %arg10[%get3A_200], %gather3A_222 {add = true} : memref<10240xf32, #tpu.memory_space<vmem>>[vector<16xi32>], vector<16xf32>,
        tpu.vector_store_idx %arg10[%get3A_204], %gather3A_223 {add = true} : memref<10240xf32, #tpu.memory_space<vmem>>[vector<16xi32>], vector<16xf32>,
        tpu.vector_store_idx %arg10[%get3A_208], %gather3A_224 {add = true} : memref<10240xf32, #tpu.memory_space<vmem>>[vector<16xi32>], vector<16xf32>,
        tpu.vector_store_idx %arg10[%get3A_212], %gather3A_225 {add = true} : memref<10240xf32, #tpu.memory_space<vmem>>[vector<16xi32>], vector<16xf32>,
        tpu.vector_store_idx %arg10[%get3A_216], %gather3A_226 {add = true} : memref<10240xf32, #tpu.memory_space<vmem>>[vector<16xi32>], vector<16xf32>,
        tpu.vector_store_idx %arg10[%get3A_220], %gather3A_227 {add = true} : memref<10240xf32, #tpu.memory_space<vmem>>[vector<16xi32>], vector<16xf32>,
      }
      "tpu.region"() ({
        %run_scoped3A = tpu.sem_alloc : memref<!tpu.dma_semaphore, #tpu.memory_space<semaphore_mem>>
        %dma_start3A_139 = arith.constant 0 : i32
        %dma_start3A_140 = tpu.memref_slice %arg13[%arg1, %dma_start3A_139] : memref<16x10240xf32, #tpu.memory_space<vmem_shared>> -> memref<1x10240xf32, #tpu.memory_space<vmem_shared>>
        %dma_start3A_141 = tpu.memref_squeeze %dma_start3A_140 : memref<1x10240xf32, #tpu.memory_space<vmem_shared>> -> memref<10240xf32, #tpu.memory_space<vmem_shared>>
        %dma_start3A_142 = arith.constant 0 : i32
        %dma_start3A_143 = tpu.memref_slice %arg13[%arg1, %dma_start3A_142] : memref<16x10240xf32, #tpu.memory_space<vmem_shared>> -> memref<1x10240xf32, #tpu.memory_space<vmem_shared>>
        %dma_start3A_144 = tpu.memref_squeeze %dma_start3A_143 : memref<1x10240xf32, #tpu.memory_space<vmem_shared>> -> memref<10240xf32, #tpu.memory_space<vmem_shared>>
        tpu.enqueue_dma source(%arg10 : memref<10240xf32, #tpu.memory_space<vmem>>) target(%dma_start3A_144 : memref<10240xf32, #tpu.memory_space<vmem_shared>>) target_semaphore(%run_scoped3A : memref<!tpu.dma_semaphore, #tpu.memory_space<semaphore_mem>>)
        %dma_wait3A_145 = arith.constant 0 : i32
        %dma_wait3A_146 = tpu.memref_slice %arg13[%arg1, %dma_wait3A_145] : memref<16x10240xf32, #tpu.memory_space<vmem_shared>> -> memref<1x10240xf32, #tpu.memory_space<vmem_shared>>
        %dma_wait3A_147 = tpu.memref_squeeze %dma_wait3A_146 : memref<1x10240xf32, #tpu.memory_space<vmem_shared>> -> memref<10240xf32, #tpu.memory_space<vmem_shared>>
        %dma_wait3A_148 = arith.constant 0 : i32
        %dma_wait3A_149 = tpu.memref_slice %arg13[%arg1, %dma_wait3A_148] : memref<16x10240xf32, #tpu.memory_space<vmem_shared>> -> memref<1x10240xf32, #tpu.memory_space<vmem_shared>>
        %dma_wait3A_150 = tpu.memref_squeeze %dma_wait3A_149 : memref<1x10240xf32, #tpu.memory_space<vmem_shared>> -> memref<10240xf32, #tpu.memory_space<vmem_shared>>
        tpu.wait_dma2 semaphore(%run_scoped3A : memref<!tpu.dma_semaphore, #tpu.memory_space<semaphore_mem>>) src(%arg10 : memref<10240xf32, #tpu.memory_space<vmem>>) dst(%dma_wait3A_150 : memref<10240xf32, #tpu.memory_space<vmem_shared>>)
        tpu.yield
      }) : () -> ()
      %barrier3A_124 = arith.constant 0 : index
      tpu.barrier barrier_id(%barrier3A_124)
      %dma_start3A_125 = arith.constant 0 : i32
      %dma_start3A_126 = tpu.memref_slice %arg13[%dma_start3A_125, %mul3A_47] : memref<16x10240xf32, #tpu.memory_space<vmem_shared>> -> memref<16x640xf32, #tpu.memory_space<vmem_shared>>
      %dma_start3A_127 = arith.constant 0 : i32
      %dma_start3A_128 = tpu.memref_slice %arg13[%dma_start3A_127, %mul3A_47] : memref<16x10240xf32, #tpu.memory_space<vmem_shared>> -> memref<16x640xf32, #tpu.memory_space<vmem_shared>>
      tpu.enqueue_dma source(%dma_start3A_128 : memref<16x640xf32, #tpu.memory_space<vmem_shared>>) target(%arg12 : memref<16x640xf32, #tpu.memory_space<vmem>>) target_semaphore(%arg15 : memref<!tpu.dma_semaphore, #tpu.memory_space<semaphore_mem>>)
      %dma_wait3A_129 = arith.constant 0 : i32
      %dma_wait3A_130 = tpu.memref_slice %arg13[%dma_wait3A_129, %mul3A_47] : memref<16x10240xf32, #tpu.memory_space<vmem_shared>> -> memref<16x640xf32, #tpu.memory_space<vmem_shared>>
      %dma_wait3A_131 = arith.constant 0 : i32
      %dma_wait3A_132 = tpu.memref_slice %arg13[%dma_wait3A_131, %mul3A_47] : memref<16x10240xf32, #tpu.memory_space<vmem_shared>> -> memref<16x640xf32, #tpu.memory_space<vmem_shared>>
      tpu.wait_dma2 semaphore(%arg15 : memref<!tpu.dma_semaphore, #tpu.memory_space<semaphore_mem>>) src(%dma_wait3A_132 : memref<16x640xf32, #tpu.memory_space<vmem_shared>>) dst(%arg12 : memref<16x640xf32, #tpu.memory_space<vmem>>)
      %scan3A_133 = arith.constant 0 : i32
      %scan3A_134 = arith.constant 0 : i32
      %scan3A_135 = arith.constant 40 : i32
      %scan3A_136 = arith.addi %scan3A_134, %scan3A_135 : i32
      %scan3A_137 = arith.constant 1 : i32
      scf.for %scan3A_139 = %scan3A_134 to %scan3A_136 step %scan3A_137  : i32 {
        %mul3A_140 = arith.constant 16 : i32
        %mul3A_141 = arith.muli %scan3A_139, %mul3A_140 : i32
        %get3A = arith.constant 0 : i32
        %get3A_142 = arith.index_cast %get3A : i32 to index
        %get3A_143 = arith.index_cast %mul3A_141 : i32 to index
        %get3A_144 = tpu.vector_load %arg12[%get3A_142, %get3A_143] {strides = array<i32>} : memref<16x640xf32, #tpu.memory_space<vmem>>, vector<16xf32>,
        %get3A_145 = arith.constant 1 : i32
        %get3A_146 = arith.index_cast %get3A_145 : i32 to index
        %get3A_147 = arith.index_cast %mul3A_141 : i32 to index
        %get3A_148 = tpu.vector_load %arg12[%get3A_146, %get3A_147] {strides = array<i32>} : memref<16x640xf32, #tpu.memory_space<vmem>>, vector<16xf32>,
        %add3A_149 = arith.addf %get3A_144, %get3A_148 : vector<16xf32>
        %get3A_150 = arith.constant 2 : i32
        %get3A_151 = arith.index_cast %get3A_150 : i32 to index
        %get3A_152 = arith.index_cast %mul3A_141 : i32 to index
        %get3A_153 = tpu.vector_load %arg12[%get3A_151, %get3A_152] {strides = array<i32>} : memref<16x640xf32, #tpu.memory_space<vmem>>, vector<16xf32>,
        %add3A_154 = arith.addf %add3A_149, %get3A_153 : vector<16xf32>
        %get3A_155 = arith.constant 3 : i32
        %get3A_156 = arith.index_cast %get3A_155 : i32 to index
        %get3A_157 = arith.index_cast %mul3A_141 : i32 to index
        %get3A_158 = tpu.vector_load %arg12[%get3A_156, %get3A_157] {strides = array<i32>} : memref<16x640xf32, #tpu.memory_space<vmem>>, vector<16xf32>,
        %add3A_159 = arith.addf %add3A_154, %get3A_158 : vector<16xf32>
        %get3A_160 = arith.constant 4 : i32
        %get3A_161 = arith.index_cast %get3A_160 : i32 to index
        %get3A_162 = arith.index_cast %mul3A_141 : i32 to index
        %get3A_163 = tpu.vector_load %arg12[%get3A_161, %get3A_162] {strides = array<i32>} : memref<16x640xf32, #tpu.memory_space<vmem>>, vector<16xf32>,
        %add3A_164 = arith.addf %add3A_159, %get3A_163 : vector<16xf32>
        %get3A_165 = arith.constant 5 : i32
        %get3A_166 = arith.index_cast %get3A_165 : i32 to index
        %get3A_167 = arith.index_cast %mul3A_141 : i32 to index
        %get3A_168 = tpu.vector_load %arg12[%get3A_166, %get3A_167] {strides = array<i32>} : memref<16x640xf32, #tpu.memory_space<vmem>>, vector<16xf32>,
        %add3A_169 = arith.addf %add3A_164, %get3A_168 : vector<16xf32>
        %get3A_170 = arith.constant 6 : i32
        %get3A_171 = arith.index_cast %get3A_170 : i32 to index
        %get3A_172 = arith.index_cast %mul3A_141 : i32 to index
        %get3A_173 = tpu.vector_load %arg12[%get3A_171, %get3A_172] {strides = array<i32>} : memref<16x640xf32, #tpu.memory_space<vmem>>, vector<16xf32>,
        %add3A_174 = arith.addf %add3A_169, %get3A_173 : vector<16xf32>
        %get3A_175 = arith.constant 7 : i32
        %get3A_176 = arith.index_cast %get3A_175 : i32 to index
        %get3A_177 = arith.index_cast %mul3A_141 : i32 to index
        %get3A_178 = tpu.vector_load %arg12[%get3A_176, %get3A_177] {strides = array<i32>} : memref<16x640xf32, #tpu.memory_space<vmem>>, vector<16xf32>,
        %add3A_179 = arith.addf %add3A_174, %get3A_178 : vector<16xf32>
        %get3A_180 = arith.constant 8 : i32
        %get3A_181 = arith.index_cast %get3A_180 : i32 to index
        %get3A_182 = arith.index_cast %mul3A_141 : i32 to index
        %get3A_183 = tpu.vector_load %arg12[%get3A_181, %get3A_182] {strides = array<i32>} : memref<16x640xf32, #tpu.memory_space<vmem>>, vector<16xf32>,
        %add3A_184 = arith.addf %add3A_179, %get3A_183 : vector<16xf32>
        %get3A_185 = arith.constant 9 : i32
        %get3A_186 = arith.index_cast %get3A_185 : i32 to index
        %get3A_187 = arith.index_cast %mul3A_141 : i32 to index
        %get3A_188 = tpu.vector_load %arg12[%get3A_186, %get3A_187] {strides = array<i32>} : memref<16x640xf32, #tpu.memory_space<vmem>>, vector<16xf32>,
        %add3A_189 = arith.addf %add3A_184, %get3A_188 : vector<16xf32>
        %get3A_190 = arith.constant 10 : i32
        %get3A_191 = arith.index_cast %get3A_190 : i32 to index
        %get3A_192 = arith.index_cast %mul3A_141 : i32 to index
        %get3A_193 = tpu.vector_load %arg12[%get3A_191, %get3A_192] {strides = array<i32>} : memref<16x640xf32, #tpu.memory_space<vmem>>, vector<16xf32>,
        %add3A_194 = arith.addf %add3A_189, %get3A_193 : vector<16xf32>
        %get3A_195 = arith.constant 11 : i32
        %get3A_196 = arith.index_cast %get3A_195 : i32 to index
        %get3A_197 = arith.index_cast %mul3A_141 : i32 to index
        %get3A_198 = tpu.vector_load %arg12[%get3A_196, %get3A_197] {strides = array<i32>} : memref<16x640xf32, #tpu.memory_space<vmem>>, vector<16xf32>,
        %add3A_199 = arith.addf %add3A_194, %get3A_198 : vector<16xf32>
        %get3A_200 = arith.constant 12 : i32
        %get3A_201 = arith.index_cast %get3A_200 : i32 to index
        %get3A_202 = arith.index_cast %mul3A_141 : i32 to index
        %get3A_203 = tpu.vector_load %arg12[%get3A_201, %get3A_202] {strides = array<i32>} : memref<16x640xf32, #tpu.memory_space<vmem>>, vector<16xf32>,
        %add3A_204 = arith.addf %add3A_199, %get3A_203 : vector<16xf32>
        %get3A_205 = arith.constant 13 : i32
        %get3A_206 = arith.index_cast %get3A_205 : i32 to index
        %get3A_207 = arith.index_cast %mul3A_141 : i32 to index
        %get3A_208 = tpu.vector_load %arg12[%get3A_206, %get3A_207] {strides = array<i32>} : memref<16x640xf32, #tpu.memory_space<vmem>>, vector<16xf32>,
        %add3A_209 = arith.addf %add3A_204, %get3A_208 : vector<16xf32>
        %get3A_210 = arith.constant 14 : i32
        %get3A_211 = arith.index_cast %get3A_210 : i32 to index
        %get3A_212 = arith.index_cast %mul3A_141 : i32 to index
        %get3A_213 = tpu.vector_load %arg12[%get3A_211, %get3A_212] {strides = array<i32>} : memref<16x640xf32, #tpu.memory_space<vmem>>, vector<16xf32>,
        %add3A_214 = arith.addf %add3A_209, %get3A_213 : vector<16xf32>
        %get3A_215 = arith.constant 15 : i32
        %get3A_216 = arith.index_cast %get3A_215 : i32 to index
        %get3A_217 = arith.index_cast %mul3A_141 : i32 to index
        %get3A_218 = tpu.vector_load %arg12[%get3A_216, %get3A_217] {strides = array<i32>} : memref<16x640xf32, #tpu.memory_space<vmem>>, vector<16xf32>,
        %add3A_219 = arith.addf %add3A_214, %get3A_218 : vector<16xf32>
        %swap3A = arith.index_cast %mul3A_141 : i32 to index
        %swap3A_220 = tpu.vector_load %arg11[%swap3A] {strides = array<i32>} : memref<640xf32, #tpu.memory_space<vmem>>, vector<16xf32>,
        tpu.vector_store %arg11[%swap3A], %add3A_219 {strides = array<i32>} : memref<640xf32, #tpu.memory_space<vmem>>, vector<16xf32>,
      }
      %scan3A_138 = arith.constant 40 : i32
      "tpu.region"() ({
        %run_scoped3A = tpu.sem_alloc : memref<!tpu.dma_semaphore, #tpu.memory_space<semaphore_mem>>
        %dma_start3A_139 = tpu.memref_slice %arg7[%mul3A_47] : memref<10240xf32, #tpu.memory_space<hbm>> -> memref<640xf32, #tpu.memory_space<hbm>>
        %dma_start3A_140 = tpu.memref_slice %arg7[%mul3A_47] : memref<10240xf32, #tpu.memory_space<hbm>> -> memref<640xf32, #tpu.memory_space<hbm>>
        tpu.enqueue_dma source(%arg11 : memref<640xf32, #tpu.memory_space<vmem>>) target(%dma_start3A_140 : memref<640xf32, #tpu.memory_space<hbm>>) target_semaphore(%run_scoped3A : memref<!tpu.dma_semaphore, #tpu.memory_space<semaphore_mem>>)
        %dma_wait3A_141 = tpu.memref_slice %arg7[%mul3A_47] : memref<10240xf32, #tpu.memory_space<hbm>> -> memref<640xf32, #tpu.memory_space<hbm>>
        %dma_wait3A_142 = tpu.memref_slice %arg7[%mul3A_47] : memref<10240xf32, #tpu.memory_space<hbm>> -> memref<640xf32, #tpu.memory_space<hbm>>
        tpu.wait_dma2 semaphore(%run_scoped3A : memref<!tpu.dma_semaphore, #tpu.memory_space<semaphore_mem>>) src(%arg11 : memref<640xf32, #tpu.memory_space<vmem>>) dst(%dma_wait3A_142 : memref<640xf32, #tpu.memory_space<hbm>>)
        tpu.yield
      }) : () -> ()
    } else {
    }
    return
  }
}

module attributes {stable_mosaic.version = 14 : i64} {
  func.func @body(%arg0: memref<1x128xf32, #tpu.memory_space<vmem>>, %arg1: memref<128x128xf32, #tpu.memory_space<vmem>>, %arg2: memref<128x128xf32, #tpu.memory_space<vmem>>, %arg3: memref<1x128xf32, #tpu.memory_space<vmem>>) attributes {dimension_semantics = [], scalar_prefetch = 0 : i64, scratch_operands = 0 : i64, tpu.core_type = #tpu.core_type<tc>} {
    %get3A = arith.constant 0 : index
    %get3A_0 = arith.constant 0 : index
    %get3A_1 = vector.load %arg0[%get3A, %get3A_0] : memref<1x128xf32, #tpu.memory_space<vmem>>, vector<1x128xf32>
    %get3A_2 = arith.constant 0 : index
    %get3A_3 = arith.constant 0 : index
    %get3A_4 = vector.load %arg1[%get3A_2, %get3A_3] : memref<128x128xf32, #tpu.memory_space<vmem>>, vector<128x128xf32>
    %dot_general3A = arith.constant dense<0.000000e+00> : vector<1x128xf32>
    %dot_general3A_5 = tpu.matmul %get3A_1, %get3A_4, %dot_general3A {dimension_numbers = #tpu.dot_dimension_numbers<[1], [0], [0], [1], [0, 0, 1, 1], [], []>, precision = #tpu.contract_precision<fp32>, transpose_lhs_hint = false} : vector<1x128xf32>, vector<128x128xf32>, vector<1x128xf32> -> vector<1x128xf32>
    %get3A_6 = arith.constant 0 : index
    %get3A_7 = arith.constant 0 : index
    %get3A_8 = vector.load %arg2[%get3A_6, %get3A_7] : memref<128x128xf32, #tpu.memory_space<vmem>>, vector<128x128xf32>
    %dot_general3A_9 = arith.constant dense<0.000000e+00> : vector<1x128xf32>
    %dot_general3A_10 = tpu.matmul %dot_general3A_5, %get3A_8, %dot_general3A_9 {dimension_numbers = #tpu.dot_dimension_numbers<[1], [0], [0], [1], [0, 0, 1, 1], [], []>, precision = #tpu.contract_precision<fp32>, transpose_lhs_hint = false} : vector<1x128xf32>, vector<128x128xf32>, vector<1x128xf32> -> vector<1x128xf32>
    %swap3A = arith.constant 0 : index
    %swap3A_11 = arith.constant 0 : index
    %swap3A_12 = vector.load %arg3[%swap3A, %swap3A_11] : memref<1x128xf32, #tpu.memory_space<vmem>>, vector<1x128xf32>
    tpu.vector_store %arg3[%swap3A, %swap3A_11], %dot_general3A_10 {strides = array<i32>} : memref<1x128xf32, #tpu.memory_space<vmem>>, vector<1x128xf32>,
    return
  }
}

module attributes {stable_mosaic.version = 14 : i64} {
  func.func @body(%arg0: i32, %arg1: memref<40x128xf32, #tpu.memory_space<vmem>>, %arg2: memref<40x128xf32, #tpu.memory_space<vmem>>, %arg3: memref<1x128xf32, #tpu.memory_space<vmem>>, %arg4: memref<5120x128xf32, #tpu.memory_space<vmem>>, %arg5: memref<5120x128xf32, #tpu.memory_space<vmem>>) attributes {dimension_semantics = [#tpu.dimension_semantics<parallel>], iteration_bounds = array<i64: 2>, scalar_prefetch = 0 : i64, scratch_operands = 0 : i64, tpu.core_type = #tpu.core_type<tc>, window_params = [{transform_indices = @transform_0, window_bounds = array<i64: 40, 128>}, {transform_indices = @transform_1, window_bounds = array<i64: 40, 128>}, {pipeline_mode = #tpu.pipeline_mode<synchronous>, transform_indices = @transform_2, window_bounds = array<i64: 1, 128>}, {transform_indices = @transform_3, window_bounds = array<i64: 5120, 128>}, {transform_indices = @transform_4, window_bounds = array<i64: 5120, 128>}]} {
    %get3A = arith.constant 0 : index
    %get3A_0 = arith.constant 0 : index
    %get3A_1 = vector.load %arg3[%get3A, %get3A_0] : memref<1x128xf32, #tpu.memory_space<vmem>>, vector<1x128xf32>
    %get3A_2 = arith.constant 0 : index
    %get3A_3 = arith.constant 0 : index
    %get3A_4 = vector.load %arg1[%get3A_2, %get3A_3] : memref<40x128xf32, #tpu.memory_space<vmem>>, vector<1x128xf32>
    %dot_general3A = arith.constant dense<0.000000e+00> : vector<128x128xf32>
    %dot_general3A_5 = tpu.matmul %get3A_4, %get3A_1, %dot_general3A {dimension_numbers = #tpu.dot_dimension_numbers<[0], [0], [1], [1], [0, 1, 1, 1], [], []>, transpose_lhs_hint = false} : vector<1x128xf32>, vector<1x128xf32>, vector<128x128xf32> -> vector<128x128xf32>
    %swap3A = arith.constant 0 : index
    %swap3A_6 = arith.constant 0 : index
    %swap3A_7 = vector.load %arg4[%swap3A, %swap3A_6] : memref<5120x128xf32, #tpu.memory_space<vmem>>, vector<128x128xf32>
    tpu.vector_store %arg4[%swap3A, %swap3A_6], %dot_general3A_5 {strides = array<i32>} : memref<5120x128xf32, #tpu.memory_space<vmem>>, vector<128x128xf32>,
    %get3A_8 = arith.constant 0 : index
    %get3A_9 = arith.constant 0 : index
    %get3A_10 = vector.load %arg2[%get3A_8, %get3A_9] : memref<40x128xf32, #tpu.memory_space<vmem>>, vector<1x128xf32>
    %dot_general3A_11 = arith.constant dense<0.000000e+00> : vector<128x128xf32>
    %dot_general3A_12 = tpu.matmul %get3A_10, %get3A_1, %dot_general3A_11 {dimension_numbers = #tpu.dot_dimension_numbers<[0], [0], [1], [1], [0, 1, 1, 1], [], []>, transpose_lhs_hint = false} : vector<1x128xf32>, vector<1x128xf32>, vector<128x128xf32> -> vector<128x128xf32>
    %swap3A_13 = arith.constant 0 : index
    %swap3A_14 = arith.constant 0 : index
    %swap3A_15 = vector.load %arg5[%swap3A_13, %swap3A_14] : memref<5120x128xf32, #tpu.memory_space<vmem>>, vector<128x128xf32>
    tpu.vector_store %arg5[%swap3A_13, %swap3A_14], %dot_general3A_12 {strides = array<i32>} : memref<5120x128xf32, #tpu.memory_space<vmem>>, vector<128x128xf32>,
    %get3A_16 = arith.constant 1 : index
    %get3A_17 = arith.constant 0 : index
    %get3A_18 = vector.load %arg1[%get3A_16, %get3A_17] : memref<40x128xf32, #tpu.memory_space<vmem>>, vector<1x128xf32>
    %dot_general3A_19 = arith.constant dense<0.000000e+00> : vector<128x128xf32>
    %dot_general3A_20 = tpu.matmul %get3A_18, %get3A_1, %dot_general3A_19 {dimension_numbers = #tpu.dot_dimension_numbers<[0], [0], [1], [1], [0, 1, 1, 1], [], []>, transpose_lhs_hint = false} : vector<1x128xf32>, vector<1x128xf32>, vector<128x128xf32> -> vector<128x128xf32>
    %swap3A_21 = arith.constant 128 : index
    %swap3A_22 = arith.constant 0 : index
    %swap3A_23 = vector.load %arg4[%swap3A_21, %swap3A_22] : memref<5120x128xf32, #tpu.memory_space<vmem>>, vector<128x128xf32>
    tpu.vector_store %arg4[%swap3A_21, %swap3A_22], %dot_general3A_20 {strides = array<i32>} : memref<5120x128xf32, #tpu.memory_space<vmem>>, vector<128x128xf32>,
    %get3A_24 = arith.constant 1 : index
    %get3A_25 = arith.constant 0 : index
    %get3A_26 = vector.load %arg2[%get3A_24, %get3A_25] : memref<40x128xf32, #tpu.memory_space<vmem>>, vector<1x128xf32>
    %dot_general3A_27 = arith.constant dense<0.000000e+00> : vector<128x128xf32>
    %dot_general3A_28 = tpu.matmul %get3A_26, %get3A_1, %dot_general3A_27 {dimension_numbers = #tpu.dot_dimension_numbers<[0], [0], [1], [1], [0, 1, 1, 1], [], []>, transpose_lhs_hint = false} : vector<1x128xf32>, vector<1x128xf32>, vector<128x128xf32> -> vector<128x128xf32>
    %swap3A_29 = arith.constant 128 : index
    %swap3A_30 = arith.constant 0 : index
    %swap3A_31 = vector.load %arg5[%swap3A_29, %swap3A_30] : memref<5120x128xf32, #tpu.memory_space<vmem>>, vector<128x128xf32>
    tpu.vector_store %arg5[%swap3A_29, %swap3A_30], %dot_general3A_28 {strides = array<i32>} : memref<5120x128xf32, #tpu.memory_space<vmem>>, vector<128x128xf32>,
    %get3A_32 = arith.constant 2 : index
    %get3A_33 = arith.constant 0 : index
    %get3A_34 = vector.load %arg1[%get3A_32, %get3A_33] : memref<40x128xf32, #tpu.memory_space<vmem>>, vector<1x128xf32>
    %dot_general3A_35 = arith.constant dense<0.000000e+00> : vector<128x128xf32>
    %dot_general3A_36 = tpu.matmul %get3A_34, %get3A_1, %dot_general3A_35 {dimension_numbers = #tpu.dot_dimension_numbers<[0], [0], [1], [1], [0, 1, 1, 1], [], []>, transpose_lhs_hint = false} : vector<1x128xf32>, vector<1x128xf32>, vector<128x128xf32> -> vector<128x128xf32>
    %swap3A_37 = arith.constant 256 : index
    %swap3A_38 = arith.constant 0 : index
    %swap3A_39 = vector.load %arg4[%swap3A_37, %swap3A_38] : memref<5120x128xf32, #tpu.memory_space<vmem>>, vector<128x128xf32>
    tpu.vector_store %arg4[%swap3A_37, %swap3A_38], %dot_general3A_36 {strides = array<i32>} : memref<5120x128xf32, #tpu.memory_space<vmem>>, vector<128x128xf32>,
    %get3A_40 = arith.constant 2 : index
    %get3A_41 = arith.constant 0 : index
    %get3A_42 = vector.load %arg2[%get3A_40, %get3A_41] : memref<40x128xf32, #tpu.memory_space<vmem>>, vector<1x128xf32>
    %dot_general3A_43 = arith.constant dense<0.000000e+00> : vector<128x128xf32>
    %dot_general3A_44 = tpu.matmul %get3A_42, %get3A_1, %dot_general3A_43 {dimension_numbers = #tpu.dot_dimension_numbers<[0], [0], [1], [1], [0, 1, 1, 1], [], []>, transpose_lhs_hint = false} : vector<1x128xf32>, vector<1x128xf32>, vector<128x128xf32> -> vector<128x128xf32>
    %swap3A_45 = arith.constant 256 : index
    %swap3A_46 = arith.constant 0 : index
    %swap3A_47 = vector.load %arg5[%swap3A_45, %swap3A_46] : memref<5120x128xf32, #tpu.memory_space<vmem>>, vector<128x128xf32>
    tpu.vector_store %arg5[%swap3A_45, %swap3A_46], %dot_general3A_44 {strides = array<i32>} : memref<5120x128xf32, #tpu.memory_space<vmem>>, vector<128x128xf32>,
    %get3A_48 = arith.constant 3 : index
    %get3A_49 = arith.constant 0 : index
    %get3A_50 = vector.load %arg1[%get3A_48, %get3A_49] : memref<40x128xf32, #tpu.memory_space<vmem>>, vector<1x128xf32>
    %dot_general3A_51 = arith.constant dense<0.000000e+00> : vector<128x128xf32>
    %dot_general3A_52 = tpu.matmul %get3A_50, %get3A_1, %dot_general3A_51 {dimension_numbers = #tpu.dot_dimension_numbers<[0], [0], [1], [1], [0, 1, 1, 1], [], []>, transpose_lhs_hint = false} : vector<1x128xf32>, vector<1x128xf32>, vector<128x128xf32> -> vector<128x128xf32>
    %swap3A_53 = arith.constant 384 : index
    %swap3A_54 = arith.constant 0 : index
    %swap3A_55 = vector.load %arg4[%swap3A_53, %swap3A_54] : memref<5120x128xf32, #tpu.memory_space<vmem>>, vector<128x128xf32>
    tpu.vector_store %arg4[%swap3A_53, %swap3A_54], %dot_general3A_52 {strides = array<i32>} : memref<5120x128xf32, #tpu.memory_space<vmem>>, vector<128x128xf32>,
    %get3A_56 = arith.constant 3 : index
    %get3A_57 = arith.constant 0 : index
    %get3A_58 = vector.load %arg2[%get3A_56, %get3A_57] : memref<40x128xf32, #tpu.memory_space<vmem>>, vector<1x128xf32>
    %dot_general3A_59 = arith.constant dense<0.000000e+00> : vector<128x128xf32>
    %dot_general3A_60 = tpu.matmul %get3A_58, %get3A_1, %dot_general3A_59 {dimension_numbers = #tpu.dot_dimension_numbers<[0], [0], [1], [1], [0, 1, 1, 1], [], []>, transpose_lhs_hint = false} : vector<1x128xf32>, vector<1x128xf32>, vector<128x128xf32> -> vector<128x128xf32>
    %swap3A_61 = arith.constant 384 : index
    %swap3A_62 = arith.constant 0 : index
    %swap3A_63 = vector.load %arg5[%swap3A_61, %swap3A_62] : memref<5120x128xf32, #tpu.memory_space<vmem>>, vector<128x128xf32>
    tpu.vector_store %arg5[%swap3A_61, %swap3A_62], %dot_general3A_60 {strides = array<i32>} : memref<5120x128xf32, #tpu.memory_space<vmem>>, vector<128x128xf32>,
    %get3A_64 = arith.constant 4 : index
    %get3A_65 = arith.constant 0 : index
    %get3A_66 = vector.load %arg1[%get3A_64, %get3A_65] : memref<40x128xf32, #tpu.memory_space<vmem>>, vector<1x128xf32>
    %dot_general3A_67 = arith.constant dense<0.000000e+00> : vector<128x128xf32>
    %dot_general3A_68 = tpu.matmul %get3A_66, %get3A_1, %dot_general3A_67 {dimension_numbers = #tpu.dot_dimension_numbers<[0], [0], [1], [1], [0, 1, 1, 1], [], []>, transpose_lhs_hint = false} : vector<1x128xf32>, vector<1x128xf32>, vector<128x128xf32> -> vector<128x128xf32>
    %swap3A_69 = arith.constant 512 : index
    %swap3A_70 = arith.constant 0 : index
    %swap3A_71 = vector.load %arg4[%swap3A_69, %swap3A_70] : memref<5120x128xf32, #tpu.memory_space<vmem>>, vector<128x128xf32>
    tpu.vector_store %arg4[%swap3A_69, %swap3A_70], %dot_general3A_68 {strides = array<i32>} : memref<5120x128xf32, #tpu.memory_space<vmem>>, vector<128x128xf32>,
    %get3A_72 = arith.constant 4 : index
    %get3A_73 = arith.constant 0 : index
    %get3A_74 = vector.load %arg2[%get3A_72, %get3A_73] : memref<40x128xf32, #tpu.memory_space<vmem>>, vector<1x128xf32>
    %dot_general3A_75 = arith.constant dense<0.000000e+00> : vector<128x128xf32>
    %dot_general3A_76 = tpu.matmul %get3A_74, %get3A_1, %dot_general3A_75 {dimension_numbers = #tpu.dot_dimension_numbers<[0], [0], [1], [1], [0, 1, 1, 1], [], []>, transpose_lhs_hint = false} : vector<1x128xf32>, vector<1x128xf32>, vector<128x128xf32> -> vector<128x128xf32>
    %swap3A_77 = arith.constant 512 : index
    %swap3A_78 = arith.constant 0 : index
    %swap3A_79 = vector.load %arg5[%swap3A_77, %swap3A_78] : memref<5120x128xf32, #tpu.memory_space<vmem>>, vector<128x128xf32>
    tpu.vector_store %arg5[%swap3A_77, %swap3A_78], %dot_general3A_76 {strides = array<i32>} : memref<5120x128xf32, #tpu.memory_space<vmem>>, vector<128x128xf32>,
    %get3A_80 = arith.constant 5 : index
    %get3A_81 = arith.constant 0 : index
    %get3A_82 = vector.load %arg1[%get3A_80, %get3A_81] : memref<40x128xf32, #tpu.memory_space<vmem>>, vector<1x128xf32>
    %dot_general3A_83 = arith.constant dense<0.000000e+00> : vector<128x128xf32>
    %dot_general3A_84 = tpu.matmul %get3A_82, %get3A_1, %dot_general3A_83 {dimension_numbers = #tpu.dot_dimension_numbers<[0], [0], [1], [1], [0, 1, 1, 1], [], []>, transpose_lhs_hint = false} : vector<1x128xf32>, vector<1x128xf32>, vector<128x128xf32> -> vector<128x128xf32>
    %swap3A_85 = arith.constant 640 : index
    %swap3A_86 = arith.constant 0 : index
    %swap3A_87 = vector.load %arg4[%swap3A_85, %swap3A_86] : memref<5120x128xf32, #tpu.memory_space<vmem>>, vector<128x128xf32>
    tpu.vector_store %arg4[%swap3A_85, %swap3A_86], %dot_general3A_84 {strides = array<i32>} : memref<5120x128xf32, #tpu.memory_space<vmem>>, vector<128x128xf32>,
    %get3A_88 = arith.constant 5 : index
    %get3A_89 = arith.constant 0 : index
    %get3A_90 = vector.load %arg2[%get3A_88, %get3A_89] : memref<40x128xf32, #tpu.memory_space<vmem>>, vector<1x128xf32>
    %dot_general3A_91 = arith.constant dense<0.000000e+00> : vector<128x128xf32>
    %dot_general3A_92 = tpu.matmul %get3A_90, %get3A_1, %dot_general3A_91 {dimension_numbers = #tpu.dot_dimension_numbers<[0], [0], [1], [1], [0, 1, 1, 1], [], []>, transpose_lhs_hint = false} : vector<1x128xf32>, vector<1x128xf32>, vector<128x128xf32> -> vector<128x128xf32>
    %swap3A_93 = arith.constant 640 : index
    %swap3A_94 = arith.constant 0 : index
    %swap3A_95 = vector.load %arg5[%swap3A_93, %swap3A_94] : memref<5120x128xf32, #tpu.memory_space<vmem>>, vector<128x128xf32>
    tpu.vector_store %arg5[%swap3A_93, %swap3A_94], %dot_general3A_92 {strides = array<i32>} : memref<5120x128xf32, #tpu.memory_space<vmem>>, vector<128x128xf32>,
    %get3A_96 = arith.constant 6 : index
    %get3A_97 = arith.constant 0 : index
    %get3A_98 = vector.load %arg1[%get3A_96, %get3A_97] : memref<40x128xf32, #tpu.memory_space<vmem>>, vector<1x128xf32>
    %dot_general3A_99 = arith.constant dense<0.000000e+00> : vector<128x128xf32>
    %dot_general3A_100 = tpu.matmul %get3A_98, %get3A_1, %dot_general3A_99 {dimension_numbers = #tpu.dot_dimension_numbers<[0], [0], [1], [1], [0, 1, 1, 1], [], []>, transpose_lhs_hint = false} : vector<1x128xf32>, vector<1x128xf32>, vector<128x128xf32> -> vector<128x128xf32>
    %swap3A_101 = arith.constant 768 : index
    %swap3A_102 = arith.constant 0 : index
    %swap3A_103 = vector.load %arg4[%swap3A_101, %swap3A_102] : memref<5120x128xf32, #tpu.memory_space<vmem>>, vector<128x128xf32>
    tpu.vector_store %arg4[%swap3A_101, %swap3A_102], %dot_general3A_100 {strides = array<i32>} : memref<5120x128xf32, #tpu.memory_space<vmem>>, vector<128x128xf32>,
    %get3A_104 = arith.constant 6 : index
    %get3A_105 = arith.constant 0 : index
    %get3A_106 = vector.load %arg2[%get3A_104, %get3A_105] : memref<40x128xf32, #tpu.memory_space<vmem>>, vector<1x128xf32>
    %dot_general3A_107 = arith.constant dense<0.000000e+00> : vector<128x128xf32>
    %dot_general3A_108 = tpu.matmul %get3A_106, %get3A_1, %dot_general3A_107 {dimension_numbers = #tpu.dot_dimension_numbers<[0], [0], [1], [1], [0, 1, 1, 1], [], []>, transpose_lhs_hint = false} : vector<1x128xf32>, vector<1x128xf32>, vector<128x128xf32> -> vector<128x128xf32>
    %swap3A_109 = arith.constant 768 : index
    %swap3A_110 = arith.constant 0 : index
    %swap3A_111 = vector.load %arg5[%swap3A_109, %swap3A_110] : memref<5120x128xf32, #tpu.memory_space<vmem>>, vector<128x128xf32>
    tpu.vector_store %arg5[%swap3A_109, %swap3A_110], %dot_general3A_108 {strides = array<i32>} : memref<5120x128xf32, #tpu.memory_space<vmem>>, vector<128x128xf32>,
    %get3A_112 = arith.constant 7 : index
    %get3A_113 = arith.constant 0 : index
    %get3A_114 = vector.load %arg1[%get3A_112, %get3A_113] : memref<40x128xf32, #tpu.memory_space<vmem>>, vector<1x128xf32>
    %dot_general3A_115 = arith.constant dense<0.000000e+00> : vector<128x128xf32>
    %dot_general3A_116 = tpu.matmul %get3A_114, %get3A_1, %dot_general3A_115 {dimension_numbers = #tpu.dot_dimension_numbers<[0], [0], [1], [1], [0, 1, 1, 1], [], []>, transpose_lhs_hint = false} : vector<1x128xf32>, vector<1x128xf32>, vector<128x128xf32> -> vector<128x128xf32>
    %swap3A_117 = arith.constant 896 : index
    %swap3A_118 = arith.constant 0 : index
    %swap3A_119 = vector.load %arg4[%swap3A_117, %swap3A_118] : memref<5120x128xf32, #tpu.memory_space<vmem>>, vector<128x128xf32>
    tpu.vector_store %arg4[%swap3A_117, %swap3A_118], %dot_general3A_116 {strides = array<i32>} : memref<5120x128xf32, #tpu.memory_space<vmem>>, vector<128x128xf32>,
    %get3A_120 = arith.constant 7 : index
    %get3A_121 = arith.constant 0 : index
    %get3A_122 = vector.load %arg2[%get3A_120, %get3A_121] : memref<40x128xf32, #tpu.memory_space<vmem>>, vector<1x128xf32>
    %dot_general3A_123 = arith.constant dense<0.000000e+00> : vector<128x128xf32>
    %dot_general3A_124 = tpu.matmul %get3A_122, %get3A_1, %dot_general3A_123 {dimension_numbers = #tpu.dot_dimension_numbers<[0], [0], [1], [1], [0, 1, 1, 1], [], []>, transpose_lhs_hint = false} : vector<1x128xf32>, vector<1x128xf32>, vector<128x128xf32> -> vector<128x128xf32>
    %swap3A_125 = arith.constant 896 : index
    %swap3A_126 = arith.constant 0 : index
    %swap3A_127 = vector.load %arg5[%swap3A_125, %swap3A_126] : memref<5120x128xf32, #tpu.memory_space<vmem>>, vector<128x128xf32>
    tpu.vector_store %arg5[%swap3A_125, %swap3A_126], %dot_general3A_124 {strides = array<i32>} : memref<5120x128xf32, #tpu.memory_space<vmem>>, vector<128x128xf32>,
    %get3A_128 = arith.constant 8 : index
    %get3A_129 = arith.constant 0 : index
    %get3A_130 = vector.load %arg1[%get3A_128, %get3A_129] : memref<40x128xf32, #tpu.memory_space<vmem>>, vector<1x128xf32>
    %dot_general3A_131 = arith.constant dense<0.000000e+00> : vector<128x128xf32>
    %dot_general3A_132 = tpu.matmul %get3A_130, %get3A_1, %dot_general3A_131 {dimension_numbers = #tpu.dot_dimension_numbers<[0], [0], [1], [1], [0, 1, 1, 1], [], []>, transpose_lhs_hint = false} : vector<1x128xf32>, vector<1x128xf32>, vector<128x128xf32> -> vector<128x128xf32>
    %swap3A_133 = arith.constant 1024 : index
    %swap3A_134 = arith.constant 0 : index
    %swap3A_135 = vector.load %arg4[%swap3A_133, %swap3A_134] : memref<5120x128xf32, #tpu.memory_space<vmem>>, vector<128x128xf32>
    tpu.vector_store %arg4[%swap3A_133, %swap3A_134], %dot_general3A_132 {strides = array<i32>} : memref<5120x128xf32, #tpu.memory_space<vmem>>, vector<128x128xf32>,
    %get3A_136 = arith.constant 8 : index
    %get3A_137 = arith.constant 0 : index
    %get3A_138 = vector.load %arg2[%get3A_136, %get3A_137] : memref<40x128xf32, #tpu.memory_space<vmem>>, vector<1x128xf32>
    %dot_general3A_139 = arith.constant dense<0.000000e+00> : vector<128x128xf32>
    %dot_general3A_140 = tpu.matmul %get3A_138, %get3A_1, %dot_general3A_139 {dimension_numbers = #tpu.dot_dimension_numbers<[0], [0], [1], [1], [0, 1, 1, 1], [], []>, transpose_lhs_hint = false} : vector<1x128xf32>, vector<1x128xf32>, vector<128x128xf32> -> vector<128x128xf32>
    %swap3A_141 = arith.constant 1024 : index
    %swap3A_142 = arith.constant 0 : index
    %swap3A_143 = vector.load %arg5[%swap3A_141, %swap3A_142] : memref<5120x128xf32, #tpu.memory_space<vmem>>, vector<128x128xf32>
    tpu.vector_store %arg5[%swap3A_141, %swap3A_142], %dot_general3A_140 {strides = array<i32>} : memref<5120x128xf32, #tpu.memory_space<vmem>>, vector<128x128xf32>,
    %get3A_144 = arith.constant 9 : index
    %get3A_145 = arith.constant 0 : index
    %get3A_146 = vector.load %arg1[%get3A_144, %get3A_145] : memref<40x128xf32, #tpu.memory_space<vmem>>, vector<1x128xf32>
    %dot_general3A_147 = arith.constant dense<0.000000e+00> : vector<128x128xf32>
    %dot_general3A_148 = tpu.matmul %get3A_146, %get3A_1, %dot_general3A_147 {dimension_numbers = #tpu.dot_dimension_numbers<[0], [0], [1], [1], [0, 1, 1, 1], [], []>, transpose_lhs_hint = false} : vector<1x128xf32>, vector<1x128xf32>, vector<128x128xf32> -> vector<128x128xf32>
    %swap3A_149 = arith.constant 1152 : index
    %swap3A_150 = arith.constant 0 : index
    %swap3A_151 = vector.load %arg4[%swap3A_149, %swap3A_150] : memref<5120x128xf32, #tpu.memory_space<vmem>>, vector<128x128xf32>
    tpu.vector_store %arg4[%swap3A_149, %swap3A_150], %dot_general3A_148 {strides = array<i32>} : memref<5120x128xf32, #tpu.memory_space<vmem>>, vector<128x128xf32>,
    %get3A_152 = arith.constant 9 : index
    %get3A_153 = arith.constant 0 : index
    %get3A_154 = vector.load %arg2[%get3A_152, %get3A_153] : memref<40x128xf32, #tpu.memory_space<vmem>>, vector<1x128xf32>
    %dot_general3A_155 = arith.constant dense<0.000000e+00> : vector<128x128xf32>
    %dot_general3A_156 = tpu.matmul %get3A_154, %get3A_1, %dot_general3A_155 {dimension_numbers = #tpu.dot_dimension_numbers<[0], [0], [1], [1], [0, 1, 1, 1], [], []>, transpose_lhs_hint = false} : vector<1x128xf32>, vector<1x128xf32>, vector<128x128xf32> -> vector<128x128xf32>
    %swap3A_157 = arith.constant 1152 : index
    %swap3A_158 = arith.constant 0 : index
    %swap3A_159 = vector.load %arg5[%swap3A_157, %swap3A_158] : memref<5120x128xf32, #tpu.memory_space<vmem>>, vector<128x128xf32>
    tpu.vector_store %arg5[%swap3A_157, %swap3A_158], %dot_general3A_156 {strides = array<i32>} : memref<5120x128xf32, #tpu.memory_space<vmem>>, vector<128x128xf32>,
    %get3A_160 = arith.constant 10 : index
    %get3A_161 = arith.constant 0 : index
    %get3A_162 = vector.load %arg1[%get3A_160, %get3A_161] : memref<40x128xf32, #tpu.memory_space<vmem>>, vector<1x128xf32>
    %dot_general3A_163 = arith.constant dense<0.000000e+00> : vector<128x128xf32>
    %dot_general3A_164 = tpu.matmul %get3A_162, %get3A_1, %dot_general3A_163 {dimension_numbers = #tpu.dot_dimension_numbers<[0], [0], [1], [1], [0, 1, 1, 1], [], []>, transpose_lhs_hint = false} : vector<1x128xf32>, vector<1x128xf32>, vector<128x128xf32> -> vector<128x128xf32>
    %swap3A_165 = arith.constant 1280 : index
    %swap3A_166 = arith.constant 0 : index
    %swap3A_167 = vector.load %arg4[%swap3A_165, %swap3A_166] : memref<5120x128xf32, #tpu.memory_space<vmem>>, vector<128x128xf32>
    tpu.vector_store %arg4[%swap3A_165, %swap3A_166], %dot_general3A_164 {strides = array<i32>} : memref<5120x128xf32, #tpu.memory_space<vmem>>, vector<128x128xf32>,
    %get3A_168 = arith.constant 10 : index
    %get3A_169 = arith.constant 0 : index
    %get3A_170 = vector.load %arg2[%get3A_168, %get3A_169] : memref<40x128xf32, #tpu.memory_space<vmem>>, vector<1x128xf32>
    %dot_general3A_171 = arith.constant dense<0.000000e+00> : vector<128x128xf32>
    %dot_general3A_172 = tpu.matmul %get3A_170, %get3A_1, %dot_general3A_171 {dimension_numbers = #tpu.dot_dimension_numbers<[0], [0], [1], [1], [0, 1, 1, 1], [], []>, transpose_lhs_hint = false} : vector<1x128xf32>, vector<1x128xf32>, vector<128x128xf32> -> vector<128x128xf32>
    %swap3A_173 = arith.constant 1280 : index
    %swap3A_174 = arith.constant 0 : index
    %swap3A_175 = vector.load %arg5[%swap3A_173, %swap3A_174] : memref<5120x128xf32, #tpu.memory_space<vmem>>, vector<128x128xf32>
    tpu.vector_store %arg5[%swap3A_173, %swap3A_174], %dot_general3A_172 {strides = array<i32>} : memref<5120x128xf32, #tpu.memory_space<vmem>>, vector<128x128xf32>,
    %get3A_176 = arith.constant 11 : index
    %get3A_177 = arith.constant 0 : index
    %get3A_178 = vector.load %arg1[%get3A_176, %get3A_177] : memref<40x128xf32, #tpu.memory_space<vmem>>, vector<1x128xf32>
    %dot_general3A_179 = arith.constant dense<0.000000e+00> : vector<128x128xf32>
    %dot_general3A_180 = tpu.matmul %get3A_178, %get3A_1, %dot_general3A_179 {dimension_numbers = #tpu.dot_dimension_numbers<[0], [0], [1], [1], [0, 1, 1, 1], [], []>, transpose_lhs_hint = false} : vector<1x128xf32>, vector<1x128xf32>, vector<128x128xf32> -> vector<128x128xf32>
    %swap3A_181 = arith.constant 1408 : index
    %swap3A_182 = arith.constant 0 : index
    %swap3A_183 = vector.load %arg4[%swap3A_181, %swap3A_182] : memref<5120x128xf32, #tpu.memory_space<vmem>>, vector<128x128xf32>
    tpu.vector_store %arg4[%swap3A_181, %swap3A_182], %dot_general3A_180 {strides = array<i32>} : memref<5120x128xf32, #tpu.memory_space<vmem>>, vector<128x128xf32>,
    %get3A_184 = arith.constant 11 : index
    %get3A_185 = arith.constant 0 : index
    %get3A_186 = vector.load %arg2[%get3A_184, %get3A_185] : memref<40x128xf32, #tpu.memory_space<vmem>>, vector<1x128xf32>
    %dot_general3A_187 = arith.constant dense<0.000000e+00> : vector<128x128xf32>
    %dot_general3A_188 = tpu.matmul %get3A_186, %get3A_1, %dot_general3A_187 {dimension_numbers = #tpu.dot_dimension_numbers<[0], [0], [1], [1], [0, 1, 1, 1], [], []>, transpose_lhs_hint = false} : vector<1x128xf32>, vector<1x128xf32>, vector<128x128xf32> -> vector<128x128xf32>
    %swap3A_189 = arith.constant 1408 : index
    %swap3A_190 = arith.constant 0 : index
    %swap3A_191 = vector.load %arg5[%swap3A_189, %swap3A_190] : memref<5120x128xf32, #tpu.memory_space<vmem>>, vector<128x128xf32>
    tpu.vector_store %arg5[%swap3A_189, %swap3A_190], %dot_general3A_188 {strides = array<i32>} : memref<5120x128xf32, #tpu.memory_space<vmem>>, vector<128x128xf32>,
    %get3A_192 = arith.constant 12 : index
    %get3A_193 = arith.constant 0 : index
    %get3A_194 = vector.load %arg1[%get3A_192, %get3A_193] : memref<40x128xf32, #tpu.memory_space<vmem>>, vector<1x128xf32>
    %dot_general3A_195 = arith.constant dense<0.000000e+00> : vector<128x128xf32>
    %dot_general3A_196 = tpu.matmul %get3A_194, %get3A_1, %dot_general3A_195 {dimension_numbers = #tpu.dot_dimension_numbers<[0], [0], [1], [1], [0, 1, 1, 1], [], []>, transpose_lhs_hint = false} : vector<1x128xf32>, vector<1x128xf32>, vector<128x128xf32> -> vector<128x128xf32>
    %swap3A_197 = arith.constant 1536 : index
    %swap3A_198 = arith.constant 0 : index
    %swap3A_199 = vector.load %arg4[%swap3A_197, %swap3A_198] : memref<5120x128xf32, #tpu.memory_space<vmem>>, vector<128x128xf32>
    tpu.vector_store %arg4[%swap3A_197, %swap3A_198], %dot_general3A_196 {strides = array<i32>} : memref<5120x128xf32, #tpu.memory_space<vmem>>, vector<128x128xf32>,
    %get3A_200 = arith.constant 12 : index
    %get3A_201 = arith.constant 0 : index
    %get3A_202 = vector.load %arg2[%get3A_200, %get3A_201] : memref<40x128xf32, #tpu.memory_space<vmem>>, vector<1x128xf32>
    %dot_general3A_203 = arith.constant dense<0.000000e+00> : vector<128x128xf32>
    %dot_general3A_204 = tpu.matmul %get3A_202, %get3A_1, %dot_general3A_203 {dimension_numbers = #tpu.dot_dimension_numbers<[0], [0], [1], [1], [0, 1, 1, 1], [], []>, transpose_lhs_hint = false} : vector<1x128xf32>, vector<1x128xf32>, vector<128x128xf32> -> vector<128x128xf32>
    %swap3A_205 = arith.constant 1536 : index
    %swap3A_206 = arith.constant 0 : index
    %swap3A_207 = vector.load %arg5[%swap3A_205, %swap3A_206] : memref<5120x128xf32, #tpu.memory_space<vmem>>, vector<128x128xf32>
    tpu.vector_store %arg5[%swap3A_205, %swap3A_206], %dot_general3A_204 {strides = array<i32>} : memref<5120x128xf32, #tpu.memory_space<vmem>>, vector<128x128xf32>,
    %get3A_208 = arith.constant 13 : index
    %get3A_209 = arith.constant 0 : index
    %get3A_210 = vector.load %arg1[%get3A_208, %get3A_209] : memref<40x128xf32, #tpu.memory_space<vmem>>, vector<1x128xf32>
    %dot_general3A_211 = arith.constant dense<0.000000e+00> : vector<128x128xf32>
    %dot_general3A_212 = tpu.matmul %get3A_210, %get3A_1, %dot_general3A_211 {dimension_numbers = #tpu.dot_dimension_numbers<[0], [0], [1], [1], [0, 1, 1, 1], [], []>, transpose_lhs_hint = false} : vector<1x128xf32>, vector<1x128xf32>, vector<128x128xf32> -> vector<128x128xf32>
    %swap3A_213 = arith.constant 1664 : index
    %swap3A_214 = arith.constant 0 : index
    %swap3A_215 = vector.load %arg4[%swap3A_213, %swap3A_214] : memref<5120x128xf32, #tpu.memory_space<vmem>>, vector<128x128xf32>
    tpu.vector_store %arg4[%swap3A_213, %swap3A_214], %dot_general3A_212 {strides = array<i32>} : memref<5120x128xf32, #tpu.memory_space<vmem>>, vector<128x128xf32>,
    %get3A_216 = arith.constant 13 : index
    %get3A_217 = arith.constant 0 : index
    %get3A_218 = vector.load %arg2[%get3A_216, %get3A_217] : memref<40x128xf32, #tpu.memory_space<vmem>>, vector<1x128xf32>
    %dot_general3A_219 = arith.constant dense<0.000000e+00> : vector<128x128xf32>
    %dot_general3A_220 = tpu.matmul %get3A_218, %get3A_1, %dot_general3A_219 {dimension_numbers = #tpu.dot_dimension_numbers<[0], [0], [1], [1], [0, 1, 1, 1], [], []>, transpose_lhs_hint = false} : vector<1x128xf32>, vector<1x128xf32>, vector<128x128xf32> -> vector<128x128xf32>
    %swap3A_221 = arith.constant 1664 : index
    %swap3A_222 = arith.constant 0 : index
    %swap3A_223 = vector.load %arg5[%swap3A_221, %swap3A_222] : memref<5120x128xf32, #tpu.memory_space<vmem>>, vector<128x128xf32>
    tpu.vector_store %arg5[%swap3A_221, %swap3A_222], %dot_general3A_220 {strides = array<i32>} : memref<5120x128xf32, #tpu.memory_space<vmem>>, vector<128x128xf32>,
    %get3A_224 = arith.constant 14 : index
    %get3A_225 = arith.constant 0 : index
    %get3A_226 = vector.load %arg1[%get3A_224, %get3A_225] : memref<40x128xf32, #tpu.memory_space<vmem>>, vector<1x128xf32>
    %dot_general3A_227 = arith.constant dense<0.000000e+00> : vector<128x128xf32>
    %dot_general3A_228 = tpu.matmul %get3A_226, %get3A_1, %dot_general3A_227 {dimension_numbers = #tpu.dot_dimension_numbers<[0], [0], [1], [1], [0, 1, 1, 1], [], []>, transpose_lhs_hint = false} : vector<1x128xf32>, vector<1x128xf32>, vector<128x128xf32> -> vector<128x128xf32>
    %swap3A_229 = arith.constant 1792 : index
    %swap3A_230 = arith.constant 0 : index
    %swap3A_231 = vector.load %arg4[%swap3A_229, %swap3A_230] : memref<5120x128xf32, #tpu.memory_space<vmem>>, vector<128x128xf32>
    tpu.vector_store %arg4[%swap3A_229, %swap3A_230], %dot_general3A_228 {strides = array<i32>} : memref<5120x128xf32, #tpu.memory_space<vmem>>, vector<128x128xf32>,
    %get3A_232 = arith.constant 14 : index
    %get3A_233 = arith.constant 0 : index
    %get3A_234 = vector.load %arg2[%get3A_232, %get3A_233] : memref<40x128xf32, #tpu.memory_space<vmem>>, vector<1x128xf32>
    %dot_general3A_235 = arith.constant dense<0.000000e+00> : vector<128x128xf32>
    %dot_general3A_236 = tpu.matmul %get3A_234, %get3A_1, %dot_general3A_235 {dimension_numbers = #tpu.dot_dimension_numbers<[0], [0], [1], [1], [0, 1, 1, 1], [], []>, transpose_lhs_hint = false} : vector<1x128xf32>, vector<1x128xf32>, vector<128x128xf32> -> vector<128x128xf32>
    %swap3A_237 = arith.constant 1792 : index
    %swap3A_238 = arith.constant 0 : index
    %swap3A_239 = vector.load %arg5[%swap3A_237, %swap3A_238] : memref<5120x128xf32, #tpu.memory_space<vmem>>, vector<128x128xf32>
    tpu.vector_store %arg5[%swap3A_237, %swap3A_238], %dot_general3A_236 {strides = array<i32>} : memref<5120x128xf32, #tpu.memory_space<vmem>>, vector<128x128xf32>,
    %get3A_240 = arith.constant 15 : index
    %get3A_241 = arith.constant 0 : index
    %get3A_242 = vector.load %arg1[%get3A_240, %get3A_241] : memref<40x128xf32, #tpu.memory_space<vmem>>, vector<1x128xf32>
    %dot_general3A_243 = arith.constant dense<0.000000e+00> : vector<128x128xf32>
    %dot_general3A_244 = tpu.matmul %get3A_242, %get3A_1, %dot_general3A_243 {dimension_numbers = #tpu.dot_dimension_numbers<[0], [0], [1], [1], [0, 1, 1, 1], [], []>, transpose_lhs_hint = false} : vector<1x128xf32>, vector<1x128xf32>, vector<128x128xf32> -> vector<128x128xf32>
    %swap3A_245 = arith.constant 1920 : index
    %swap3A_246 = arith.constant 0 : index
    %swap3A_247 = vector.load %arg4[%swap3A_245, %swap3A_246] : memref<5120x128xf32, #tpu.memory_space<vmem>>, vector<128x128xf32>
    tpu.vector_store %arg4[%swap3A_245, %swap3A_246], %dot_general3A_244 {strides = array<i32>} : memref<5120x128xf32, #tpu.memory_space<vmem>>, vector<128x128xf32>,
    %get3A_248 = arith.constant 15 : index
    %get3A_249 = arith.constant 0 : index
    %get3A_250 = vector.load %arg2[%get3A_248, %get3A_249] : memref<40x128xf32, #tpu.memory_space<vmem>>, vector<1x128xf32>
    %dot_general3A_251 = arith.constant dense<0.000000e+00> : vector<128x128xf32>
    %dot_general3A_252 = tpu.matmul %get3A_250, %get3A_1, %dot_general3A_251 {dimension_numbers = #tpu.dot_dimension_numbers<[0], [0], [1], [1], [0, 1, 1, 1], [], []>, transpose_lhs_hint = false} : vector<1x128xf32>, vector<1x128xf32>, vector<128x128xf32> -> vector<128x128xf32>
    %swap3A_253 = arith.constant 1920 : index
    %swap3A_254 = arith.constant 0 : index
    %swap3A_255 = vector.load %arg5[%swap3A_253, %swap3A_254] : memref<5120x128xf32, #tpu.memory_space<vmem>>, vector<128x128xf32>
    tpu.vector_store %arg5[%swap3A_253, %swap3A_254], %dot_general3A_252 {strides = array<i32>} : memref<5120x128xf32, #tpu.memory_space<vmem>>, vector<128x128xf32>,
    %get3A_256 = arith.constant 16 : index
    %get3A_257 = arith.constant 0 : index
    %get3A_258 = vector.load %arg1[%get3A_256, %get3A_257] : memref<40x128xf32, #tpu.memory_space<vmem>>, vector<1x128xf32>
    %dot_general3A_259 = arith.constant dense<0.000000e+00> : vector<128x128xf32>
    %dot_general3A_260 = tpu.matmul %get3A_258, %get3A_1, %dot_general3A_259 {dimension_numbers = #tpu.dot_dimension_numbers<[0], [0], [1], [1], [0, 1, 1, 1], [], []>, transpose_lhs_hint = false} : vector<1x128xf32>, vector<1x128xf32>, vector<128x128xf32> -> vector<128x128xf32>
    %swap3A_261 = arith.constant 2048 : index
    %swap3A_262 = arith.constant 0 : index
    %swap3A_263 = vector.load %arg4[%swap3A_261, %swap3A_262] : memref<5120x128xf32, #tpu.memory_space<vmem>>, vector<128x128xf32>
    tpu.vector_store %arg4[%swap3A_261, %swap3A_262], %dot_general3A_260 {strides = array<i32>} : memref<5120x128xf32, #tpu.memory_space<vmem>>, vector<128x128xf32>,
    %get3A_264 = arith.constant 16 : index
    %get3A_265 = arith.constant 0 : index
    %get3A_266 = vector.load %arg2[%get3A_264, %get3A_265] : memref<40x128xf32, #tpu.memory_space<vmem>>, vector<1x128xf32>
    %dot_general3A_267 = arith.constant dense<0.000000e+00> : vector<128x128xf32>
    %dot_general3A_268 = tpu.matmul %get3A_266, %get3A_1, %dot_general3A_267 {dimension_numbers = #tpu.dot_dimension_numbers<[0], [0], [1], [1], [0, 1, 1, 1], [], []>, transpose_lhs_hint = false} : vector<1x128xf32>, vector<1x128xf32>, vector<128x128xf32> -> vector<128x128xf32>
    %swap3A_269 = arith.constant 2048 : index
    %swap3A_270 = arith.constant 0 : index
    %swap3A_271 = vector.load %arg5[%swap3A_269, %swap3A_270] : memref<5120x128xf32, #tpu.memory_space<vmem>>, vector<128x128xf32>
    tpu.vector_store %arg5[%swap3A_269, %swap3A_270], %dot_general3A_268 {strides = array<i32>} : memref<5120x128xf32, #tpu.memory_space<vmem>>, vector<128x128xf32>,
    %get3A_272 = arith.constant 17 : index
    %get3A_273 = arith.constant 0 : index
    %get3A_274 = vector.load %arg1[%get3A_272, %get3A_273] : memref<40x128xf32, #tpu.memory_space<vmem>>, vector<1x128xf32>
    %dot_general3A_275 = arith.constant dense<0.000000e+00> : vector<128x128xf32>
    %dot_general3A_276 = tpu.matmul %get3A_274, %get3A_1, %dot_general3A_275 {dimension_numbers = #tpu.dot_dimension_numbers<[0], [0], [1], [1], [0, 1, 1, 1], [], []>, transpose_lhs_hint = false} : vector<1x128xf32>, vector<1x128xf32>, vector<128x128xf32> -> vector<128x128xf32>
    %swap3A_277 = arith.constant 2176 : index
    %swap3A_278 = arith.constant 0 : index
    %swap3A_279 = vector.load %arg4[%swap3A_277, %swap3A_278] : memref<5120x128xf32, #tpu.memory_space<vmem>>, vector<128x128xf32>
    tpu.vector_store %arg4[%swap3A_277, %swap3A_278], %dot_general3A_276 {strides = array<i32>} : memref<5120x128xf32, #tpu.memory_space<vmem>>, vector<128x128xf32>,
    %get3A_280 = arith.constant 17 : index
    %get3A_281 = arith.constant 0 : index
    %get3A_282 = vector.load %arg2[%get3A_280, %get3A_281] : memref<40x128xf32, #tpu.memory_space<vmem>>, vector<1x128xf32>
    %dot_general3A_283 = arith.constant dense<0.000000e+00> : vector<128x128xf32>
    %dot_general3A_284 = tpu.matmul %get3A_282, %get3A_1, %dot_general3A_283 {dimension_numbers = #tpu.dot_dimension_numbers<[0], [0], [1], [1], [0, 1, 1, 1], [], []>, transpose_lhs_hint = false} : vector<1x128xf32>, vector<1x128xf32>, vector<128x128xf32> -> vector<128x128xf32>
    %swap3A_285 = arith.constant 2176 : index
    %swap3A_286 = arith.constant 0 : index
    %swap3A_287 = vector.load %arg5[%swap3A_285, %swap3A_286] : memref<5120x128xf32, #tpu.memory_space<vmem>>, vector<128x128xf32>
    tpu.vector_store %arg5[%swap3A_285, %swap3A_286], %dot_general3A_284 {strides = array<i32>} : memref<5120x128xf32, #tpu.memory_space<vmem>>, vector<128x128xf32>,
    %get3A_288 = arith.constant 18 : index
    %get3A_289 = arith.constant 0 : index
    %get3A_290 = vector.load %arg1[%get3A_288, %get3A_289] : memref<40x128xf32, #tpu.memory_space<vmem>>, vector<1x128xf32>
    %dot_general3A_291 = arith.constant dense<0.000000e+00> : vector<128x128xf32>
    %dot_general3A_292 = tpu.matmul %get3A_290, %get3A_1, %dot_general3A_291 {dimension_numbers = #tpu.dot_dimension_numbers<[0], [0], [1], [1], [0, 1, 1, 1], [], []>, transpose_lhs_hint = false} : vector<1x128xf32>, vector<1x128xf32>, vector<128x128xf32> -> vector<128x128xf32>
    %swap3A_293 = arith.constant 2304 : index
    %swap3A_294 = arith.constant 0 : index
    %swap3A_295 = vector.load %arg4[%swap3A_293, %swap3A_294] : memref<5120x128xf32, #tpu.memory_space<vmem>>, vector<128x128xf32>
    tpu.vector_store %arg4[%swap3A_293, %swap3A_294], %dot_general3A_292 {strides = array<i32>} : memref<5120x128xf32, #tpu.memory_space<vmem>>, vector<128x128xf32>,
    %get3A_296 = arith.constant 18 : index
    %get3A_297 = arith.constant 0 : index
    %get3A_298 = vector.load %arg2[%get3A_296, %get3A_297] : memref<40x128xf32, #tpu.memory_space<vmem>>, vector<1x128xf32>
    %dot_general3A_299 = arith.constant dense<0.000000e+00> : vector<128x128xf32>
    %dot_general3A_300 = tpu.matmul %get3A_298, %get3A_1, %dot_general3A_299 {dimension_numbers = #tpu.dot_dimension_numbers<[0], [0], [1], [1], [0, 1, 1, 1], [], []>, transpose_lhs_hint = false} : vector<1x128xf32>, vector<1x128xf32>, vector<128x128xf32> -> vector<128x128xf32>
    %swap3A_301 = arith.constant 2304 : index
    %swap3A_302 = arith.constant 0 : index
    %swap3A_303 = vector.load %arg5[%swap3A_301, %swap3A_302] : memref<5120x128xf32, #tpu.memory_space<vmem>>, vector<128x128xf32>
    tpu.vector_store %arg5[%swap3A_301, %swap3A_302], %dot_general3A_300 {strides = array<i32>} : memref<5120x128xf32, #tpu.memory_space<vmem>>, vector<128x128xf32>,
    %get3A_304 = arith.constant 19 : index
    %get3A_305 = arith.constant 0 : index
    %get3A_306 = vector.load %arg1[%get3A_304, %get3A_305] : memref<40x128xf32, #tpu.memory_space<vmem>>, vector<1x128xf32>
    %dot_general3A_307 = arith.constant dense<0.000000e+00> : vector<128x128xf32>
    %dot_general3A_308 = tpu.matmul %get3A_306, %get3A_1, %dot_general3A_307 {dimension_numbers = #tpu.dot_dimension_numbers<[0], [0], [1], [1], [0, 1, 1, 1], [], []>, transpose_lhs_hint = false} : vector<1x128xf32>, vector<1x128xf32>, vector<128x128xf32> -> vector<128x128xf32>
    %swap3A_309 = arith.constant 2432 : index
    %swap3A_310 = arith.constant 0 : index
    %swap3A_311 = vector.load %arg4[%swap3A_309, %swap3A_310] : memref<5120x128xf32, #tpu.memory_space<vmem>>, vector<128x128xf32>
    tpu.vector_store %arg4[%swap3A_309, %swap3A_310], %dot_general3A_308 {strides = array<i32>} : memref<5120x128xf32, #tpu.memory_space<vmem>>, vector<128x128xf32>,
    %get3A_312 = arith.constant 19 : index
    %get3A_313 = arith.constant 0 : index
    %get3A_314 = vector.load %arg2[%get3A_312, %get3A_313] : memref<40x128xf32, #tpu.memory_space<vmem>>, vector<1x128xf32>
    %dot_general3A_315 = arith.constant dense<0.000000e+00> : vector<128x128xf32>
    %dot_general3A_316 = tpu.matmul %get3A_314, %get3A_1, %dot_general3A_315 {dimension_numbers = #tpu.dot_dimension_numbers<[0], [0], [1], [1], [0, 1, 1, 1], [], []>, transpose_lhs_hint = false} : vector<1x128xf32>, vector<1x128xf32>, vector<128x128xf32> -> vector<128x128xf32>
    %swap3A_317 = arith.constant 2432 : index
    %swap3A_318 = arith.constant 0 : index
    %swap3A_319 = vector.load %arg5[%swap3A_317, %swap3A_318] : memref<5120x128xf32, #tpu.memory_space<vmem>>, vector<128x128xf32>
    tpu.vector_store %arg5[%swap3A_317, %swap3A_318], %dot_general3A_316 {strides = array<i32>} : memref<5120x128xf32, #tpu.memory_space<vmem>>, vector<128x128xf32>,
    %get3A_320 = arith.constant 20 : index
    %get3A_321 = arith.constant 0 : index
    %get3A_322 = vector.load %arg1[%get3A_320, %get3A_321] : memref<40x128xf32, #tpu.memory_space<vmem>>, vector<1x128xf32>
    %dot_general3A_323 = arith.constant dense<0.000000e+00> : vector<128x128xf32>
    %dot_general3A_324 = tpu.matmul %get3A_322, %get3A_1, %dot_general3A_323 {dimension_numbers = #tpu.dot_dimension_numbers<[0], [0], [1], [1], [0, 1, 1, 1], [], []>, transpose_lhs_hint = false} : vector<1x128xf32>, vector<1x128xf32>, vector<128x128xf32> -> vector<128x128xf32>
    %swap3A_325 = arith.constant 2560 : index
    %swap3A_326 = arith.constant 0 : index
    %swap3A_327 = vector.load %arg4[%swap3A_325, %swap3A_326] : memref<5120x128xf32, #tpu.memory_space<vmem>>, vector<128x128xf32>
    tpu.vector_store %arg4[%swap3A_325, %swap3A_326], %dot_general3A_324 {strides = array<i32>} : memref<5120x128xf32, #tpu.memory_space<vmem>>, vector<128x128xf32>,
    %get3A_328 = arith.constant 20 : index
    %get3A_329 = arith.constant 0 : index
    %get3A_330 = vector.load %arg2[%get3A_328, %get3A_329] : memref<40x128xf32, #tpu.memory_space<vmem>>, vector<1x128xf32>
    %dot_general3A_331 = arith.constant dense<0.000000e+00> : vector<128x128xf32>
    %dot_general3A_332 = tpu.matmul %get3A_330, %get3A_1, %dot_general3A_331 {dimension_numbers = #tpu.dot_dimension_numbers<[0], [0], [1], [1], [0, 1, 1, 1], [], []>, transpose_lhs_hint = false} : vector<1x128xf32>, vector<1x128xf32>, vector<128x128xf32> -> vector<128x128xf32>
    %swap3A_333 = arith.constant 2560 : index
    %swap3A_334 = arith.constant 0 : index
    %swap3A_335 = vector.load %arg5[%swap3A_333, %swap3A_334] : memref<5120x128xf32, #tpu.memory_space<vmem>>, vector<128x128xf32>
    tpu.vector_store %arg5[%swap3A_333, %swap3A_334], %dot_general3A_332 {strides = array<i32>} : memref<5120x128xf32, #tpu.memory_space<vmem>>, vector<128x128xf32>,
    %get3A_336 = arith.constant 21 : index
    %get3A_337 = arith.constant 0 : index
    %get3A_338 = vector.load %arg1[%get3A_336, %get3A_337] : memref<40x128xf32, #tpu.memory_space<vmem>>, vector<1x128xf32>
    %dot_general3A_339 = arith.constant dense<0.000000e+00> : vector<128x128xf32>
    %dot_general3A_340 = tpu.matmul %get3A_338, %get3A_1, %dot_general3A_339 {dimension_numbers = #tpu.dot_dimension_numbers<[0], [0], [1], [1], [0, 1, 1, 1], [], []>, transpose_lhs_hint = false} : vector<1x128xf32>, vector<1x128xf32>, vector<128x128xf32> -> vector<128x128xf32>
    %swap3A_341 = arith.constant 2688 : index
    %swap3A_342 = arith.constant 0 : index
    %swap3A_343 = vector.load %arg4[%swap3A_341, %swap3A_342] : memref<5120x128xf32, #tpu.memory_space<vmem>>, vector<128x128xf32>
    tpu.vector_store %arg4[%swap3A_341, %swap3A_342], %dot_general3A_340 {strides = array<i32>} : memref<5120x128xf32, #tpu.memory_space<vmem>>, vector<128x128xf32>,
    %get3A_344 = arith.constant 21 : index
    %get3A_345 = arith.constant 0 : index
    %get3A_346 = vector.load %arg2[%get3A_344, %get3A_345] : memref<40x128xf32, #tpu.memory_space<vmem>>, vector<1x128xf32>
    %dot_general3A_347 = arith.constant dense<0.000000e+00> : vector<128x128xf32>
    %dot_general3A_348 = tpu.matmul %get3A_346, %get3A_1, %dot_general3A_347 {dimension_numbers = #tpu.dot_dimension_numbers<[0], [0], [1], [1], [0, 1, 1, 1], [], []>, transpose_lhs_hint = false} : vector<1x128xf32>, vector<1x128xf32>, vector<128x128xf32> -> vector<128x128xf32>
    %swap3A_349 = arith.constant 2688 : index
    %swap3A_350 = arith.constant 0 : index
    %swap3A_351 = vector.load %arg5[%swap3A_349, %swap3A_350] : memref<5120x128xf32, #tpu.memory_space<vmem>>, vector<128x128xf32>
    tpu.vector_store %arg5[%swap3A_349, %swap3A_350], %dot_general3A_348 {strides = array<i32>} : memref<5120x128xf32, #tpu.memory_space<vmem>>, vector<128x128xf32>,
    %get3A_352 = arith.constant 22 : index
    %get3A_353 = arith.constant 0 : index
    %get3A_354 = vector.load %arg1[%get3A_352, %get3A_353] : memref<40x128xf32, #tpu.memory_space<vmem>>, vector<1x128xf32>
    %dot_general3A_355 = arith.constant dense<0.000000e+00> : vector<128x128xf32>
    %dot_general3A_356 = tpu.matmul %get3A_354, %get3A_1, %dot_general3A_355 {dimension_numbers = #tpu.dot_dimension_numbers<[0], [0], [1], [1], [0, 1, 1, 1], [], []>, transpose_lhs_hint = false} : vector<1x128xf32>, vector<1x128xf32>, vector<128x128xf32> -> vector<128x128xf32>
    %swap3A_357 = arith.constant 2816 : index
    %swap3A_358 = arith.constant 0 : index
    %swap3A_359 = vector.load %arg4[%swap3A_357, %swap3A_358] : memref<5120x128xf32, #tpu.memory_space<vmem>>, vector<128x128xf32>
    tpu.vector_store %arg4[%swap3A_357, %swap3A_358], %dot_general3A_356 {strides = array<i32>} : memref<5120x128xf32, #tpu.memory_space<vmem>>, vector<128x128xf32>,
    %get3A_360 = arith.constant 22 : index
    %get3A_361 = arith.constant 0 : index
    %get3A_362 = vector.load %arg2[%get3A_360, %get3A_361] : memref<40x128xf32, #tpu.memory_space<vmem>>, vector<1x128xf32>
    %dot_general3A_363 = arith.constant dense<0.000000e+00> : vector<128x128xf32>
    %dot_general3A_364 = tpu.matmul %get3A_362, %get3A_1, %dot_general3A_363 {dimension_numbers = #tpu.dot_dimension_numbers<[0], [0], [1], [1], [0, 1, 1, 1], [], []>, transpose_lhs_hint = false} : vector<1x128xf32>, vector<1x128xf32>, vector<128x128xf32> -> vector<128x128xf32>
    %swap3A_365 = arith.constant 2816 : index
    %swap3A_366 = arith.constant 0 : index
    %swap3A_367 = vector.load %arg5[%swap3A_365, %swap3A_366] : memref<5120x128xf32, #tpu.memory_space<vmem>>, vector<128x128xf32>
    tpu.vector_store %arg5[%swap3A_365, %swap3A_366], %dot_general3A_364 {strides = array<i32>} : memref<5120x128xf32, #tpu.memory_space<vmem>>, vector<128x128xf32>,
    %get3A_368 = arith.constant 23 : index
    %get3A_369 = arith.constant 0 : index
    %get3A_370 = vector.load %arg1[%get3A_368, %get3A_369] : memref<40x128xf32, #tpu.memory_space<vmem>>, vector<1x128xf32>
    %dot_general3A_371 = arith.constant dense<0.000000e+00> : vector<128x128xf32>
    %dot_general3A_372 = tpu.matmul %get3A_370, %get3A_1, %dot_general3A_371 {dimension_numbers = #tpu.dot_dimension_numbers<[0], [0], [1], [1], [0, 1, 1, 1], [], []>, transpose_lhs_hint = false} : vector<1x128xf32>, vector<1x128xf32>, vector<128x128xf32> -> vector<128x128xf32>
    %swap3A_373 = arith.constant 2944 : index
    %swap3A_374 = arith.constant 0 : index
    %swap3A_375 = vector.load %arg4[%swap3A_373, %swap3A_374] : memref<5120x128xf32, #tpu.memory_space<vmem>>, vector<128x128xf32>
    tpu.vector_store %arg4[%swap3A_373, %swap3A_374], %dot_general3A_372 {strides = array<i32>} : memref<5120x128xf32, #tpu.memory_space<vmem>>, vector<128x128xf32>,
    %get3A_376 = arith.constant 23 : index
    %get3A_377 = arith.constant 0 : index
    %get3A_378 = vector.load %arg2[%get3A_376, %get3A_377] : memref<40x128xf32, #tpu.memory_space<vmem>>, vector<1x128xf32>
    %dot_general3A_379 = arith.constant dense<0.000000e+00> : vector<128x128xf32>
    %dot_general3A_380 = tpu.matmul %get3A_378, %get3A_1, %dot_general3A_379 {dimension_numbers = #tpu.dot_dimension_numbers<[0], [0], [1], [1], [0, 1, 1, 1], [], []>, transpose_lhs_hint = false} : vector<1x128xf32>, vector<1x128xf32>, vector<128x128xf32> -> vector<128x128xf32>
    %swap3A_381 = arith.constant 2944 : index
    %swap3A_382 = arith.constant 0 : index
    %swap3A_383 = vector.load %arg5[%swap3A_381, %swap3A_382] : memref<5120x128xf32, #tpu.memory_space<vmem>>, vector<128x128xf32>
    tpu.vector_store %arg5[%swap3A_381, %swap3A_382], %dot_general3A_380 {strides = array<i32>} : memref<5120x128xf32, #tpu.memory_space<vmem>>, vector<128x128xf32>,
    %get3A_384 = arith.constant 24 : index
    %get3A_385 = arith.constant 0 : index
    %get3A_386 = vector.load %arg1[%get3A_384, %get3A_385] : memref<40x128xf32, #tpu.memory_space<vmem>>, vector<1x128xf32>
    %dot_general3A_387 = arith.constant dense<0.000000e+00> : vector<128x128xf32>
    %dot_general3A_388 = tpu.matmul %get3A_386, %get3A_1, %dot_general3A_387 {dimension_numbers = #tpu.dot_dimension_numbers<[0], [0], [1], [1], [0, 1, 1, 1], [], []>, transpose_lhs_hint = false} : vector<1x128xf32>, vector<1x128xf32>, vector<128x128xf32> -> vector<128x128xf32>
    %swap3A_389 = arith.constant 3072 : index
    %swap3A_390 = arith.constant 0 : index
    %swap3A_391 = vector.load %arg4[%swap3A_389, %swap3A_390] : memref<5120x128xf32, #tpu.memory_space<vmem>>, vector<128x128xf32>
    tpu.vector_store %arg4[%swap3A_389, %swap3A_390], %dot_general3A_388 {strides = array<i32>} : memref<5120x128xf32, #tpu.memory_space<vmem>>, vector<128x128xf32>,
    %get3A_392 = arith.constant 24 : index
    %get3A_393 = arith.constant 0 : index
    %get3A_394 = vector.load %arg2[%get3A_392, %get3A_393] : memref<40x128xf32, #tpu.memory_space<vmem>>, vector<1x128xf32>
    %dot_general3A_395 = arith.constant dense<0.000000e+00> : vector<128x128xf32>
    %dot_general3A_396 = tpu.matmul %get3A_394, %get3A_1, %dot_general3A_395 {dimension_numbers = #tpu.dot_dimension_numbers<[0], [0], [1], [1], [0, 1, 1, 1], [], []>, transpose_lhs_hint = false} : vector<1x128xf32>, vector<1x128xf32>, vector<128x128xf32> -> vector<128x128xf32>
    %swap3A_397 = arith.constant 3072 : index
    %swap3A_398 = arith.constant 0 : index
    %swap3A_399 = vector.load %arg5[%swap3A_397, %swap3A_398] : memref<5120x128xf32, #tpu.memory_space<vmem>>, vector<128x128xf32>
    tpu.vector_store %arg5[%swap3A_397, %swap3A_398], %dot_general3A_396 {strides = array<i32>} : memref<5120x128xf32, #tpu.memory_space<vmem>>, vector<128x128xf32>,
    %get3A_400 = arith.constant 25 : index
    %get3A_401 = arith.constant 0 : index
    %get3A_402 = vector.load %arg1[%get3A_400, %get3A_401] : memref<40x128xf32, #tpu.memory_space<vmem>>, vector<1x128xf32>
    %dot_general3A_403 = arith.constant dense<0.000000e+00> : vector<128x128xf32>
    %dot_general3A_404 = tpu.matmul %get3A_402, %get3A_1, %dot_general3A_403 {dimension_numbers = #tpu.dot_dimension_numbers<[0], [0], [1], [1], [0, 1, 1, 1], [], []>, transpose_lhs_hint = false} : vector<1x128xf32>, vector<1x128xf32>, vector<128x128xf32> -> vector<128x128xf32>
    %swap3A_405 = arith.constant 3200 : index
    %swap3A_406 = arith.constant 0 : index
    %swap3A_407 = vector.load %arg4[%swap3A_405, %swap3A_406] : memref<5120x128xf32, #tpu.memory_space<vmem>>, vector<128x128xf32>
    tpu.vector_store %arg4[%swap3A_405, %swap3A_406], %dot_general3A_404 {strides = array<i32>} : memref<5120x128xf32, #tpu.memory_space<vmem>>, vector<128x128xf32>,
    %get3A_408 = arith.constant 25 : index
    %get3A_409 = arith.constant 0 : index
    %get3A_410 = vector.load %arg2[%get3A_408, %get3A_409] : memref<40x128xf32, #tpu.memory_space<vmem>>, vector<1x128xf32>
    %dot_general3A_411 = arith.constant dense<0.000000e+00> : vector<128x128xf32>
    %dot_general3A_412 = tpu.matmul %get3A_410, %get3A_1, %dot_general3A_411 {dimension_numbers = #tpu.dot_dimension_numbers<[0], [0], [1], [1], [0, 1, 1, 1], [], []>, transpose_lhs_hint = false} : vector<1x128xf32>, vector<1x128xf32>, vector<128x128xf32> -> vector<128x128xf32>
    %swap3A_413 = arith.constant 3200 : index
    %swap3A_414 = arith.constant 0 : index
    %swap3A_415 = vector.load %arg5[%swap3A_413, %swap3A_414] : memref<5120x128xf32, #tpu.memory_space<vmem>>, vector<128x128xf32>
    tpu.vector_store %arg5[%swap3A_413, %swap3A_414], %dot_general3A_412 {strides = array<i32>} : memref<5120x128xf32, #tpu.memory_space<vmem>>, vector<128x128xf32>,
    %get3A_416 = arith.constant 26 : index
    %get3A_417 = arith.constant 0 : index
    %get3A_418 = vector.load %arg1[%get3A_416, %get3A_417] : memref<40x128xf32, #tpu.memory_space<vmem>>, vector<1x128xf32>
    %dot_general3A_419 = arith.constant dense<0.000000e+00> : vector<128x128xf32>
    %dot_general3A_420 = tpu.matmul %get3A_418, %get3A_1, %dot_general3A_419 {dimension_numbers = #tpu.dot_dimension_numbers<[0], [0], [1], [1], [0, 1, 1, 1], [], []>, transpose_lhs_hint = false} : vector<1x128xf32>, vector<1x128xf32>, vector<128x128xf32> -> vector<128x128xf32>
    %swap3A_421 = arith.constant 3328 : index
    %swap3A_422 = arith.constant 0 : index
    %swap3A_423 = vector.load %arg4[%swap3A_421, %swap3A_422] : memref<5120x128xf32, #tpu.memory_space<vmem>>, vector<128x128xf32>
    tpu.vector_store %arg4[%swap3A_421, %swap3A_422], %dot_general3A_420 {strides = array<i32>} : memref<5120x128xf32, #tpu.memory_space<vmem>>, vector<128x128xf32>,
    %get3A_424 = arith.constant 26 : index
    %get3A_425 = arith.constant 0 : index
    %get3A_426 = vector.load %arg2[%get3A_424, %get3A_425] : memref<40x128xf32, #tpu.memory_space<vmem>>, vector<1x128xf32>
    %dot_general3A_427 = arith.constant dense<0.000000e+00> : vector<128x128xf32>
    %dot_general3A_428 = tpu.matmul %get3A_426, %get3A_1, %dot_general3A_427 {dimension_numbers = #tpu.dot_dimension_numbers<[0], [0], [1], [1], [0, 1, 1, 1], [], []>, transpose_lhs_hint = false} : vector<1x128xf32>, vector<1x128xf32>, vector<128x128xf32> -> vector<128x128xf32>
    %swap3A_429 = arith.constant 3328 : index
    %swap3A_430 = arith.constant 0 : index
    %swap3A_431 = vector.load %arg5[%swap3A_429, %swap3A_430] : memref<5120x128xf32, #tpu.memory_space<vmem>>, vector<128x128xf32>
    tpu.vector_store %arg5[%swap3A_429, %swap3A_430], %dot_general3A_428 {strides = array<i32>} : memref<5120x128xf32, #tpu.memory_space<vmem>>, vector<128x128xf32>,
    %get3A_432 = arith.constant 27 : index
    %get3A_433 = arith.constant 0 : index
    %get3A_434 = vector.load %arg1[%get3A_432, %get3A_433] : memref<40x128xf32, #tpu.memory_space<vmem>>, vector<1x128xf32>
    %dot_general3A_435 = arith.constant dense<0.000000e+00> : vector<128x128xf32>
    %dot_general3A_436 = tpu.matmul %get3A_434, %get3A_1, %dot_general3A_435 {dimension_numbers = #tpu.dot_dimension_numbers<[0], [0], [1], [1], [0, 1, 1, 1], [], []>, transpose_lhs_hint = false} : vector<1x128xf32>, vector<1x128xf32>, vector<128x128xf32> -> vector<128x128xf32>
    %swap3A_437 = arith.constant 3456 : index
    %swap3A_438 = arith.constant 0 : index
    %swap3A_439 = vector.load %arg4[%swap3A_437, %swap3A_438] : memref<5120x128xf32, #tpu.memory_space<vmem>>, vector<128x128xf32>
    tpu.vector_store %arg4[%swap3A_437, %swap3A_438], %dot_general3A_436 {strides = array<i32>} : memref<5120x128xf32, #tpu.memory_space<vmem>>, vector<128x128xf32>,
    %get3A_440 = arith.constant 27 : index
    %get3A_441 = arith.constant 0 : index
    %get3A_442 = vector.load %arg2[%get3A_440, %get3A_441] : memref<40x128xf32, #tpu.memory_space<vmem>>, vector<1x128xf32>
    %dot_general3A_443 = arith.constant dense<0.000000e+00> : vector<128x128xf32>
    %dot_general3A_444 = tpu.matmul %get3A_442, %get3A_1, %dot_general3A_443 {dimension_numbers = #tpu.dot_dimension_numbers<[0], [0], [1], [1], [0, 1, 1, 1], [], []>, transpose_lhs_hint = false} : vector<1x128xf32>, vector<1x128xf32>, vector<128x128xf32> -> vector<128x128xf32>
    %swap3A_445 = arith.constant 3456 : index
    %swap3A_446 = arith.constant 0 : index
    %swap3A_447 = vector.load %arg5[%swap3A_445, %swap3A_446] : memref<5120x128xf32, #tpu.memory_space<vmem>>, vector<128x128xf32>
    tpu.vector_store %arg5[%swap3A_445, %swap3A_446], %dot_general3A_444 {strides = array<i32>} : memref<5120x128xf32, #tpu.memory_space<vmem>>, vector<128x128xf32>,
    %get3A_448 = arith.constant 28 : index
    %get3A_449 = arith.constant 0 : index
    %get3A_450 = vector.load %arg1[%get3A_448, %get3A_449] : memref<40x128xf32, #tpu.memory_space<vmem>>, vector<1x128xf32>
    %dot_general3A_451 = arith.constant dense<0.000000e+00> : vector<128x128xf32>
    %dot_general3A_452 = tpu.matmul %get3A_450, %get3A_1, %dot_general3A_451 {dimension_numbers = #tpu.dot_dimension_numbers<[0], [0], [1], [1], [0, 1, 1, 1], [], []>, transpose_lhs_hint = false} : vector<1x128xf32>, vector<1x128xf32>, vector<128x128xf32> -> vector<128x128xf32>
    %swap3A_453 = arith.constant 3584 : index
    %swap3A_454 = arith.constant 0 : index
    %swap3A_455 = vector.load %arg4[%swap3A_453, %swap3A_454] : memref<5120x128xf32, #tpu.memory_space<vmem>>, vector<128x128xf32>
    tpu.vector_store %arg4[%swap3A_453, %swap3A_454], %dot_general3A_452 {strides = array<i32>} : memref<5120x128xf32, #tpu.memory_space<vmem>>, vector<128x128xf32>,
    %get3A_456 = arith.constant 28 : index
    %get3A_457 = arith.constant 0 : index
    %get3A_458 = vector.load %arg2[%get3A_456, %get3A_457] : memref<40x128xf32, #tpu.memory_space<vmem>>, vector<1x128xf32>
    %dot_general3A_459 = arith.constant dense<0.000000e+00> : vector<128x128xf32>
    %dot_general3A_460 = tpu.matmul %get3A_458, %get3A_1, %dot_general3A_459 {dimension_numbers = #tpu.dot_dimension_numbers<[0], [0], [1], [1], [0, 1, 1, 1], [], []>, transpose_lhs_hint = false} : vector<1x128xf32>, vector<1x128xf32>, vector<128x128xf32> -> vector<128x128xf32>
    %swap3A_461 = arith.constant 3584 : index
    %swap3A_462 = arith.constant 0 : index
    %swap3A_463 = vector.load %arg5[%swap3A_461, %swap3A_462] : memref<5120x128xf32, #tpu.memory_space<vmem>>, vector<128x128xf32>
    tpu.vector_store %arg5[%swap3A_461, %swap3A_462], %dot_general3A_460 {strides = array<i32>} : memref<5120x128xf32, #tpu.memory_space<vmem>>, vector<128x128xf32>,
    %get3A_464 = arith.constant 29 : index
    %get3A_465 = arith.constant 0 : index
    %get3A_466 = vector.load %arg1[%get3A_464, %get3A_465] : memref<40x128xf32, #tpu.memory_space<vmem>>, vector<1x128xf32>
    %dot_general3A_467 = arith.constant dense<0.000000e+00> : vector<128x128xf32>
    %dot_general3A_468 = tpu.matmul %get3A_466, %get3A_1, %dot_general3A_467 {dimension_numbers = #tpu.dot_dimension_numbers<[0], [0], [1], [1], [0, 1, 1, 1], [], []>, transpose_lhs_hint = false} : vector<1x128xf32>, vector<1x128xf32>, vector<128x128xf32> -> vector<128x128xf32>
    %swap3A_469 = arith.constant 3712 : index
    %swap3A_470 = arith.constant 0 : index
    %swap3A_471 = vector.load %arg4[%swap3A_469, %swap3A_470] : memref<5120x128xf32, #tpu.memory_space<vmem>>, vector<128x128xf32>
    tpu.vector_store %arg4[%swap3A_469, %swap3A_470], %dot_general3A_468 {strides = array<i32>} : memref<5120x128xf32, #tpu.memory_space<vmem>>, vector<128x128xf32>,
    %get3A_472 = arith.constant 29 : index
    %get3A_473 = arith.constant 0 : index
    %get3A_474 = vector.load %arg2[%get3A_472, %get3A_473] : memref<40x128xf32, #tpu.memory_space<vmem>>, vector<1x128xf32>
    %dot_general3A_475 = arith.constant dense<0.000000e+00> : vector<128x128xf32>
    %dot_general3A_476 = tpu.matmul %get3A_474, %get3A_1, %dot_general3A_475 {dimension_numbers = #tpu.dot_dimension_numbers<[0], [0], [1], [1], [0, 1, 1, 1], [], []>, transpose_lhs_hint = false} : vector<1x128xf32>, vector<1x128xf32>, vector<128x128xf32> -> vector<128x128xf32>
    %swap3A_477 = arith.constant 3712 : index
    %swap3A_478 = arith.constant 0 : index
    %swap3A_479 = vector.load %arg5[%swap3A_477, %swap3A_478] : memref<5120x128xf32, #tpu.memory_space<vmem>>, vector<128x128xf32>
    tpu.vector_store %arg5[%swap3A_477, %swap3A_478], %dot_general3A_476 {strides = array<i32>} : memref<5120x128xf32, #tpu.memory_space<vmem>>, vector<128x128xf32>,
    %get3A_480 = arith.constant 30 : index
    %get3A_481 = arith.constant 0 : index
    %get3A_482 = vector.load %arg1[%get3A_480, %get3A_481] : memref<40x128xf32, #tpu.memory_space<vmem>>, vector<1x128xf32>
    %dot_general3A_483 = arith.constant dense<0.000000e+00> : vector<128x128xf32>
    %dot_general3A_484 = tpu.matmul %get3A_482, %get3A_1, %dot_general3A_483 {dimension_numbers = #tpu.dot_dimension_numbers<[0], [0], [1], [1], [0, 1, 1, 1], [], []>, transpose_lhs_hint = false} : vector<1x128xf32>, vector<1x128xf32>, vector<128x128xf32> -> vector<128x128xf32>
    %swap3A_485 = arith.constant 3840 : index
    %swap3A_486 = arith.constant 0 : index
    %swap3A_487 = vector.load %arg4[%swap3A_485, %swap3A_486] : memref<5120x128xf32, #tpu.memory_space<vmem>>, vector<128x128xf32>
    tpu.vector_store %arg4[%swap3A_485, %swap3A_486], %dot_general3A_484 {strides = array<i32>} : memref<5120x128xf32, #tpu.memory_space<vmem>>, vector<128x128xf32>,
    %get3A_488 = arith.constant 30 : index
    %get3A_489 = arith.constant 0 : index
    %get3A_490 = vector.load %arg2[%get3A_488, %get3A_489] : memref<40x128xf32, #tpu.memory_space<vmem>>, vector<1x128xf32>
    %dot_general3A_491 = arith.constant dense<0.000000e+00> : vector<128x128xf32>
    %dot_general3A_492 = tpu.matmul %get3A_490, %get3A_1, %dot_general3A_491 {dimension_numbers = #tpu.dot_dimension_numbers<[0], [0], [1], [1], [0, 1, 1, 1], [], []>, transpose_lhs_hint = false} : vector<1x128xf32>, vector<1x128xf32>, vector<128x128xf32> -> vector<128x128xf32>
    %swap3A_493 = arith.constant 3840 : index
    %swap3A_494 = arith.constant 0 : index
    %swap3A_495 = vector.load %arg5[%swap3A_493, %swap3A_494] : memref<5120x128xf32, #tpu.memory_space<vmem>>, vector<128x128xf32>
    tpu.vector_store %arg5[%swap3A_493, %swap3A_494], %dot_general3A_492 {strides = array<i32>} : memref<5120x128xf32, #tpu.memory_space<vmem>>, vector<128x128xf32>,
    %get3A_496 = arith.constant 31 : index
    %get3A_497 = arith.constant 0 : index
    %get3A_498 = vector.load %arg1[%get3A_496, %get3A_497] : memref<40x128xf32, #tpu.memory_space<vmem>>, vector<1x128xf32>
    %dot_general3A_499 = arith.constant dense<0.000000e+00> : vector<128x128xf32>
    %dot_general3A_500 = tpu.matmul %get3A_498, %get3A_1, %dot_general3A_499 {dimension_numbers = #tpu.dot_dimension_numbers<[0], [0], [1], [1], [0, 1, 1, 1], [], []>, transpose_lhs_hint = false} : vector<1x128xf32>, vector<1x128xf32>, vector<128x128xf32> -> vector<128x128xf32>
    %swap3A_501 = arith.constant 3968 : index
    %swap3A_502 = arith.constant 0 : index
    %swap3A_503 = vector.load %arg4[%swap3A_501, %swap3A_502] : memref<5120x128xf32, #tpu.memory_space<vmem>>, vector<128x128xf32>
    tpu.vector_store %arg4[%swap3A_501, %swap3A_502], %dot_general3A_500 {strides = array<i32>} : memref<5120x128xf32, #tpu.memory_space<vmem>>, vector<128x128xf32>,
    %get3A_504 = arith.constant 31 : index
    %get3A_505 = arith.constant 0 : index
    %get3A_506 = vector.load %arg2[%get3A_504, %get3A_505] : memref<40x128xf32, #tpu.memory_space<vmem>>, vector<1x128xf32>
    %dot_general3A_507 = arith.constant dense<0.000000e+00> : vector<128x128xf32>
    %dot_general3A_508 = tpu.matmul %get3A_506, %get3A_1, %dot_general3A_507 {dimension_numbers = #tpu.dot_dimension_numbers<[0], [0], [1], [1], [0, 1, 1, 1], [], []>, transpose_lhs_hint = false} : vector<1x128xf32>, vector<1x128xf32>, vector<128x128xf32> -> vector<128x128xf32>
    %swap3A_509 = arith.constant 3968 : index
    %swap3A_510 = arith.constant 0 : index
    %swap3A_511 = vector.load %arg5[%swap3A_509, %swap3A_510] : memref<5120x128xf32, #tpu.memory_space<vmem>>, vector<128x128xf32>
    tpu.vector_store %arg5[%swap3A_509, %swap3A_510], %dot_general3A_508 {strides = array<i32>} : memref<5120x128xf32, #tpu.memory_space<vmem>>, vector<128x128xf32>,
    %get3A_512 = arith.constant 32 : index
    %get3A_513 = arith.constant 0 : index
    %get3A_514 = vector.load %arg1[%get3A_512, %get3A_513] : memref<40x128xf32, #tpu.memory_space<vmem>>, vector<1x128xf32>
    %dot_general3A_515 = arith.constant dense<0.000000e+00> : vector<128x128xf32>
    %dot_general3A_516 = tpu.matmul %get3A_514, %get3A_1, %dot_general3A_515 {dimension_numbers = #tpu.dot_dimension_numbers<[0], [0], [1], [1], [0, 1, 1, 1], [], []>, transpose_lhs_hint = false} : vector<1x128xf32>, vector<1x128xf32>, vector<128x128xf32> -> vector<128x128xf32>
    %swap3A_517 = arith.constant 4096 : index
    %swap3A_518 = arith.constant 0 : index
    %swap3A_519 = vector.load %arg4[%swap3A_517, %swap3A_518] : memref<5120x128xf32, #tpu.memory_space<vmem>>, vector<128x128xf32>
    tpu.vector_store %arg4[%swap3A_517, %swap3A_518], %dot_general3A_516 {strides = array<i32>} : memref<5120x128xf32, #tpu.memory_space<vmem>>, vector<128x128xf32>,
    %get3A_520 = arith.constant 32 : index
    %get3A_521 = arith.constant 0 : index
    %get3A_522 = vector.load %arg2[%get3A_520, %get3A_521] : memref<40x128xf32, #tpu.memory_space<vmem>>, vector<1x128xf32>
    %dot_general3A_523 = arith.constant dense<0.000000e+00> : vector<128x128xf32>
    %dot_general3A_524 = tpu.matmul %get3A_522, %get3A_1, %dot_general3A_523 {dimension_numbers = #tpu.dot_dimension_numbers<[0], [0], [1], [1], [0, 1, 1, 1], [], []>, transpose_lhs_hint = false} : vector<1x128xf32>, vector<1x128xf32>, vector<128x128xf32> -> vector<128x128xf32>
    %swap3A_525 = arith.constant 4096 : index
    %swap3A_526 = arith.constant 0 : index
    %swap3A_527 = vector.load %arg5[%swap3A_525, %swap3A_526] : memref<5120x128xf32, #tpu.memory_space<vmem>>, vector<128x128xf32>
    tpu.vector_store %arg5[%swap3A_525, %swap3A_526], %dot_general3A_524 {strides = array<i32>} : memref<5120x128xf32, #tpu.memory_space<vmem>>, vector<128x128xf32>,
    %get3A_528 = arith.constant 33 : index
    %get3A_529 = arith.constant 0 : index
    %get3A_530 = vector.load %arg1[%get3A_528, %get3A_529] : memref<40x128xf32, #tpu.memory_space<vmem>>, vector<1x128xf32>
    %dot_general3A_531 = arith.constant dense<0.000000e+00> : vector<128x128xf32>
    %dot_general3A_532 = tpu.matmul %get3A_530, %get3A_1, %dot_general3A_531 {dimension_numbers = #tpu.dot_dimension_numbers<[0], [0], [1], [1], [0, 1, 1, 1], [], []>, transpose_lhs_hint = false} : vector<1x128xf32>, vector<1x128xf32>, vector<128x128xf32> -> vector<128x128xf32>
    %swap3A_533 = arith.constant 4224 : index
    %swap3A_534 = arith.constant 0 : index
    %swap3A_535 = vector.load %arg4[%swap3A_533, %swap3A_534] : memref<5120x128xf32, #tpu.memory_space<vmem>>, vector<128x128xf32>
    tpu.vector_store %arg4[%swap3A_533, %swap3A_534], %dot_general3A_532 {strides = array<i32>} : memref<5120x128xf32, #tpu.memory_space<vmem>>, vector<128x128xf32>,
    %get3A_536 = arith.constant 33 : index
    %get3A_537 = arith.constant 0 : index
    %get3A_538 = vector.load %arg2[%get3A_536, %get3A_537] : memref<40x128xf32, #tpu.memory_space<vmem>>, vector<1x128xf32>
    %dot_general3A_539 = arith.constant dense<0.000000e+00> : vector<128x128xf32>
    %dot_general3A_540 = tpu.matmul %get3A_538, %get3A_1, %dot_general3A_539 {dimension_numbers = #tpu.dot_dimension_numbers<[0], [0], [1], [1], [0, 1, 1, 1], [], []>, transpose_lhs_hint = false} : vector<1x128xf32>, vector<1x128xf32>, vector<128x128xf32> -> vector<128x128xf32>
    %swap3A_541 = arith.constant 4224 : index
    %swap3A_542 = arith.constant 0 : index
    %swap3A_543 = vector.load %arg5[%swap3A_541, %swap3A_542] : memref<5120x128xf32, #tpu.memory_space<vmem>>, vector<128x128xf32>
    tpu.vector_store %arg5[%swap3A_541, %swap3A_542], %dot_general3A_540 {strides = array<i32>} : memref<5120x128xf32, #tpu.memory_space<vmem>>, vector<128x128xf32>,
    %get3A_544 = arith.constant 34 : index
    %get3A_545 = arith.constant 0 : index
    %get3A_546 = vector.load %arg1[%get3A_544, %get3A_545] : memref<40x128xf32, #tpu.memory_space<vmem>>, vector<1x128xf32>
    %dot_general3A_547 = arith.constant dense<0.000000e+00> : vector<128x128xf32>
    %dot_general3A_548 = tpu.matmul %get3A_546, %get3A_1, %dot_general3A_547 {dimension_numbers = #tpu.dot_dimension_numbers<[0], [0], [1], [1], [0, 1, 1, 1], [], []>, transpose_lhs_hint = false} : vector<1x128xf32>, vector<1x128xf32>, vector<128x128xf32> -> vector<128x128xf32>
    %swap3A_549 = arith.constant 4352 : index
    %swap3A_550 = arith.constant 0 : index
    %swap3A_551 = vector.load %arg4[%swap3A_549, %swap3A_550] : memref<5120x128xf32, #tpu.memory_space<vmem>>, vector<128x128xf32>
    tpu.vector_store %arg4[%swap3A_549, %swap3A_550], %dot_general3A_548 {strides = array<i32>} : memref<5120x128xf32, #tpu.memory_space<vmem>>, vector<128x128xf32>,
    %get3A_552 = arith.constant 34 : index
    %get3A_553 = arith.constant 0 : index
    %get3A_554 = vector.load %arg2[%get3A_552, %get3A_553] : memref<40x128xf32, #tpu.memory_space<vmem>>, vector<1x128xf32>
    %dot_general3A_555 = arith.constant dense<0.000000e+00> : vector<128x128xf32>
    %dot_general3A_556 = tpu.matmul %get3A_554, %get3A_1, %dot_general3A_555 {dimension_numbers = #tpu.dot_dimension_numbers<[0], [0], [1], [1], [0, 1, 1, 1], [], []>, transpose_lhs_hint = false} : vector<1x128xf32>, vector<1x128xf32>, vector<128x128xf32> -> vector<128x128xf32>
    %swap3A_557 = arith.constant 4352 : index
    %swap3A_558 = arith.constant 0 : index
    %swap3A_559 = vector.load %arg5[%swap3A_557, %swap3A_558] : memref<5120x128xf32, #tpu.memory_space<vmem>>, vector<128x128xf32>
    tpu.vector_store %arg5[%swap3A_557, %swap3A_558], %dot_general3A_556 {strides = array<i32>} : memref<5120x128xf32, #tpu.memory_space<vmem>>, vector<128x128xf32>,
    %get3A_560 = arith.constant 35 : index
    %get3A_561 = arith.constant 0 : index
    %get3A_562 = vector.load %arg1[%get3A_560, %get3A_561] : memref<40x128xf32, #tpu.memory_space<vmem>>, vector<1x128xf32>
    %dot_general3A_563 = arith.constant dense<0.000000e+00> : vector<128x128xf32>
    %dot_general3A_564 = tpu.matmul %get3A_562, %get3A_1, %dot_general3A_563 {dimension_numbers = #tpu.dot_dimension_numbers<[0], [0], [1], [1], [0, 1, 1, 1], [], []>, transpose_lhs_hint = false} : vector<1x128xf32>, vector<1x128xf32>, vector<128x128xf32> -> vector<128x128xf32>
    %swap3A_565 = arith.constant 4480 : index
    %swap3A_566 = arith.constant 0 : index
    %swap3A_567 = vector.load %arg4[%swap3A_565, %swap3A_566] : memref<5120x128xf32, #tpu.memory_space<vmem>>, vector<128x128xf32>
    tpu.vector_store %arg4[%swap3A_565, %swap3A_566], %dot_general3A_564 {strides = array<i32>} : memref<5120x128xf32, #tpu.memory_space<vmem>>, vector<128x128xf32>,
    %get3A_568 = arith.constant 35 : index
    %get3A_569 = arith.constant 0 : index
    %get3A_570 = vector.load %arg2[%get3A_568, %get3A_569] : memref<40x128xf32, #tpu.memory_space<vmem>>, vector<1x128xf32>
    %dot_general3A_571 = arith.constant dense<0.000000e+00> : vector<128x128xf32>
    %dot_general3A_572 = tpu.matmul %get3A_570, %get3A_1, %dot_general3A_571 {dimension_numbers = #tpu.dot_dimension_numbers<[0], [0], [1], [1], [0, 1, 1, 1], [], []>, transpose_lhs_hint = false} : vector<1x128xf32>, vector<1x128xf32>, vector<128x128xf32> -> vector<128x128xf32>
    %swap3A_573 = arith.constant 4480 : index
    %swap3A_574 = arith.constant 0 : index
    %swap3A_575 = vector.load %arg5[%swap3A_573, %swap3A_574] : memref<5120x128xf32, #tpu.memory_space<vmem>>, vector<128x128xf32>
    tpu.vector_store %arg5[%swap3A_573, %swap3A_574], %dot_general3A_572 {strides = array<i32>} : memref<5120x128xf32, #tpu.memory_space<vmem>>, vector<128x128xf32>,
    %get3A_576 = arith.constant 36 : index
    %get3A_577 = arith.constant 0 : index
    %get3A_578 = vector.load %arg1[%get3A_576, %get3A_577] : memref<40x128xf32, #tpu.memory_space<vmem>>, vector<1x128xf32>
    %dot_general3A_579 = arith.constant dense<0.000000e+00> : vector<128x128xf32>
    %dot_general3A_580 = tpu.matmul %get3A_578, %get3A_1, %dot_general3A_579 {dimension_numbers = #tpu.dot_dimension_numbers<[0], [0], [1], [1], [0, 1, 1, 1], [], []>, transpose_lhs_hint = false} : vector<1x128xf32>, vector<1x128xf32>, vector<128x128xf32> -> vector<128x128xf32>
    %swap3A_581 = arith.constant 4608 : index
    %swap3A_582 = arith.constant 0 : index
    %swap3A_583 = vector.load %arg4[%swap3A_581, %swap3A_582] : memref<5120x128xf32, #tpu.memory_space<vmem>>, vector<128x128xf32>
    tpu.vector_store %arg4[%swap3A_581, %swap3A_582], %dot_general3A_580 {strides = array<i32>} : memref<5120x128xf32, #tpu.memory_space<vmem>>, vector<128x128xf32>,
    %get3A_584 = arith.constant 36 : index
    %get3A_585 = arith.constant 0 : index
    %get3A_586 = vector.load %arg2[%get3A_584, %get3A_585] : memref<40x128xf32, #tpu.memory_space<vmem>>, vector<1x128xf32>
    %dot_general3A_587 = arith.constant dense<0.000000e+00> : vector<128x128xf32>
    %dot_general3A_588 = tpu.matmul %get3A_586, %get3A_1, %dot_general3A_587 {dimension_numbers = #tpu.dot_dimension_numbers<[0], [0], [1], [1], [0, 1, 1, 1], [], []>, transpose_lhs_hint = false} : vector<1x128xf32>, vector<1x128xf32>, vector<128x128xf32> -> vector<128x128xf32>
    %swap3A_589 = arith.constant 4608 : index
    %swap3A_590 = arith.constant 0 : index
    %swap3A_591 = vector.load %arg5[%swap3A_589, %swap3A_590] : memref<5120x128xf32, #tpu.memory_space<vmem>>, vector<128x128xf32>
    tpu.vector_store %arg5[%swap3A_589, %swap3A_590], %dot_general3A_588 {strides = array<i32>} : memref<5120x128xf32, #tpu.memory_space<vmem>>, vector<128x128xf32>,
    %get3A_592 = arith.constant 37 : index
    %get3A_593 = arith.constant 0 : index
    %get3A_594 = vector.load %arg1[%get3A_592, %get3A_593] : memref<40x128xf32, #tpu.memory_space<vmem>>, vector<1x128xf32>
    %dot_general3A_595 = arith.constant dense<0.000000e+00> : vector<128x128xf32>
    %dot_general3A_596 = tpu.matmul %get3A_594, %get3A_1, %dot_general3A_595 {dimension_numbers = #tpu.dot_dimension_numbers<[0], [0], [1], [1], [0, 1, 1, 1], [], []>, transpose_lhs_hint = false} : vector<1x128xf32>, vector<1x128xf32>, vector<128x128xf32> -> vector<128x128xf32>
    %swap3A_597 = arith.constant 4736 : index
    %swap3A_598 = arith.constant 0 : index
    %swap3A_599 = vector.load %arg4[%swap3A_597, %swap3A_598] : memref<5120x128xf32, #tpu.memory_space<vmem>>, vector<128x128xf32>
    tpu.vector_store %arg4[%swap3A_597, %swap3A_598], %dot_general3A_596 {strides = array<i32>} : memref<5120x128xf32, #tpu.memory_space<vmem>>, vector<128x128xf32>,
    %get3A_600 = arith.constant 37 : index
    %get3A_601 = arith.constant 0 : index
    %get3A_602 = vector.load %arg2[%get3A_600, %get3A_601] : memref<40x128xf32, #tpu.memory_space<vmem>>, vector<1x128xf32>
    %dot_general3A_603 = arith.constant dense<0.000000e+00> : vector<128x128xf32>
    %dot_general3A_604 = tpu.matmul %get3A_602, %get3A_1, %dot_general3A_603 {dimension_numbers = #tpu.dot_dimension_numbers<[0], [0], [1], [1], [0, 1, 1, 1], [], []>, transpose_lhs_hint = false} : vector<1x128xf32>, vector<1x128xf32>, vector<128x128xf32> -> vector<128x128xf32>
    %swap3A_605 = arith.constant 4736 : index
    %swap3A_606 = arith.constant 0 : index
    %swap3A_607 = vector.load %arg5[%swap3A_605, %swap3A_606] : memref<5120x128xf32, #tpu.memory_space<vmem>>, vector<128x128xf32>
    tpu.vector_store %arg5[%swap3A_605, %swap3A_606], %dot_general3A_604 {strides = array<i32>} : memref<5120x128xf32, #tpu.memory_space<vmem>>, vector<128x128xf32>,
    %get3A_608 = arith.constant 38 : index
    %get3A_609 = arith.constant 0 : index
    %get3A_610 = vector.load %arg1[%get3A_608, %get3A_609] : memref<40x128xf32, #tpu.memory_space<vmem>>, vector<1x128xf32>
    %dot_general3A_611 = arith.constant dense<0.000000e+00> : vector<128x128xf32>
    %dot_general3A_612 = tpu.matmul %get3A_610, %get3A_1, %dot_general3A_611 {dimension_numbers = #tpu.dot_dimension_numbers<[0], [0], [1], [1], [0, 1, 1, 1], [], []>, transpose_lhs_hint = false} : vector<1x128xf32>, vector<1x128xf32>, vector<128x128xf32> -> vector<128x128xf32>
    %swap3A_613 = arith.constant 4864 : index
    %swap3A_614 = arith.constant 0 : index
    %swap3A_615 = vector.load %arg4[%swap3A_613, %swap3A_614] : memref<5120x128xf32, #tpu.memory_space<vmem>>, vector<128x128xf32>
    tpu.vector_store %arg4[%swap3A_613, %swap3A_614], %dot_general3A_612 {strides = array<i32>} : memref<5120x128xf32, #tpu.memory_space<vmem>>, vector<128x128xf32>,
    %get3A_616 = arith.constant 38 : index
    %get3A_617 = arith.constant 0 : index
    %get3A_618 = vector.load %arg2[%get3A_616, %get3A_617] : memref<40x128xf32, #tpu.memory_space<vmem>>, vector<1x128xf32>
    %dot_general3A_619 = arith.constant dense<0.000000e+00> : vector<128x128xf32>
    %dot_general3A_620 = tpu.matmul %get3A_618, %get3A_1, %dot_general3A_619 {dimension_numbers = #tpu.dot_dimension_numbers<[0], [0], [1], [1], [0, 1, 1, 1], [], []>, transpose_lhs_hint = false} : vector<1x128xf32>, vector<1x128xf32>, vector<128x128xf32> -> vector<128x128xf32>
    %swap3A_621 = arith.constant 4864 : index
    %swap3A_622 = arith.constant 0 : index
    %swap3A_623 = vector.load %arg5[%swap3A_621, %swap3A_622] : memref<5120x128xf32, #tpu.memory_space<vmem>>, vector<128x128xf32>
    tpu.vector_store %arg5[%swap3A_621, %swap3A_622], %dot_general3A_620 {strides = array<i32>} : memref<5120x128xf32, #tpu.memory_space<vmem>>, vector<128x128xf32>,
    %get3A_624 = arith.constant 39 : index
    %get3A_625 = arith.constant 0 : index
    %get3A_626 = vector.load %arg1[%get3A_624, %get3A_625] : memref<40x128xf32, #tpu.memory_space<vmem>>, vector<1x128xf32>
    %dot_general3A_627 = arith.constant dense<0.000000e+00> : vector<128x128xf32>
    %dot_general3A_628 = tpu.matmul %get3A_626, %get3A_1, %dot_general3A_627 {dimension_numbers = #tpu.dot_dimension_numbers<[0], [0], [1], [1], [0, 1, 1, 1], [], []>, transpose_lhs_hint = false} : vector<1x128xf32>, vector<1x128xf32>, vector<128x128xf32> -> vector<128x128xf32>
    %swap3A_629 = arith.constant 4992 : index
    %swap3A_630 = arith.constant 0 : index
    %swap3A_631 = vector.load %arg4[%swap3A_629, %swap3A_630] : memref<5120x128xf32, #tpu.memory_space<vmem>>, vector<128x128xf32>
    tpu.vector_store %arg4[%swap3A_629, %swap3A_630], %dot_general3A_628 {strides = array<i32>} : memref<5120x128xf32, #tpu.memory_space<vmem>>, vector<128x128xf32>,
    %get3A_632 = arith.constant 39 : index
    %get3A_633 = arith.constant 0 : index
    %get3A_634 = vector.load %arg2[%get3A_632, %get3A_633] : memref<40x128xf32, #tpu.memory_space<vmem>>, vector<1x128xf32>
    %dot_general3A_635 = arith.constant dense<0.000000e+00> : vector<128x128xf32>
    %dot_general3A_636 = tpu.matmul %get3A_634, %get3A_1, %dot_general3A_635 {dimension_numbers = #tpu.dot_dimension_numbers<[0], [0], [1], [1], [0, 1, 1, 1], [], []>, transpose_lhs_hint = false} : vector<1x128xf32>, vector<1x128xf32>, vector<128x128xf32> -> vector<128x128xf32>
    %swap3A_637 = arith.constant 4992 : index
    %swap3A_638 = arith.constant 0 : index
    %swap3A_639 = vector.load %arg5[%swap3A_637, %swap3A_638] : memref<5120x128xf32, #tpu.memory_space<vmem>>, vector<128x128xf32>
    tpu.vector_store %arg5[%swap3A_637, %swap3A_638], %dot_general3A_636 {strides = array<i32>} : memref<5120x128xf32, #tpu.memory_space<vmem>>, vector<128x128xf32>,
    return
  }
  func.func @transform_0(%arg0: i32) -> (i32, i32) {
    %c0_i32 = arith.constant 0 : i32
    %c0_i32_0 = arith.constant 0 : i32
    return %arg0, %c0_i32 : i32, i32
  }
  func.func @transform_1(%arg0: i32) -> (i32, i32) {
    %c0_i32 = arith.constant 0 : i32
    %c0_i32_0 = arith.constant 0 : i32
    return %arg0, %c0_i32 : i32, i32
  }
  func.func @transform_2(%arg0: i32) -> (i32, i32) {
    %c0_i32 = arith.constant 0 : i32
    %c0_i32_0 = arith.constant 0 : i32
    %c0_i32_1 = arith.constant 0 : i32
    return %c0_i32, %c0_i32_0 : i32, i32
  }
  func.func @transform_3(%arg0: i32) -> (i32, i32) {
    %c0_i32 = arith.constant 0 : i32
    %c0_i32_0 = arith.constant 0 : i32
    return %arg0, %c0_i32 : i32, i32
  }
  func.func @transform_4(%arg0: i32) -> (i32, i32) {
    %c0_i32 = arith.constant 0 : i32
    %c0_i32_0 = arith.constant 0 : i32
    return %arg0, %c0_i32 : i32, i32
  }
}

</mosaic_0001>

<sc_bundles>
// kernel: kernel.5.cloned.1.call-start
scs
__scs_entry_jumppad:
0x0: {  	(pc) =	sbr.rel $0x88, $3  }
0x1: {  	(tag) =	ssettag $0x0;
	lr =	simm.s32 $0x1  }
0x2: {  	[smem:$0x3F9A] =	sst lr;
	_ =	strace $0xD0000000  }
0x3: {  	_ = 	snop  }
0x4: {  	_ = 	snop  }
0x5: {  	_ = 	snop  }
0x6: {  	_ = 	snop  }
0x7: {  	_ = 	snop  }
__scs_overlays_trampoline_lowered:
0x8: {  	[smem:$0x3FA9] =	sst s0  }
0x9: {  	[smem:$0x3FAA] =	sst s1  }
0xa: {  	[smem:$0x3FAB] =	sst s2  }
0xb: {  	[smem:$0x3FAC] =	sst s3  }
0xc: {  	[smem:$0x3FAD] =	sst s4  }
0xd: {  	[smem:$0x3FAE] =	sst s5  }
0xe: {  	[smem:$0x3FAF] =	sst s6  }
0xf: {  	[smem:$0x3FB0] =	sst s7  }
0x10: {  	[smem:$0x3FB1] =	sst s8  }
0x11: {  	[smem:$0x3FB2] =	sst s9;
	s0 =	simm.s32 @!p0 $0x0  }
0x12: {  	s1 =	sld [smem:$0x3F98];
	s0 =	simm.s32 @p0 $0x1  }
0x13: {  	[smem:$0x3FB3] =	sst s0;
	s0 =	simm.s32 @!p1 $0x0  }
0x14: {  	s2 =	sld [smem:$0x3F97];
	s0 =	simm.s32 @p1 $0x1  }
0x15: {  	[smem:$0x3FB4] =	sst s0;
	s0 =	simm.s32 @!p2 $0x0  }
0x16: {  	s3 =	sld [smem:$0x3FDB];
	s0 =	simm.s32 @p2 $0x1  }
0x17: {  	s4 =	simm.s32 $0x1BF5;
	[smem:$0x3FB6] =	sst s0  }
0x18: {  	s0 =	sld [smem:$0x3F99];
	_ =	swait.ge [sflag:s4], $0x0  }
0x19: {  	s7 =	sld [smem:$0x3F9A]  }
0x1a: {  	s8 =	sadd.s32 $0xFFFFE003, lr  }
0x1b: {  	s9 =	sadd.s32 $0xFFFFFEF7, lr;
	s5 =	simm.s32 $0xFFFFFFFF;
	p2 =	slt.u32 s8, $0xFFFFF086  }
0x1c: {  	p1 =	slt.u32 s9, $0xF7A;
	s5 =	simm.s32 @!p2 $0x0  }
0x1d: {  	s5 =	simm.s32 @p1 $0x1;
	p0 =	seq.s32 s7, s2  }
0x1e: {  	s7 =	smul.u32 @!p0 $0xF7A, s2;
	p2 =	seq.s32 @!p0 s5, $0x0  }
0x1f: {  	s9 =	smul.u32 $0xF7A, s1;
	s8 =	simm.s32 @!p0 $0x1BF5;
	p2 =	por !p2, p0  }
0x20: {  	[sflag:s8] =	ssyncset.s32 @!p0 $0xFFFFF086;
	s6 =	sadd.s32 @!p0 s3, s7;
	s7 =	simm.s32 @!p0 $0x108  }
0x21: {  	s3 =	sadd.s32 s3, s9;
	s6 =	sadd.s32 @!p0 $0x88, s6;
	s7 =	simm.s32 @p2 $0x1082  }
0x22: {  	[simem:s7], [sflag:s8] =	dma.local @!p0 [hbm:s6], $0xF7A  }
0x23: {  	s9 =	sor.u32 $0xD0000000, s2;
	s6 =	simm.s32 $0x108;
	_ =	swait.ge @!p0 [sflag:s8], $0x0  }
0x24: {  	s3 =	sadd.s32 $0x88, s3;
	s6 =	simm.s32 @!p1 $0x1082;
	[sflag:s4] =	ssyncset.s32 $0xFFFFF086  }
0x25: {  	[simem:s6], [sflag:s4] =	dma.local [hbm:s3], $0xF7A  }
0x26: {  	[smem:$0x3F9A] =	sst s1;
	(tag) =	ssettag s2;
	_ =	strace s9  }
0x27: {  	s1 =	sld [smem:$0x3FAA]  }
0x28: {  	s2 =	sld [smem:$0x3FAB]  }
0x29: {  	s4 =	sld [smem:$0x3FAD]  }
0x2a: {  	p0 =	seq.s32 s5, $0x0;
	s5 =	sld [smem:$0x3FAE]  }
0x2b: {  	s6 =	sld [smem:$0x3FAF]  }
0x2c: {  	s7 =	sld [smem:$0x3FB0]  }
0x2d: {  	s3 =	simm.s32 $0x108;
	s8 =	sld [smem:$0x3FB1]  }
0x2e: {  	s3 =	simm.s32 @!p0 $0x1082;
	s9 =	sld [smem:$0x3FB2]  }
0x2f: {  	lr =	sadd.s32 s0, s3;
	s0 =	sld [smem:$0x3FA9]  }
0x30: {  	s3 =	sld [smem:$0x3FAC]  }
0x31: {  	[smem:$0x3FB5] =	sst s10  }
0x32: {  	s10 =	sld [smem:$0x3FB3];
	_ =	sdelay $0x3  }
0x33: {  	p0 =	seq.s32 s10, $0x1;
	s10 =	sld [smem:$0x3FB5];
	_ =	sdelay $0x3  }
0x34: {  	[smem:$0x3FB5] =	sst s10  }
0x35: {  	s10 =	sld [smem:$0x3FB4];
	_ =	sdelay $0x3  }
0x36: {  	p1 =	seq.s32 s10, $0x1;
	s10 =	sld [smem:$0x3FB5];
	_ =	sdelay $0x3  }
0x37: {  	[smem:$0x3FB5] =	sst s10  }
0x38: {  	s10 =	sld [smem:$0x3FB6]  }
0x39: {  	_ = 	snop;
	(pc) =	sbr.ind lr, $3  }
0x3a: {  	_ = 	snop  }
0x3b: {  	_ = 	snop  }
0x3c: {  	p2 =	seq.s32 s10, $0x1;
	s10 =	sld [smem:$0x3FB5]  }
0x3d: {  	_ =	shalt  }
0x3e: {  	_ =	shalt  }
0x3f: {  	_ =	shalt  }
0x40: {  	_ =	shalt  }
0x41: {  	_ =	shalt  }
0x42: {  	_ =	shalt  }
0x43: {  	_ =	shalt  }
0x44: {  	_ =	shalt  }
0x45: {  	_ =	shalt  }
0x46: {  	_ =	shalt  }
0x47: {  	_ =	shalt  }
0x48: {  	_ =	shalt  }
0x49: {  	_ =	shalt  }
0x4a: {  	_ =	shalt  }
0x4b: {  	_ =	shalt  }
0x4c: {  	_ =	shalt  }
0x4d: {  	_ =	shalt  }
0x4e: {  	_ =	shalt  }
0x4f: {  	_ =	shalt  }
0x50: {  	_ =	shalt  }
0x51: {  	_ =	shalt  }
0x52: {  	_ =	shalt  }
0x53: {  	_ =	shalt  }
0x54: {  	_ =	shalt  }
0x55: {  	_ =	shalt  }
0x56: {  	_ =	shalt  }
0x57: {  	_ =	shalt  }
0x58: {  	_ =	shalt  }
0x59: {  	_ =	shalt  }
0x5a: {  	_ =	shalt  }
0x5b: {  	_ =	shalt  }
0x5c: {  	_ =	shalt  }
0x5d: {  	_ =	shalt  }
0x5e: {  	_ =	shalt  }
0x5f: {  	_ =	shalt  }
0x60: {  	_ =	shalt  }
0x61: {  	_ =	shalt  }
0x62: {  	_ =	shalt  }
0x63: {  	_ =	shalt  }
0x64: {  	_ =	shalt  }
0x65: {  	_ =	shalt  }
0x66: {  	_ =	shalt  }
0x67: {  	_ =	shalt  }
0x68: {  	_ =	shalt  }
0x69: {  	_ =	shalt  }
0x6a: {  	_ =	shalt  }
0x6b: {  	_ =	shalt  }
0x6c: {  	_ =	shalt  }
0x6d: {  	_ =	shalt  }
0x6e: {  	_ =	shalt  }
0x6f: {  	_ =	shalt  }
0x70: {  	_ =	shalt  }
0x71: {  	_ =	shalt  }
0x72: {  	_ =	shalt  }
0x73: {  	_ =	shalt  }
0x74: {  	_ =	shalt  }
0x75: {  	_ =	shalt  }
0x76: {  	_ =	shalt  }
0x77: {  	_ =	shalt  }
0x78: {  	_ =	shalt  }
0x79: {  	_ =	shalt  }
0x7a: {  	_ =	shalt  }
0x7b: {  	_ =	shalt  }
0x7c: {  	_ =	shalt  }
0x7d: {  	_ =	shalt  }
0x7e: {  	_ =	shalt  }
0x7f: {  	_ =	shalt  }
0x80: {  	_ =	shalt  }
0x81: {  	_ =	shalt  }
0x82: {  	_ =	shalt  }
0x83: {  	_ =	shalt  }
0x84: {  	_ =	shalt  }
0x85: {  	_ =	shalt  }
0x86: {  	_ =	shalt  }
0x87: {  	_ =	shalt  }
.Lfunc_end0:
.L_simem_size_0:
called_computation_lowered:
.L_overlay_start_0:
0x88: {  	s2 =	sld [smem:$0x3FD9]  }
0x89: {  	s3 =	sld [smem:$0x3FFE];
	_ =	sdelay $0x1  }
0x8a: {  	s1 =	srdreg.scid  }
0x8b: {  	s0 =	sand.u32 $0x1, s1  }
0x8c: {  	s14 =	sshll.u32 s0, $0xA;
	s2 =	sadd.s32 s3, s2  }
0x8d: {  	s2 =	sadd.s32 s2, s14  }
0x8e: {  	[smem:$0x3FC1] =	sst s2  }
0x8f: {  	_ = 	snop  }
0x90: {  	s2 =	sld [smem:$0x3FD0];
	_ =	sdelay $0x1  }
0x91: {  	s15 =	sld [smem:$0x3FC8]  }
0x92: {  	s5 =	simm.s32 $0xA;
	s6 =	simm.s32 $0x10;
	s4 =	sld [smem:$0x3FC6]  }
0x93: {  	[smem:s6], [sflag:s5] =	dma.local [hbm:s2], $0x1  }
0x94: {  	_ =	swait.eq [sflag:s5], $0x1  }
0x95: {  	[sflag:s5] =	ssyncset.done $0x0  }
0x96: {  	s16 =	sld [smem:$0x10];
	[sflag:s5] =	ssyncadd.s32 $0xFFFFFFFF  }
0x97: {  	s17 =	sld [smem:$0x11];
	(tm) =	ssettm $0x1  }
0x98: {  	s18 =	sld [smem:$0x3FFB];
	_ =	sdelay $0x3  }
0x99: {  	_ =	strace s18  }
0x9a: {  	s6 =	sld [smem:$0x3FFC];
	_ =	sdelay $0x3  }
0x9b: {  	_ =	strace s6  }
0x9c: {  	s6 =	sld [smem:$0x3FFD];
	_ =	sdelay $0x3  }
0x9d: {  	_ =	strace s6  }
0x9e: {  	_ =	strace $0x8FFFFFFF  }
0x9f: {  	s19 =	sld [smem:$0x3FDB];
	_ =	sdelay $0x1  }
0xa0: {  	s7 =	simm.s32 $_scs_section_size  }
0xa1: {  	s8 =	simm.s32 $_size__tile_overlayer_lowered;
	s9 =	simm.s32 $_tile_overlayer_lowered  }
0xa2: {  	s22 =	simm.s32 $0x1BFF;
	s21 =	sshll.u32 s9, $0x1;
	s6 =	sadd.s32 s7, s19  }
0xa3: {  	s10 =	simm.s32 $0x0;
	s20 =	sshll.u32 s8, $0x1;
	s8 =	sadd.s32 s21, s6  }
0xa4: {  	[timem:s10], [sflag:s22] =	dma.local [hbm:s8], s20  }
0xa5: {  	_ =	swait.ge [sflag:s22], s20  }
0xa6: {  	s7 =	ssub.s32 $0x0, s20;
	[sflag:s22] =	ssyncset.done $0x0  }
0xa7: {  	[sflag:s22] =	ssyncadd.s32 s7;
	_ =	sdelay $0x1  }
0xa8: {  	s23 =	simm.s32 $0x1B8B  }
0xa9: {  	_ =	swait.ge [sflag:s23], $0x1  }
0xaa: {  	[sflag:s23] =	ssyncset.done $0x0  }
0xab: {  	s25 =	simm.s32 $0x1B8E;
	s24 =	sld [smem:$0x3FFE];
	[sflag:s23] =	ssyncadd.s32 $0xFFFFFFFF  }
0xac: {  	s26 =	simm.s32 $execute0_lowered;
	[smem:$0x3FD2] =	sst s25  }
0xad: {  	s8 =	sshll.u32 s26, $0x1;
	_ =	strace $0x80000046;
	[dreg:$0x1] =	wrdreg $0xFFFFFFFF  }
0xae: {  	s28 =	simm.s32 $_size_execute0_lowered;
	s6 =	sadd.s32 s6, s8;
	[dreg:$0x0] =	wrdreg $0x0  }
0xaf: {  	s8 =	sshll.u32 s28, $0x1;
	[dreg:$0x2] =	wrdreg s6  }
0xb0: {  	[dreg:$0x3] =	wrdreg s8  }
0xb1: {  	[dreg:$0x4] =	wrdreg $0xC0  }
0xb2: {  	_ =	task [dreg:s10], $0x5FFFF  }
0xb3: {  	[dreg:$0x1] =	wrdreg $0xFFFFFFFF  }
0xb4: {  	[dreg:$0x0] =	wrdreg $0x60  }
0xb5: {  	[dreg:$0x2] =	wrdreg s17  }
0xb6: {  	[dreg:$0x3] =	wrdreg s15  }
0xb7: {  	[dreg:$0x4] =	wrdreg s16  }
0xb8: {  	[dreg:$0x5] =	wrdreg s4  }
0xb9: {  	[dreg:$0x6] =	wrdreg s24  }
0xba: {  	[dreg:$0x7] =	wrdreg $0x117800  }
0xbb: {  	[dreg:$0x8] =	wrdreg $0x13F800  }
0xbc: {  	[dreg:$0x9] =	wrdreg $0x9  }
0xbd: {  	_ =	task.clear_ibuf [dreg:s10], $0xAFFFF;
	_ =	strace $0x90000046  }
0xbe: {  	s29 =	simm.s32 $0x9;
	_ =	strace $0x80000048  }
0xbf: {  	_ =	swait.ge [sflag:s29], $0x1  }
0xc0: {  	[sflag:s29] =	ssyncadd.s32 $0xFFFFFFFF  }
0xc1: {  	_ =	strace $0x90000048  }
0xc2: {  	_ =	sfence  }
0xc3: {  	s30 =	sld [smem:$0x0];
	_ =	sdelay $0x2  }
0xc4: {  	s31 =	sshll.u32 s1, $0xD;
	s1 =	sshrl.u32 s1, $0x2  }
0xc5: {  	s3 =	sand.u32 $0x4000, s31;
	s1 =	sadd.s32 s1, s30  }
0xc6: {  	s0 =	sor.u32 s3, s0;
	s1 =	sshll.u32 s1, $0x11  }
0xc7: {  	s0 =	sor.u32 s1, s0  }
0xc8: {  	s0 =	sadd.s32 $0x8F2B, s0  }
0xc9: {  	[sflag:s0] =	ssyncadd.remote.s32 $0x1  }
0xca: {  	_ =	sfence.sel $0xFFFF  }
0xcb: {  	[dreg:$0x0] =	wrdreg $0xFFFFFFFF;
	(pc) =	sbr.abs _section_cstart, $3  }
0xcc: {  	[dreg:$0x1] =	wrdreg $0xFFFFFFFF  }
0xcd: {  	_ =	task.clear_ibuf [dreg:s10], $0x2FFFF;
	_ =	strace $0x9FFFFFFF  }
0xce: {  	(tm) =	ssettm $0x7FFFFFFF  }
0xcf: {  	_ =	shalt  }
tec
execute0_lowered:
.L_overlay_start_1:
0x0: {  	(tag) =	ssettag $0x1  }
0x1: {  	s1 =	rddreg [dreg:$0x1]  }
0x2: {  	s2 =	rddreg [dreg:$0x2]  }
0x3: {  	s4 =	rddreg [dreg:$0x3]  }
0x4: {  	s7 =	rddreg [dreg:$0x4]  }
0x5: {  	s11 =	rddreg [dreg:$0x5]  }
0x6: {  	s3 =	rddreg [dreg:$0x6];
	s5 =	simm.s32 $0x0  }
0x7: {  	s6 =	srdreg.scid;
	s0 =	stileid.u32;
	s18 =	simm.s32 $0x2  }
0x8: {  	s19 =	simm.s32 $0x1;
	s20 =	simm.s32 $0xC500;
	s21 =	simm.s32 $0x80  }
0x9: {  	s22 =	simm.s32 $0x400;
	s28 =	simm.s32 $0x0;
	s10 =	smul.u32 $0x4E00, s0  }
0xa: {  	[smem:$0x7FF] =	sst s5;
	s8 =	sand.u32 $0x1, s6;
	s13 =	smul.u32 $0x4E80, s0  }
0xb: {  	s6 =	sadd.s32 $0x800, s7;
	s7 =	sadd.s32 $0xE00, s7;
	s14 =	smul.u32 $0x9D00, s0  }
0xc: {  	p0 =	slt.u32 s0, $0x4;
	s23 =	sshrl.u32 s0, $0x3;
	s26 =	smul.u32 $0x5000, s0  }
0xd: {  	s25 =	sshll.u32 s0, $0x7;
	s29 =	smul.u32 $0x280, s0;
	s9 =	ssub.s32 $0x2, s8  }
0xe: {  	p1 =	sgt.u32 s0, $0x3;
	_ =	strace $0x80000047;
	s12 =	sshrl.u32 s9, $0x1  }
0xf: {  	s10 =	sadd.s32 $0x200, s10;
	s24 =	sshrl.u32 s14, $0x3;
	s31 =	sshrl.u32 s26, $0x2  }
0x10: {  	s26 =	simm.s32 $0xED00;
	s16 =	ssub.s32 s9, s12;
	s10 =	smov.u32 @p0 s13  }
0x11: {  	s9 =	smul.u32 $0x50000, s23;
	p0 =	seq.s32 s8, $0x1;
	s17 =	sadd.s32 $0x1380, s24  }
0x12: {  	s12 =	sadd.s32 s29, s3;
	s13 =	sshrl.u32 s29, $0x3;
	s23 =	simm.s32 $0x1400  }
.Ltmp0:
0x13: {  	s24 =	simm.s32 $0x14000;
	s15 =	sshrl.u32 s10, $0x2;
	(pc) =	sbr.rel .LBB2_1-.Ltmp0, $4  }
0x14: {  	s10 =	sand.u32 $0x380, s25;
	s16 =	smax.u32 s16, $0x1;
	s25 =	simm.s32 $0xEF80  }
0x15: {  	s8 =	sadd.s32 s1, s15;
	s9 =	sshrl.u32 s9, $0x2;
	s14 =	sadd.s32 s4, s15  }
0x16: {  	s15 =	sadd.s32 s4, s17;
	s30 =	sadd.s32 s9, s11;
	s9 =	sadd.s32 s1, s17  }
0x17: {  	v0 =	vimm.f32 $0.0e+00;
	s11 =	sadd.s32 s31, s11;
	s17 =	simm.s32 $0x9D00;
	s10 =	sadd.s32 s10, s30  }
.LBB2_39:
0x18: {  	v1 =	vld [tilespmem:s30+$0xF000]  }
0x19: {  	v2 =	vld [tilespmem:s30+$0xEF80];
	_ =	sdelay $0x1  }
0x1a: {  	v3 =	vld [tilespmem:s30+$0xF080];
	_ =	sdelay $0x1  }
0x1b: {  	v4 =	vld [tilespmem:s30+$0xF100]  }
0x1c: {  	v1 =	vadd.f32 v1, v2  }
0x1d: {  	v2 =	vld [tilespmem:s30+$0xF180]  }
0x1e: {  	v1 =	vadd.f32 v3, v1  }
0x1f: {  	v3 =	vld [tilespmem:s30+$0xF200]  }
0x20: {  	v1 =	vadd.f32 v4, v1  }
0x21: {  	v60 =	vld [tilespmem:s30+$0xF280]  }
0x22: {  	v1 =	vadd.f32 v2, v1  }
0x23: {  	v2 =	vld [tilespmem:s30+$0xF300]  }
0x24: {  	v1 =	vadd.f32 v3, v1  }
0x25: {  	v3 =	vld [tilespmem:s30+$0x10380]  }
0x26: {  	v1 =	vadd.f32 v60, v1  }
0x27: {  	v61 =	vld [tilespmem:s30+$0x10400]  }
0x28: {  	v1 =	vadd.f32 v2, v1  }
0x29: {  	v2 =	vld [tilespmem:s30+$0x10480]  }
0x2a: {  	v1 =	vadd.f32 v3, v1  }
0x2b: {  	v3 =	vld [tilespmem:s30+$0x10500]  }
0x2c: {  	v1 =	vadd.f32 v61, v1  }
0x2d: {  	v62 =	vld [tilespmem:s30+$0x10580]  }
0x2e: {  	v1 =	vadd.f32 v2, v1  }
0x2f: {  	v2 =	vld [tilespmem:s30+$0x10600]  }
0x30: {  	v1 =	vadd.f32 v3, v1  }
0x31: {  	v3 =	vld [tilespmem:s30+$0x10680]  }
0x32: {  	v1 =	vadd.f32 v62, v1  }
0x33: {  	v63 =	vld [tilespmem:s30+$0x10700]  }
0x34: {  	v1 =	vadd.f32 v2, v1;
	_ =	sdelay $0x1  }
0x35: {  	v1 =	vadd.f32 v3, v1;
	_ =	sdelay $0x1  }
0x36: {  	v1 =	vadd.f32 v63, v1  }
0x37: {  	s0 =	sadd.s32 $0x10, s29  }
0x38: {  	s1 =	smov.u32 s7;
	[tilespmem:s0+$0x0] =	vst v1  }
.LBB2_40:
0x39: {  	s28 =	sadd.s32 $0x1, s28  }
0x3a: {  	p2 =	sne.s32 s28, s16  }
.Ltmp1:
0x3b: {  	s0 =	sadd.s32 s1, s13;
	(pc) =	sbr.rel @!p2 .LBB2_41-.Ltmp1, $4  }
0x3c: {  	[hbm4b:s0+s5] =	stream.linear.scatter [tilespmem:s26], [sflag:$0x2], $0x280, $0x38;
	[tilespmem:$0x14200] =	vst v63  }
0x3d: {  	_ =	swait.ge [sflag:s18], $0x280  }
0x3e: {  	[sflag:s18] =	ssyncset.done $0x0  }
0x3f: {  	[sflag:s18] =	ssyncadd.s32 $0xFFFFFD80  }
.LBB2_1:
.Ltmp2:
0x40: {  	(pc) =	sbr.rel @!p0 .LBB2_2-.Ltmp2, $1  }
0x41: {  	_ =	sdelay $0x3  }
0x42: {  	[tilespmem:s5], [sflag:$0x1] =	stream.linear.gather [hbm4b:s14+s5], $0x9C00, $0x38;
	[tilespmem:$0x14200] =	vst v63  }
0x43: {  	s0 =	simm.s32 @!p1 $0x0;
	s1 =	simm.s32 @!p1 $0x9C00  }
0x44: {  	[tilespmem:s1], [sflag:$0x2] =	stream.linear.gather @!p1 [hbm4b:s15+s0], $0x100, $0x38;
	[tilespmem:$0x14200] =	vst v63  }
0x45: {  	s0 =	simm.s32 @!p1 $0x2  }
0x46: {  	_ =	swait.ge @!p1 [sflag:s0], $0x100  }
0x47: {  	s29 =	simm.s32 @!p1 $0x9D;
	s4 =	simm.s32 $0x200;
	[sflag:s0] =	ssyncset.done @!p1 $0x0  }
0x48: {  	s29 =	simm.s32 @p1 $0x9C;
	s1 =	simm.s32 $0x0;
	[sflag:s0] =	ssyncadd.s32 @!p1 $0xFFFFFF00  }
.LBB2_22:
0x49: {  	p2 =	sne.s32 s4, $0x9E00;
	[tilespmem:s1+$0xC570] =	vst v0  }
0x4a: {  	[tilespmem:s1+$0xC500] =	vst v0  }
0x4b: {  	[tilespmem:s1+$0xC510] =	vst v0  }
.Ltmp3:
0x4c: {  	[tilespmem:s1+$0xC520] =	vst v0;
	(pc) =	sbr.rel @p2 .LBB2_22-.Ltmp3, $4  }
0x4d: {  	[tilespmem:s1+$0xC530] =	vst v0  }
0x4e: {  	[tilespmem:s1+$0xC540] =	vst v0  }
0x4f: {  	[tilespmem:s1+$0xC550] =	vst v0  }
0x50: {  	[tilespmem:s1+$0xC560] =	vst v0;
	s1 =	sshra.s32 s4, $0x2;
	s4 =	sadd.s32 $0x200, s4  }
0x51: {  	[tilespmem:s1+$0xC570] =	vst v0  }
0x52: {  	[tilespmem:s1+$0xC500] =	vst v0  }
0x53: {  	[tilespmem:s1+$0xC510] =	vst v0  }
0x54: {  	[tilespmem:s1+$0xC520] =	vst v0  }
0x55: {  	[tilespmem:s1+$0xC530] =	vst v0  }
0x56: {  	[tilespmem:s1+$0xC540] =	vst v0  }
0x57: {  	[tilespmem:s1+$0xC550] =	vst v0  }
0x58: {  	[tilespmem:s1+$0xC560] =	vst v0  }
0x59: {  	[tilespmem:s17], [sflag:$0x2] =	stream.linear.gather [hbm4b:s2+s5], $0x2710, $0x38;
	[tilespmem:$0x14200] =	vst v63  }
0x5a: {  	_ =	swait.ge [sflag:s18], $0x2710  }
0x5b: {  	[sflag:s18] =	ssyncset.done $0x0  }
0x5c: {  	[sflag:s18] =	ssyncadd.s32 $0xFFFFD8F0  }
0x5d: {  	_ =	swait.ge [sflag:s19], $0x9C00  }
0x5e: {  	[sflag:s19] =	ssyncset.done $0x0  }
0x5f: {  	s30 =	simm.s32 $0x80;
	[sflag:s19] =	ssyncadd.s32 $0xFFFF6400  }
0x60: {  	v1 =	vld [tilespmem:s30+$0xFFFFFFF0]  }
0x61: {  	v3 =	vld [tilespmem:s30+$0xFFFFFFE0]  }
0x62: {  	v4 =	vld [tilespmem:s30+$0xFFFFFFD0]  }
0x63: {  	v5 =	vld [tilespmem:s30+$0xFFFFFFC0]  }
0x64: {  	v6 =	vld [tilespmem:s30+$0xFFFFFFB0]  }
0x65: {  	v7 =	vld [tilespmem:s30+$0xFFFFFFA0]  }
0x66: {  	v8 =	vld [tilespmem:s30+$0xFFFFFF90]  }
0x67: {  	v9 =	vld [tilespmem:s30+$0xFFFFFF80]  }
0x68: {  	v2 =	vld [tilespmem:s30+$0x70]  }
0x69: {  	v10 =	vld [tilespmem:s30+$0x60]  }
0x6a: {  	v11 =	vld [tilespmem:s30+$0x0]  }
0x6b: {  	v12 =	vld [tilespmem:s30+$0x10]  }
0x6c: {  	v13 =	vld [tilespmem:s30+$0x20]  }
0x6d: {  	v14 =	vld [tilespmem:s30+$0x30]  }
0x6e: {  	v15 =	vld [tilespmem:s30+$0x40]  }
0x6f: {  	v16 =	vld [tilespmem:s30+$0x50]  }
0x70: {  	v2 =	vld.idx.msk [tilespmem:v2+s17+$0x0], $0xffff  }
0x71: {  	v10 =	vld.idx.msk [tilespmem:v10+s17+$0x0], $0xffff  }
0x72: {  	v11 =	vld.idx.msk [tilespmem:v11+s17+$0x0], $0xffff  }
0x73: {  	v12 =	vld.idx.msk [tilespmem:v12+s17+$0x0], $0xffff  }
0x74: {  	v13 =	vld.idx.msk [tilespmem:v13+s17+$0x0], $0xffff  }
0x75: {  	v14 =	vld.idx.msk [tilespmem:v14+s17+$0x0], $0xffff  }
0x76: {  	v15 =	vld.idx.msk [tilespmem:v15+s17+$0x0], $0xffff  }
0x77: {  	v16 =	vld.idx.msk [tilespmem:v16+s17+$0x0], $0xffff  }
0x78: {  	[tilespmem:v9+s20+$0x0] =	vst.idx.add.f32.msk $0xffff, v11  }
0x79: {  	p2 =	sne.s32 s29, $0x1;
	[tilespmem:v8+s20+$0x0] =	vst.idx.add.f32.msk $0xffff, v12  }
.Ltmp4:
0x7a: {  	[tilespmem:v7+s20+$0x0] =	vst.idx.add.f32.msk $0xffff, v13;
	(pc) =	sbr.rel @!p2 .LBB2_25-.Ltmp4, $4  }
0x7b: {  	[tilespmem:v6+s20+$0x0] =	vst.idx.add.f32.msk $0xffff, v14  }
0x7c: {  	[tilespmem:v5+s20+$0x0] =	vst.idx.add.f32.msk $0xffff, v15  }
0x7d: {  	[tilespmem:v4+s20+$0x0] =	vst.idx.add.f32.msk $0xffff, v16  }
0x7e: {  	s1 =	sadd.s32 $0xFFFFFFFF, s29;
	[tilespmem:v3+s20+$0x0] =	vst.idx.add.f32.msk $0xffff, v10  }
.LBB2_24:
0x7f: {  	p3 =	sne.s32 s1, $0x1;
	s1 =	sadd.s32 $0xFFFFFFFF, s1;
	[tilespmem:v1+s20+$0x0] =	vst.idx.add.f32.msk $0xffff, v2;
	s30 =	sadd.s32 $0x100, s30  }
0x80: {  	v1 =	vld [tilespmem:s30+$0xFFFFFFF0]  }
0x81: {  	v3 =	vld [tilespmem:s30+$0xFFFFFFE0]  }
0x82: {  	v4 =	vld [tilespmem:s30+$0xFFFFFFD0]  }
0x83: {  	v5 =	vld [tilespmem:s30+$0xFFFFFFC0]  }
0x84: {  	v6 =	vld [tilespmem:s30+$0xFFFFFFB0]  }
0x85: {  	v7 =	vld [tilespmem:s30+$0xFFFFFFA0]  }
0x86: {  	v8 =	vld [tilespmem:s30+$0xFFFFFF90]  }
0x87: {  	v9 =	vld [tilespmem:s30+$0xFFFFFF80]  }
0x88: {  	v2 =	vld [tilespmem:s30+$0x70]  }
0x89: {  	v10 =	vld [tilespmem:s30+$0x60]  }
0x8a: {  	v11 =	vld [tilespmem:s30+$0x0]  }
0x8b: {  	v12 =	vld [tilespmem:s30+$0x10]  }
0x8c: {  	v13 =	vld [tilespmem:s30+$0x20]  }
0x8d: {  	v14 =	vld [tilespmem:s30+$0x30]  }
0x8e: {  	v15 =	vld [tilespmem:s30+$0x40]  }
0x8f: {  	v16 =	vld [tilespmem:s30+$0x50]  }
0x90: {  	v2 =	vld.idx.msk [tilespmem:v2+s17+$0x0], $0xffff  }
0x91: {  	v10 =	vld.idx.msk [tilespmem:v10+s17+$0x0], $0xffff  }
0x92: {  	v11 =	vld.idx.msk [tilespmem:v11+s17+$0x0], $0xffff  }
0x93: {  	v12 =	vld.idx.msk [tilespmem:v12+s17+$0x0], $0xffff  }
0x94: {  	v13 =	vld.idx.msk [tilespmem:v13+s17+$0x0], $0xffff  }
0x95: {  	v14 =	vld.idx.msk [tilespmem:v14+s17+$0x0], $0xffff  }
0x96: {  	v15 =	vld.idx.msk [tilespmem:v15+s17+$0x0], $0xffff  }
0x97: {  	v16 =	vld.idx.msk [tilespmem:v16+s17+$0x0], $0xffff  }
0x98: {  	[tilespmem:v9+s20+$0x0] =	vst.idx.add.f32.msk $0xffff, v11  }
0x99: {  	[tilespmem:v8+s20+$0x0] =	vst.idx.add.f32.msk $0xffff, v12  }
.Ltmp5:
0x9a: {  	[tilespmem:v7+s20+$0x0] =	vst.idx.add.f32.msk $0xffff, v13;
	(pc) =	sbr.rel @p3 .LBB2_24-.Ltmp5, $4  }
0x9b: {  	[tilespmem:v6+s20+$0x0] =	vst.idx.add.f32.msk $0xffff, v14  }
0x9c: {  	[tilespmem:v5+s20+$0x0] =	vst.idx.add.f32.msk $0xffff, v15  }
0x9d: {  	[tilespmem:v4+s20+$0x0] =	vst.idx.add.f32.msk $0xffff, v16  }
0x9e: {  	[tilespmem:v3+s20+$0x0] =	vst.idx.add.f32.msk $0xffff, v10  }
.LBB2_25:
0x9f: {  	_ =	sdelay $0x3  }
0xa0: {  	[tilespmem:v1+s20+$0x0] =	vst.idx.add.f32.msk $0xffff, v2  }
0xa1: {  	[spmem:s10] =	stream.strided.scatter [tilespmem:s20], [sflag:$0x2], $0x2800, s22, s21, $0x38;
	[tilespmem:$0x14200] =	vst v63  }
0xa2: {  	_ =	swait.ge [sflag:s18], $0x2800  }
0xa3: {  	[sflag:s18] =	ssyncset.done $0x0  }
0xa4: {  	[sflag:s18] =	ssyncadd.s32 $0xFFFFD800  }
0xa5: {  	s1 =	simm.s32 $0x0;
	s4 =	simm.s32 $0x200;
	[bflag:$0x0] =	sbarrier.arrive $0xFFFF  }
0xa6: {  	[tilespmem:s25], [sflag:$0x1] =	stream.strided.gather [spmem:s11], $0x2800, s24, s23, $0x38;
	[tilespmem:$0x14200] =	vst v63  }
.LBB2_26:
0xa7: {  	p3 =	sne.s32 s4, $0x9E00;
	[tilespmem:s1+$0xC570] =	vst v0  }
0xa8: {  	[tilespmem:s1+$0xC500] =	vst v0  }
0xa9: {  	[tilespmem:s1+$0xC510] =	vst v0  }
.Ltmp6:
0xaa: {  	[tilespmem:s1+$0xC520] =	vst v0;
	(pc) =	sbr.rel @p3 .LBB2_26-.Ltmp6, $4  }
0xab: {  	[tilespmem:s1+$0xC530] =	vst v0  }
0xac: {  	[tilespmem:s1+$0xC540] =	vst v0  }
0xad: {  	[tilespmem:s1+$0xC550] =	vst v0  }
0xae: {  	[tilespmem:s1+$0xC560] =	vst v0;
	s1 =	sshra.s32 s4, $0x2;
	s4 =	sadd.s32 $0x200, s4  }
0xaf: {  	[tilespmem:s1+$0xC570] =	vst v0  }
0xb0: {  	[tilespmem:s1+$0xC500] =	vst v0  }
0xb1: {  	[tilespmem:s1+$0xC510] =	vst v0  }
0xb2: {  	[tilespmem:s1+$0xC520] =	vst v0  }
0xb3: {  	[tilespmem:s1+$0xC530] =	vst v0  }
0xb4: {  	[tilespmem:s1+$0xC540] =	vst v0  }
0xb5: {  	[tilespmem:s1+$0xC550] =	vst v0  }
0xb6: {  	[tilespmem:s1+$0xC560] =	vst v0  }
0xb7: {  	s0 =	simm.s32 $0x0;
	_ =	swait.ge [sflag:s19], $0x2800  }
0xb8: {  	s4 =	sand.u32 $0x70, s0;
	s0 =	sand.u32 $0x1C00, s0;
	[sflag:s19] =	ssyncset.done $0x0  }
0xb9: {  	s0 =	sor.u32 s4, s0;
	[sflag:s19] =	ssyncadd.s32 $0xFFFFD800  }
0xba: {  	v1 =	vld [tilespmem:s0+$0xF000]  }
0xbb: {  	v2 =	vld [tilespmem:s0+$0xEF80];
	_ =	sdelay $0x1  }
0xbc: {  	v3 =	vld [tilespmem:s0+$0xF080];
	_ =	sdelay $0x1  }
0xbd: {  	v4 =	vld [tilespmem:s0+$0xF100]  }
0xbe: {  	v1 =	vadd.f32 v1, v2  }
0xbf: {  	v2 =	vld [tilespmem:s0+$0xF180]  }
0xc0: {  	v1 =	vadd.f32 v3, v1  }
0xc1: {  	v3 =	vld [tilespmem:s0+$0xF200]  }
0xc2: {  	v1 =	vadd.f32 v4, v1  }
0xc3: {  	v60 =	vld [tilespmem:s0+$0xF280]  }
0xc4: {  	v1 =	vadd.f32 v2, v1  }
0xc5: {  	v2 =	vld [tilespmem:s0+$0xF300]  }
0xc6: {  	v1 =	vadd.f32 v3, v1  }
0xc7: {  	v3 =	vld [tilespmem:s0+$0x10380]  }
0xc8: {  	v1 =	vadd.f32 v60, v1  }
0xc9: {  	v61 =	vld [tilespmem:s0+$0x10400]  }
0xca: {  	v1 =	vadd.f32 v2, v1  }
0xcb: {  	v2 =	vld [tilespmem:s0+$0x10480]  }
0xcc: {  	v1 =	vadd.f32 v3, v1  }
0xcd: {  	v3 =	vld [tilespmem:s0+$0x10500]  }
0xce: {  	v1 =	vadd.f32 v61, v1  }
0xcf: {  	v62 =	vld [tilespmem:s0+$0x10580]  }
0xd0: {  	v1 =	vadd.f32 v2, v1  }
0xd1: {  	v2 =	vld [tilespmem:s0+$0x10600]  }
0xd2: {  	v1 =	vadd.f32 v3, v1  }
0xd3: {  	v3 =	vld [tilespmem:s0+$0x10680]  }
0xd4: {  	v1 =	vadd.f32 v62, v1  }
0xd5: {  	v63 =	vld [tilespmem:s0+$0x10700]  }
0xd6: {  	v1 =	vadd.f32 v2, v1;
	_ =	sdelay $0x1  }
0xd7: {  	v1 =	vadd.f32 v3, v1;
	_ =	sdelay $0x1  }
0xd8: {  	s1 =	simm.s32 $0x80;
	s4 =	simm.s32 $0x10;
	v1 =	vadd.f32 v63, v1  }
0xd9: {  	s30 =	simm.s32 $0xED00;
	s0 =	sand.u32 $0x70, s4;
	s4 =	sand.u32 $0x1C00, s1  }
0xda: {  	s31 =	sor.u32 s0, s4;
	s4 =	simm.s32 $0x20;
	[tilespmem:s30+$0x0] =	vst v1  }
.LBB2_28:
0xdb: {  	p3 =	sne.s32 s4, $0x270;
	v1 =	vld [tilespmem:s31+$0xF000]  }
0xdc: {  	v2 =	vld [tilespmem:s31+$0xEF80];
	_ =	sdelay $0x1  }
0xdd: {  	v3 =	vld [tilespmem:s31+$0xF080];
	_ =	sdelay $0x1  }
0xde: {  	v4 =	vld [tilespmem:s31+$0xF100]  }
0xdf: {  	v1 =	vadd.f32 v1, v2  }
0xe0: {  	v2 =	vld [tilespmem:s31+$0xF180]  }
0xe1: {  	v1 =	vadd.f32 v3, v1  }
0xe2: {  	v3 =	vld [tilespmem:s31+$0xF200]  }
0xe3: {  	v1 =	vadd.f32 v4, v1  }
0xe4: {  	v4 =	vld [tilespmem:s31+$0xF280]  }
0xe5: {  	v1 =	vadd.f32 v2, v1  }
0xe6: {  	v2 =	vld [tilespmem:s31+$0xF300]  }
0xe7: {  	v1 =	vadd.f32 v3, v1  }
0xe8: {  	v3 =	vld [tilespmem:s31+$0x10380]  }
0xe9: {  	v1 =	vadd.f32 v4, v1  }
0xea: {  	v4 =	vld [tilespmem:s31+$0x10400]  }
0xeb: {  	v1 =	vadd.f32 v2, v1  }
0xec: {  	v2 =	vld [tilespmem:s31+$0x10480]  }
0xed: {  	v1 =	vadd.f32 v3, v1  }
0xee: {  	v3 =	vld [tilespmem:s31+$0x10500]  }
0xef: {  	v1 =	vadd.f32 v4, v1  }
0xf0: {  	v4 =	vld [tilespmem:s31+$0x10580]  }
0xf1: {  	v1 =	vadd.f32 v2, v1  }
0xf2: {  	v2 =	vld [tilespmem:s31+$0x10600]  }
0xf3: {  	v1 =	vadd.f32 v3, v1  }
0xf4: {  	v3 =	vld [tilespmem:s31+$0x10680]  }
0xf5: {  	v1 =	vadd.f32 v4, v1  }
0xf6: {  	v4 =	vld [tilespmem:s31+$0x10700]  }
0xf7: {  	v1 =	vadd.f32 v2, v1;
	_ =	sdelay $0x1  }
.Ltmp7:
0xf8: {  	v1 =	vadd.f32 v3, v1;
	(pc) =	sbr.rel @p3 .LBB2_28-.Ltmp7, $4  }
0xf9: {  	_ = 	snop  }
0xfa: {  	s1 =	sadd.s32 $0x80, s1;
	v1 =	vadd.f32 v4, v1  }
0xfb: {  	s0 =	sand.u32 $0x70, s4;
	s30 =	sadd.s32 $0x10, s30;
	s31 =	sand.u32 $0x1C00, s1  }
0xfc: {  	s4 =	sadd.s32 $0x10, s4;
	s31 =	sor.u32 s0, s31;
	[tilespmem:s30+$0x0] =	vst v1  }
0xfd: {  	v1 =	vld [tilespmem:s31+$0xF000]  }
0xfe: {  	v2 =	vld [tilespmem:s31+$0xEF80];
	_ =	sdelay $0x1  }
0xff: {  	v3 =	vld [tilespmem:s31+$0xF080];
	_ =	sdelay $0x1  }
0x100: {  	v4 =	vld [tilespmem:s31+$0xF100]  }
0x101: {  	v1 =	vadd.f32 v1, v2  }
0x102: {  	v2 =	vld [tilespmem:s31+$0xF180]  }
0x103: {  	v1 =	vadd.f32 v3, v1  }
0x104: {  	v3 =	vld [tilespmem:s31+$0xF200]  }
0x105: {  	v1 =	vadd.f32 v4, v1  }
0x106: {  	v59 =	vld [tilespmem:s31+$0xF280]  }
0x107: {  	v1 =	vadd.f32 v2, v1  }
0x108: {  	v2 =	vld [tilespmem:s31+$0xF300]  }
0x109: {  	v1 =	vadd.f32 v3, v1  }
0x10a: {  	v3 =	vld [tilespmem:s31+$0x10380]  }
0x10b: {  	v1 =	vadd.f32 v59, v1  }
0x10c: {  	v60 =	vld [tilespmem:s31+$0x10400]  }
0x10d: {  	v1 =	vadd.f32 v2, v1  }
0x10e: {  	v2 =	vld [tilespmem:s31+$0x10480]  }
0x10f: {  	v1 =	vadd.f32 v3, v1  }
0x110: {  	v3 =	vld [tilespmem:s31+$0x10500]  }
0x111: {  	v1 =	vadd.f32 v60, v1  }
0x112: {  	v61 =	vld [tilespmem:s31+$0x10580]  }
0x113: {  	v1 =	vadd.f32 v2, v1  }
0x114: {  	v2 =	vld [tilespmem:s31+$0x10600]  }
0x115: {  	v1 =	vadd.f32 v3, v1  }
0x116: {  	v3 =	vld [tilespmem:s31+$0x10680]  }
0x117: {  	v1 =	vadd.f32 v61, v1  }
0x118: {  	v62 =	vld [tilespmem:s31+$0x10700]  }
0x119: {  	v1 =	vadd.f32 v2, v1;
	_ =	sdelay $0x1  }
0x11a: {  	v1 =	vadd.f32 v3, v1;
	_ =	sdelay $0x1  }
0x11b: {  	v1 =	vadd.f32 v62, v1  }
0x11c: {  	s0 =	sadd.s32 $0x10, s30  }
0x11d: {  	[tilespmem:s0+$0x0] =	vst v1  }
0x11e: {  	[spmem:s12] =	stream.linear.scatter [tilespmem:s26], [sflag:$0x2], $0x280, $0x38;
	[tilespmem:$0x14200] =	vst v63  }
0x11f: {  	_ =	swait.ge [sflag:s18], $0x280  }
0x120: {  	[sflag:s18] =	ssyncset.done $0x0  }
0x121: {  	[sflag:s18] =	ssyncadd.s32 $0xFFFFFD80  }
0x122: {  	[bflag:$0x0] =	sbarrier.arrive $0xFFFF  }
0x123: {  	[tilespmem:s17], [sflag:$0x2] =	stream.linear.gather [spmem:s3], $0x2800, $0x38;
	[tilespmem:$0x14200] =	vst v63  }
0x124: {  	_ =	swait.ge [sflag:s18], $0x2800  }
0x125: {  	[sflag:s18] =	ssyncset.done $0x0  }
0x126: {  	s30 =	simm.s32 $0x80;
	[sflag:s18] =	ssyncadd.s32 $0xFFFFD800  }
0x127: {  	v1 =	vld [tilespmem:s30+$0xFFFFFFF0]  }
0x128: {  	v3 =	vld [tilespmem:s30+$0xFFFFFFE0]  }
0x129: {  	v63 =	vld [tilespmem:s30+$0xFFFFFFD0]  }
0x12a: {  	v5 =	vld [tilespmem:s30+$0xFFFFFFC0]  }
0x12b: {  	v6 =	vld [tilespmem:s30+$0xFFFFFFB0]  }
0x12c: {  	v7 =	vld [tilespmem:s30+$0xFFFFFFA0]  }
0x12d: {  	v8 =	vld [tilespmem:s30+$0xFFFFFF90]  }
0x12e: {  	v9 =	vld [tilespmem:s30+$0xFFFFFF80]  }
0x12f: {  	v2 =	vld [tilespmem:s30+$0x70]  }
0x130: {  	v10 =	vld [tilespmem:s30+$0x60]  }
0x131: {  	v11 =	vld [tilespmem:s30+$0x0]  }
0x132: {  	v12 =	vld [tilespmem:s30+$0x10]  }
0x133: {  	v13 =	vld [tilespmem:s30+$0x20]  }
0x134: {  	v14 =	vld [tilespmem:s30+$0x30]  }
0x135: {  	v15 =	vld [tilespmem:s30+$0x40]  }
0x136: {  	v16 =	vld [tilespmem:s30+$0x50]  }
0x137: {  	v2 =	vld.idx.msk [tilespmem:v2+s17+$0x0], $0xffff  }
0x138: {  	v10 =	vld.idx.msk [tilespmem:v10+s17+$0x0], $0xffff  }
0x139: {  	v11 =	vld.idx.msk [tilespmem:v11+s17+$0x0], $0xffff  }
0x13a: {  	v12 =	vld.idx.msk [tilespmem:v12+s17+$0x0], $0xffff  }
0x13b: {  	v13 =	vld.idx.msk [tilespmem:v13+s17+$0x0], $0xffff  }
0x13c: {  	v14 =	vld.idx.msk [tilespmem:v14+s17+$0x0], $0xffff  }
0x13d: {  	v15 =	vld.idx.msk [tilespmem:v15+s17+$0x0], $0xffff  }
0x13e: {  	v16 =	vld.idx.msk [tilespmem:v16+s17+$0x0], $0xffff  }
0x13f: {  	[tilespmem:v9+s20+$0x0] =	vst.idx.add.f32.msk $0xffff, v11  }
0x140: {  	[tilespmem:v8+s20+$0x0] =	vst.idx.add.f32.msk $0xffff, v12  }
.Ltmp8:
0x141: {  	[tilespmem:v7+s20+$0x0] =	vst.idx.add.f32.msk $0xffff, v13;
	(pc) =	sbr.rel @!p2 .LBB2_31-.Ltmp8, $4  }
0x142: {  	[tilespmem:v6+s20+$0x0] =	vst.idx.add.f32.msk $0xffff, v14  }
0x143: {  	[tilespmem:v5+s20+$0x0] =	vst.idx.add.f32.msk $0xffff, v15  }
0x144: {  	[tilespmem:v63+s20+$0x0] =	vst.idx.add.f32.msk $0xffff, v16  }
0x145: {  	s1 =	sadd.s32 $0xFFFFFFFF, s29;
	[tilespmem:v3+s20+$0x0] =	vst.idx.add.f32.msk $0xffff, v10  }
.LBB2_30:
0x146: {  	p3 =	sne.s32 s1, $0x1;
	s1 =	sadd.s32 $0xFFFFFFFF, s1;
	[tilespmem:v1+s20+$0x0] =	vst.idx.add.f32.msk $0xffff, v2;
	s30 =	sadd.s32 $0x100, s30  }
0x147: {  	v1 =	vld [tilespmem:s30+$0xFFFFFFF0]  }
0x148: {  	v3 =	vld [tilespmem:s30+$0xFFFFFFE0]  }
0x149: {  	v4 =	vld [tilespmem:s30+$0xFFFFFFD0]  }
0x14a: {  	v5 =	vld [tilespmem:s30+$0xFFFFFFC0]  }
0x14b: {  	v6 =	vld [tilespmem:s30+$0xFFFFFFB0]  }
0x14c: {  	v7 =	vld [tilespmem:s30+$0xFFFFFFA0]  }
0x14d: {  	v8 =	vld [tilespmem:s30+$0xFFFFFF90]  }
0x14e: {  	v9 =	vld [tilespmem:s30+$0xFFFFFF80]  }
0x14f: {  	v2 =	vld [tilespmem:s30+$0x70]  }
0x150: {  	v10 =	vld [tilespmem:s30+$0x60]  }
0x151: {  	v11 =	vld [tilespmem:s30+$0x0]  }
0x152: {  	v12 =	vld [tilespmem:s30+$0x10]  }
0x153: {  	v13 =	vld [tilespmem:s30+$0x20]  }
0x154: {  	v14 =	vld [tilespmem:s30+$0x30]  }
0x155: {  	v15 =	vld [tilespmem:s30+$0x40]  }
0x156: {  	v16 =	vld [tilespmem:s30+$0x50]  }
0x157: {  	v2 =	vld.idx.msk [tilespmem:v2+s17+$0x0], $0xffff  }
0x158: {  	v10 =	vld.idx.msk [tilespmem:v10+s17+$0x0], $0xffff  }
0x159: {  	v11 =	vld.idx.msk [tilespmem:v11+s17+$0x0], $0xffff  }
0x15a: {  	v12 =	vld.idx.msk [tilespmem:v12+s17+$0x0], $0xffff  }
0x15b: {  	v13 =	vld.idx.msk [tilespmem:v13+s17+$0x0], $0xffff  }
0x15c: {  	v14 =	vld.idx.msk [tilespmem:v14+s17+$0x0], $0xffff  }
0x15d: {  	v15 =	vld.idx.msk [tilespmem:v15+s17+$0x0], $0xffff  }
0x15e: {  	v16 =	vld.idx.msk [tilespmem:v16+s17+$0x0], $0xffff  }
0x15f: {  	[tilespmem:v9+s20+$0x0] =	vst.idx.add.f32.msk $0xffff, v11  }
0x160: {  	[tilespmem:v8+s20+$0x0] =	vst.idx.add.f32.msk $0xffff, v12  }
.Ltmp9:
0x161: {  	[tilespmem:v7+s20+$0x0] =	vst.idx.add.f32.msk $0xffff, v13;
	(pc) =	sbr.rel @p3 .LBB2_30-.Ltmp9, $4  }
0x162: {  	[tilespmem:v6+s20+$0x0] =	vst.idx.add.f32.msk $0xffff, v14  }
0x163: {  	[tilespmem:v5+s20+$0x0] =	vst.idx.add.f32.msk $0xffff, v15  }
0x164: {  	[tilespmem:v4+s20+$0x0] =	vst.idx.add.f32.msk $0xffff, v16  }
0x165: {  	[tilespmem:v3+s20+$0x0] =	vst.idx.add.f32.msk $0xffff, v10  }
.LBB2_31:
0x166: {  	_ =	sdelay $0x3  }
0x167: {  	[tilespmem:v1+s20+$0x0] =	vst.idx.add.f32.msk $0xffff, v2  }
0x168: {  	[spmem:s10] =	stream.strided.scatter [tilespmem:s20], [sflag:$0x2], $0x2800, s22, s21, $0x38;
	[tilespmem:$0x14200] =	vst v63  }
0x169: {  	_ =	swait.ge [sflag:s18], $0x2800  }
0x16a: {  	[sflag:s18] =	ssyncset.done $0x0  }
0x16b: {  	[sflag:s18] =	ssyncadd.s32 $0xFFFFD800  }
0x16c: {  	s1 =	simm.s32 $0x0;
	s4 =	simm.s32 $0x200;
	[bflag:$0x0] =	sbarrier.arrive $0xFFFF  }
0x16d: {  	[tilespmem:s25], [sflag:$0x1] =	stream.strided.gather [spmem:s11], $0x2800, s24, s23, $0x38;
	[tilespmem:$0x14200] =	vst v63  }
.LBB2_32:
0x16e: {  	p3 =	sne.s32 s4, $0x9E00;
	[tilespmem:s1+$0xC570] =	vst v0  }
0x16f: {  	[tilespmem:s1+$0xC500] =	vst v0  }
0x170: {  	[tilespmem:s1+$0xC510] =	vst v0  }
.Ltmp10:
0x171: {  	[tilespmem:s1+$0xC520] =	vst v0;
	(pc) =	sbr.rel @p3 .LBB2_32-.Ltmp10, $4  }
0x172: {  	[tilespmem:s1+$0xC530] =	vst v0  }
0x173: {  	[tilespmem:s1+$0xC540] =	vst v0  }
0x174: {  	[tilespmem:s1+$0xC550] =	vst v0  }
0x175: {  	[tilespmem:s1+$0xC560] =	vst v0;
	s1 =	sshra.s32 s4, $0x2;
	s4 =	sadd.s32 $0x200, s4  }
0x176: {  	[tilespmem:s1+$0xC570] =	vst v0  }
0x177: {  	[tilespmem:s1+$0xC500] =	vst v0  }
0x178: {  	[tilespmem:s1+$0xC510] =	vst v0  }
0x179: {  	[tilespmem:s1+$0xC520] =	vst v0  }
0x17a: {  	[tilespmem:s1+$0xC530] =	vst v0  }
0x17b: {  	[tilespmem:s1+$0xC540] =	vst v0  }
0x17c: {  	[tilespmem:s1+$0xC550] =	vst v0  }
0x17d: {  	[tilespmem:s1+$0xC560] =	vst v0  }
0x17e: {  	s0 =	simm.s32 $0x0;
	_ =	swait.ge [sflag:s19], $0x2800  }
0x17f: {  	s4 =	sand.u32 $0x70, s0;
	s0 =	sand.u32 $0x1C00, s0;
	[sflag:s19] =	ssyncset.done $0x0  }
0x180: {  	s0 =	sor.u32 s4, s0;
	[sflag:s19] =	ssyncadd.s32 $0xFFFFD800  }
0x181: {  	v1 =	vld [tilespmem:s0+$0xF000]  }
0x182: {  	v2 =	vld [tilespmem:s0+$0xEF80];
	_ =	sdelay $0x1  }
0x183: {  	v3 =	vld [tilespmem:s0+$0xF080];
	_ =	sdelay $0x1  }
0x184: {  	v4 =	vld [tilespmem:s0+$0xF100]  }
0x185: {  	v1 =	vadd.f32 v1, v2  }
0x186: {  	v2 =	vld [tilespmem:s0+$0xF180]  }
0x187: {  	v1 =	vadd.f32 v3, v1  }
0x188: {  	v3 =	vld [tilespmem:s0+$0xF200]  }
0x189: {  	v1 =	vadd.f32 v4, v1  }
0x18a: {  	v60 =	vld [tilespmem:s0+$0xF280]  }
0x18b: {  	v1 =	vadd.f32 v2, v1  }
0x18c: {  	v2 =	vld [tilespmem:s0+$0xF300]  }
0x18d: {  	v1 =	vadd.f32 v3, v1  }
0x18e: {  	v3 =	vld [tilespmem:s0+$0x10380]  }
0x18f: {  	v1 =	vadd.f32 v60, v1  }
0x190: {  	v61 =	vld [tilespmem:s0+$0x10400]  }
0x191: {  	v1 =	vadd.f32 v2, v1  }
0x192: {  	v2 =	vld [tilespmem:s0+$0x10480]  }
0x193: {  	v1 =	vadd.f32 v3, v1  }
0x194: {  	v3 =	vld [tilespmem:s0+$0x10500]  }
0x195: {  	v1 =	vadd.f32 v61, v1  }
0x196: {  	v62 =	vld [tilespmem:s0+$0x10580]  }
0x197: {  	v1 =	vadd.f32 v2, v1  }
0x198: {  	v2 =	vld [tilespmem:s0+$0x10600]  }
0x199: {  	v1 =	vadd.f32 v3, v1  }
0x19a: {  	v3 =	vld [tilespmem:s0+$0x10680]  }
0x19b: {  	v1 =	vadd.f32 v62, v1  }
0x19c: {  	v63 =	vld [tilespmem:s0+$0x10700]  }
0x19d: {  	v1 =	vadd.f32 v2, v1;
	_ =	sdelay $0x1  }
0x19e: {  	v1 =	vadd.f32 v3, v1;
	_ =	sdelay $0x1  }
0x19f: {  	s1 =	simm.s32 $0x80;
	s4 =	simm.s32 $0x10;
	v1 =	vadd.f32 v63, v1  }
0x1a0: {  	s30 =	simm.s32 $0xED00;
	s0 =	sand.u32 $0x70, s4;
	s4 =	sand.u32 $0x1C00, s1  }
0x1a1: {  	s31 =	sor.u32 s0, s4;
	s4 =	simm.s32 $0x20;
	[tilespmem:s30+$0x0] =	vst v1  }
.LBB2_34:
0x1a2: {  	p3 =	sne.s32 s4, $0x270;
	v1 =	vld [tilespmem:s31+$0xF000]  }
0x1a3: {  	v2 =	vld [tilespmem:s31+$0xEF80];
	_ =	sdelay $0x1  }
0x1a4: {  	v3 =	vld [tilespmem:s31+$0xF080];
	_ =	sdelay $0x1  }
0x1a5: {  	v4 =	vld [tilespmem:s31+$0xF100]  }
0x1a6: {  	v1 =	vadd.f32 v1, v2  }
0x1a7: {  	v2 =	vld [tilespmem:s31+$0xF180]  }
0x1a8: {  	v1 =	vadd.f32 v3, v1  }
0x1a9: {  	v3 =	vld [tilespmem:s31+$0xF200]  }
0x1aa: {  	v1 =	vadd.f32 v4, v1  }
0x1ab: {  	v4 =	vld [tilespmem:s31+$0xF280]  }
0x1ac: {  	v1 =	vadd.f32 v2, v1  }
0x1ad: {  	v2 =	vld [tilespmem:s31+$0xF300]  }
0x1ae: {  	v1 =	vadd.f32 v3, v1  }
0x1af: {  	v3 =	vld [tilespmem:s31+$0x10380]  }
0x1b0: {  	v1 =	vadd.f32 v4, v1  }
0x1b1: {  	v4 =	vld [tilespmem:s31+$0x10400]  }
0x1b2: {  	v1 =	vadd.f32 v2, v1  }
0x1b3: {  	v2 =	vld [tilespmem:s31+$0x10480]  }
0x1b4: {  	v1 =	vadd.f32 v3, v1  }
0x1b5: {  	v3 =	vld [tilespmem:s31+$0x10500]  }
0x1b6: {  	v1 =	vadd.f32 v4, v1  }
0x1b7: {  	v4 =	vld [tilespmem:s31+$0x10580]  }
0x1b8: {  	v1 =	vadd.f32 v2, v1  }
0x1b9: {  	v2 =	vld [tilespmem:s31+$0x10600]  }
0x1ba: {  	v1 =	vadd.f32 v3, v1  }
0x1bb: {  	v3 =	vld [tilespmem:s31+$0x10680]  }
0x1bc: {  	v1 =	vadd.f32 v4, v1  }
0x1bd: {  	v4 =	vld [tilespmem:s31+$0x10700]  }
0x1be: {  	v1 =	vadd.f32 v2, v1;
	_ =	sdelay $0x1  }
.Ltmp11:
0x1bf: {  	v1 =	vadd.f32 v3, v1;
	(pc) =	sbr.rel @p3 .LBB2_34-.Ltmp11, $4  }
0x1c0: {  	_ = 	snop  }
0x1c1: {  	s1 =	sadd.s32 $0x80, s1;
	v1 =	vadd.f32 v4, v1  }
0x1c2: {  	s0 =	sand.u32 $0x70, s4;
	s30 =	sadd.s32 $0x10, s30;
	s31 =	sand.u32 $0x1C00, s1  }
0x1c3: {  	s4 =	sadd.s32 $0x10, s4;
	s31 =	sor.u32 s0, s31;
	[tilespmem:s30+$0x0] =	vst v1  }
0x1c4: {  	v1 =	vld [tilespmem:s31+$0xF000]  }
0x1c5: {  	v2 =	vld [tilespmem:s31+$0xEF80];
	_ =	sdelay $0x1  }
0x1c6: {  	v3 =	vld [tilespmem:s31+$0xF080];
	_ =	sdelay $0x1  }
0x1c7: {  	v4 =	vld [tilespmem:s31+$0xF100]  }
0x1c8: {  	v1 =	vadd.f32 v1, v2  }
0x1c9: {  	v2 =	vld [tilespmem:s31+$0xF180]  }
0x1ca: {  	v1 =	vadd.f32 v3, v1  }
0x1cb: {  	v3 =	vld [tilespmem:s31+$0xF200]  }
0x1cc: {  	v1 =	vadd.f32 v4, v1  }
0x1cd: {  	v59 =	vld [tilespmem:s31+$0xF280]  }
0x1ce: {  	v1 =	vadd.f32 v2, v1  }
0x1cf: {  	v2 =	vld [tilespmem:s31+$0xF300]  }
0x1d0: {  	v1 =	vadd.f32 v3, v1  }
0x1d1: {  	v3 =	vld [tilespmem:s31+$0x10380]  }
0x1d2: {  	v1 =	vadd.f32 v59, v1  }
0x1d3: {  	v60 =	vld [tilespmem:s31+$0x10400]  }
0x1d4: {  	v1 =	vadd.f32 v2, v1  }
0x1d5: {  	v2 =	vld [tilespmem:s31+$0x10480]  }
0x1d6: {  	v1 =	vadd.f32 v3, v1  }
0x1d7: {  	v3 =	vld [tilespmem:s31+$0x10500]  }
0x1d8: {  	v1 =	vadd.f32 v60, v1  }
0x1d9: {  	v61 =	vld [tilespmem:s31+$0x10580]  }
0x1da: {  	v1 =	vadd.f32 v2, v1  }
0x1db: {  	v2 =	vld [tilespmem:s31+$0x10600]  }
0x1dc: {  	v1 =	vadd.f32 v3, v1  }
0x1dd: {  	v3 =	vld [tilespmem:s31+$0x10680]  }
0x1de: {  	v1 =	vadd.f32 v61, v1  }
0x1df: {  	v62 =	vld [tilespmem:s31+$0x10700]  }
0x1e0: {  	v1 =	vadd.f32 v2, v1;
	_ =	sdelay $0x1  }
0x1e1: {  	v1 =	vadd.f32 v3, v1;
	_ =	sdelay $0x1  }
0x1e2: {  	v1 =	vadd.f32 v62, v1  }
0x1e3: {  	s0 =	sadd.s32 $0x10, s30  }
0x1e4: {  	[tilespmem:s0+$0x0] =	vst v1  }
0x1e5: {  	[spmem:s12] =	stream.linear.scatter [tilespmem:s26], [sflag:$0x2], $0x280, $0x38;
	[tilespmem:$0x14200] =	vst v63  }
0x1e6: {  	_ =	swait.ge [sflag:s18], $0x280  }
0x1e7: {  	[sflag:s18] =	ssyncset.done $0x0  }
0x1e8: {  	[sflag:s18] =	ssyncadd.s32 $0xFFFFFD80  }
0x1e9: {  	[bflag:$0x0] =	sbarrier.arrive $0xFFFF  }
0x1ea: {  	[tilespmem:s17], [sflag:$0x2] =	stream.linear.gather [spmem:s3], $0x2800, $0x38;
	[tilespmem:$0x14200] =	vst v63  }
0x1eb: {  	_ =	swait.ge [sflag:s18], $0x2800  }
0x1ec: {  	[sflag:s18] =	ssyncset.done $0x0  }
0x1ed: {  	s30 =	simm.s32 $0x80;
	[sflag:s18] =	ssyncadd.s32 $0xFFFFD800  }
0x1ee: {  	v1 =	vld [tilespmem:s30+$0xFFFFFFF0]  }
0x1ef: {  	v3 =	vld [tilespmem:s30+$0xFFFFFFE0]  }
0x1f0: {  	v63 =	vld [tilespmem:s30+$0xFFFFFFD0]  }
0x1f1: {  	v5 =	vld [tilespmem:s30+$0xFFFFFFC0]  }
0x1f2: {  	v6 =	vld [tilespmem:s30+$0xFFFFFFB0]  }
0x1f3: {  	v7 =	vld [tilespmem:s30+$0xFFFFFFA0]  }
0x1f4: {  	v8 =	vld [tilespmem:s30+$0xFFFFFF90]  }
0x1f5: {  	v9 =	vld [tilespmem:s30+$0xFFFFFF80]  }
0x1f6: {  	v2 =	vld [tilespmem:s30+$0x70]  }
0x1f7: {  	v10 =	vld [tilespmem:s30+$0x60]  }
0x1f8: {  	v11 =	vld [tilespmem:s30+$0x0]  }
0x1f9: {  	v12 =	vld [tilespmem:s30+$0x10]  }
0x1fa: {  	v13 =	vld [tilespmem:s30+$0x20]  }
0x1fb: {  	v14 =	vld [tilespmem:s30+$0x30]  }
0x1fc: {  	v15 =	vld [tilespmem:s30+$0x40]  }
0x1fd: {  	v16 =	vld [tilespmem:s30+$0x50]  }
0x1fe: {  	v2 =	vld.idx.msk [tilespmem:v2+s17+$0x0], $0xffff  }
0x1ff: {  	v10 =	vld.idx.msk [tilespmem:v10+s17+$0x0], $0xffff  }
0x200: {  	v11 =	vld.idx.msk [tilespmem:v11+s17+$0x0], $0xffff  }
0x201: {  	v12 =	vld.idx.msk [tilespmem:v12+s17+$0x0], $0xffff  }
0x202: {  	v13 =	vld.idx.msk [tilespmem:v13+s17+$0x0], $0xffff  }
0x203: {  	v14 =	vld.idx.msk [tilespmem:v14+s17+$0x0], $0xffff  }
0x204: {  	v15 =	vld.idx.msk [tilespmem:v15+s17+$0x0], $0xffff  }
0x205: {  	v16 =	vld.idx.msk [tilespmem:v16+s17+$0x0], $0xffff  }
0x206: {  	[tilespmem:v9+s20+$0x0] =	vst.idx.add.f32.msk $0xffff, v11  }
0x207: {  	[tilespmem:v8+s20+$0x0] =	vst.idx.add.f32.msk $0xffff, v12  }
.Ltmp12:
0x208: {  	[tilespmem:v7+s20+$0x0] =	vst.idx.add.f32.msk $0xffff, v13;
	(pc) =	sbr.rel @!p2 .LBB2_37-.Ltmp12, $4  }
0x209: {  	[tilespmem:v6+s20+$0x0] =	vst.idx.add.f32.msk $0xffff, v14  }
0x20a: {  	[tilespmem:v5+s20+$0x0] =	vst.idx.add.f32.msk $0xffff, v15  }
0x20b: {  	[tilespmem:v63+s20+$0x0] =	vst.idx.add.f32.msk $0xffff, v16  }
0x20c: {  	s1 =	sadd.s32 $0xFFFFFFFF, s29;
	[tilespmem:v3+s20+$0x0] =	vst.idx.add.f32.msk $0xffff, v10  }
.LBB2_36:
0x20d: {  	p2 =	sne.s32 s1, $0x1;
	s1 =	sadd.s32 $0xFFFFFFFF, s1;
	[tilespmem:v1+s20+$0x0] =	vst.idx.add.f32.msk $0xffff, v2;
	s30 =	sadd.s32 $0x100, s30  }
0x20e: {  	v1 =	vld [tilespmem:s30+$0xFFFFFFF0]  }
0x20f: {  	v3 =	vld [tilespmem:s30+$0xFFFFFFE0]  }
0x210: {  	v4 =	vld [tilespmem:s30+$0xFFFFFFD0]  }
0x211: {  	v5 =	vld [tilespmem:s30+$0xFFFFFFC0]  }
0x212: {  	v6 =	vld [tilespmem:s30+$0xFFFFFFB0]  }
0x213: {  	v7 =	vld [tilespmem:s30+$0xFFFFFFA0]  }
0x214: {  	v8 =	vld [tilespmem:s30+$0xFFFFFF90]  }
0x215: {  	v9 =	vld [tilespmem:s30+$0xFFFFFF80]  }
0x216: {  	v2 =	vld [tilespmem:s30+$0x70]  }
0x217: {  	v10 =	vld [tilespmem:s30+$0x60]  }
0x218: {  	v11 =	vld [tilespmem:s30+$0x0]  }
0x219: {  	v12 =	vld [tilespmem:s30+$0x10]  }
0x21a: {  	v13 =	vld [tilespmem:s30+$0x20]  }
0x21b: {  	v14 =	vld [tilespmem:s30+$0x30]  }
0x21c: {  	v15 =	vld [tilespmem:s30+$0x40]  }
0x21d: {  	v16 =	vld [tilespmem:s30+$0x50]  }
0x21e: {  	v2 =	vld.idx.msk [tilespmem:v2+s17+$0x0], $0xffff  }
0x21f: {  	v10 =	vld.idx.msk [tilespmem:v10+s17+$0x0], $0xffff  }
0x220: {  	v11 =	vld.idx.msk [tilespmem:v11+s17+$0x0], $0xffff  }
0x221: {  	v12 =	vld.idx.msk [tilespmem:v12+s17+$0x0], $0xffff  }
0x222: {  	v13 =	vld.idx.msk [tilespmem:v13+s17+$0x0], $0xffff  }
0x223: {  	v14 =	vld.idx.msk [tilespmem:v14+s17+$0x0], $0xffff  }
0x224: {  	v15 =	vld.idx.msk [tilespmem:v15+s17+$0x0], $0xffff  }
0x225: {  	v16 =	vld.idx.msk [tilespmem:v16+s17+$0x0], $0xffff  }
0x226: {  	[tilespmem:v9+s20+$0x0] =	vst.idx.add.f32.msk $0xffff, v11  }
0x227: {  	[tilespmem:v8+s20+$0x0] =	vst.idx.add.f32.msk $0xffff, v12  }
.Ltmp13:
0x228: {  	[tilespmem:v7+s20+$0x0] =	vst.idx.add.f32.msk $0xffff, v13;
	(pc) =	sbr.rel @p2 .LBB2_36-.Ltmp13, $4  }
0x229: {  	[tilespmem:v6+s20+$0x0] =	vst.idx.add.f32.msk $0xffff, v14  }
0x22a: {  	[tilespmem:v5+s20+$0x0] =	vst.idx.add.f32.msk $0xffff, v15  }
0x22b: {  	[tilespmem:v4+s20+$0x0] =	vst.idx.add.f32.msk $0xffff, v16  }
0x22c: {  	[tilespmem:v3+s20+$0x0] =	vst.idx.add.f32.msk $0xffff, v10  }
.LBB2_37:
0x22d: {  	_ =	sdelay $0x3  }
0x22e: {  	[tilespmem:v1+s20+$0x0] =	vst.idx.add.f32.msk $0xffff, v2  }
0x22f: {  	[spmem:s10] =	stream.strided.scatter [tilespmem:s20], [sflag:$0x2], $0x2800, s22, s21, $0x38;
	[tilespmem:$0x14200] =	vst v63  }
0x230: {  	_ =	swait.ge [sflag:s18], $0x2800  }
0x231: {  	[sflag:s18] =	ssyncset.done $0x0  }
0x232: {  	[sflag:s18] =	ssyncadd.s32 $0xFFFFD800  }
0x233: {  	[bflag:$0x0] =	sbarrier.arrive $0xFFFF  }
0x234: {  	[tilespmem:s25], [sflag:$0x1] =	stream.strided.gather [spmem:s11], $0x2800, s24, s23, $0x38;
	[tilespmem:$0x14200] =	vst v63  }
0x235: {  	s0 =	simm.s32 $0x0;
	_ =	swait.ge [sflag:s19], $0x2800  }
0x236: {  	s1 =	sand.u32 $0x70, s0;
	s0 =	sand.u32 $0x1C00, s0;
	[sflag:s19] =	ssyncset.done $0x0  }
0x237: {  	s0 =	sor.u32 s1, s0;
	[sflag:s19] =	ssyncadd.s32 $0xFFFFD800  }
0x238: {  	v1 =	vld [tilespmem:s0+$0xF000]  }
0x239: {  	v2 =	vld [tilespmem:s0+$0xEF80];
	_ =	sdelay $0x1  }
0x23a: {  	v3 =	vld [tilespmem:s0+$0xF080];
	_ =	sdelay $0x1  }
0x23b: {  	v4 =	vld [tilespmem:s0+$0xF100]  }
0x23c: {  	v1 =	vadd.f32 v1, v2  }
0x23d: {  	v2 =	vld [tilespmem:s0+$0xF180]  }
0x23e: {  	v1 =	vadd.f32 v3, v1  }
0x23f: {  	v3 =	vld [tilespmem:s0+$0xF200]  }
0x240: {  	v1 =	vadd.f32 v4, v1  }
0x241: {  	v60 =	vld [tilespmem:s0+$0xF280]  }
0x242: {  	v1 =	vadd.f32 v2, v1  }
0x243: {  	v2 =	vld [tilespmem:s0+$0xF300]  }
0x244: {  	v1 =	vadd.f32 v3, v1  }
0x245: {  	v3 =	vld [tilespmem:s0+$0x10380]  }
0x246: {  	v1 =	vadd.f32 v60, v1  }
0x247: {  	v61 =	vld [tilespmem:s0+$0x10400]  }
0x248: {  	v1 =	vadd.f32 v2, v1  }
0x249: {  	v2 =	vld [tilespmem:s0+$0x10480]  }
0x24a: {  	v1 =	vadd.f32 v3, v1  }
0x24b: {  	v3 =	vld [tilespmem:s0+$0x10500]  }
0x24c: {  	v1 =	vadd.f32 v61, v1  }
0x24d: {  	v62 =	vld [tilespmem:s0+$0x10580]  }
0x24e: {  	v1 =	vadd.f32 v2, v1  }
0x24f: {  	v2 =	vld [tilespmem:s0+$0x10600]  }
0x250: {  	v1 =	vadd.f32 v3, v1  }
0x251: {  	v3 =	vld [tilespmem:s0+$0x10680]  }
0x252: {  	v1 =	vadd.f32 v62, v1  }
0x253: {  	v63 =	vld [tilespmem:s0+$0x10700]  }
0x254: {  	v1 =	vadd.f32 v2, v1;
	_ =	sdelay $0x1  }
0x255: {  	v1 =	vadd.f32 v3, v1;
	_ =	sdelay $0x1  }
0x256: {  	s31 =	simm.s32 $0x10;
	s1 =	simm.s32 $0x80;
	v1 =	vadd.f32 v63, v1  }
0x257: {  	s29 =	simm.s32 $0xED00;
	s4 =	sand.u32 $0x1C00, s1;
	s0 =	sand.u32 $0x70, s31  }
0x258: {  	s30 =	sor.u32 s0, s4;
	s4 =	simm.s32 $0x20;
	[tilespmem:s29+$0x0] =	vst v1  }
.LBB2_38:
0x259: {  	p2 =	sne.s32 s4, $0x270;
	v1 =	vld [tilespmem:s30+$0xF000]  }
0x25a: {  	v2 =	vld [tilespmem:s30+$0xEF80];
	_ =	sdelay $0x1  }
0x25b: {  	v3 =	vld [tilespmem:s30+$0xF080];
	_ =	sdelay $0x1  }
0x25c: {  	v4 =	vld [tilespmem:s30+$0xF100]  }
0x25d: {  	v1 =	vadd.f32 v1, v2  }
0x25e: {  	v2 =	vld [tilespmem:s30+$0xF180]  }
0x25f: {  	v1 =	vadd.f32 v3, v1  }
0x260: {  	v3 =	vld [tilespmem:s30+$0xF200]  }
0x261: {  	v1 =	vadd.f32 v4, v1  }
0x262: {  	v4 =	vld [tilespmem:s30+$0xF280]  }
0x263: {  	v1 =	vadd.f32 v2, v1  }
0x264: {  	v2 =	vld [tilespmem:s30+$0xF300]  }
0x265: {  	v1 =	vadd.f32 v3, v1  }
0x266: {  	v3 =	vld [tilespmem:s30+$0x10380]  }
0x267: {  	v1 =	vadd.f32 v4, v1  }
0x268: {  	v4 =	vld [tilespmem:s30+$0x10400]  }
0x269: {  	v1 =	vadd.f32 v2, v1  }
0x26a: {  	v2 =	vld [tilespmem:s30+$0x10480]  }
0x26b: {  	v1 =	vadd.f32 v3, v1  }
0x26c: {  	v3 =	vld [tilespmem:s30+$0x10500]  }
0x26d: {  	v1 =	vadd.f32 v4, v1  }
0x26e: {  	v4 =	vld [tilespmem:s30+$0x10580]  }
0x26f: {  	v1 =	vadd.f32 v2, v1  }
0x270: {  	v2 =	vld [tilespmem:s30+$0x10600]  }
0x271: {  	v1 =	vadd.f32 v3, v1  }
0x272: {  	v3 =	vld [tilespmem:s30+$0x10680]  }
0x273: {  	v1 =	vadd.f32 v4, v1  }
0x274: {  	v4 =	vld [tilespmem:s30+$0x10700]  }
0x275: {  	v1 =	vadd.f32 v2, v1;
	_ =	sdelay $0x1  }
.Ltmp14:
0x276: {  	v1 =	vadd.f32 v3, v1;
	(pc) =	sbr.rel @p2 .LBB2_38-.Ltmp14, $4  }
0x277: {  	_ = 	snop  }
0x278: {  	s1 =	sadd.s32 $0x80, s1;
	v1 =	vadd.f32 v4, v1  }
0x279: {  	s0 =	sand.u32 $0x70, s4;
	s29 =	sadd.s32 $0x10, s29;
	s30 =	sand.u32 $0x1C00, s1  }
0x27a: {  	s4 =	sadd.s32 $0x10, s4;
	s30 =	sor.u32 s0, s30;
	[tilespmem:s29+$0x0] =	vst v1  }
.Ltmp15:
0x27b: {  	_ = 	snop;
	(pc) =	sbr.rel .LBB2_39-.Ltmp15, $1  }
0x27c: {  	_ =	sdelay $0x3  }
.LBB2_2:
0x27d: {  	[tilespmem:s5], [sflag:$0x1] =	stream.linear.gather [hbm4b:s8+s5], $0x9C00, $0x38;
	[tilespmem:$0x14200] =	vst v63  }
0x27e: {  	s1 =	simm.s32 @!p1 $0x0;
	s4 =	simm.s32 @!p1 $0x9C00  }
0x27f: {  	[tilespmem:s4], [sflag:$0x2] =	stream.linear.gather @!p1 [hbm4b:s9+s1], $0x100, $0x38;
	[tilespmem:$0x14200] =	vst v63  }
0x280: {  	s1 =	simm.s32 @!p1 $0x2  }
0x281: {  	s29 =	simm.s32 @!p1 $0x9D;
	_ =	swait.ge @!p1 [sflag:s1], $0x100  }
0x282: {  	s29 =	simm.s32 @p1 $0x9C;
	[sflag:s1] =	ssyncset.done @!p1 $0x0  }
0x283: {  	s4 =	simm.s32 $0x200;
	[sflag:s1] =	ssyncadd.s32 @!p1 $0xFFFFFF00;
	s1 =	simm.s32 $0x0  }
.LBB2_3:
0x284: {  	p2 =	sne.s32 s4, $0x9E00;
	[tilespmem:s1+$0xC570] =	vst v0  }
0x285: {  	[tilespmem:s1+$0xC500] =	vst v0  }
0x286: {  	[tilespmem:s1+$0xC510] =	vst v0  }
.Ltmp16:
0x287: {  	[tilespmem:s1+$0xC520] =	vst v0;
	(pc) =	sbr.rel @p2 .LBB2_3-.Ltmp16, $4  }
0x288: {  	[tilespmem:s1+$0xC530] =	vst v0  }
0x289: {  	[tilespmem:s1+$0xC540] =	vst v0  }
0x28a: {  	[tilespmem:s1+$0xC550] =	vst v0  }
0x28b: {  	[tilespmem:s1+$0xC560] =	vst v0;
	s1 =	sshra.s32 s4, $0x2;
	s4 =	sadd.s32 $0x200, s4  }
0x28c: {  	[tilespmem:s1+$0xC570] =	vst v0  }
0x28d: {  	[tilespmem:s1+$0xC500] =	vst v0  }
0x28e: {  	[tilespmem:s1+$0xC510] =	vst v0  }
0x28f: {  	[tilespmem:s1+$0xC520] =	vst v0  }
0x290: {  	[tilespmem:s1+$0xC530] =	vst v0  }
0x291: {  	[tilespmem:s1+$0xC540] =	vst v0  }
0x292: {  	[tilespmem:s1+$0xC550] =	vst v0  }
0x293: {  	[tilespmem:s1+$0xC560] =	vst v0;
	s0 =	rddreg [dreg:$0x0]  }
0x294: {  	[tilespmem:s17], [sflag:$0x2] =	stream.linear.gather [hbm4b:s0+s5], $0x2710, $0x38;
	[tilespmem:$0x14200] =	vst v63  }
0x295: {  	_ =	swait.ge [sflag:s18], $0x2710  }
0x296: {  	[sflag:s18] =	ssyncset.done $0x0  }
0x297: {  	[sflag:s18] =	ssyncadd.s32 $0xFFFFD8F0  }
0x298: {  	_ =	swait.ge [sflag:s19], $0x9C00  }
0x299: {  	[sflag:s19] =	ssyncset.done $0x0  }
0x29a: {  	s30 =	simm.s32 $0x80;
	[sflag:s19] =	ssyncadd.s32 $0xFFFF6400  }
0x29b: {  	v1 =	vld [tilespmem:s30+$0xFFFFFFF0]  }
0x29c: {  	v3 =	vld [tilespmem:s30+$0xFFFFFFE0]  }
0x29d: {  	v4 =	vld [tilespmem:s30+$0xFFFFFFD0]  }
0x29e: {  	v5 =	vld [tilespmem:s30+$0xFFFFFFC0]  }
0x29f: {  	v6 =	vld [tilespmem:s30+$0xFFFFFFB0]  }
0x2a0: {  	v7 =	vld [tilespmem:s30+$0xFFFFFFA0]  }
0x2a1: {  	v8 =	vld [tilespmem:s30+$0xFFFFFF90]  }
0x2a2: {  	v9 =	vld [tilespmem:s30+$0xFFFFFF80]  }
0x2a3: {  	v2 =	vld [tilespmem:s30+$0x70]  }
0x2a4: {  	v10 =	vld [tilespmem:s30+$0x60]  }
0x2a5: {  	v11 =	vld [tilespmem:s30+$0x0]  }
0x2a6: {  	v12 =	vld [tilespmem:s30+$0x10]  }
0x2a7: {  	v13 =	vld [tilespmem:s30+$0x20]  }
0x2a8: {  	v14 =	vld [tilespmem:s30+$0x30]  }
0x2a9: {  	v15 =	vld [tilespmem:s30+$0x40]  }
0x2aa: {  	v16 =	vld [tilespmem:s30+$0x50]  }
0x2ab: {  	v2 =	vld.idx.msk [tilespmem:v2+s17+$0x0], $0xffff  }
0x2ac: {  	v10 =	vld.idx.msk [tilespmem:v10+s17+$0x0], $0xffff  }
0x2ad: {  	v11 =	vld.idx.msk [tilespmem:v11+s17+$0x0], $0xffff  }
0x2ae: {  	v12 =	vld.idx.msk [tilespmem:v12+s17+$0x0], $0xffff  }
0x2af: {  	v13 =	vld.idx.msk [tilespmem:v13+s17+$0x0], $0xffff  }
0x2b0: {  	v14 =	vld.idx.msk [tilespmem:v14+s17+$0x0], $0xffff  }
0x2b1: {  	v15 =	vld.idx.msk [tilespmem:v15+s17+$0x0], $0xffff  }
0x2b2: {  	v16 =	vld.idx.msk [tilespmem:v16+s17+$0x0], $0xffff  }
0x2b3: {  	[tilespmem:v9+s20+$0x0] =	vst.idx.add.f32.msk $0xffff, v11  }
0x2b4: {  	p2 =	sne.s32 s29, $0x1;
	[tilespmem:v8+s20+$0x0] =	vst.idx.add.f32.msk $0xffff, v12  }
.Ltmp17:
0x2b5: {  	[tilespmem:v7+s20+$0x0] =	vst.idx.add.f32.msk $0xffff, v13;
	(pc) =	sbr.rel @!p2 .LBB2_6-.Ltmp17, $4  }
0x2b6: {  	[tilespmem:v6+s20+$0x0] =	vst.idx.add.f32.msk $0xffff, v14  }
0x2b7: {  	[tilespmem:v5+s20+$0x0] =	vst.idx.add.f32.msk $0xffff, v15  }
0x2b8: {  	[tilespmem:v4+s20+$0x0] =	vst.idx.add.f32.msk $0xffff, v16  }
0x2b9: {  	s1 =	sadd.s32 $0xFFFFFFFF, s29;
	[tilespmem:v3+s20+$0x0] =	vst.idx.add.f32.msk $0xffff, v10  }
.LBB2_5:
0x2ba: {  	p3 =	sne.s32 s1, $0x1;
	s1 =	sadd.s32 $0xFFFFFFFF, s1;
	[tilespmem:v1+s20+$0x0] =	vst.idx.add.f32.msk $0xffff, v2;
	s30 =	sadd.s32 $0x100, s30  }
0x2bb: {  	v1 =	vld [tilespmem:s30+$0xFFFFFFF0]  }
0x2bc: {  	v3 =	vld [tilespmem:s30+$0xFFFFFFE0]  }
0x2bd: {  	v4 =	vld [tilespmem:s30+$0xFFFFFFD0]  }
0x2be: {  	v5 =	vld [tilespmem:s30+$0xFFFFFFC0]  }
0x2bf: {  	v6 =	vld [tilespmem:s30+$0xFFFFFFB0]  }
0x2c0: {  	v7 =	vld [tilespmem:s30+$0xFFFFFFA0]  }
0x2c1: {  	v8 =	vld [tilespmem:s30+$0xFFFFFF90]  }
0x2c2: {  	v9 =	vld [tilespmem:s30+$0xFFFFFF80]  }
0x2c3: {  	v2 =	vld [tilespmem:s30+$0x70]  }
0x2c4: {  	v10 =	vld [tilespmem:s30+$0x60]  }
0x2c5: {  	v11 =	vld [tilespmem:s30+$0x0]  }
0x2c6: {  	v12 =	vld [tilespmem:s30+$0x10]  }
0x2c7: {  	v13 =	vld [tilespmem:s30+$0x20]  }
0x2c8: {  	v14 =	vld [tilespmem:s30+$0x30]  }
0x2c9: {  	v15 =	vld [tilespmem:s30+$0x40]  }
0x2ca: {  	v16 =	vld [tilespmem:s30+$0x50]  }
0x2cb: {  	v2 =	vld.idx.msk [tilespmem:v2+s17+$0x0], $0xffff  }
0x2cc: {  	v10 =	vld.idx.msk [tilespmem:v10+s17+$0x0], $0xffff  }
0x2cd: {  	v11 =	vld.idx.msk [tilespmem:v11+s17+$0x0], $0xffff  }
0x2ce: {  	v12 =	vld.idx.msk [tilespmem:v12+s17+$0x0], $0xffff  }
0x2cf: {  	v13 =	vld.idx.msk [tilespmem:v13+s17+$0x0], $0xffff  }
0x2d0: {  	v14 =	vld.idx.msk [tilespmem:v14+s17+$0x0], $0xffff  }
0x2d1: {  	v15 =	vld.idx.msk [tilespmem:v15+s17+$0x0], $0xffff  }
0x2d2: {  	v16 =	vld.idx.msk [tilespmem:v16+s17+$0x0], $0xffff  }
0x2d3: {  	[tilespmem:v9+s20+$0x0] =	vst.idx.add.f32.msk $0xffff, v11  }
0x2d4: {  	[tilespmem:v8+s20+$0x0] =	vst.idx.add.f32.msk $0xffff, v12  }
.Ltmp18:
0x2d5: {  	[tilespmem:v7+s20+$0x0] =	vst.idx.add.f32.msk $0xffff, v13;
	(pc) =	sbr.rel @p3 .LBB2_5-.Ltmp18, $4  }
0x2d6: {  	[tilespmem:v6+s20+$0x0] =	vst.idx.add.f32.msk $0xffff, v14  }
0x2d7: {  	[tilespmem:v5+s20+$0x0] =	vst.idx.add.f32.msk $0xffff, v15  }
0x2d8: {  	[tilespmem:v4+s20+$0x0] =	vst.idx.add.f32.msk $0xffff, v16  }
0x2d9: {  	[tilespmem:v3+s20+$0x0] =	vst.idx.add.f32.msk $0xffff, v10  }
.LBB2_6:
0x2da: {  	_ =	sdelay $0x3  }
0x2db: {  	[tilespmem:v1+s20+$0x0] =	vst.idx.add.f32.msk $0xffff, v2  }
0x2dc: {  	[spmem:s10] =	stream.strided.scatter [tilespmem:s20], [sflag:$0x2], $0x2800, s22, s21, $0x38;
	[tilespmem:$0x14200] =	vst v63  }
0x2dd: {  	_ =	swait.ge [sflag:s18], $0x2800  }
0x2de: {  	[sflag:s18] =	ssyncset.done $0x0  }
0x2df: {  	[sflag:s18] =	ssyncadd.s32 $0xFFFFD800  }
0x2e0: {  	s1 =	simm.s32 $0x0;
	s4 =	simm.s32 $0x200;
	[bflag:$0x0] =	sbarrier.arrive $0xFFFF  }
0x2e1: {  	[tilespmem:s25], [sflag:$0x1] =	stream.strided.gather [spmem:s11], $0x2800, s24, s23, $0x38;
	[tilespmem:$0x14200] =	vst v63  }
.LBB2_7:
0x2e2: {  	p3 =	sne.s32 s4, $0x9E00;
	[tilespmem:s1+$0xC570] =	vst v0  }
0x2e3: {  	[tilespmem:s1+$0xC500] =	vst v0  }
0x2e4: {  	[tilespmem:s1+$0xC510] =	vst v0  }
.Ltmp19:
0x2e5: {  	[tilespmem:s1+$0xC520] =	vst v0;
	(pc) =	sbr.rel @p3 .LBB2_7-.Ltmp19, $4  }
0x2e6: {  	[tilespmem:s1+$0xC530] =	vst v0  }
0x2e7: {  	[tilespmem:s1+$0xC540] =	vst v0  }
0x2e8: {  	[tilespmem:s1+$0xC550] =	vst v0  }
0x2e9: {  	[tilespmem:s1+$0xC560] =	vst v0;
	s1 =	sshra.s32 s4, $0x2;
	s4 =	sadd.s32 $0x200, s4  }
0x2ea: {  	[tilespmem:s1+$0xC570] =	vst v0  }
0x2eb: {  	[tilespmem:s1+$0xC500] =	vst v0  }
0x2ec: {  	[tilespmem:s1+$0xC510] =	vst v0  }
0x2ed: {  	[tilespmem:s1+$0xC520] =	vst v0  }
0x2ee: {  	[tilespmem:s1+$0xC530] =	vst v0  }
0x2ef: {  	[tilespmem:s1+$0xC540] =	vst v0  }
0x2f0: {  	[tilespmem:s1+$0xC550] =	vst v0  }
0x2f1: {  	[tilespmem:s1+$0xC560] =	vst v0  }
0x2f2: {  	s0 =	simm.s32 $0x0;
	_ =	swait.ge [sflag:s19], $0x2800  }
0x2f3: {  	s4 =	sand.u32 $0x70, s0;
	s1 =	sand.u32 $0x1C00, s0;
	[sflag:s19] =	ssyncset.done $0x0  }
0x2f4: {  	s1 =	sor.u32 s4, s1;
	[sflag:s19] =	ssyncadd.s32 $0xFFFFD800  }
0x2f5: {  	v1 =	vld [tilespmem:s1+$0xF000]  }
0x2f6: {  	v2 =	vld [tilespmem:s1+$0xEF80];
	_ =	sdelay $0x1  }
0x2f7: {  	v3 =	vld [tilespmem:s1+$0xF080];
	_ =	sdelay $0x1  }
0x2f8: {  	v4 =	vld [tilespmem:s1+$0xF100]  }
0x2f9: {  	v1 =	vadd.f32 v1, v2  }
0x2fa: {  	v2 =	vld [tilespmem:s1+$0xF180]  }
0x2fb: {  	v1 =	vadd.f32 v3, v1  }
0x2fc: {  	v3 =	vld [tilespmem:s1+$0xF200]  }
0x2fd: {  	v1 =	vadd.f32 v4, v1  }
0x2fe: {  	v60 =	vld [tilespmem:s1+$0xF280]  }
0x2ff: {  	v1 =	vadd.f32 v2, v1  }
0x300: {  	v2 =	vld [tilespmem:s1+$0xF300]  }
0x301: {  	v1 =	vadd.f32 v3, v1  }
0x302: {  	v3 =	vld [tilespmem:s1+$0x10380]  }
0x303: {  	v1 =	vadd.f32 v60, v1  }
0x304: {  	v61 =	vld [tilespmem:s1+$0x10400]  }
0x305: {  	v1 =	vadd.f32 v2, v1  }
0x306: {  	v2 =	vld [tilespmem:s1+$0x10480]  }
0x307: {  	v1 =	vadd.f32 v3, v1  }
0x308: {  	v3 =	vld [tilespmem:s1+$0x10500]  }
0x309: {  	v1 =	vadd.f32 v61, v1  }
0x30a: {  	v62 =	vld [tilespmem:s1+$0x10580]  }
0x30b: {  	v1 =	vadd.f32 v2, v1  }
0x30c: {  	v2 =	vld [tilespmem:s1+$0x10600]  }
0x30d: {  	v1 =	vadd.f32 v3, v1  }
0x30e: {  	v3 =	vld [tilespmem:s1+$0x10680]  }
0x30f: {  	v1 =	vadd.f32 v62, v1  }
0x310: {  	v63 =	vld [tilespmem:s1+$0x10700]  }
0x311: {  	v1 =	vadd.f32 v2, v1;
	_ =	sdelay $0x1  }
0x312: {  	v1 =	vadd.f32 v3, v1;
	_ =	sdelay $0x1  }
0x313: {  	s0 =	simm.s32 $0x10;
	s1 =	simm.s32 $0x80;
	v1 =	vadd.f32 v63, v1  }
0x314: {  	s30 =	simm.s32 $0xED00;
	s4 =	sand.u32 $0x70, s0;
	s31 =	sand.u32 $0x1C00, s1  }
0x315: {  	s31 =	sor.u32 s4, s31;
	s4 =	simm.s32 $0x20;
	[tilespmem:s30+$0x0] =	vst v1  }
.LBB2_9:
0x316: {  	p3 =	sne.s32 s4, $0x270;
	v1 =	vld [tilespmem:s31+$0xF000]  }
0x317: {  	v2 =	vld [tilespmem:s31+$0xEF80];
	_ =	sdelay $0x1  }
0x318: {  	v3 =	vld [tilespmem:s31+$0xF080];
	_ =	sdelay $0x1  }
0x319: {  	v4 =	vld [tilespmem:s31+$0xF100]  }
0x31a: {  	v1 =	vadd.f32 v1, v2  }
0x31b: {  	v2 =	vld [tilespmem:s31+$0xF180]  }
0x31c: {  	v1 =	vadd.f32 v3, v1  }
0x31d: {  	v3 =	vld [tilespmem:s31+$0xF200]  }
0x31e: {  	v1 =	vadd.f32 v4, v1  }
0x31f: {  	v4 =	vld [tilespmem:s31+$0xF280]  }
0x320: {  	v1 =	vadd.f32 v2, v1  }
0x321: {  	v2 =	vld [tilespmem:s31+$0xF300]  }
0x322: {  	v1 =	vadd.f32 v3, v1  }
0x323: {  	v3 =	vld [tilespmem:s31+$0x10380]  }
0x324: {  	v1 =	vadd.f32 v4, v1  }
0x325: {  	v4 =	vld [tilespmem:s31+$0x10400]  }
0x326: {  	v1 =	vadd.f32 v2, v1  }
0x327: {  	v2 =	vld [tilespmem:s31+$0x10480]  }
0x328: {  	v1 =	vadd.f32 v3, v1  }
0x329: {  	v3 =	vld [tilespmem:s31+$0x10500]  }
0x32a: {  	v1 =	vadd.f32 v4, v1  }
0x32b: {  	v4 =	vld [tilespmem:s31+$0x10580]  }
0x32c: {  	v1 =	vadd.f32 v2, v1  }
0x32d: {  	v2 =	vld [tilespmem:s31+$0x10600]  }
0x32e: {  	v1 =	vadd.f32 v3, v1  }
0x32f: {  	v3 =	vld [tilespmem:s31+$0x10680]  }
0x330: {  	v1 =	vadd.f32 v4, v1  }
0x331: {  	v4 =	vld [tilespmem:s31+$0x10700]  }
0x332: {  	v1 =	vadd.f32 v2, v1;
	_ =	sdelay $0x1  }
.Ltmp20:
0x333: {  	v1 =	vadd.f32 v3, v1;
	(pc) =	sbr.rel @p3 .LBB2_9-.Ltmp20, $4  }
0x334: {  	_ = 	snop  }
0x335: {  	s1 =	sadd.s32 $0x80, s1;
	v1 =	vadd.f32 v4, v1  }
0x336: {  	s30 =	sadd.s32 $0x10, s30;
	s0 =	sand.u32 $0x1C00, s1;
	s31 =	sand.u32 $0x70, s4  }
0x337: {  	s4 =	sadd.s32 $0x10, s4;
	s31 =	sor.u32 s31, s0;
	[tilespmem:s30+$0x0] =	vst v1  }
0x338: {  	v1 =	vld [tilespmem:s31+$0xF000]  }
0x339: {  	v2 =	vld [tilespmem:s31+$0xEF80];
	_ =	sdelay $0x1  }
0x33a: {  	v3 =	vld [tilespmem:s31+$0xF080];
	_ =	sdelay $0x1  }
0x33b: {  	v4 =	vld [tilespmem:s31+$0xF100]  }
0x33c: {  	v1 =	vadd.f32 v1, v2  }
0x33d: {  	v2 =	vld [tilespmem:s31+$0xF180]  }
0x33e: {  	v1 =	vadd.f32 v3, v1  }
0x33f: {  	v3 =	vld [tilespmem:s31+$0xF200]  }
0x340: {  	v1 =	vadd.f32 v4, v1  }
0x341: {  	v59 =	vld [tilespmem:s31+$0xF280]  }
0x342: {  	v1 =	vadd.f32 v2, v1  }
0x343: {  	v2 =	vld [tilespmem:s31+$0xF300]  }
0x344: {  	v1 =	vadd.f32 v3, v1  }
0x345: {  	v3 =	vld [tilespmem:s31+$0x10380]  }
0x346: {  	v1 =	vadd.f32 v59, v1  }
0x347: {  	v60 =	vld [tilespmem:s31+$0x10400]  }
0x348: {  	v1 =	vadd.f32 v2, v1  }
0x349: {  	v2 =	vld [tilespmem:s31+$0x10480]  }
0x34a: {  	v1 =	vadd.f32 v3, v1  }
0x34b: {  	v3 =	vld [tilespmem:s31+$0x10500]  }
0x34c: {  	v1 =	vadd.f32 v60, v1  }
0x34d: {  	v61 =	vld [tilespmem:s31+$0x10580]  }
0x34e: {  	v1 =	vadd.f32 v2, v1  }
0x34f: {  	v2 =	vld [tilespmem:s31+$0x10600]  }
0x350: {  	v1 =	vadd.f32 v3, v1  }
0x351: {  	v3 =	vld [tilespmem:s31+$0x10680]  }
0x352: {  	v1 =	vadd.f32 v61, v1  }
0x353: {  	v62 =	vld [tilespmem:s31+$0x10700]  }
0x354: {  	v1 =	vadd.f32 v2, v1;
	_ =	sdelay $0x1  }
0x355: {  	v1 =	vadd.f32 v3, v1;
	_ =	sdelay $0x1  }
0x356: {  	v1 =	vadd.f32 v62, v1  }
0x357: {  	s0 =	sadd.s32 $0x10, s30  }
0x358: {  	[tilespmem:s0+$0x0] =	vst v1  }
0x359: {  	[spmem:s12] =	stream.linear.scatter [tilespmem:s26], [sflag:$0x2], $0x280, $0x38;
	[tilespmem:$0x14200] =	vst v63  }
0x35a: {  	_ =	swait.ge [sflag:s18], $0x280  }
0x35b: {  	[sflag:s18] =	ssyncset.done $0x0  }
0x35c: {  	[sflag:s18] =	ssyncadd.s32 $0xFFFFFD80  }
0x35d: {  	[bflag:$0x0] =	sbarrier.arrive $0xFFFF  }
0x35e: {  	[tilespmem:s17], [sflag:$0x2] =	stream.linear.gather [spmem:s3], $0x2800, $0x38;
	[tilespmem:$0x14200] =	vst v63  }
0x35f: {  	_ =	swait.ge [sflag:s18], $0x2800  }
0x360: {  	[sflag:s18] =	ssyncset.done $0x0  }
0x361: {  	s30 =	simm.s32 $0x80;
	[sflag:s18] =	ssyncadd.s32 $0xFFFFD800  }
0x362: {  	v1 =	vld [tilespmem:s30+$0xFFFFFFF0]  }
0x363: {  	v3 =	vld [tilespmem:s30+$0xFFFFFFE0]  }
0x364: {  	v63 =	vld [tilespmem:s30+$0xFFFFFFD0]  }
0x365: {  	v5 =	vld [tilespmem:s30+$0xFFFFFFC0]  }
0x366: {  	v6 =	vld [tilespmem:s30+$0xFFFFFFB0]  }
0x367: {  	v7 =	vld [tilespmem:s30+$0xFFFFFFA0]  }
0x368: {  	v8 =	vld [tilespmem:s30+$0xFFFFFF90]  }
0x369: {  	v9 =	vld [tilespmem:s30+$0xFFFFFF80]  }
0x36a: {  	v2 =	vld [tilespmem:s30+$0x70]  }
0x36b: {  	v10 =	vld [tilespmem:s30+$0x60]  }
0x36c: {  	v11 =	vld [tilespmem:s30+$0x0]  }
0x36d: {  	v12 =	vld [tilespmem:s30+$0x10]  }
0x36e: {  	v13 =	vld [tilespmem:s30+$0x20]  }
0x36f: {  	v14 =	vld [tilespmem:s30+$0x30]  }
0x370: {  	v15 =	vld [tilespmem:s30+$0x40]  }
0x371: {  	v16 =	vld [tilespmem:s30+$0x50]  }
0x372: {  	v2 =	vld.idx.msk [tilespmem:v2+s17+$0x0], $0xffff  }
0x373: {  	v10 =	vld.idx.msk [tilespmem:v10+s17+$0x0], $0xffff  }
0x374: {  	v11 =	vld.idx.msk [tilespmem:v11+s17+$0x0], $0xffff  }
0x375: {  	v12 =	vld.idx.msk [tilespmem:v12+s17+$0x0], $0xffff  }
0x376: {  	v13 =	vld.idx.msk [tilespmem:v13+s17+$0x0], $0xffff  }
0x377: {  	v14 =	vld.idx.msk [tilespmem:v14+s17+$0x0], $0xffff  }
0x378: {  	v15 =	vld.idx.msk [tilespmem:v15+s17+$0x0], $0xffff  }
0x379: {  	v16 =	vld.idx.msk [tilespmem:v16+s17+$0x0], $0xffff  }
0x37a: {  	[tilespmem:v9+s20+$0x0] =	vst.idx.add.f32.msk $0xffff, v11  }
0x37b: {  	[tilespmem:v8+s20+$0x0] =	vst.idx.add.f32.msk $0xffff, v12  }
.Ltmp21:
0x37c: {  	[tilespmem:v7+s20+$0x0] =	vst.idx.add.f32.msk $0xffff, v13;
	(pc) =	sbr.rel @!p2 .LBB2_12-.Ltmp21, $4  }
0x37d: {  	[tilespmem:v6+s20+$0x0] =	vst.idx.add.f32.msk $0xffff, v14  }
0x37e: {  	[tilespmem:v5+s20+$0x0] =	vst.idx.add.f32.msk $0xffff, v15  }
0x37f: {  	[tilespmem:v63+s20+$0x0] =	vst.idx.add.f32.msk $0xffff, v16  }
0x380: {  	s1 =	sadd.s32 $0xFFFFFFFF, s29;
	[tilespmem:v3+s20+$0x0] =	vst.idx.add.f32.msk $0xffff, v10  }
.LBB2_11:
0x381: {  	p3 =	sne.s32 s1, $0x1;
	s1 =	sadd.s32 $0xFFFFFFFF, s1;
	[tilespmem:v1+s20+$0x0] =	vst.idx.add.f32.msk $0xffff, v2;
	s30 =	sadd.s32 $0x100, s30  }
0x382: {  	v1 =	vld [tilespmem:s30+$0xFFFFFFF0]  }
0x383: {  	v3 =	vld [tilespmem:s30+$0xFFFFFFE0]  }
0x384: {  	v4 =	vld [tilespmem:s30+$0xFFFFFFD0]  }
0x385: {  	v5 =	vld [tilespmem:s30+$0xFFFFFFC0]  }
0x386: {  	v6 =	vld [tilespmem:s30+$0xFFFFFFB0]  }
0x387: {  	v7 =	vld [tilespmem:s30+$0xFFFFFFA0]  }
0x388: {  	v8 =	vld [tilespmem:s30+$0xFFFFFF90]  }
0x389: {  	v9 =	vld [tilespmem:s30+$0xFFFFFF80]  }
0x38a: {  	v2 =	vld [tilespmem:s30+$0x70]  }
0x38b: {  	v10 =	vld [tilespmem:s30+$0x60]  }
0x38c: {  	v11 =	vld [tilespmem:s30+$0x0]  }
0x38d: {  	v12 =	vld [tilespmem:s30+$0x10]  }
0x38e: {  	v13 =	vld [tilespmem:s30+$0x20]  }
0x38f: {  	v14 =	vld [tilespmem:s30+$0x30]  }
0x390: {  	v15 =	vld [tilespmem:s30+$0x40]  }
0x391: {  	v16 =	vld [tilespmem:s30+$0x50]  }
0x392: {  	v2 =	vld.idx.msk [tilespmem:v2+s17+$0x0], $0xffff  }
0x393: {  	v10 =	vld.idx.msk [tilespmem:v10+s17+$0x0], $0xffff  }
0x394: {  	v11 =	vld.idx.msk [tilespmem:v11+s17+$0x0], $0xffff  }
0x395: {  	v12 =	vld.idx.msk [tilespmem:v12+s17+$0x0], $0xffff  }
0x396: {  	v13 =	vld.idx.msk [tilespmem:v13+s17+$0x0], $0xffff  }
0x397: {  	v14 =	vld.idx.msk [tilespmem:v14+s17+$0x0], $0xffff  }
0x398: {  	v15 =	vld.idx.msk [tilespmem:v15+s17+$0x0], $0xffff  }
0x399: {  	v16 =	vld.idx.msk [tilespmem:v16+s17+$0x0], $0xffff  }
0x39a: {  	[tilespmem:v9+s20+$0x0] =	vst.idx.add.f32.msk $0xffff, v11  }
0x39b: {  	[tilespmem:v8+s20+$0x0] =	vst.idx.add.f32.msk $0xffff, v12  }
.Ltmp22:
0x39c: {  	[tilespmem:v7+s20+$0x0] =	vst.idx.add.f32.msk $0xffff, v13;
	(pc) =	sbr.rel @p3 .LBB2_11-.Ltmp22, $4  }
0x39d: {  	[tilespmem:v6+s20+$0x0] =	vst.idx.add.f32.msk $0xffff, v14  }
0x39e: {  	[tilespmem:v5+s20+$0x0] =	vst.idx.add.f32.msk $0xffff, v15  }
0x39f: {  	[tilespmem:v4+s20+$0x0] =	vst.idx.add.f32.msk $0xffff, v16  }
0x3a0: {  	[tilespmem:v3+s20+$0x0] =	vst.idx.add.f32.msk $0xffff, v10  }
.LBB2_12:
0x3a1: {  	_ =	sdelay $0x3  }
0x3a2: {  	[tilespmem:v1+s20+$0x0] =	vst.idx.add.f32.msk $0xffff, v2  }
0x3a3: {  	[spmem:s10] =	stream.strided.scatter [tilespmem:s20], [sflag:$0x2], $0x2800, s22, s21, $0x38;
	[tilespmem:$0x14200] =	vst v63  }
0x3a4: {  	_ =	swait.ge [sflag:s18], $0x2800  }
0x3a5: {  	[sflag:s18] =	ssyncset.done $0x0  }
0x3a6: {  	[sflag:s18] =	ssyncadd.s32 $0xFFFFD800  }
0x3a7: {  	s1 =	simm.s32 $0x0;
	s4 =	simm.s32 $0x200;
	[bflag:$0x0] =	sbarrier.arrive $0xFFFF  }
0x3a8: {  	[tilespmem:s25], [sflag:$0x1] =	stream.strided.gather [spmem:s11], $0x2800, s24, s23, $0x38;
	[tilespmem:$0x14200] =	vst v63  }
.LBB2_13:
0x3a9: {  	p3 =	sne.s32 s4, $0x9E00;
	[tilespmem:s1+$0xC570] =	vst v0  }
0x3aa: {  	[tilespmem:s1+$0xC500] =	vst v0  }
0x3ab: {  	[tilespmem:s1+$0xC510] =	vst v0  }
.Ltmp23:
0x3ac: {  	[tilespmem:s1+$0xC520] =	vst v0;
	(pc) =	sbr.rel @p3 .LBB2_13-.Ltmp23, $4  }
0x3ad: {  	[tilespmem:s1+$0xC530] =	vst v0  }
0x3ae: {  	[tilespmem:s1+$0xC540] =	vst v0  }
0x3af: {  	[tilespmem:s1+$0xC550] =	vst v0  }
0x3b0: {  	[tilespmem:s1+$0xC560] =	vst v0;
	s1 =	sshra.s32 s4, $0x2;
	s4 =	sadd.s32 $0x200, s4  }
0x3b1: {  	[tilespmem:s1+$0xC570] =	vst v0  }
0x3b2: {  	[tilespmem:s1+$0xC500] =	vst v0  }
0x3b3: {  	[tilespmem:s1+$0xC510] =	vst v0  }
0x3b4: {  	[tilespmem:s1+$0xC520] =	vst v0  }
0x3b5: {  	[tilespmem:s1+$0xC530] =	vst v0  }
0x3b6: {  	[tilespmem:s1+$0xC540] =	vst v0  }
0x3b7: {  	[tilespmem:s1+$0xC550] =	vst v0  }
0x3b8: {  	[tilespmem:s1+$0xC560] =	vst v0  }
0x3b9: {  	s0 =	simm.s32 $0x0;
	_ =	swait.ge [sflag:s19], $0x2800  }
0x3ba: {  	s4 =	sand.u32 $0x70, s0;
	s0 =	sand.u32 $0x1C00, s0;
	[sflag:s19] =	ssyncset.done $0x0  }
0x3bb: {  	s0 =	sor.u32 s4, s0;
	[sflag:s19] =	ssyncadd.s32 $0xFFFFD800  }
0x3bc: {  	v1 =	vld [tilespmem:s0+$0xF000]  }
0x3bd: {  	v2 =	vld [tilespmem:s0+$0xEF80];
	_ =	sdelay $0x1  }
0x3be: {  	v3 =	vld [tilespmem:s0+$0xF080];
	_ =	sdelay $0x1  }
0x3bf: {  	v4 =	vld [tilespmem:s0+$0xF100]  }
0x3c0: {  	v1 =	vadd.f32 v1, v2  }
0x3c1: {  	v2 =	vld [tilespmem:s0+$0xF180]  }
0x3c2: {  	v1 =	vadd.f32 v3, v1  }
0x3c3: {  	v3 =	vld [tilespmem:s0+$0xF200]  }
0x3c4: {  	v1 =	vadd.f32 v4, v1  }
0x3c5: {  	v60 =	vld [tilespmem:s0+$0xF280]  }
0x3c6: {  	v1 =	vadd.f32 v2, v1  }
0x3c7: {  	v2 =	vld [tilespmem:s0+$0xF300]  }
0x3c8: {  	v1 =	vadd.f32 v3, v1  }
0x3c9: {  	v3 =	vld [tilespmem:s0+$0x10380]  }
0x3ca: {  	v1 =	vadd.f32 v60, v1  }
0x3cb: {  	v61 =	vld [tilespmem:s0+$0x10400]  }
0x3cc: {  	v1 =	vadd.f32 v2, v1  }
0x3cd: {  	v2 =	vld [tilespmem:s0+$0x10480]  }
0x3ce: {  	v1 =	vadd.f32 v3, v1  }
0x3cf: {  	v3 =	vld [tilespmem:s0+$0x10500]  }
0x3d0: {  	v1 =	vadd.f32 v61, v1  }
0x3d1: {  	v62 =	vld [tilespmem:s0+$0x10580]  }
0x3d2: {  	v1 =	vadd.f32 v2, v1  }
0x3d3: {  	v2 =	vld [tilespmem:s0+$0x10600]  }
0x3d4: {  	v1 =	vadd.f32 v3, v1  }
0x3d5: {  	v3 =	vld [tilespmem:s0+$0x10680]  }
0x3d6: {  	v1 =	vadd.f32 v62, v1  }
0x3d7: {  	v63 =	vld [tilespmem:s0+$0x10700]  }
0x3d8: {  	v1 =	vadd.f32 v2, v1;
	_ =	sdelay $0x1  }
0x3d9: {  	v1 =	vadd.f32 v3, v1;
	_ =	sdelay $0x1  }
0x3da: {  	s1 =	simm.s32 $0x80;
	s4 =	simm.s32 $0x10;
	v1 =	vadd.f32 v63, v1  }
0x3db: {  	s30 =	simm.s32 $0xED00;
	s0 =	sand.u32 $0x70, s4;
	s4 =	sand.u32 $0x1C00, s1  }
0x3dc: {  	s31 =	sor.u32 s0, s4;
	s4 =	simm.s32 $0x20;
	[tilespmem:s30+$0x0] =	vst v1  }
.LBB2_15:
0x3dd: {  	p3 =	sne.s32 s4, $0x270;
	v1 =	vld [tilespmem:s31+$0xF000]  }
0x3de: {  	v2 =	vld [tilespmem:s31+$0xEF80];
	_ =	sdelay $0x1  }
0x3df: {  	v3 =	vld [tilespmem:s31+$0xF080];
	_ =	sdelay $0x1  }
0x3e0: {  	v4 =	vld [tilespmem:s31+$0xF100]  }
0x3e1: {  	v1 =	vadd.f32 v1, v2  }
0x3e2: {  	v2 =	vld [tilespmem:s31+$0xF180]  }
0x3e3: {  	v1 =	vadd.f32 v3, v1  }
0x3e4: {  	v3 =	vld [tilespmem:s31+$0xF200]  }
0x3e5: {  	v1 =	vadd.f32 v4, v1  }
0x3e6: {  	v4 =	vld [tilespmem:s31+$0xF280]  }
0x3e7: {  	v1 =	vadd.f32 v2, v1  }
0x3e8: {  	v2 =	vld [tilespmem:s31+$0xF300]  }
0x3e9: {  	v1 =	vadd.f32 v3, v1  }
0x3ea: {  	v3 =	vld [tilespmem:s31+$0x10380]  }
0x3eb: {  	v1 =	vadd.f32 v4, v1  }
0x3ec: {  	v4 =	vld [tilespmem:s31+$0x10400]  }
0x3ed: {  	v1 =	vadd.f32 v2, v1  }
0x3ee: {  	v2 =	vld [tilespmem:s31+$0x10480]  }
0x3ef: {  	v1 =	vadd.f32 v3, v1  }
0x3f0: {  	v3 =	vld [tilespmem:s31+$0x10500]  }
0x3f1: {  	v1 =	vadd.f32 v4, v1  }
0x3f2: {  	v4 =	vld [tilespmem:s31+$0x10580]  }
0x3f3: {  	v1 =	vadd.f32 v2, v1  }
0x3f4: {  	v2 =	vld [tilespmem:s31+$0x10600]  }
0x3f5: {  	v1 =	vadd.f32 v3, v1  }
0x3f6: {  	v3 =	vld [tilespmem:s31+$0x10680]  }
0x3f7: {  	v1 =	vadd.f32 v4, v1  }
0x3f8: {  	v4 =	vld [tilespmem:s31+$0x10700]  }
0x3f9: {  	v1 =	vadd.f32 v2, v1;
	_ =	sdelay $0x1  }
.Ltmp24:
0x3fa: {  	v1 =	vadd.f32 v3, v1;
	(pc) =	sbr.rel @p3 .LBB2_15-.Ltmp24, $4  }
0x3fb: {  	_ = 	snop  }
0x3fc: {  	s1 =	sadd.s32 $0x80, s1;
	v1 =	vadd.f32 v4, v1  }
0x3fd: {  	s0 =	sand.u32 $0x70, s4;
	s30 =	sadd.s32 $0x10, s30;
	s31 =	sand.u32 $0x1C00, s1  }
0x3fe: {  	s4 =	sadd.s32 $0x10, s4;
	s31 =	sor.u32 s0, s31;
	[tilespmem:s30+$0x0] =	vst v1  }
0x3ff: {  	v1 =	vld [tilespmem:s31+$0xF000]  }
0x400: {  	v2 =	vld [tilespmem:s31+$0xEF80];
	_ =	sdelay $0x1  }
0x401: {  	v3 =	vld [tilespmem:s31+$0xF080];
	_ =	sdelay $0x1  }
0x402: {  	v4 =	vld [tilespmem:s31+$0xF100]  }
0x403: {  	v1 =	vadd.f32 v1, v2  }
0x404: {  	v2 =	vld [tilespmem:s31+$0xF180]  }
0x405: {  	v1 =	vadd.f32 v3, v1  }
0x406: {  	v3 =	vld [tilespmem:s31+$0xF200]  }
0x407: {  	v1 =	vadd.f32 v4, v1  }
0x408: {  	v59 =	vld [tilespmem:s31+$0xF280]  }
0x409: {  	v1 =	vadd.f32 v2, v1  }
0x40a: {  	v2 =	vld [tilespmem:s31+$0xF300]  }
0x40b: {  	v1 =	vadd.f32 v3, v1  }
0x40c: {  	v3 =	vld [tilespmem:s31+$0x10380]  }
0x40d: {  	v1 =	vadd.f32 v59, v1  }
0x40e: {  	v60 =	vld [tilespmem:s31+$0x10400]  }
0x40f: {  	v1 =	vadd.f32 v2, v1  }
0x410: {  	v2 =	vld [tilespmem:s31+$0x10480]  }
0x411: {  	v1 =	vadd.f32 v3, v1  }
0x412: {  	v3 =	vld [tilespmem:s31+$0x10500]  }
0x413: {  	v1 =	vadd.f32 v60, v1  }
0x414: {  	v61 =	vld [tilespmem:s31+$0x10580]  }
0x415: {  	v1 =	vadd.f32 v2, v1  }
0x416: {  	v2 =	vld [tilespmem:s31+$0x10600]  }
0x417: {  	v1 =	vadd.f32 v3, v1  }
0x418: {  	v3 =	vld [tilespmem:s31+$0x10680]  }
0x419: {  	v1 =	vadd.f32 v61, v1  }
0x41a: {  	v62 =	vld [tilespmem:s31+$0x10700]  }
0x41b: {  	v1 =	vadd.f32 v2, v1;
	_ =	sdelay $0x1  }
0x41c: {  	v1 =	vadd.f32 v3, v1;
	_ =	sdelay $0x1  }
0x41d: {  	v1 =	vadd.f32 v62, v1  }
0x41e: {  	s0 =	sadd.s32 $0x10, s30  }
0x41f: {  	[tilespmem:s0+$0x0] =	vst v1  }
0x420: {  	[spmem:s12] =	stream.linear.scatter [tilespmem:s26], [sflag:$0x2], $0x280, $0x38;
	[tilespmem:$0x14200] =	vst v63  }
0x421: {  	_ =	swait.ge [sflag:s18], $0x280  }
0x422: {  	[sflag:s18] =	ssyncset.done $0x0  }
0x423: {  	[sflag:s18] =	ssyncadd.s32 $0xFFFFFD80  }
0x424: {  	[bflag:$0x0] =	sbarrier.arrive $0xFFFF  }
0x425: {  	[tilespmem:s17], [sflag:$0x2] =	stream.linear.gather [spmem:s3], $0x2800, $0x38;
	[tilespmem:$0x14200] =	vst v63  }
0x426: {  	_ =	swait.ge [sflag:s18], $0x2800  }
0x427: {  	[sflag:s18] =	ssyncset.done $0x0  }
0x428: {  	s30 =	simm.s32 $0x80;
	[sflag:s18] =	ssyncadd.s32 $0xFFFFD800  }
0x429: {  	v1 =	vld [tilespmem:s30+$0xFFFFFFF0]  }
0x42a: {  	v3 =	vld [tilespmem:s30+$0xFFFFFFE0]  }
0x42b: {  	v63 =	vld [tilespmem:s30+$0xFFFFFFD0]  }
0x42c: {  	v5 =	vld [tilespmem:s30+$0xFFFFFFC0]  }
0x42d: {  	v6 =	vld [tilespmem:s30+$0xFFFFFFB0]  }
0x42e: {  	v7 =	vld [tilespmem:s30+$0xFFFFFFA0]  }
0x42f: {  	v8 =	vld [tilespmem:s30+$0xFFFFFF90]  }
0x430: {  	v9 =	vld [tilespmem:s30+$0xFFFFFF80]  }
0x431: {  	v2 =	vld [tilespmem:s30+$0x70]  }
0x432: {  	v10 =	vld [tilespmem:s30+$0x60]  }
0x433: {  	v11 =	vld [tilespmem:s30+$0x0]  }
0x434: {  	v12 =	vld [tilespmem:s30+$0x10]  }
0x435: {  	v13 =	vld [tilespmem:s30+$0x20]  }
0x436: {  	v14 =	vld [tilespmem:s30+$0x30]  }
0x437: {  	v15 =	vld [tilespmem:s30+$0x40]  }
0x438: {  	v16 =	vld [tilespmem:s30+$0x50]  }
0x439: {  	v2 =	vld.idx.msk [tilespmem:v2+s17+$0x0], $0xffff  }
0x43a: {  	v10 =	vld.idx.msk [tilespmem:v10+s17+$0x0], $0xffff  }
0x43b: {  	v11 =	vld.idx.msk [tilespmem:v11+s17+$0x0], $0xffff  }
0x43c: {  	v12 =	vld.idx.msk [tilespmem:v12+s17+$0x0], $0xffff  }
0x43d: {  	v13 =	vld.idx.msk [tilespmem:v13+s17+$0x0], $0xffff  }
0x43e: {  	v14 =	vld.idx.msk [tilespmem:v14+s17+$0x0], $0xffff  }
0x43f: {  	v15 =	vld.idx.msk [tilespmem:v15+s17+$0x0], $0xffff  }
0x440: {  	v16 =	vld.idx.msk [tilespmem:v16+s17+$0x0], $0xffff  }
0x441: {  	[tilespmem:v9+s20+$0x0] =	vst.idx.add.f32.msk $0xffff, v11  }
0x442: {  	[tilespmem:v8+s20+$0x0] =	vst.idx.add.f32.msk $0xffff, v12  }
.Ltmp25:
0x443: {  	[tilespmem:v7+s20+$0x0] =	vst.idx.add.f32.msk $0xffff, v13;
	(pc) =	sbr.rel @!p2 .LBB2_18-.Ltmp25, $4  }
0x444: {  	[tilespmem:v6+s20+$0x0] =	vst.idx.add.f32.msk $0xffff, v14  }
0x445: {  	[tilespmem:v5+s20+$0x0] =	vst.idx.add.f32.msk $0xffff, v15  }
0x446: {  	[tilespmem:v63+s20+$0x0] =	vst.idx.add.f32.msk $0xffff, v16  }
0x447: {  	s1 =	sadd.s32 $0xFFFFFFFF, s29;
	[tilespmem:v3+s20+$0x0] =	vst.idx.add.f32.msk $0xffff, v10  }
.LBB2_17:
0x448: {  	p2 =	sne.s32 s1, $0x1;
	s1 =	sadd.s32 $0xFFFFFFFF, s1;
	[tilespmem:v1+s20+$0x0] =	vst.idx.add.f32.msk $0xffff, v2;
	s30 =	sadd.s32 $0x100, s30  }
0x449: {  	v1 =	vld [tilespmem:s30+$0xFFFFFFF0]  }
0x44a: {  	v3 =	vld [tilespmem:s30+$0xFFFFFFE0]  }
0x44b: {  	v4 =	vld [tilespmem:s30+$0xFFFFFFD0]  }
0x44c: {  	v5 =	vld [tilespmem:s30+$0xFFFFFFC0]  }
0x44d: {  	v6 =	vld [tilespmem:s30+$0xFFFFFFB0]  }
0x44e: {  	v7 =	vld [tilespmem:s30+$0xFFFFFFA0]  }
0x44f: {  	v8 =	vld [tilespmem:s30+$0xFFFFFF90]  }
0x450: {  	v9 =	vld [tilespmem:s30+$0xFFFFFF80]  }
0x451: {  	v2 =	vld [tilespmem:s30+$0x70]  }
0x452: {  	v10 =	vld [tilespmem:s30+$0x60]  }
0x453: {  	v11 =	vld [tilespmem:s30+$0x0]  }
0x454: {  	v12 =	vld [tilespmem:s30+$0x10]  }
0x455: {  	v13 =	vld [tilespmem:s30+$0x20]  }
0x456: {  	v14 =	vld [tilespmem:s30+$0x30]  }
0x457: {  	v15 =	vld [tilespmem:s30+$0x40]  }
0x458: {  	v16 =	vld [tilespmem:s30+$0x50]  }
0x459: {  	v2 =	vld.idx.msk [tilespmem:v2+s17+$0x0], $0xffff  }
0x45a: {  	v10 =	vld.idx.msk [tilespmem:v10+s17+$0x0], $0xffff  }
0x45b: {  	v11 =	vld.idx.msk [tilespmem:v11+s17+$0x0], $0xffff  }
0x45c: {  	v12 =	vld.idx.msk [tilespmem:v12+s17+$0x0], $0xffff  }
0x45d: {  	v13 =	vld.idx.msk [tilespmem:v13+s17+$0x0], $0xffff  }
0x45e: {  	v14 =	vld.idx.msk [tilespmem:v14+s17+$0x0], $0xffff  }
0x45f: {  	v15 =	vld.idx.msk [tilespmem:v15+s17+$0x0], $0xffff  }
0x460: {  	v16 =	vld.idx.msk [tilespmem:v16+s17+$0x0], $0xffff  }
0x461: {  	[tilespmem:v9+s20+$0x0] =	vst.idx.add.f32.msk $0xffff, v11  }
0x462: {  	[tilespmem:v8+s20+$0x0] =	vst.idx.add.f32.msk $0xffff, v12  }
.Ltmp26:
0x463: {  	[tilespmem:v7+s20+$0x0] =	vst.idx.add.f32.msk $0xffff, v13;
	(pc) =	sbr.rel @p2 .LBB2_17-.Ltmp26, $4  }
0x464: {  	[tilespmem:v6+s20+$0x0] =	vst.idx.add.f32.msk $0xffff, v14  }
0x465: {  	[tilespmem:v5+s20+$0x0] =	vst.idx.add.f32.msk $0xffff, v15  }
0x466: {  	[tilespmem:v4+s20+$0x0] =	vst.idx.add.f32.msk $0xffff, v16  }
0x467: {  	[tilespmem:v3+s20+$0x0] =	vst.idx.add.f32.msk $0xffff, v10  }
.LBB2_18:
0x468: {  	_ =	sdelay $0x3  }
0x469: {  	[tilespmem:v1+s20+$0x0] =	vst.idx.add.f32.msk $0xffff, v2  }
0x46a: {  	[spmem:s10] =	stream.strided.scatter [tilespmem:s20], [sflag:$0x2], $0x2800, s22, s21, $0x38;
	[tilespmem:$0x14200] =	vst v63  }
0x46b: {  	_ =	swait.ge [sflag:s18], $0x2800  }
0x46c: {  	[sflag:s18] =	ssyncset.done $0x0  }
0x46d: {  	[sflag:s18] =	ssyncadd.s32 $0xFFFFD800  }
0x46e: {  	[bflag:$0x0] =	sbarrier.arrive $0xFFFF  }
0x46f: {  	[tilespmem:s25], [sflag:$0x1] =	stream.strided.gather [spmem:s11], $0x2800, s24, s23, $0x38;
	[tilespmem:$0x14200] =	vst v63  }
0x470: {  	s0 =	simm.s32 $0x0;
	_ =	swait.ge [sflag:s19], $0x2800  }
0x471: {  	s1 =	sand.u32 $0x70, s0;
	s0 =	sand.u32 $0x1C00, s0;
	[sflag:s19] =	ssyncset.done $0x0  }
0x472: {  	s0 =	sor.u32 s1, s0;
	[sflag:s19] =	ssyncadd.s32 $0xFFFFD800  }
0x473: {  	v1 =	vld [tilespmem:s0+$0xF000]  }
0x474: {  	v2 =	vld [tilespmem:s0+$0xEF80];
	_ =	sdelay $0x1  }
0x475: {  	v3 =	vld [tilespmem:s0+$0xF080];
	_ =	sdelay $0x1  }
0x476: {  	v4 =	vld [tilespmem:s0+$0xF100]  }
0x477: {  	v1 =	vadd.f32 v1, v2  }
0x478: {  	v2 =	vld [tilespmem:s0+$0xF180]  }
0x479: {  	v1 =	vadd.f32 v3, v1  }
0x47a: {  	v3 =	vld [tilespmem:s0+$0xF200]  }
0x47b: {  	v1 =	vadd.f32 v4, v1  }
0x47c: {  	v60 =	vld [tilespmem:s0+$0xF280]  }
0x47d: {  	v1 =	vadd.f32 v2, v1  }
0x47e: {  	v2 =	vld [tilespmem:s0+$0xF300]  }
0x47f: {  	v1 =	vadd.f32 v3, v1  }
0x480: {  	v3 =	vld [tilespmem:s0+$0x10380]  }
0x481: {  	v1 =	vadd.f32 v60, v1  }
0x482: {  	v61 =	vld [tilespmem:s0+$0x10400]  }
0x483: {  	v1 =	vadd.f32 v2, v1  }
0x484: {  	v2 =	vld [tilespmem:s0+$0x10480]  }
0x485: {  	v1 =	vadd.f32 v3, v1  }
0x486: {  	v3 =	vld [tilespmem:s0+$0x10500]  }
0x487: {  	v1 =	vadd.f32 v61, v1  }
0x488: {  	v62 =	vld [tilespmem:s0+$0x10580]  }
0x489: {  	v1 =	vadd.f32 v2, v1  }
0x48a: {  	v2 =	vld [tilespmem:s0+$0x10600]  }
0x48b: {  	v1 =	vadd.f32 v3, v1  }
0x48c: {  	v3 =	vld [tilespmem:s0+$0x10680]  }
0x48d: {  	v1 =	vadd.f32 v62, v1  }
0x48e: {  	v63 =	vld [tilespmem:s0+$0x10700]  }
0x48f: {  	v1 =	vadd.f32 v2, v1;
	_ =	sdelay $0x1  }
0x490: {  	v1 =	vadd.f32 v3, v1;
	_ =	sdelay $0x1  }
0x491: {  	s31 =	simm.s32 $0x10;
	s1 =	simm.s32 $0x80;
	v1 =	vadd.f32 v63, v1  }
0x492: {  	s29 =	simm.s32 $0xED00;
	s4 =	sand.u32 $0x1C00, s1;
	s0 =	sand.u32 $0x70, s31  }
0x493: {  	s30 =	sor.u32 s0, s4;
	s4 =	simm.s32 $0x20;
	[tilespmem:s29+$0x0] =	vst v1  }
.LBB2_19:
0x494: {  	p2 =	seq.s32 s4, $0x270;
	v1 =	vld [tilespmem:s30+$0xF000]  }
0x495: {  	v2 =	vld [tilespmem:s30+$0xEF80];
	_ =	sdelay $0x1  }
0x496: {  	v3 =	vld [tilespmem:s30+$0xF080];
	_ =	sdelay $0x1  }
0x497: {  	v4 =	vld [tilespmem:s30+$0xF100]  }
0x498: {  	v1 =	vadd.f32 v1, v2  }
0x499: {  	v2 =	vld [tilespmem:s30+$0xF180]  }
0x49a: {  	v1 =	vadd.f32 v3, v1  }
0x49b: {  	v3 =	vld [tilespmem:s30+$0xF200]  }
0x49c: {  	v1 =	vadd.f32 v4, v1  }
0x49d: {  	v4 =	vld [tilespmem:s30+$0xF280]  }
0x49e: {  	v1 =	vadd.f32 v2, v1  }
0x49f: {  	v2 =	vld [tilespmem:s30+$0xF300]  }
0x4a0: {  	v1 =	vadd.f32 v3, v1  }
0x4a1: {  	v3 =	vld [tilespmem:s30+$0x10380]  }
0x4a2: {  	v1 =	vadd.f32 v4, v1  }
0x4a3: {  	v4 =	vld [tilespmem:s30+$0x10400]  }
0x4a4: {  	v1 =	vadd.f32 v2, v1  }
0x4a5: {  	v2 =	vld [tilespmem:s30+$0x10480]  }
0x4a6: {  	v1 =	vadd.f32 v3, v1  }
0x4a7: {  	v3 =	vld [tilespmem:s30+$0x10500]  }
0x4a8: {  	v1 =	vadd.f32 v4, v1  }
0x4a9: {  	v4 =	vld [tilespmem:s30+$0x10580]  }
0x4aa: {  	v1 =	vadd.f32 v2, v1  }
0x4ab: {  	v2 =	vld [tilespmem:s30+$0x10600]  }
0x4ac: {  	v1 =	vadd.f32 v3, v1  }
0x4ad: {  	v3 =	vld [tilespmem:s30+$0x10680]  }
0x4ae: {  	v1 =	vadd.f32 v4, v1  }
0x4af: {  	v4 =	vld [tilespmem:s30+$0x10700]  }
0x4b0: {  	v1 =	vadd.f32 v2, v1;
	_ =	sdelay $0x1  }
.Ltmp27:
0x4b1: {  	v1 =	vadd.f32 v3, v1;
	(pc) =	sbr.rel @!p2 .LBB2_19-.Ltmp27, $4  }
0x4b2: {  	_ = 	snop  }
0x4b3: {  	s1 =	sadd.s32 $0x80, s1;
	v1 =	vadd.f32 v4, v1  }
0x4b4: {  	s0 =	sand.u32 $0x70, s4;
	s29 =	sadd.s32 $0x10, s29;
	s30 =	sand.u32 $0x1C00, s1  }
0x4b5: {  	s4 =	sadd.s32 $0x10, s4;
	s30 =	sor.u32 s0, s30;
	[tilespmem:s29+$0x0] =	vst v1  }
0x4b6: {  	v1 =	vld [tilespmem:s30+$0xF000]  }
0x4b7: {  	v2 =	vld [tilespmem:s30+$0xEF80];
	_ =	sdelay $0x1  }
0x4b8: {  	v3 =	vld [tilespmem:s30+$0xF080];
	_ =	sdelay $0x1  }
0x4b9: {  	v4 =	vld [tilespmem:s30+$0xF100]  }
0x4ba: {  	v1 =	vadd.f32 v1, v2  }
0x4bb: {  	v2 =	vld [tilespmem:s30+$0xF180]  }
0x4bc: {  	v1 =	vadd.f32 v3, v1  }
0x4bd: {  	v3 =	vld [tilespmem:s30+$0xF200]  }
0x4be: {  	v1 =	vadd.f32 v4, v1  }
0x4bf: {  	v60 =	vld [tilespmem:s30+$0xF280]  }
0x4c0: {  	v1 =	vadd.f32 v2, v1  }
0x4c1: {  	v2 =	vld [tilespmem:s30+$0xF300]  }
0x4c2: {  	v1 =	vadd.f32 v3, v1  }
0x4c3: {  	v3 =	vld [tilespmem:s30+$0x10380]  }
0x4c4: {  	v1 =	vadd.f32 v60, v1  }
0x4c5: {  	v61 =	vld [tilespmem:s30+$0x10400]  }
0x4c6: {  	v1 =	vadd.f32 v2, v1  }
0x4c7: {  	v2 =	vld [tilespmem:s30+$0x10480]  }
0x4c8: {  	v1 =	vadd.f32 v3, v1  }
0x4c9: {  	v3 =	vld [tilespmem:s30+$0x10500]  }
0x4ca: {  	v1 =	vadd.f32 v61, v1  }
0x4cb: {  	v62 =	vld [tilespmem:s30+$0x10580]  }
0x4cc: {  	v1 =	vadd.f32 v2, v1  }
0x4cd: {  	v2 =	vld [tilespmem:s30+$0x10600]  }
0x4ce: {  	v1 =	vadd.f32 v3, v1  }
0x4cf: {  	v3 =	vld [tilespmem:s30+$0x10680]  }
0x4d0: {  	v1 =	vadd.f32 v62, v1  }
0x4d1: {  	v63 =	vld [tilespmem:s30+$0x10700]  }
0x4d2: {  	v1 =	vadd.f32 v2, v1;
	_ =	sdelay $0x1  }
.Ltmp28:
0x4d3: {  	v1 =	vadd.f32 v3, v1;
	(pc) =	sbr.rel .LBB2_40-.Ltmp28, $4  }
0x4d4: {  	_ = 	snop  }
0x4d5: {  	v1 =	vadd.f32 v63, v1  }
0x4d6: {  	s0 =	sadd.s32 $0x10, s29  }
0x4d7: {  	s1 =	smov.u32 s6;
	[tilespmem:s0+$0x0] =	vst v1  }
.LBB2_41:
0x4d8: {  	_ =	sfence.sel $0x180000  }
0x4d9: {  	[bflag:$0x0] =	sbarrier.arrive $0xFFFF  }
0x4da: {  	_ =	strace $0x90000047  }
0x4db: {  	s0 =	stileid.u32;
	[bflag:$0x2] =	sbarrier.arrive $0xFFFF  }
0x4dc: {  	p0 =	sne.s32 s0, $0x0;
	s0 =	rddreg [dreg:$0x7]  }
0x4dd: {  	s0 =	sadd.s32 @!p0 $0x100000, s0  }
0x4de: {  	[sflag:s0] =	ssyncadd.tile.s32 @!p0 $0x1;
	_ =	shalt  }
.Lfunc_end2:
_tile_overlayer_lowered:
.L_overlay_start_2:
0x4df: {  	(tag) =	ssettag $0x2  }
0x4e0: {  	s0 =	rddreg [dreg:$0x0];
	s2 =	stileid.u32  }
0x4e1: {  	s1 =	rddreg [dreg:$0x1];
	p0 =	sne.s32 s2, $0x0  }
0x4e2: {  	s3 =	rddreg [dreg:$0x2];
	[bflag:$0x3] =	sbarrier.arrive $0xFFFF;
	s2 =	simm.s32 @!p0 $0x1C02  }
0x4e3: {  	[timem:s3], [sflag:s2] =	dma.local @!p0 [hbm:s0], s1  }
0x4e4: {  	s0 =	simm.s32 @!p0 $0x2  }
0x4e5: {  	_ =	swait.ge @!p0 [sflag:s0], s1  }
0x4e6: {  	s1 =	ssub.s32 @!p0 $0x0, s1;
	[sflag:s0] =	ssyncset.done @!p0 $0x0  }
0x4e7: {  	[sflag:s0] =	ssyncadd.s32 @!p0 s1  }
0x4e8: {  	[bflag:$0x3] =	sbarrier.arrive $0xFFFF  }
0x4e9: {  	_ =	shalt  }

</sc_bundles>
